<compile_context>
chip_gen: v7x
topology: tpu7x:2x2x1
jax: 0.10.2.dev20260603
libtpu: 0.0.44.dev20260713+nightly
codegen_flags: <defaults>
</compile_context>

<pallas_src>
import functools

import jax
import jax.numpy as jnp
from jax import lax
from jax.experimental import pallas as pl
from jax.experimental.pallas import tpu as pltpu
from jax.experimental.pallas import tpu_sc as plsc

C = 21
K = 1024
HIST = C * K
B = 8
HW = 512 * 512
NW = 32
PIX_PER_W = (B * HW) // NW
CH = 1024
L = 16
MAGIC_F = 12582912.0
MAGIC_I = 1262485504


def _sc_hist_kernel(x_hbm, lab_hbm, out_hbm, xbuf, lbuf, hist, sem0, sem1):
    wid = lax.axis_index("c") * 16 + lax.axis_index("s")
    img = wid // 4
    base = (wid % 4) * PIX_PER_W

    zeros16 = jnp.zeros((L,), jnp.float32)

    def zero_body(i, carry):
        hist[pl.ds(i * L, L)] = zeros16
        return carry

    lax.fori_loop(0, (2 * HIST) // L, zero_body, 0)

    ones16 = jnp.ones((L,), jnp.float32)
    mones16 = jnp.full((L,), -1.0, jnp.float32)

    sems = (sem0, sem1)

    def fire(t, b):
        off = base + t * CH
        pltpu.make_async_copy(
            x_hbm.at[img, :, pl.ds(off, CH)], xbuf.at[b], sems[b]).start()
        pltpu.make_async_copy(
            lab_hbm.at[pl.ds(img, 1), pl.ds(off, CH)],
            lbuf.at[pl.ds(b, 1)], sems[b]).start()

    def drain(b):
        pltpu.make_async_copy(
            x_hbm.at[img, :, pl.ds(0, CH)], xbuf.at[b], sems[b]).wait()
        pltpu.make_async_copy(
            lab_hbm.at[pl.ds(img, 1), pl.ds(0, CH)],
            lbuf.at[pl.ds(b, 1)], sems[b]).wait()

    def compute(b):
        @plsc.parallel_loop(0, CH // L, unroll=12)
        def group_body(g):
            s16 = pl.ds(g * L, L)
            labv = lbuf[b, s16]
            vs = [xbuf[b, c, s16] for c in range(C)]
            es = [jnp.exp(v) for v in vs]
            ss = es
            while len(ss) > 1:
                ss = [ss[i] + ss[i + 1] for i in range(0, len(ss) - 1, 2)] \
                    + ([ss[-1]] if len(ss) % 2 else [])
            kr = jnp.float32(K) / ss[0]
            for c in range(C):
                t = es[c] * kr + MAGIC_F
                idx = plsc.bitcast(t, jnp.int32) + (c * K - MAGIC_I)
                plsc.addupdate_scatter(hist, [idx], ones16)
            offs = lax.iota(jnp.int32, L) + g * L
            bfull = jnp.full((L,), b, jnp.int32)
            xlab = plsc.load_gather(xbuf, [bfull, labv, offs])
            pK = jnp.exp(xlab) * kr
            binp = plsc.bitcast(pK + MAGIC_F, jnp.int32) - MAGIC_I
            binp = jnp.minimum(binp, K - 1)
            bine = plsc.bitcast((jnp.float32(K) - pK) + MAGIC_F, jnp.int32) - MAGIC_I
            bine = jnp.minimum(bine, K - 1)
            row = labv * K
            plsc.addupdate_scatter(hist, [row + binp], mones16)
            plsc.addupdate_scatter(hist, [row + bine], ones16)
            plsc.addupdate_scatter(hist, [row + bine + HIST], ones16)

    NCH = PIX_PER_W // CH
    fire(0, 0)

    def pair_body(tt, carry):
        for bb in (0, 1):
            t = tt * 2 + bb

            @pl.when(t + 1 < NCH)
            def _():
                fire(t + 1, 1 - bb)

            drain(bb)
            compute(bb)
        return carry

    lax.fori_loop(0, NCH // 2, pair_body, 0)

    pltpu.sync_copy(hist, out_hbm.at[wid])


_sc_hist = functools.partial(
    pl.kernel,
    mesh=plsc.VectorSubcoreMesh(core_axis_name="c", subcore_axis_name="s"),
    out_type=jax.ShapeDtypeStruct((NW, 2 * HIST), jnp.float32),
    scratch_types=[
        pltpu.VMEM((2, C, CH), jnp.float32),
        pltpu.VMEM((2, CH), jnp.int32),
        pltpu.VMEM((2 * HIST,), jnp.float32),
        pltpu.SemaphoreType.DMA,
        pltpu.SemaphoreType.DMA,
    ],
    compiler_params=pltpu.CompilerParams(needs_layout_passes=False),
)(_sc_hist_kernel)


def _tc_finish_kernel(h_ref, out_ref):
    nf = jnp.sum(h_ref[...], axis=0).reshape(2 * C, K)
    jj = lax.broadcasted_iota(jnp.int32, (K, K), 0)
    kk = lax.broadcasted_iota(jnp.int32, (K, K), 1)
    tri = (jj >= kk).astype(jnp.float32)
    cum = jnp.dot(nf, tri, preferred_element_type=jnp.float32)
    n, f = nf[:C], nf[C:]
    Ninc, Finc = cum[:C], cum[C:]
    G = Finc[:, 0:1]

    def jac(N, F):
        den = G + N - F
        return jnp.where(den > 0, 1.0 - (G - F) / jnp.maximum(den, 1.0), 0.0)

    dJ = jac(Ninc, Finc) - jac(Ninc - n, Finc - f)
    mid = lax.broadcasted_iota(jnp.int32, (1, K), 1).astype(jnp.float32) \
        * (1.0 / K)
    losses = jnp.sum(dJ * mid, axis=1, keepdims=True)
    present = (G > 0).astype(jnp.float32)
    cnt = jnp.sum(present)
    tot = jnp.sum(losses * present)
    val = jnp.where(cnt > 0, tot / cnt, jnp.float32(0.0))
    out_ref[...] = jnp.reshape(val, (1, 1))


def kernel(outputs, labels):
    x = outputs.reshape(B, C, HW)
    lab = labels.reshape(B, HW).astype(jnp.int32)
    hists = _sc_hist(x, lab)
    out = pl.pallas_call(
        _tc_finish_kernel,
        out_shape=jax.ShapeDtypeStruct((1, 1), jnp.float32),
    )(hists)
    return out.reshape(())

# --- scband reference (transcript-rebuilt; emitter-appended) ---
"""Pipeline reference for scband-lovasz-softmax-stable-773094113423 (READ-ONLY COPY).

The authoritative reference and input builder live on the scoring server;
editing this copy changes nothing except your own understanding.
"""

import jax, jax.numpy as jnp
import numpy as np


def setup_inputs(seed: int = 0) -> dict:
    key = jax.random.key(seed)
    k1, k2 = jax.random.split(key)
    outputs = jax.random.normal(k1, (8, 21, 512, 512), dtype=jnp.float32)
    labels = jax.random.randint(k2, (8, 512, 512), 0, 21)
    return {"outputs": outputs, "labels": labels}


def reference(outputs, labels):
    # model_act == 'logits'
    probs = jax.nn.softmax(outputs, axis=1)
    B, C, H, W = probs.shape
    probas = jnp.transpose(probs, (0, 2, 3, 1)).reshape(-1, C)
    labels_flat = labels.reshape(-1)
    valid = labels_flat != 255
    losses = []
    present = []
    for c in range(C):
        fg = (valid & (labels_flat == c)).astype(jnp.float32)
        pc = probas[:, c]
        errors = jnp.abs(fg - pc)
        perm = jnp.argsort(-errors)  # descending sort
        errors_sorted = errors[perm]
        fg_sorted = fg[perm]
        gts = fg_sorted.sum()
        intersection = gts - jnp.cumsum(fg_sorted)
        union = gts + jnp.cumsum(1.0 - fg_sorted)
        jaccard = 1.0 - intersection / union
        jaccard = jnp.concatenate([jaccard[:1], jaccard[1:] - jaccard[:-1]])
        losses.append(jnp.dot(errors_sorted, jaccard))
        present.append(fg.sum() > 0)
    losses_arr = jnp.stack(losses)
    present_arr = jnp.stack(present).astype(jnp.float32)
    count = present_arr.sum()
    total = (losses_arr * present_arr).sum()
    return jnp.where(count > 0, total / count, jnp.array(0.0, dtype=jnp.float32))

if __name__ == "__main__":
    import jax
    _d = setup_inputs()
    print(jax.jit(kernel)(*tuple(_d.values())))

</pallas_src>

<mosaic_0001>
#map = affine_map<(d0, d1) -> (0, 0, 0)>
#map1 = affine_map<(d0, d1) -> (0, 0)>
module attributes {stable_mosaic.version = 14 : i64} {
  func.func @_sc_hist_kernel(%arg0: i32, %arg1: i32, %arg2: memref<8x21x262144xf32, #tpu.memory_space<hbm>>, %arg3: memref<8x262144xi32, #tpu.memory_space<hbm>>, %arg4: memref<32x43008xf32, #tpu.memory_space<hbm>>, %arg5: memref<2x21x1024xf32, #tpu.memory_space<vmem>>, %arg6: memref<2x1024xi32, #tpu.memory_space<vmem>>, %arg7: memref<43008xf32, #tpu.memory_space<vmem>>, %arg8: memref<!tpu.dma_semaphore, #tpu.memory_space<semaphore_mem>>, %arg9: memref<!tpu.dma_semaphore, #tpu.memory_space<semaphore_mem>>) attributes {dimension_semantics = [#tpu.dimension_semantics<core_parallel>, #tpu.dimension_semantics<subcore_parallel>], iteration_bounds = array<i64: 2, 16>, scalar_prefetch = 0 : i64, scratch_operands = 5 : i64, tpu.core_type = #tpu.core_type<sc_vector_subcore>, window_params = [{transform_indices = #map}, {transform_indices = #map1}, {transform_indices = #map1}]} {
    %mul3A = arith.constant 16 : i32
    %mul3A_0 = arith.muli %arg0, %mul3A : i32
    %add3A = arith.addi %mul3A_0, %arg1 : i32
    %jit3A = arith.constant 4 : i32
    %div3A = arith.divsi %add3A, %jit3A : i32
    %sign3A = arith.constant 0 : i32
    %sign3A_1 = arith.cmpi sgt, %add3A, %sign3A : i32
    %sign3A_2 = arith.extui %sign3A_1 : i1 to i32
    %sign3A_3 = arith.constant 0 : i32
    %sign3A_4 = arith.cmpi slt, %add3A, %sign3A_3 : i32
    %sign3A_5 = arith.extui %sign3A_4 : i1 to i32
    %sign3A_6 = arith.subi %sign3A_2, %sign3A_5 : i32
    %sign3A_7 = arith.constant 0 : i32
    %sign3A_8 = arith.cmpi sgt, %jit3A, %sign3A_7 : i32
    %sign3A_9 = arith.extui %sign3A_8 : i1 to i32
    %sign3A_10 = arith.constant 0 : i32
    %sign3A_11 = arith.cmpi slt, %jit3A, %sign3A_10 : i32
    %sign3A_12 = arith.extui %sign3A_11 : i1 to i32
    %sign3A_13 = arith.subi %sign3A_9, %sign3A_12 : i32
    %ne3A = arith.cmpi ne, %sign3A_6, %sign3A_13 : i32
    %rem3A = arith.remsi %add3A, %jit3A : i32
    %ne3A_14 = arith.constant 0 : i32
    %ne3A_15 = arith.cmpi ne, %rem3A, %ne3A_14 : i32
    %and3A = arith.andi %ne3A, %ne3A_15 : i1
    %sub3A = arith.constant 1 : i32
    %sub3A_16 = arith.subi %div3A, %sub3A : i32
    %select_n3A = arith.select %and3A, %sub3A_16, %div3A : i32
    %jit3A_17 = arith.constant 4 : i32
    %eq3A = arith.constant 0 : i32
    %eq3A_18 = arith.cmpi eq, %jit3A_17, %eq3A : i32
    %jit3A_19 = arith.constant 1 : i32
    %select_n3A_20 = arith.select %eq3A_18, %jit3A_19, %jit3A_17 : i32
    %rem3A_21 = arith.remsi %add3A, %select_n3A_20 : i32
    %ne3A_22 = arith.constant 0 : i32
    %ne3A_23 = arith.cmpi ne, %rem3A_21, %ne3A_22 : i32
    %lt3A = arith.constant 0 : i32
    %lt3A_24 = arith.cmpi slt, %rem3A_21, %lt3A : i32
    %lt3A_25 = arith.constant 0 : i32
    %lt3A_26 = arith.cmpi slt, %select_n3A_20, %lt3A_25 : i32
    %ne3A_27 = arith.xori %lt3A_24, %lt3A_26 : i1
    %and3A_28 = arith.andi %ne3A_27, %ne3A_23 : i1
    %add3A_29 = arith.addi %rem3A_21, %select_n3A_20 : i32
    %select_n3A_30 = arith.select %and3A_28, %add3A_29, %rem3A_21 : i32
    %mul3A_31 = arith.constant 65536 : i32
    %mul3A_32 = arith.muli %select_n3A_30, %mul3A_31 : i32
    %broadcast_in_dim3A = arith.constant 0.000000e+00 : f32
    %broadcast_in_dim3A_33 = vector.broadcast %broadcast_in_dim3A : f32 to vector<16xf32>
    %scan3A = arith.constant 0 : i32
    %scan3A_34 = arith.constant 0 : i32
    %scan3A_35 = arith.constant 2688 : i32
    %scan3A_36 = arith.addi %scan3A_34, %scan3A_35 : i32
    %scan3A_37 = arith.constant 1 : i32
    scf.for %scan3A_73 = %scan3A_34 to %scan3A_36 step %scan3A_37  : i32 {
      %mul3A_74 = arith.constant 16 : i32
      %mul3A_75 = arith.muli %scan3A_73, %mul3A_74 : i32
      %swap3A = arith.index_cast %mul3A_75 : i32 to index
      %swap3A_76 = tpu.vector_load %arg7[%swap3A] {strides = array<i32>} : memref<43008xf32, #tpu.memory_space<vmem>>, vector<16xf32>,
      tpu.vector_store %arg7[%swap3A], %broadcast_in_dim3A_33 {strides = array<i32>} : memref<43008xf32, #tpu.memory_space<vmem>>, vector<16xf32>,
    }
    %scan3A_38 = arith.constant 2688 : i32
    %broadcast_in_dim3A_39 = arith.constant 1.000000e+00 : f32
    %broadcast_in_dim3A_40 = vector.broadcast %broadcast_in_dim3A_39 : f32 to vector<16xf32>
    %broadcast_in_dim3A_41 = arith.constant -1.000000e+00 : f32
    %broadcast_in_dim3A_42 = vector.broadcast %broadcast_in_dim3A_41 : f32 to vector<16xf32>
    %add3A_43 = arith.constant 0 : i32
    %add3A_44 = arith.addi %mul3A_32, %add3A_43 : i32
    %dma_start3A = arith.constant 0 : i32
    %dma_start3A_45 = arith.constant 0 : i32
    %dma_start3A_46 = arith.constant 0 : i32
    %dma_start3A_47 = tpu.memref_slice %arg5[%dma_start3A, %dma_start3A_45, %dma_start3A_46] : memref<2x21x1024xf32, #tpu.memory_space<vmem>> -> memref<1x21x1024xf32, #tpu.memory_space<vmem>>
    %dma_start3A_48 = tpu.memref_squeeze %dma_start3A_47 : memref<1x21x1024xf32, #tpu.memory_space<vmem>> -> memref<21x1024xf32, #tpu.memory_space<vmem>>
    %dma_start3A_49 = arith.constant 0 : i32
    %dma_start3A_50 = tpu.memref_slice %arg2[%select_n3A, %dma_start3A_49, %add3A_44] : memref<8x21x262144xf32, #tpu.memory_space<hbm>> -> memref<1x21x1024xf32, #tpu.memory_space<hbm>>
    %dma_start3A_51 = tpu.memref_squeeze %dma_start3A_50 : memref<1x21x1024xf32, #tpu.memory_space<hbm>> -> memref<21x1024xf32, #tpu.memory_space<hbm>>
    %dma_start3A_52 = arith.constant 0 : i32
    %dma_start3A_53 = arith.constant 0 : i32
    %dma_start3A_54 = tpu.memref_slice %arg5[%dma_start3A, %dma_start3A_52, %dma_start3A_53] : memref<2x21x1024xf32, #tpu.memory_space<vmem>> -> memref<1x21x1024xf32, #tpu.memory_space<vmem>>
    %dma_start3A_55 = tpu.memref_squeeze %dma_start3A_54 : memref<1x21x1024xf32, #tpu.memory_space<vmem>> -> memref<21x1024xf32, #tpu.memory_space<vmem>>
    %dma_start3A_56 = arith.constant 0 : i32
    %dma_start3A_57 = tpu.memref_slice %arg2[%select_n3A, %dma_start3A_56, %add3A_44] : memref<8x21x262144xf32, #tpu.memory_space<hbm>> -> memref<1x21x1024xf32, #tpu.memory_space<hbm>>
    %dma_start3A_58 = tpu.memref_squeeze %dma_start3A_57 : memref<1x21x1024xf32, #tpu.memory_space<hbm>> -> memref<21x1024xf32, #tpu.memory_space<hbm>>
    tpu.enqueue_dma source(%dma_start3A_58 : memref<21x1024xf32, #tpu.memory_space<hbm>>) target(%dma_start3A_55 : memref<21x1024xf32, #tpu.memory_space<vmem>>) target_semaphore(%arg8 : memref<!tpu.dma_semaphore, #tpu.memory_space<semaphore_mem>>)
    %dma_start3A_59 = arith.constant 0 : i32
    %dma_start3A_60 = arith.constant 0 : i32
    %dma_start3A_61 = tpu.memref_slice %arg6[%dma_start3A_59, %dma_start3A_60] : memref<2x1024xi32, #tpu.memory_space<vmem>> -> memref<1x1024xi32, #tpu.memory_space<vmem>>
    %dma_start3A_62 = tpu.memref_slice %arg3[%select_n3A, %add3A_44] : memref<8x262144xi32, #tpu.memory_space<hbm>> -> memref<1x1024xi32, #tpu.memory_space<hbm>>
    %dma_start3A_63 = arith.constant 0 : i32
    %dma_start3A_64 = arith.constant 0 : i32
    %dma_start3A_65 = tpu.memref_slice %arg6[%dma_start3A_63, %dma_start3A_64] : memref<2x1024xi32, #tpu.memory_space<vmem>> -> memref<1x1024xi32, #tpu.memory_space<vmem>>
    %dma_start3A_66 = tpu.memref_slice %arg3[%select_n3A, %add3A_44] : memref<8x262144xi32, #tpu.memory_space<hbm>> -> memref<1x1024xi32, #tpu.memory_space<hbm>>
    tpu.enqueue_dma source(%dma_start3A_66 : memref<1x1024xi32, #tpu.memory_space<hbm>>) target(%dma_start3A_65 : memref<1x1024xi32, #tpu.memory_space<vmem>>) target_semaphore(%arg8 : memref<!tpu.dma_semaphore, #tpu.memory_space<semaphore_mem>>)
    %scan3A_67 = arith.constant 0 : i32
    %scan3A_68 = arith.constant 0 : i32
    %scan3A_69 = arith.constant 32 : i32
    %scan3A_70 = arith.addi %scan3A_68, %scan3A_69 : i32
    %scan3A_71 = arith.constant 1 : i32
    scf.for %scan3A_73 = %scan3A_68 to %scan3A_70 step %scan3A_71  : i32 {
      %mul3A_74 = arith.constant 2 : i32
      %mul3A_75 = arith.muli %scan3A_73, %mul3A_74 : i32
      %add3A_76 = arith.constant 0 : i32
      %add3A_77 = arith.addi %mul3A_75, %add3A_76 : i32
      %add3A_78 = arith.constant 1 : i32
      %add3A_79 = arith.addi %add3A_77, %add3A_78 : i32
      %lt3A_80 = arith.constant 64 : i32
      %lt3A_81 = arith.cmpi slt, %add3A_79, %lt3A_80 : i32
      %convert_element_type3A = arith.extui %lt3A_81 : i1 to i32
      %cond3A = arith.constant 0 : i32
      %cond3A_82 = arith.cmpi ne, %convert_element_type3A, %cond3A : i32
      scf.if %cond3A_82 {
        %add3A_152 = arith.constant 1 : i32
        %add3A_153 = arith.addi %add3A_77, %add3A_152 : i32
        %mul3A_154 = arith.constant 1024 : i32
        %mul3A_155 = arith.muli %add3A_153, %mul3A_154 : i32
        %add3A_156 = arith.addi %mul3A_32, %mul3A_155 : i32
        %dma_start3A_157 = arith.constant 1 : i32
        %dma_start3A_158 = arith.constant 0 : i32
        %dma_start3A_159 = arith.constant 0 : i32
        %dma_start3A_160 = tpu.memref_slice %arg5[%dma_start3A_157, %dma_start3A_158, %dma_start3A_159] : memref<2x21x1024xf32, #tpu.memory_space<vmem>> -> memref<1x21x1024xf32, #tpu.memory_space<vmem>>
        %dma_start3A_161 = tpu.memref_squeeze %dma_start3A_160 : memref<1x21x1024xf32, #tpu.memory_space<vmem>> -> memref<21x1024xf32, #tpu.memory_space<vmem>>
        %dma_start3A_162 = arith.constant 0 : i32
        %dma_start3A_163 = tpu.memref_slice %arg2[%select_n3A, %dma_start3A_162, %add3A_156] : memref<8x21x262144xf32, #tpu.memory_space<hbm>> -> memref<1x21x1024xf32, #tpu.memory_space<hbm>>
        %dma_start3A_164 = tpu.memref_squeeze %dma_start3A_163 : memref<1x21x1024xf32, #tpu.memory_space<hbm>> -> memref<21x1024xf32, #tpu.memory_space<hbm>>
        %dma_start3A_165 = arith.constant 0 : i32
        %dma_start3A_166 = arith.constant 0 : i32
        %dma_start3A_167 = tpu.memref_slice %arg5[%dma_start3A_157, %dma_start3A_165, %dma_start3A_166] : memref<2x21x1024xf32, #tpu.memory_space<vmem>> -> memref<1x21x1024xf32, #tpu.memory_space<vmem>>
        %dma_start3A_168 = tpu.memref_squeeze %dma_start3A_167 : memref<1x21x1024xf32, #tpu.memory_space<vmem>> -> memref<21x1024xf32, #tpu.memory_space<vmem>>
        %dma_start3A_169 = arith.constant 0 : i32
        %dma_start3A_170 = tpu.memref_slice %arg2[%select_n3A, %dma_start3A_169, %add3A_156] : memref<8x21x262144xf32, #tpu.memory_space<hbm>> -> memref<1x21x1024xf32, #tpu.memory_space<hbm>>
        %dma_start3A_171 = tpu.memref_squeeze %dma_start3A_170 : memref<1x21x1024xf32, #tpu.memory_space<hbm>> -> memref<21x1024xf32, #tpu.memory_space<hbm>>
        tpu.enqueue_dma source(%dma_start3A_171 : memref<21x1024xf32, #tpu.memory_space<hbm>>) target(%dma_start3A_168 : memref<21x1024xf32, #tpu.memory_space<vmem>>) target_semaphore(%arg9 : memref<!tpu.dma_semaphore, #tpu.memory_space<semaphore_mem>>)
        %dma_start3A_172 = arith.constant 1 : i32
        %dma_start3A_173 = arith.constant 0 : i32
        %dma_start3A_174 = tpu.memref_slice %arg6[%dma_start3A_172, %dma_start3A_173] : memref<2x1024xi32, #tpu.memory_space<vmem>> -> memref<1x1024xi32, #tpu.memory_space<vmem>>
        %dma_start3A_175 = tpu.memref_slice %arg3[%select_n3A, %add3A_156] : memref<8x262144xi32, #tpu.memory_space<hbm>> -> memref<1x1024xi32, #tpu.memory_space<hbm>>
        %dma_start3A_176 = arith.constant 1 : i32
        %dma_start3A_177 = arith.constant 0 : i32
        %dma_start3A_178 = tpu.memref_slice %arg6[%dma_start3A_176, %dma_start3A_177] : memref<2x1024xi32, #tpu.memory_space<vmem>> -> memref<1x1024xi32, #tpu.memory_space<vmem>>
        %dma_start3A_179 = tpu.memref_slice %arg3[%select_n3A, %add3A_156] : memref<8x262144xi32, #tpu.memory_space<hbm>> -> memref<1x1024xi32, #tpu.memory_space<hbm>>
        tpu.enqueue_dma source(%dma_start3A_179 : memref<1x1024xi32, #tpu.memory_space<hbm>>) target(%dma_start3A_178 : memref<1x1024xi32, #tpu.memory_space<vmem>>) target_semaphore(%arg9 : memref<!tpu.dma_semaphore, #tpu.memory_space<semaphore_mem>>)
      } else {
      }
      %dma_wait3A = arith.constant 0 : i32
      %dma_wait3A_83 = arith.constant 0 : i32
      %dma_wait3A_84 = arith.constant 0 : i32
      %dma_wait3A_85 = tpu.memref_slice %arg5[%dma_wait3A, %dma_wait3A_83, %dma_wait3A_84] : memref<2x21x1024xf32, #tpu.memory_space<vmem>> -> memref<1x21x1024xf32, #tpu.memory_space<vmem>>
      %dma_wait3A_86 = tpu.memref_squeeze %dma_wait3A_85 : memref<1x21x1024xf32, #tpu.memory_space<vmem>> -> memref<21x1024xf32, #tpu.memory_space<vmem>>
      %dma_wait3A_87 = arith.constant 0 : i32
      %dma_wait3A_88 = arith.constant 0 : i32
      %dma_wait3A_89 = tpu.memref_slice %arg2[%select_n3A, %dma_wait3A_87, %dma_wait3A_88] : memref<8x21x262144xf32, #tpu.memory_space<hbm>> -> memref<1x21x1024xf32, #tpu.memory_space<hbm>>
      %dma_wait3A_90 = tpu.memref_squeeze %dma_wait3A_89 : memref<1x21x1024xf32, #tpu.memory_space<hbm>> -> memref<21x1024xf32, #tpu.memory_space<hbm>>
      %dma_wait3A_91 = arith.constant 0 : i32
      %dma_wait3A_92 = arith.constant 0 : i32
      %dma_wait3A_93 = tpu.memref_slice %arg5[%dma_wait3A, %dma_wait3A_91, %dma_wait3A_92] : memref<2x21x1024xf32, #tpu.memory_space<vmem>> -> memref<1x21x1024xf32, #tpu.memory_space<vmem>>
      %dma_wait3A_94 = tpu.memref_squeeze %dma_wait3A_93 : memref<1x21x1024xf32, #tpu.memory_space<vmem>> -> memref<21x1024xf32, #tpu.memory_space<vmem>>
      %dma_wait3A_95 = arith.constant 0 : i32
      %dma_wait3A_96 = arith.constant 0 : i32
      %dma_wait3A_97 = tpu.memref_slice %arg2[%select_n3A, %dma_wait3A_95, %dma_wait3A_96] : memref<8x21x262144xf32, #tpu.memory_space<hbm>> -> memref<1x21x1024xf32, #tpu.memory_space<hbm>>
      %dma_wait3A_98 = tpu.memref_squeeze %dma_wait3A_97 : memref<1x21x1024xf32, #tpu.memory_space<hbm>> -> memref<21x1024xf32, #tpu.memory_space<hbm>>
      tpu.wait_dma2 semaphore(%arg8 : memref<!tpu.dma_semaphore, #tpu.memory_space<semaphore_mem>>) src(%dma_wait3A_98 : memref<21x1024xf32, #tpu.memory_space<hbm>>) dst(%dma_wait3A_94 : memref<21x1024xf32, #tpu.memory_space<vmem>>)
      %dma_wait3A_99 = arith.constant 0 : i32
      %dma_wait3A_100 = arith.constant 0 : i32
      %dma_wait3A_101 = tpu.memref_slice %arg6[%dma_wait3A_99, %dma_wait3A_100] : memref<2x1024xi32, #tpu.memory_space<vmem>> -> memref<1x1024xi32, #tpu.memory_space<vmem>>
      %dma_wait3A_102 = arith.constant 0 : i32
      %dma_wait3A_103 = tpu.memref_slice %arg3[%select_n3A, %dma_wait3A_102] : memref<8x262144xi32, #tpu.memory_space<hbm>> -> memref<1x1024xi32, #tpu.memory_space<hbm>>
      %dma_wait3A_104 = arith.constant 0 : i32
      %dma_wait3A_105 = arith.constant 0 : i32
      %dma_wait3A_106 = tpu.memref_slice %arg6[%dma_wait3A_104, %dma_wait3A_105] : memref<2x1024xi32, #tpu.memory_space<vmem>> -> memref<1x1024xi32, #tpu.memory_space<vmem>>
      %dma_wait3A_107 = arith.constant 0 : i32
      %dma_wait3A_108 = tpu.memref_slice %arg3[%select_n3A, %dma_wait3A_107] : memref<8x262144xi32, #tpu.memory_space<hbm>> -> memref<1x1024xi32, #tpu.memory_space<hbm>>
      tpu.wait_dma2 semaphore(%arg8 : memref<!tpu.dma_semaphore, #tpu.memory_space<semaphore_mem>>) src(%dma_wait3A_108 : memref<1x1024xi32, #tpu.memory_space<hbm>>) dst(%dma_wait3A_106 : memref<1x1024xi32, #tpu.memory_space<vmem>>)
      %parallel_loop3A = arith.constant 0 : i32
      %parallel_loop3A_109 = arith.constant 64 : i32
      %parallel_loop3A_110 = arith.constant 1 : i32
      scf.for %parallel_loop3A_152 = %parallel_loop3A to %parallel_loop3A_109 step %parallel_loop3A_110  : i32 {
        %parallel_loop3A_153 = arith.constant 16 : i32
        %parallel_loop3A_154 = arith.muli %parallel_loop3A_152, %parallel_loop3A_153 : i32
        %parallel_loop3A_155 = arith.constant 0 : i32
        %parallel_loop3A_156 = arith.index_cast %parallel_loop3A_155 : i32 to index
        %parallel_loop3A_157 = arith.index_cast %parallel_loop3A_154 : i32 to index
        %parallel_loop3A_158 = tpu.vector_load %arg6[%parallel_loop3A_156, %parallel_loop3A_157] {strides = array<i32>} : memref<2x1024xi32, #tpu.memory_space<vmem>>, vector<16xi32>,
        %parallel_loop3A_159 = arith.constant 0 : i32
        %parallel_loop3A_160 = arith.constant 0 : i32
        %parallel_loop3A_161 = arith.index_cast %parallel_loop3A_159 : i32 to index
        %parallel_loop3A_162 = arith.index_cast %parallel_loop3A_160 : i32 to index
        %parallel_loop3A_163 = arith.index_cast %parallel_loop3A_154 : i32 to index
        %parallel_loop3A_164 = tpu.vector_load %arg5[%parallel_loop3A_161, %parallel_loop3A_162, %parallel_loop3A_163] {strides = array<i32>} : memref<2x21x1024xf32, #tpu.memory_space<vmem>>, vector<16xf32>,
        %parallel_loop3A_165 = arith.constant 0 : i32
        %parallel_loop3A_166 = arith.constant 1 : i32
        %parallel_loop3A_167 = arith.index_cast %parallel_loop3A_165 : i32 to index
        %parallel_loop3A_168 = arith.index_cast %parallel_loop3A_166 : i32 to index
        %parallel_loop3A_169 = arith.index_cast %parallel_loop3A_154 : i32 to index
        %parallel_loop3A_170 = tpu.vector_load %arg5[%parallel_loop3A_167, %parallel_loop3A_168, %parallel_loop3A_169] {strides = array<i32>} : memref<2x21x1024xf32, #tpu.memory_space<vmem>>, vector<16xf32>,
        %parallel_loop3A_171 = arith.constant 0 : i32
        %parallel_loop3A_172 = arith.constant 2 : i32
        %parallel_loop3A_173 = arith.index_cast %parallel_loop3A_171 : i32 to index
        %parallel_loop3A_174 = arith.index_cast %parallel_loop3A_172 : i32 to index
        %parallel_loop3A_175 = arith.index_cast %parallel_loop3A_154 : i32 to index
        %parallel_loop3A_176 = tpu.vector_load %arg5[%parallel_loop3A_173, %parallel_loop3A_174, %parallel_loop3A_175] {strides = array<i32>} : memref<2x21x1024xf32, #tpu.memory_space<vmem>>, vector<16xf32>,
        %parallel_loop3A_177 = arith.constant 0 : i32
        %parallel_loop3A_178 = arith.constant 3 : i32
        %parallel_loop3A_179 = arith.index_cast %parallel_loop3A_177 : i32 to index
        %parallel_loop3A_180 = arith.index_cast %parallel_loop3A_178 : i32 to index
        %parallel_loop3A_181 = arith.index_cast %parallel_loop3A_154 : i32 to index
        %parallel_loop3A_182 = tpu.vector_load %arg5[%parallel_loop3A_179, %parallel_loop3A_180, %parallel_loop3A_181] {strides = array<i32>} : memref<2x21x1024xf32, #tpu.memory_space<vmem>>, vector<16xf32>,
        %parallel_loop3A_183 = arith.constant 0 : i32
        %parallel_loop3A_184 = arith.constant 4 : i32
        %parallel_loop3A_185 = arith.index_cast %parallel_loop3A_183 : i32 to index
        %parallel_loop3A_186 = arith.index_cast %parallel_loop3A_184 : i32 to index
        %parallel_loop3A_187 = arith.index_cast %parallel_loop3A_154 : i32 to index
        %parallel_loop3A_188 = tpu.vector_load %arg5[%parallel_loop3A_185, %parallel_loop3A_186, %parallel_loop3A_187] {strides = array<i32>} : memref<2x21x1024xf32, #tpu.memory_space<vmem>>, vector<16xf32>,
        %parallel_loop3A_189 = arith.constant 0 : i32
        %parallel_loop3A_190 = arith.constant 5 : i32
        %parallel_loop3A_191 = arith.index_cast %parallel_loop3A_189 : i32 to index
        %parallel_loop3A_192 = arith.index_cast %parallel_loop3A_190 : i32 to index
        %parallel_loop3A_193 = arith.index_cast %parallel_loop3A_154 : i32 to index
        %parallel_loop3A_194 = tpu.vector_load %arg5[%parallel_loop3A_191, %parallel_loop3A_192, %parallel_loop3A_193] {strides = array<i32>} : memref<2x21x1024xf32, #tpu.memory_space<vmem>>, vector<16xf32>,
        %parallel_loop3A_195 = arith.constant 0 : i32
        %parallel_loop3A_196 = arith.constant 6 : i32
        %parallel_loop3A_197 = arith.index_cast %parallel_loop3A_195 : i32 to index
        %parallel_loop3A_198 = arith.index_cast %parallel_loop3A_196 : i32 to index
        %parallel_loop3A_199 = arith.index_cast %parallel_loop3A_154 : i32 to index
        %parallel_loop3A_200 = tpu.vector_load %arg5[%parallel_loop3A_197, %parallel_loop3A_198, %parallel_loop3A_199] {strides = array<i32>} : memref<2x21x1024xf32, #tpu.memory_space<vmem>>, vector<16xf32>,
        %parallel_loop3A_201 = arith.constant 0 : i32
        %parallel_loop3A_202 = arith.constant 7 : i32
        %parallel_loop3A_203 = arith.index_cast %parallel_loop3A_201 : i32 to index
        %parallel_loop3A_204 = arith.index_cast %parallel_loop3A_202 : i32 to index
        %parallel_loop3A_205 = arith.index_cast %parallel_loop3A_154 : i32 to index
        %parallel_loop3A_206 = tpu.vector_load %arg5[%parallel_loop3A_203, %parallel_loop3A_204, %parallel_loop3A_205] {strides = array<i32>} : memref<2x21x1024xf32, #tpu.memory_space<vmem>>, vector<16xf32>,
        %parallel_loop3A_207 = arith.constant 0 : i32
        %parallel_loop3A_208 = arith.constant 8 : i32
        %parallel_loop3A_209 = arith.index_cast %parallel_loop3A_207 : i32 to index
        %parallel_loop3A_210 = arith.index_cast %parallel_loop3A_208 : i32 to index
        %parallel_loop3A_211 = arith.index_cast %parallel_loop3A_154 : i32 to index
        %parallel_loop3A_212 = tpu.vector_load %arg5[%parallel_loop3A_209, %parallel_loop3A_210, %parallel_loop3A_211] {strides = array<i32>} : memref<2x21x1024xf32, #tpu.memory_space<vmem>>, vector<16xf32>,
        %parallel_loop3A_213 = arith.constant 0 : i32
        %parallel_loop3A_214 = arith.constant 9 : i32
        %parallel_loop3A_215 = arith.index_cast %parallel_loop3A_213 : i32 to index
        %parallel_loop3A_216 = arith.index_cast %parallel_loop3A_214 : i32 to index
        %parallel_loop3A_217 = arith.index_cast %parallel_loop3A_154 : i32 to index
        %parallel_loop3A_218 = tpu.vector_load %arg5[%parallel_loop3A_215, %parallel_loop3A_216, %parallel_loop3A_217] {strides = array<i32>} : memref<2x21x1024xf32, #tpu.memory_space<vmem>>, vector<16xf32>,
        %parallel_loop3A_219 = arith.constant 0 : i32
        %parallel_loop3A_220 = arith.constant 10 : i32
        %parallel_loop3A_221 = arith.index_cast %parallel_loop3A_219 : i32 to index
        %parallel_loop3A_222 = arith.index_cast %parallel_loop3A_220 : i32 to index
        %parallel_loop3A_223 = arith.index_cast %parallel_loop3A_154 : i32 to index
        %parallel_loop3A_224 = tpu.vector_load %arg5[%parallel_loop3A_221, %parallel_loop3A_222, %parallel_loop3A_223] {strides = array<i32>} : memref<2x21x1024xf32, #tpu.memory_space<vmem>>, vector<16xf32>,
        %parallel_loop3A_225 = arith.constant 0 : i32
        %parallel_loop3A_226 = arith.constant 11 : i32
        %parallel_loop3A_227 = arith.index_cast %parallel_loop3A_225 : i32 to index
        %parallel_loop3A_228 = arith.index_cast %parallel_loop3A_226 : i32 to index
        %parallel_loop3A_229 = arith.index_cast %parallel_loop3A_154 : i32 to index
        %parallel_loop3A_230 = tpu.vector_load %arg5[%parallel_loop3A_227, %parallel_loop3A_228, %parallel_loop3A_229] {strides = array<i32>} : memref<2x21x1024xf32, #tpu.memory_space<vmem>>, vector<16xf32>,
        %parallel_loop3A_231 = arith.constant 0 : i32
        %parallel_loop3A_232 = arith.constant 12 : i32
        %parallel_loop3A_233 = arith.index_cast %parallel_loop3A_231 : i32 to index
        %parallel_loop3A_234 = arith.index_cast %parallel_loop3A_232 : i32 to index
        %parallel_loop3A_235 = arith.index_cast %parallel_loop3A_154 : i32 to index
        %parallel_loop3A_236 = tpu.vector_load %arg5[%parallel_loop3A_233, %parallel_loop3A_234, %parallel_loop3A_235] {strides = array<i32>} : memref<2x21x1024xf32, #tpu.memory_space<vmem>>, vector<16xf32>,
        %parallel_loop3A_237 = arith.constant 0 : i32
        %parallel_loop3A_238 = arith.constant 13 : i32
        %parallel_loop3A_239 = arith.index_cast %parallel_loop3A_237 : i32 to index
        %parallel_loop3A_240 = arith.index_cast %parallel_loop3A_238 : i32 to index
        %parallel_loop3A_241 = arith.index_cast %parallel_loop3A_154 : i32 to index
        %parallel_loop3A_242 = tpu.vector_load %arg5[%parallel_loop3A_239, %parallel_loop3A_240, %parallel_loop3A_241] {strides = array<i32>} : memref<2x21x1024xf32, #tpu.memory_space<vmem>>, vector<16xf32>,
        %parallel_loop3A_243 = arith.constant 0 : i32
        %parallel_loop3A_244 = arith.constant 14 : i32
        %parallel_loop3A_245 = arith.index_cast %parallel_loop3A_243 : i32 to index
        %parallel_loop3A_246 = arith.index_cast %parallel_loop3A_244 : i32 to index
        %parallel_loop3A_247 = arith.index_cast %parallel_loop3A_154 : i32 to index
        %parallel_loop3A_248 = tpu.vector_load %arg5[%parallel_loop3A_245, %parallel_loop3A_246, %parallel_loop3A_247] {strides = array<i32>} : memref<2x21x1024xf32, #tpu.memory_space<vmem>>, vector<16xf32>,
        %parallel_loop3A_249 = arith.constant 0 : i32
        %parallel_loop3A_250 = arith.constant 15 : i32
        %parallel_loop3A_251 = arith.index_cast %parallel_loop3A_249 : i32 to index
        %parallel_loop3A_252 = arith.index_cast %parallel_loop3A_250 : i32 to index
        %parallel_loop3A_253 = arith.index_cast %parallel_loop3A_154 : i32 to index
        %parallel_loop3A_254 = tpu.vector_load %arg5[%parallel_loop3A_251, %parallel_loop3A_252, %parallel_loop3A_253] {strides = array<i32>} : memref<2x21x1024xf32, #tpu.memory_space<vmem>>, vector<16xf32>,
        %parallel_loop3A_255 = arith.constant 0 : i32
        %parallel_loop3A_256 = arith.constant 16 : i32
        %parallel_loop3A_257 = arith.index_cast %parallel_loop3A_255 : i32 to index
        %parallel_loop3A_258 = arith.index_cast %parallel_loop3A_256 : i32 to index
        %parallel_loop3A_259 = arith.index_cast %parallel_loop3A_154 : i32 to index
        %parallel_loop3A_260 = tpu.vector_load %arg5[%parallel_loop3A_257, %parallel_loop3A_258, %parallel_loop3A_259] {strides = array<i32>} : memref<2x21x1024xf32, #tpu.memory_space<vmem>>, vector<16xf32>,
        %parallel_loop3A_261 = arith.constant 0 : i32
        %parallel_loop3A_262 = arith.constant 17 : i32
        %parallel_loop3A_263 = arith.index_cast %parallel_loop3A_261 : i32 to index
        %parallel_loop3A_264 = arith.index_cast %parallel_loop3A_262 : i32 to index
        %parallel_loop3A_265 = arith.index_cast %parallel_loop3A_154 : i32 to index
        %parallel_loop3A_266 = tpu.vector_load %arg5[%parallel_loop3A_263, %parallel_loop3A_264, %parallel_loop3A_265] {strides = array<i32>} : memref<2x21x1024xf32, #tpu.memory_space<vmem>>, vector<16xf32>,
        %parallel_loop3A_267 = arith.constant 0 : i32
        %parallel_loop3A_268 = arith.constant 18 : i32
        %parallel_loop3A_269 = arith.index_cast %parallel_loop3A_267 : i32 to index
        %parallel_loop3A_270 = arith.index_cast %parallel_loop3A_268 : i32 to index
        %parallel_loop3A_271 = arith.index_cast %parallel_loop3A_154 : i32 to index
        %parallel_loop3A_272 = tpu.vector_load %arg5[%parallel_loop3A_269, %parallel_loop3A_270, %parallel_loop3A_271] {strides = array<i32>} : memref<2x21x1024xf32, #tpu.memory_space<vmem>>, vector<16xf32>,
        %parallel_loop3A_273 = arith.constant 0 : i32
        %parallel_loop3A_274 = arith.constant 19 : i32
        %parallel_loop3A_275 = arith.index_cast %parallel_loop3A_273 : i32 to index
        %parallel_loop3A_276 = arith.index_cast %parallel_loop3A_274 : i32 to index
        %parallel_loop3A_277 = arith.index_cast %parallel_loop3A_154 : i32 to index
        %parallel_loop3A_278 = tpu.vector_load %arg5[%parallel_loop3A_275, %parallel_loop3A_276, %parallel_loop3A_277] {strides = array<i32>} : memref<2x21x1024xf32, #tpu.memory_space<vmem>>, vector<16xf32>,
        %parallel_loop3A_279 = arith.constant 0 : i32
        %parallel_loop3A_280 = arith.constant 20 : i32
        %parallel_loop3A_281 = arith.index_cast %parallel_loop3A_279 : i32 to index
        %parallel_loop3A_282 = arith.index_cast %parallel_loop3A_280 : i32 to index
        %parallel_loop3A_283 = arith.index_cast %parallel_loop3A_154 : i32 to index
        %parallel_loop3A_284 = tpu.vector_load %arg5[%parallel_loop3A_281, %parallel_loop3A_282, %parallel_loop3A_283] {strides = array<i32>} : memref<2x21x1024xf32, #tpu.memory_space<vmem>>, vector<16xf32>,
        %parallel_loop3A_285 = math.exp %parallel_loop3A_164 : vector<16xf32>
        %parallel_loop3A_286 = math.exp %parallel_loop3A_170 : vector<16xf32>
        %parallel_loop3A_287 = math.exp %parallel_loop3A_176 : vector<16xf32>
        %parallel_loop3A_288 = math.exp %parallel_loop3A_182 : vector<16xf32>
        %parallel_loop3A_289 = math.exp %parallel_loop3A_188 : vector<16xf32>
        %parallel_loop3A_290 = math.exp %parallel_loop3A_194 : vector<16xf32>
        %parallel_loop3A_291 = math.exp %parallel_loop3A_200 : vector<16xf32>
        %parallel_loop3A_292 = math.exp %parallel_loop3A_206 : vector<16xf32>
        %parallel_loop3A_293 = math.exp %parallel_loop3A_212 : vector<16xf32>
        %parallel_loop3A_294 = math.exp %parallel_loop3A_218 : vector<16xf32>
        %parallel_loop3A_295 = math.exp %parallel_loop3A_224 : vector<16xf32>
        %parallel_loop3A_296 = math.exp %parallel_loop3A_230 : vector<16xf32>
        %parallel_loop3A_297 = math.exp %parallel_loop3A_236 : vector<16xf32>
        %parallel_loop3A_298 = math.exp %parallel_loop3A_242 : vector<16xf32>
        %parallel_loop3A_299 = math.exp %parallel_loop3A_248 : vector<16xf32>
        %parallel_loop3A_300 = math.exp %parallel_loop3A_254 : vector<16xf32>
        %parallel_loop3A_301 = math.exp %parallel_loop3A_260 : vector<16xf32>
        %parallel_loop3A_302 = math.exp %parallel_loop3A_266 : vector<16xf32>
        %parallel_loop3A_303 = math.exp %parallel_loop3A_272 : vector<16xf32>
        %parallel_loop3A_304 = math.exp %parallel_loop3A_278 : vector<16xf32>
        %parallel_loop3A_305 = math.exp %parallel_loop3A_284 : vector<16xf32>
        %parallel_loop3A_306 = arith.addf %parallel_loop3A_285, %parallel_loop3A_286 : vector<16xf32>
        %parallel_loop3A_307 = arith.addf %parallel_loop3A_287, %parallel_loop3A_288 : vector<16xf32>
        %parallel_loop3A_308 = arith.addf %parallel_loop3A_289, %parallel_loop3A_290 : vector<16xf32>
        %parallel_loop3A_309 = arith.addf %parallel_loop3A_291, %parallel_loop3A_292 : vector<16xf32>
        %parallel_loop3A_310 = arith.addf %parallel_loop3A_293, %parallel_loop3A_294 : vector<16xf32>
        %parallel_loop3A_311 = arith.addf %parallel_loop3A_295, %parallel_loop3A_296 : vector<16xf32>
        %parallel_loop3A_312 = arith.addf %parallel_loop3A_297, %parallel_loop3A_298 : vector<16xf32>
        %parallel_loop3A_313 = arith.addf %parallel_loop3A_299, %parallel_loop3A_300 : vector<16xf32>
        %parallel_loop3A_314 = arith.addf %parallel_loop3A_301, %parallel_loop3A_302 : vector<16xf32>
        %parallel_loop3A_315 = arith.addf %parallel_loop3A_303, %parallel_loop3A_304 : vector<16xf32>
        %parallel_loop3A_316 = arith.addf %parallel_loop3A_306, %parallel_loop3A_307 : vector<16xf32>
        %parallel_loop3A_317 = arith.addf %parallel_loop3A_308, %parallel_loop3A_309 : vector<16xf32>
        %parallel_loop3A_318 = arith.addf %parallel_loop3A_310, %parallel_loop3A_311 : vector<16xf32>
        %parallel_loop3A_319 = arith.addf %parallel_loop3A_312, %parallel_loop3A_313 : vector<16xf32>
        %parallel_loop3A_320 = arith.addf %parallel_loop3A_314, %parallel_loop3A_315 : vector<16xf32>
        %parallel_loop3A_321 = arith.addf %parallel_loop3A_316, %parallel_loop3A_317 : vector<16xf32>
        %parallel_loop3A_322 = arith.addf %parallel_loop3A_318, %parallel_loop3A_319 : vector<16xf32>
        %parallel_loop3A_323 = arith.addf %parallel_loop3A_320, %parallel_loop3A_305 : vector<16xf32>
        %parallel_loop3A_324 = arith.addf %parallel_loop3A_321, %parallel_loop3A_322 : vector<16xf32>
        %parallel_loop3A_325 = arith.addf %parallel_loop3A_324, %parallel_loop3A_323 : vector<16xf32>
        %parallel_loop3A_326 = arith.constant 1.024000e+03 : f32
        %parallel_loop3A_327 = vector.broadcast %parallel_loop3A_326 : f32 to vector<16xf32>
        %parallel_loop3A_328 = arith.divf %parallel_loop3A_327, %parallel_loop3A_325 : vector<16xf32>
        %parallel_loop3A_329 = arith.mulf %parallel_loop3A_285, %parallel_loop3A_328 : vector<16xf32>
        %parallel_loop3A_330 = arith.constant 0x4B400000 : f32
        %parallel_loop3A_331 = vector.broadcast %parallel_loop3A_330 : f32 to vector<16xf32>
        %parallel_loop3A_332 = arith.addf %parallel_loop3A_329, %parallel_loop3A_331 : vector<16xf32>
        %parallel_loop3A_333 = vector.bitcast %parallel_loop3A_332 : vector<16xf32> to vector<16xi32>
        %parallel_loop3A_334 = arith.constant -1262485504 : i32
        %parallel_loop3A_335 = vector.broadcast %parallel_loop3A_334 : i32 to vector<16xi32>
        %parallel_loop3A_336 = arith.addi %parallel_loop3A_333, %parallel_loop3A_335 : vector<16xi32>
        tpu.vector_store_idx %arg7[%parallel_loop3A_336], %broadcast_in_dim3A_40 {add = true} : memref<43008xf32, #tpu.memory_space<vmem>>[vector<16xi32>], vector<16xf32>,
        %parallel_loop3A_337 = arith.mulf %parallel_loop3A_286, %parallel_loop3A_328 : vector<16xf32>
        %parallel_loop3A_338 = arith.constant 0x4B400000 : f32
        %parallel_loop3A_339 = vector.broadcast %parallel_loop3A_338 : f32 to vector<16xf32>
        %parallel_loop3A_340 = arith.addf %parallel_loop3A_337, %parallel_loop3A_339 : vector<16xf32>
        %parallel_loop3A_341 = vector.bitcast %parallel_loop3A_340 : vector<16xf32> to vector<16xi32>
        %parallel_loop3A_342 = arith.constant -1262484480 : i32
        %parallel_loop3A_343 = vector.broadcast %parallel_loop3A_342 : i32 to vector<16xi32>
        %parallel_loop3A_344 = arith.addi %parallel_loop3A_341, %parallel_loop3A_343 : vector<16xi32>
        tpu.vector_store_idx %arg7[%parallel_loop3A_344], %broadcast_in_dim3A_40 {add = true} : memref<43008xf32, #tpu.memory_space<vmem>>[vector<16xi32>], vector<16xf32>,
        %parallel_loop3A_345 = arith.mulf %parallel_loop3A_287, %parallel_loop3A_328 : vector<16xf32>
        %parallel_loop3A_346 = arith.constant 0x4B400000 : f32
        %parallel_loop3A_347 = vector.broadcast %parallel_loop3A_346 : f32 to vector<16xf32>
        %parallel_loop3A_348 = arith.addf %parallel_loop3A_345, %parallel_loop3A_347 : vector<16xf32>
        %parallel_loop3A_349 = vector.bitcast %parallel_loop3A_348 : vector<16xf32> to vector<16xi32>
        %parallel_loop3A_350 = arith.constant -1262483456 : i32
        %parallel_loop3A_351 = vector.broadcast %parallel_loop3A_350 : i32 to vector<16xi32>
        %parallel_loop3A_352 = arith.addi %parallel_loop3A_349, %parallel_loop3A_351 : vector<16xi32>
        tpu.vector_store_idx %arg7[%parallel_loop3A_352], %broadcast_in_dim3A_40 {add = true} : memref<43008xf32, #tpu.memory_space<vmem>>[vector<16xi32>], vector<16xf32>,
        %parallel_loop3A_353 = arith.mulf %parallel_loop3A_288, %parallel_loop3A_328 : vector<16xf32>
        %parallel_loop3A_354 = arith.constant 0x4B400000 : f32
        %parallel_loop3A_355 = vector.broadcast %parallel_loop3A_354 : f32 to vector<16xf32>
        %parallel_loop3A_356 = arith.addf %parallel_loop3A_353, %parallel_loop3A_355 : vector<16xf32>
        %parallel_loop3A_357 = vector.bitcast %parallel_loop3A_356 : vector<16xf32> to vector<16xi32>
        %parallel_loop3A_358 = arith.constant -1262482432 : i32
        %parallel_loop3A_359 = vector.broadcast %parallel_loop3A_358 : i32 to vector<16xi32>
        %parallel_loop3A_360 = arith.addi %parallel_loop3A_357, %parallel_loop3A_359 : vector<16xi32>
        tpu.vector_store_idx %arg7[%parallel_loop3A_360], %broadcast_in_dim3A_40 {add = true} : memref<43008xf32, #tpu.memory_space<vmem>>[vector<16xi32>], vector<16xf32>,
        %parallel_loop3A_361 = arith.mulf %parallel_loop3A_289, %parallel_loop3A_328 : vector<16xf32>
        %parallel_loop3A_362 = arith.constant 0x4B400000 : f32
        %parallel_loop3A_363 = vector.broadcast %parallel_loop3A_362 : f32 to vector<16xf32>
        %parallel_loop3A_364 = arith.addf %parallel_loop3A_361, %parallel_loop3A_363 : vector<16xf32>
        %parallel_loop3A_365 = vector.bitcast %parallel_loop3A_364 : vector<16xf32> to vector<16xi32>
        %parallel_loop3A_366 = arith.constant -1262481408 : i32
        %parallel_loop3A_367 = vector.broadcast %parallel_loop3A_366 : i32 to vector<16xi32>
        %parallel_loop3A_368 = arith.addi %parallel_loop3A_365, %parallel_loop3A_367 : vector<16xi32>
        tpu.vector_store_idx %arg7[%parallel_loop3A_368], %broadcast_in_dim3A_40 {add = true} : memref<43008xf32, #tpu.memory_space<vmem>>[vector<16xi32>], vector<16xf32>,
        %parallel_loop3A_369 = arith.mulf %parallel_loop3A_290, %parallel_loop3A_328 : vector<16xf32>
        %parallel_loop3A_370 = arith.constant 0x4B400000 : f32
        %parallel_loop3A_371 = vector.broadcast %parallel_loop3A_370 : f32 to vector<16xf32>
        %parallel_loop3A_372 = arith.addf %parallel_loop3A_369, %parallel_loop3A_371 : vector<16xf32>
        %parallel_loop3A_373 = vector.bitcast %parallel_loop3A_372 : vector<16xf32> to vector<16xi32>
        %parallel_loop3A_374 = arith.constant -1262480384 : i32
        %parallel_loop3A_375 = vector.broadcast %parallel_loop3A_374 : i32 to vector<16xi32>
        %parallel_loop3A_376 = arith.addi %parallel_loop3A_373, %parallel_loop3A_375 : vector<16xi32>
        tpu.vector_store_idx %arg7[%parallel_loop3A_376], %broadcast_in_dim3A_40 {add = true} : memref<43008xf32, #tpu.memory_space<vmem>>[vector<16xi32>], vector<16xf32>,
        %parallel_loop3A_377 = arith.mulf %parallel_loop3A_291, %parallel_loop3A_328 : vector<16xf32>
        %parallel_loop3A_378 = arith.constant 0x4B400000 : f32
        %parallel_loop3A_379 = vector.broadcast %parallel_loop3A_378 : f32 to vector<16xf32>
        %parallel_loop3A_380 = arith.addf %parallel_loop3A_377, %parallel_loop3A_379 : vector<16xf32>
        %parallel_loop3A_381 = vector.bitcast %parallel_loop3A_380 : vector<16xf32> to vector<16xi32>
        %parallel_loop3A_382 = arith.constant -1262479360 : i32
        %parallel_loop3A_383 = vector.broadcast %parallel_loop3A_382 : i32 to vector<16xi32>
        %parallel_loop3A_384 = arith.addi %parallel_loop3A_381, %parallel_loop3A_383 : vector<16xi32>
        tpu.vector_store_idx %arg7[%parallel_loop3A_384], %broadcast_in_dim3A_40 {add = true} : memref<43008xf32, #tpu.memory_space<vmem>>[vector<16xi32>], vector<16xf32>,
        %parallel_loop3A_385 = arith.mulf %parallel_loop3A_292, %parallel_loop3A_328 : vector<16xf32>
        %parallel_loop3A_386 = arith.constant 0x4B400000 : f32
        %parallel_loop3A_387 = vector.broadcast %parallel_loop3A_386 : f32 to vector<16xf32>
        %parallel_loop3A_388 = arith.addf %parallel_loop3A_385, %parallel_loop3A_387 : vector<16xf32>
        %parallel_loop3A_389 = vector.bitcast %parallel_loop3A_388 : vector<16xf32> to vector<16xi32>
        %parallel_loop3A_390 = arith.constant -1262478336 : i32
        %parallel_loop3A_391 = vector.broadcast %parallel_loop3A_390 : i32 to vector<16xi32>
        %parallel_loop3A_392 = arith.addi %parallel_loop3A_389, %parallel_loop3A_391 : vector<16xi32>
        tpu.vector_store_idx %arg7[%parallel_loop3A_392], %broadcast_in_dim3A_40 {add = true} : memref<43008xf32, #tpu.memory_space<vmem>>[vector<16xi32>], vector<16xf32>,
        %parallel_loop3A_393 = arith.mulf %parallel_loop3A_293, %parallel_loop3A_328 : vector<16xf32>
        %parallel_loop3A_394 = arith.constant 0x4B400000 : f32
        %parallel_loop3A_395 = vector.broadcast %parallel_loop3A_394 : f32 to vector<16xf32>
        %parallel_loop3A_396 = arith.addf %parallel_loop3A_393, %parallel_loop3A_395 : vector<16xf32>
        %parallel_loop3A_397 = vector.bitcast %parallel_loop3A_396 : vector<16xf32> to vector<16xi32>
        %parallel_loop3A_398 = arith.constant -1262477312 : i32
        %parallel_loop3A_399 = vector.broadcast %parallel_loop3A_398 : i32 to vector<16xi32>
        %parallel_loop3A_400 = arith.addi %parallel_loop3A_397, %parallel_loop3A_399 : vector<16xi32>
        tpu.vector_store_idx %arg7[%parallel_loop3A_400], %broadcast_in_dim3A_40 {add = true} : memref<43008xf32, #tpu.memory_space<vmem>>[vector<16xi32>], vector<16xf32>,
        %parallel_loop3A_401 = arith.mulf %parallel_loop3A_294, %parallel_loop3A_328 : vector<16xf32>
        %parallel_loop3A_402 = arith.constant 0x4B400000 : f32
        %parallel_loop3A_403 = vector.broadcast %parallel_loop3A_402 : f32 to vector<16xf32>
        %parallel_loop3A_404 = arith.addf %parallel_loop3A_401, %parallel_loop3A_403 : vector<16xf32>
        %parallel_loop3A_405 = vector.bitcast %parallel_loop3A_404 : vector<16xf32> to vector<16xi32>
        %parallel_loop3A_406 = arith.constant -1262476288 : i32
        %parallel_loop3A_407 = vector.broadcast %parallel_loop3A_406 : i32 to vector<16xi32>
        %parallel_loop3A_408 = arith.addi %parallel_loop3A_405, %parallel_loop3A_407 : vector<16xi32>
        tpu.vector_store_idx %arg7[%parallel_loop3A_408], %broadcast_in_dim3A_40 {add = true} : memref<43008xf32, #tpu.memory_space<vmem>>[vector<16xi32>], vector<16xf32>,
        %parallel_loop3A_409 = arith.mulf %parallel_loop3A_295, %parallel_loop3A_328 : vector<16xf32>
        %parallel_loop3A_410 = arith.constant 0x4B400000 : f32
        %parallel_loop3A_411 = vector.broadcast %parallel_loop3A_410 : f32 to vector<16xf32>
        %parallel_loop3A_412 = arith.addf %parallel_loop3A_409, %parallel_loop3A_411 : vector<16xf32>
        %parallel_loop3A_413 = vector.bitcast %parallel_loop3A_412 : vector<16xf32> to vector<16xi32>
        %parallel_loop3A_414 = arith.constant -1262475264 : i32
        %parallel_loop3A_415 = vector.broadcast %parallel_loop3A_414 : i32 to vector<16xi32>
        %parallel_loop3A_416 = arith.addi %parallel_loop3A_413, %parallel_loop3A_415 : vector<16xi32>
        tpu.vector_store_idx %arg7[%parallel_loop3A_416], %broadcast_in_dim3A_40 {add = true} : memref<43008xf32, #tpu.memory_space<vmem>>[vector<16xi32>], vector<16xf32>,
        %parallel_loop3A_417 = arith.mulf %parallel_loop3A_296, %parallel_loop3A_328 : vector<16xf32>
        %parallel_loop3A_418 = arith.constant 0x4B400000 : f32
        %parallel_loop3A_419 = vector.broadcast %parallel_loop3A_418 : f32 to vector<16xf32>
        %parallel_loop3A_420 = arith.addf %parallel_loop3A_417, %parallel_loop3A_419 : vector<16xf32>
        %parallel_loop3A_421 = vector.bitcast %parallel_loop3A_420 : vector<16xf32> to vector<16xi32>
        %parallel_loop3A_422 = arith.constant -1262474240 : i32
        %parallel_loop3A_423 = vector.broadcast %parallel_loop3A_422 : i32 to vector<16xi32>
        %parallel_loop3A_424 = arith.addi %parallel_loop3A_421, %parallel_loop3A_423 : vector<16xi32>
        tpu.vector_store_idx %arg7[%parallel_loop3A_424], %broadcast_in_dim3A_40 {add = true} : memref<43008xf32, #tpu.memory_space<vmem>>[vector<16xi32>], vector<16xf32>,
        %parallel_loop3A_425 = arith.mulf %parallel_loop3A_297, %parallel_loop3A_328 : vector<16xf32>
        %parallel_loop3A_426 = arith.constant 0x4B400000 : f32
        %parallel_loop3A_427 = vector.broadcast %parallel_loop3A_426 : f32 to vector<16xf32>
        %parallel_loop3A_428 = arith.addf %parallel_loop3A_425, %parallel_loop3A_427 : vector<16xf32>
        %parallel_loop3A_429 = vector.bitcast %parallel_loop3A_428 : vector<16xf32> to vector<16xi32>
        %parallel_loop3A_430 = arith.constant -1262473216 : i32
        %parallel_loop3A_431 = vector.broadcast %parallel_loop3A_430 : i32 to vector<16xi32>
        %parallel_loop3A_432 = arith.addi %parallel_loop3A_429, %parallel_loop3A_431 : vector<16xi32>
        tpu.vector_store_idx %arg7[%parallel_loop3A_432], %broadcast_in_dim3A_40 {add = true} : memref<43008xf32, #tpu.memory_space<vmem>>[vector<16xi32>], vector<16xf32>,
        %parallel_loop3A_433 = arith.mulf %parallel_loop3A_298, %parallel_loop3A_328 : vector<16xf32>
        %parallel_loop3A_434 = arith.constant 0x4B400000 : f32
        %parallel_loop3A_435 = vector.broadcast %parallel_loop3A_434 : f32 to vector<16xf32>
        %parallel_loop3A_436 = arith.addf %parallel_loop3A_433, %parallel_loop3A_435 : vector<16xf32>
        %parallel_loop3A_437 = vector.bitcast %parallel_loop3A_436 : vector<16xf32> to vector<16xi32>
        %parallel_loop3A_438 = arith.constant -1262472192 : i32
        %parallel_loop3A_439 = vector.broadcast %parallel_loop3A_438 : i32 to vector<16xi32>
        %parallel_loop3A_440 = arith.addi %parallel_loop3A_437, %parallel_loop3A_439 : vector<16xi32>
        tpu.vector_store_idx %arg7[%parallel_loop3A_440], %broadcast_in_dim3A_40 {add = true} : memref<43008xf32, #tpu.memory_space<vmem>>[vector<16xi32>], vector<16xf32>,
        %parallel_loop3A_441 = arith.mulf %parallel_loop3A_299, %parallel_loop3A_328 : vector<16xf32>
        %parallel_loop3A_442 = arith.constant 0x4B400000 : f32
        %parallel_loop3A_443 = vector.broadcast %parallel_loop3A_442 : f32 to vector<16xf32>
        %parallel_loop3A_444 = arith.addf %parallel_loop3A_441, %parallel_loop3A_443 : vector<16xf32>
        %parallel_loop3A_445 = vector.bitcast %parallel_loop3A_444 : vector<16xf32> to vector<16xi32>
        %parallel_loop3A_446 = arith.constant -1262471168 : i32
        %parallel_loop3A_447 = vector.broadcast %parallel_loop3A_446 : i32 to vector<16xi32>
        %parallel_loop3A_448 = arith.addi %parallel_loop3A_445, %parallel_loop3A_447 : vector<16xi32>
        tpu.vector_store_idx %arg7[%parallel_loop3A_448], %broadcast_in_dim3A_40 {add = true} : memref<43008xf32, #tpu.memory_space<vmem>>[vector<16xi32>], vector<16xf32>,
        %parallel_loop3A_449 = arith.mulf %parallel_loop3A_300, %parallel_loop3A_328 : vector<16xf32>
        %parallel_loop3A_450 = arith.constant 0x4B400000 : f32
        %parallel_loop3A_451 = vector.broadcast %parallel_loop3A_450 : f32 to vector<16xf32>
        %parallel_loop3A_452 = arith.addf %parallel_loop3A_449, %parallel_loop3A_451 : vector<16xf32>
        %parallel_loop3A_453 = vector.bitcast %parallel_loop3A_452 : vector<16xf32> to vector<16xi32>
        %parallel_loop3A_454 = arith.constant -1262470144 : i32
        %parallel_loop3A_455 = vector.broadcast %parallel_loop3A_454 : i32 to vector<16xi32>
        %parallel_loop3A_456 = arith.addi %parallel_loop3A_453, %parallel_loop3A_455 : vector<16xi32>
        tpu.vector_store_idx %arg7[%parallel_loop3A_456], %broadcast_in_dim3A_40 {add = true} : memref<43008xf32, #tpu.memory_space<vmem>>[vector<16xi32>], vector<16xf32>,
        %parallel_loop3A_457 = arith.mulf %parallel_loop3A_301, %parallel_loop3A_328 : vector<16xf32>
        %parallel_loop3A_458 = arith.constant 0x4B400000 : f32
        %parallel_loop3A_459 = vector.broadcast %parallel_loop3A_458 : f32 to vector<16xf32>
        %parallel_loop3A_460 = arith.addf %parallel_loop3A_457, %parallel_loop3A_459 : vector<16xf32>
        %parallel_loop3A_461 = vector.bitcast %parallel_loop3A_460 : vector<16xf32> to vector<16xi32>
        %parallel_loop3A_462 = arith.constant -1262469120 : i32
        %parallel_loop3A_463 = vector.broadcast %parallel_loop3A_462 : i32 to vector<16xi32>
        %parallel_loop3A_464 = arith.addi %parallel_loop3A_461, %parallel_loop3A_463 : vector<16xi32>
        tpu.vector_store_idx %arg7[%parallel_loop3A_464], %broadcast_in_dim3A_40 {add = true} : memref<43008xf32, #tpu.memory_space<vmem>>[vector<16xi32>], vector<16xf32>,
        %parallel_loop3A_465 = arith.mulf %parallel_loop3A_302, %parallel_loop3A_328 : vector<16xf32>
        %parallel_loop3A_466 = arith.constant 0x4B400000 : f32
        %parallel_loop3A_467 = vector.broadcast %parallel_loop3A_466 : f32 to vector<16xf32>
        %parallel_loop3A_468 = arith.addf %parallel_loop3A_465, %parallel_loop3A_467 : vector<16xf32>
        %parallel_loop3A_469 = vector.bitcast %parallel_loop3A_468 : vector<16xf32> to vector<16xi32>
        %parallel_loop3A_470 = arith.constant -1262468096 : i32
        %parallel_loop3A_471 = vector.broadcast %parallel_loop3A_470 : i32 to vector<16xi32>
        %parallel_loop3A_472 = arith.addi %parallel_loop3A_469, %parallel_loop3A_471 : vector<16xi32>
        tpu.vector_store_idx %arg7[%parallel_loop3A_472], %broadcast_in_dim3A_40 {add = true} : memref<43008xf32, #tpu.memory_space<vmem>>[vector<16xi32>], vector<16xf32>,
        %parallel_loop3A_473 = arith.mulf %parallel_loop3A_303, %parallel_loop3A_328 : vector<16xf32>
        %parallel_loop3A_474 = arith.constant 0x4B400000 : f32
        %parallel_loop3A_475 = vector.broadcast %parallel_loop3A_474 : f32 to vector<16xf32>
        %parallel_loop3A_476 = arith.addf %parallel_loop3A_473, %parallel_loop3A_475 : vector<16xf32>
        %parallel_loop3A_477 = vector.bitcast %parallel_loop3A_476 : vector<16xf32> to vector<16xi32>
        %parallel_loop3A_478 = arith.constant -1262467072 : i32
        %parallel_loop3A_479 = vector.broadcast %parallel_loop3A_478 : i32 to vector<16xi32>
        %parallel_loop3A_480 = arith.addi %parallel_loop3A_477, %parallel_loop3A_479 : vector<16xi32>
        tpu.vector_store_idx %arg7[%parallel_loop3A_480], %broadcast_in_dim3A_40 {add = true} : memref<43008xf32, #tpu.memory_space<vmem>>[vector<16xi32>], vector<16xf32>,
        %parallel_loop3A_481 = arith.mulf %parallel_loop3A_304, %parallel_loop3A_328 : vector<16xf32>
        %parallel_loop3A_482 = arith.constant 0x4B400000 : f32
        %parallel_loop3A_483 = vector.broadcast %parallel_loop3A_482 : f32 to vector<16xf32>
        %parallel_loop3A_484 = arith.addf %parallel_loop3A_481, %parallel_loop3A_483 : vector<16xf32>
        %parallel_loop3A_485 = vector.bitcast %parallel_loop3A_484 : vector<16xf32> to vector<16xi32>
        %parallel_loop3A_486 = arith.constant -1262466048 : i32
        %parallel_loop3A_487 = vector.broadcast %parallel_loop3A_486 : i32 to vector<16xi32>
        %parallel_loop3A_488 = arith.addi %parallel_loop3A_485, %parallel_loop3A_487 : vector<16xi32>
        tpu.vector_store_idx %arg7[%parallel_loop3A_488], %broadcast_in_dim3A_40 {add = true} : memref<43008xf32, #tpu.memory_space<vmem>>[vector<16xi32>], vector<16xf32>,
        %parallel_loop3A_489 = arith.mulf %parallel_loop3A_305, %parallel_loop3A_328 : vector<16xf32>
        %parallel_loop3A_490 = arith.constant 0x4B400000 : f32
        %parallel_loop3A_491 = vector.broadcast %parallel_loop3A_490 : f32 to vector<16xf32>
        %parallel_loop3A_492 = arith.addf %parallel_loop3A_489, %parallel_loop3A_491 : vector<16xf32>
        %parallel_loop3A_493 = vector.bitcast %parallel_loop3A_492 : vector<16xf32> to vector<16xi32>
        %parallel_loop3A_494 = arith.constant -1262465024 : i32
        %parallel_loop3A_495 = vector.broadcast %parallel_loop3A_494 : i32 to vector<16xi32>
        %parallel_loop3A_496 = arith.addi %parallel_loop3A_493, %parallel_loop3A_495 : vector<16xi32>
        tpu.vector_store_idx %arg7[%parallel_loop3A_496], %broadcast_in_dim3A_40 {add = true} : memref<43008xf32, #tpu.memory_space<vmem>>[vector<16xi32>], vector<16xf32>,
        %parallel_loop3A_497 = tpu.iota {dimensions = array<i32: 0>} : vector<16xi32>
        %parallel_loop3A_498 = arith.constant 16 : i32
        %parallel_loop3A_499 = arith.muli %parallel_loop3A_152, %parallel_loop3A_498 : i32
        %parallel_loop3A_500 = vector.broadcast %parallel_loop3A_499 : i32 to vector<16xi32>
        %parallel_loop3A_501 = arith.addi %parallel_loop3A_497, %parallel_loop3A_500 : vector<16xi32>
        %parallel_loop3A_502 = arith.constant 0 : i32
        %parallel_loop3A_503 = vector.broadcast %parallel_loop3A_502 : i32 to vector<16xi32>
        %parallel_loop3A_504 = tpu.vector_load_idx %arg5[%parallel_loop3A_503, %parallel_loop3A_158, %parallel_loop3A_501] : memref<2x21x1024xf32, #tpu.memory_space<vmem>>[vector<16xi32>, vector<16xi32>, vector<16xi32>], vector<16xf32>,
        %parallel_loop3A_505 = math.exp %parallel_loop3A_504 : vector<16xf32>
        %parallel_loop3A_506 = arith.mulf %parallel_loop3A_505, %parallel_loop3A_328 : vector<16xf32>
        %parallel_loop3A_507 = arith.constant 0x4B400000 : f32
        %parallel_loop3A_508 = vector.broadcast %parallel_loop3A_507 : f32 to vector<16xf32>
        %parallel_loop3A_509 = arith.addf %parallel_loop3A_506, %parallel_loop3A_508 : vector<16xf32>
        %parallel_loop3A_510 = vector.bitcast %parallel_loop3A_509 : vector<16xf32> to vector<16xi32>
        %parallel_loop3A_511 = arith.constant 1262485504 : i32
        %parallel_loop3A_512 = vector.broadcast %parallel_loop3A_511 : i32 to vector<16xi32>
        %parallel_loop3A_513 = arith.subi %parallel_loop3A_510, %parallel_loop3A_512 : vector<16xi32>
        %parallel_loop3A_514 = arith.constant 1023 : i32
        %parallel_loop3A_515 = vector.broadcast %parallel_loop3A_514 : i32 to vector<16xi32>
        %parallel_loop3A_516 = arith.minsi %parallel_loop3A_513, %parallel_loop3A_515 : vector<16xi32>
        %parallel_loop3A_517 = arith.constant 1.024000e+03 : f32
        %parallel_loop3A_518 = vector.broadcast %parallel_loop3A_517 : f32 to vector<16xf32>
        %parallel_loop3A_519 = arith.subf %parallel_loop3A_518, %parallel_loop3A_506 : vector<16xf32>
        %parallel_loop3A_520 = arith.constant 0x4B400000 : f32
        %parallel_loop3A_521 = vector.broadcast %parallel_loop3A_520 : f32 to vector<16xf32>
        %parallel_loop3A_522 = arith.addf %parallel_loop3A_519, %parallel_loop3A_521 : vector<16xf32>
        %parallel_loop3A_523 = vector.bitcast %parallel_loop3A_522 : vector<16xf32> to vector<16xi32>
        %parallel_loop3A_524 = arith.constant 1262485504 : i32
        %parallel_loop3A_525 = vector.broadcast %parallel_loop3A_524 : i32 to vector<16xi32>
        %parallel_loop3A_526 = arith.subi %parallel_loop3A_523, %parallel_loop3A_525 : vector<16xi32>
        %parallel_loop3A_527 = arith.constant 1023 : i32
        %parallel_loop3A_528 = vector.broadcast %parallel_loop3A_527 : i32 to vector<16xi32>
        %parallel_loop3A_529 = arith.minsi %parallel_loop3A_526, %parallel_loop3A_528 : vector<16xi32>
        %parallel_loop3A_530 = arith.constant 1024 : i32
        %parallel_loop3A_531 = vector.broadcast %parallel_loop3A_530 : i32 to vector<16xi32>
        %parallel_loop3A_532 = arith.muli %parallel_loop3A_158, %parallel_loop3A_531 : vector<16xi32>
        %parallel_loop3A_533 = arith.addi %parallel_loop3A_532, %parallel_loop3A_516 : vector<16xi32>
        tpu.vector_store_idx %arg7[%parallel_loop3A_533], %broadcast_in_dim3A_42 {add = true} : memref<43008xf32, #tpu.memory_space<vmem>>[vector<16xi32>], vector<16xf32>,
        %parallel_loop3A_534 = arith.addi %parallel_loop3A_532, %parallel_loop3A_529 : vector<16xi32>
        tpu.vector_store_idx %arg7[%parallel_loop3A_534], %broadcast_in_dim3A_40 {add = true} : memref<43008xf32, #tpu.memory_space<vmem>>[vector<16xi32>], vector<16xf32>,
        %parallel_loop3A_535 = arith.addi %parallel_loop3A_532, %parallel_loop3A_529 : vector<16xi32>
        %parallel_loop3A_536 = arith.constant 21504 : i32
        %parallel_loop3A_537 = vector.broadcast %parallel_loop3A_536 : i32 to vector<16xi32>
        %parallel_loop3A_538 = arith.addi %parallel_loop3A_535, %parallel_loop3A_537 : vector<16xi32>
        tpu.vector_store_idx %arg7[%parallel_loop3A_538], %broadcast_in_dim3A_40 {add = true} : memref<43008xf32, #tpu.memory_space<vmem>>[vector<16xi32>], vector<16xf32>,
      } {sc.loop_unroll_factor = 12 : i64, sc.parallel_access}
      %mul3A_111 = arith.constant 2 : i32
      %mul3A_112 = arith.muli %scan3A_73, %mul3A_111 : i32
      %add3A_113 = arith.constant 1 : i32
      %add3A_114 = arith.addi %mul3A_112, %add3A_113 : i32
      %add3A_115 = arith.constant 1 : i32
      %add3A_116 = arith.addi %add3A_114, %add3A_115 : i32
      %lt3A_117 = arith.constant 64 : i32
      %lt3A_118 = arith.cmpi slt, %add3A_116, %lt3A_117 : i32
      %convert_element_type3A_119 = arith.extui %lt3A_118 : i1 to i32
      %cond3A_120 = arith.constant 0 : i32
      %cond3A_121 = arith.cmpi ne, %convert_element_type3A_119, %cond3A_120 : i32
      scf.if %cond3A_121 {
        %add3A_152 = arith.constant 1 : i32
        %add3A_153 = arith.addi %add3A_114, %add3A_152 : i32
        %mul3A_154 = arith.constant 1024 : i32
        %mul3A_155 = arith.muli %add3A_153, %mul3A_154 : i32
        %add3A_156 = arith.addi %mul3A_32, %mul3A_155 : i32
        %dma_start3A_157 = arith.constant 0 : i32
        %dma_start3A_158 = arith.constant 0 : i32
        %dma_start3A_159 = arith.constant 0 : i32
        %dma_start3A_160 = tpu.memref_slice %arg5[%dma_start3A_157, %dma_start3A_158, %dma_start3A_159] : memref<2x21x1024xf32, #tpu.memory_space<vmem>> -> memref<1x21x1024xf32, #tpu.memory_space<vmem>>
        %dma_start3A_161 = tpu.memref_squeeze %dma_start3A_160 : memref<1x21x1024xf32, #tpu.memory_space<vmem>> -> memref<21x1024xf32, #tpu.memory_space<vmem>>
        %dma_start3A_162 = arith.constant 0 : i32
        %dma_start3A_163 = tpu.memref_slice %arg2[%select_n3A, %dma_start3A_162, %add3A_156] : memref<8x21x262144xf32, #tpu.memory_space<hbm>> -> memref<1x21x1024xf32, #tpu.memory_space<hbm>>
        %dma_start3A_164 = tpu.memref_squeeze %dma_start3A_163 : memref<1x21x1024xf32, #tpu.memory_space<hbm>> -> memref<21x1024xf32, #tpu.memory_space<hbm>>
        %dma_start3A_165 = arith.constant 0 : i32
        %dma_start3A_166 = arith.constant 0 : i32
        %dma_start3A_167 = tpu.memref_slice %arg5[%dma_start3A_157, %dma_start3A_165, %dma_start3A_166] : memref<2x21x1024xf32, #tpu.memory_space<vmem>> -> memref<1x21x1024xf32, #tpu.memory_space<vmem>>
        %dma_start3A_168 = tpu.memref_squeeze %dma_start3A_167 : memref<1x21x1024xf32, #tpu.memory_space<vmem>> -> memref<21x1024xf32, #tpu.memory_space<vmem>>
        %dma_start3A_169 = arith.constant 0 : i32
        %dma_start3A_170 = tpu.memref_slice %arg2[%select_n3A, %dma_start3A_169, %add3A_156] : memref<8x21x262144xf32, #tpu.memory_space<hbm>> -> memref<1x21x1024xf32, #tpu.memory_space<hbm>>
        %dma_start3A_171 = tpu.memref_squeeze %dma_start3A_170 : memref<1x21x1024xf32, #tpu.memory_space<hbm>> -> memref<21x1024xf32, #tpu.memory_space<hbm>>
        tpu.enqueue_dma source(%dma_start3A_171 : memref<21x1024xf32, #tpu.memory_space<hbm>>) target(%dma_start3A_168 : memref<21x1024xf32, #tpu.memory_space<vmem>>) target_semaphore(%arg8 : memref<!tpu.dma_semaphore, #tpu.memory_space<semaphore_mem>>)
        %dma_start3A_172 = arith.constant 0 : i32
        %dma_start3A_173 = arith.constant 0 : i32
        %dma_start3A_174 = tpu.memref_slice %arg6[%dma_start3A_172, %dma_start3A_173] : memref<2x1024xi32, #tpu.memory_space<vmem>> -> memref<1x1024xi32, #tpu.memory_space<vmem>>
        %dma_start3A_175 = tpu.memref_slice %arg3[%select_n3A, %add3A_156] : memref<8x262144xi32, #tpu.memory_space<hbm>> -> memref<1x1024xi32, #tpu.memory_space<hbm>>
        %dma_start3A_176 = arith.constant 0 : i32
        %dma_start3A_177 = arith.constant 0 : i32
        %dma_start3A_178 = tpu.memref_slice %arg6[%dma_start3A_176, %dma_start3A_177] : memref<2x1024xi32, #tpu.memory_space<vmem>> -> memref<1x1024xi32, #tpu.memory_space<vmem>>
        %dma_start3A_179 = tpu.memref_slice %arg3[%select_n3A, %add3A_156] : memref<8x262144xi32, #tpu.memory_space<hbm>> -> memref<1x1024xi32, #tpu.memory_space<hbm>>
        tpu.enqueue_dma source(%dma_start3A_179 : memref<1x1024xi32, #tpu.memory_space<hbm>>) target(%dma_start3A_178 : memref<1x1024xi32, #tpu.memory_space<vmem>>) target_semaphore(%arg8 : memref<!tpu.dma_semaphore, #tpu.memory_space<semaphore_mem>>)
      } else {
      }
      %dma_wait3A_122 = arith.constant 1 : i32
      %dma_wait3A_123 = arith.constant 0 : i32
      %dma_wait3A_124 = arith.constant 0 : i32
      %dma_wait3A_125 = tpu.memref_slice %arg5[%dma_wait3A_122, %dma_wait3A_123, %dma_wait3A_124] : memref<2x21x1024xf32, #tpu.memory_space<vmem>> -> memref<1x21x1024xf32, #tpu.memory_space<vmem>>
      %dma_wait3A_126 = tpu.memref_squeeze %dma_wait3A_125 : memref<1x21x1024xf32, #tpu.memory_space<vmem>> -> memref<21x1024xf32, #tpu.memory_space<vmem>>
      %dma_wait3A_127 = arith.constant 0 : i32
      %dma_wait3A_128 = arith.constant 0 : i32
      %dma_wait3A_129 = tpu.memref_slice %arg2[%select_n3A, %dma_wait3A_127, %dma_wait3A_128] : memref<8x21x262144xf32, #tpu.memory_space<hbm>> -> memref<1x21x1024xf32, #tpu.memory_space<hbm>>
      %dma_wait3A_130 = tpu.memref_squeeze %dma_wait3A_129 : memref<1x21x1024xf32, #tpu.memory_space<hbm>> -> memref<21x1024xf32, #tpu.memory_space<hbm>>
      %dma_wait3A_131 = arith.constant 0 : i32
      %dma_wait3A_132 = arith.constant 0 : i32
      %dma_wait3A_133 = tpu.memref_slice %arg5[%dma_wait3A_122, %dma_wait3A_131, %dma_wait3A_132] : memref<2x21x1024xf32, #tpu.memory_space<vmem>> -> memref<1x21x1024xf32, #tpu.memory_space<vmem>>
      %dma_wait3A_134 = tpu.memref_squeeze %dma_wait3A_133 : memref<1x21x1024xf32, #tpu.memory_space<vmem>> -> memref<21x1024xf32, #tpu.memory_space<vmem>>
      %dma_wait3A_135 = arith.constant 0 : i32
      %dma_wait3A_136 = arith.constant 0 : i32
      %dma_wait3A_137 = tpu.memref_slice %arg2[%select_n3A, %dma_wait3A_135, %dma_wait3A_136] : memref<8x21x262144xf32, #tpu.memory_space<hbm>> -> memref<1x21x1024xf32, #tpu.memory_space<hbm>>
      %dma_wait3A_138 = tpu.memref_squeeze %dma_wait3A_137 : memref<1x21x1024xf32, #tpu.memory_space<hbm>> -> memref<21x1024xf32, #tpu.memory_space<hbm>>
      tpu.wait_dma2 semaphore(%arg9 : memref<!tpu.dma_semaphore, #tpu.memory_space<semaphore_mem>>) src(%dma_wait3A_138 : memref<21x1024xf32, #tpu.memory_space<hbm>>) dst(%dma_wait3A_134 : memref<21x1024xf32, #tpu.memory_space<vmem>>)
      %dma_wait3A_139 = arith.constant 1 : i32
      %dma_wait3A_140 = arith.constant 0 : i32
      %dma_wait3A_141 = tpu.memref_slice %arg6[%dma_wait3A_139, %dma_wait3A_140] : memref<2x1024xi32, #tpu.memory_space<vmem>> -> memref<1x1024xi32, #tpu.memory_space<vmem>>
      %dma_wait3A_142 = arith.constant 0 : i32
      %dma_wait3A_143 = tpu.memref_slice %arg3[%select_n3A, %dma_wait3A_142] : memref<8x262144xi32, #tpu.memory_space<hbm>> -> memref<1x1024xi32, #tpu.memory_space<hbm>>
      %dma_wait3A_144 = arith.constant 1 : i32
      %dma_wait3A_145 = arith.constant 0 : i32
      %dma_wait3A_146 = tpu.memref_slice %arg6[%dma_wait3A_144, %dma_wait3A_145] : memref<2x1024xi32, #tpu.memory_space<vmem>> -> memref<1x1024xi32, #tpu.memory_space<vmem>>
      %dma_wait3A_147 = arith.constant 0 : i32
      %dma_wait3A_148 = tpu.memref_slice %arg3[%select_n3A, %dma_wait3A_147] : memref<8x262144xi32, #tpu.memory_space<hbm>> -> memref<1x1024xi32, #tpu.memory_space<hbm>>
      tpu.wait_dma2 semaphore(%arg9 : memref<!tpu.dma_semaphore, #tpu.memory_space<semaphore_mem>>) src(%dma_wait3A_148 : memref<1x1024xi32, #tpu.memory_space<hbm>>) dst(%dma_wait3A_146 : memref<1x1024xi32, #tpu.memory_space<vmem>>)
      %parallel_loop3A_149 = arith.constant 0 : i32
      %parallel_loop3A_150 = arith.constant 64 : i32
      %parallel_loop3A_151 = arith.constant 1 : i32
      scf.for %parallel_loop3A_152 = %parallel_loop3A_149 to %parallel_loop3A_150 step %parallel_loop3A_151  : i32 {
        %parallel_loop3A_153 = arith.constant 16 : i32
        %parallel_loop3A_154 = arith.muli %parallel_loop3A_152, %parallel_loop3A_153 : i32
        %parallel_loop3A_155 = arith.constant 1 : i32
        %parallel_loop3A_156 = arith.index_cast %parallel_loop3A_155 : i32 to index
        %parallel_loop3A_157 = arith.index_cast %parallel_loop3A_154 : i32 to index
        %parallel_loop3A_158 = tpu.vector_load %arg6[%parallel_loop3A_156, %parallel_loop3A_157] {strides = array<i32>} : memref<2x1024xi32, #tpu.memory_space<vmem>>, vector<16xi32>,
        %parallel_loop3A_159 = arith.constant 1 : i32
        %parallel_loop3A_160 = arith.constant 0 : i32
        %parallel_loop3A_161 = arith.index_cast %parallel_loop3A_159 : i32 to index
        %parallel_loop3A_162 = arith.index_cast %parallel_loop3A_160 : i32 to index
        %parallel_loop3A_163 = arith.index_cast %parallel_loop3A_154 : i32 to index
        %parallel_loop3A_164 = tpu.vector_load %arg5[%parallel_loop3A_161, %parallel_loop3A_162, %parallel_loop3A_163] {strides = array<i32>} : memref<2x21x1024xf32, #tpu.memory_space<vmem>>, vector<16xf32>,
        %parallel_loop3A_165 = arith.constant 1 : i32
        %parallel_loop3A_166 = arith.constant 1 : i32
        %parallel_loop3A_167 = arith.index_cast %parallel_loop3A_165 : i32 to index
        %parallel_loop3A_168 = arith.index_cast %parallel_loop3A_166 : i32 to index
        %parallel_loop3A_169 = arith.index_cast %parallel_loop3A_154 : i32 to index
        %parallel_loop3A_170 = tpu.vector_load %arg5[%parallel_loop3A_167, %parallel_loop3A_168, %parallel_loop3A_169] {strides = array<i32>} : memref<2x21x1024xf32, #tpu.memory_space<vmem>>, vector<16xf32>,
        %parallel_loop3A_171 = arith.constant 1 : i32
        %parallel_loop3A_172 = arith.constant 2 : i32
        %parallel_loop3A_173 = arith.index_cast %parallel_loop3A_171 : i32 to index
        %parallel_loop3A_174 = arith.index_cast %parallel_loop3A_172 : i32 to index
        %parallel_loop3A_175 = arith.index_cast %parallel_loop3A_154 : i32 to index
        %parallel_loop3A_176 = tpu.vector_load %arg5[%parallel_loop3A_173, %parallel_loop3A_174, %parallel_loop3A_175] {strides = array<i32>} : memref<2x21x1024xf32, #tpu.memory_space<vmem>>, vector<16xf32>,
        %parallel_loop3A_177 = arith.constant 1 : i32
        %parallel_loop3A_178 = arith.constant 3 : i32
        %parallel_loop3A_179 = arith.index_cast %parallel_loop3A_177 : i32 to index
        %parallel_loop3A_180 = arith.index_cast %parallel_loop3A_178 : i32 to index
        %parallel_loop3A_181 = arith.index_cast %parallel_loop3A_154 : i32 to index
        %parallel_loop3A_182 = tpu.vector_load %arg5[%parallel_loop3A_179, %parallel_loop3A_180, %parallel_loop3A_181] {strides = array<i32>} : memref<2x21x1024xf32, #tpu.memory_space<vmem>>, vector<16xf32>,
        %parallel_loop3A_183 = arith.constant 1 : i32
        %parallel_loop3A_184 = arith.constant 4 : i32
        %parallel_loop3A_185 = arith.index_cast %parallel_loop3A_183 : i32 to index
        %parallel_loop3A_186 = arith.index_cast %parallel_loop3A_184 : i32 to index
        %parallel_loop3A_187 = arith.index_cast %parallel_loop3A_154 : i32 to index
        %parallel_loop3A_188 = tpu.vector_load %arg5[%parallel_loop3A_185, %parallel_loop3A_186, %parallel_loop3A_187] {strides = array<i32>} : memref<2x21x1024xf32, #tpu.memory_space<vmem>>, vector<16xf32>,
        %parallel_loop3A_189 = arith.constant 1 : i32
        %parallel_loop3A_190 = arith.constant 5 : i32
        %parallel_loop3A_191 = arith.index_cast %parallel_loop3A_189 : i32 to index
        %parallel_loop3A_192 = arith.index_cast %parallel_loop3A_190 : i32 to index
        %parallel_loop3A_193 = arith.index_cast %parallel_loop3A_154 : i32 to index
        %parallel_loop3A_194 = tpu.vector_load %arg5[%parallel_loop3A_191, %parallel_loop3A_192, %parallel_loop3A_193] {strides = array<i32>} : memref<2x21x1024xf32, #tpu.memory_space<vmem>>, vector<16xf32>,
        %parallel_loop3A_195 = arith.constant 1 : i32
        %parallel_loop3A_196 = arith.constant 6 : i32
        %parallel_loop3A_197 = arith.index_cast %parallel_loop3A_195 : i32 to index
        %parallel_loop3A_198 = arith.index_cast %parallel_loop3A_196 : i32 to index
        %parallel_loop3A_199 = arith.index_cast %parallel_loop3A_154 : i32 to index
        %parallel_loop3A_200 = tpu.vector_load %arg5[%parallel_loop3A_197, %parallel_loop3A_198, %parallel_loop3A_199] {strides = array<i32>} : memref<2x21x1024xf32, #tpu.memory_space<vmem>>, vector<16xf32>,
        %parallel_loop3A_201 = arith.constant 1 : i32
        %parallel_loop3A_202 = arith.constant 7 : i32
        %parallel_loop3A_203 = arith.index_cast %parallel_loop3A_201 : i32 to index
        %parallel_loop3A_204 = arith.index_cast %parallel_loop3A_202 : i32 to index
        %parallel_loop3A_205 = arith.index_cast %parallel_loop3A_154 : i32 to index
        %parallel_loop3A_206 = tpu.vector_load %arg5[%parallel_loop3A_203, %parallel_loop3A_204, %parallel_loop3A_205] {strides = array<i32>} : memref<2x21x1024xf32, #tpu.memory_space<vmem>>, vector<16xf32>,
        %parallel_loop3A_207 = arith.constant 1 : i32
        %parallel_loop3A_208 = arith.constant 8 : i32
        %parallel_loop3A_209 = arith.index_cast %parallel_loop3A_207 : i32 to index
        %parallel_loop3A_210 = arith.index_cast %parallel_loop3A_208 : i32 to index
        %parallel_loop3A_211 = arith.index_cast %parallel_loop3A_154 : i32 to index
        %parallel_loop3A_212 = tpu.vector_load %arg5[%parallel_loop3A_209, %parallel_loop3A_210, %parallel_loop3A_211] {strides = array<i32>} : memref<2x21x1024xf32, #tpu.memory_space<vmem>>, vector<16xf32>,
        %parallel_loop3A_213 = arith.constant 1 : i32
        %parallel_loop3A_214 = arith.constant 9 : i32
        %parallel_loop3A_215 = arith.index_cast %parallel_loop3A_213 : i32 to index
        %parallel_loop3A_216 = arith.index_cast %parallel_loop3A_214 : i32 to index
        %parallel_loop3A_217 = arith.index_cast %parallel_loop3A_154 : i32 to index
        %parallel_loop3A_218 = tpu.vector_load %arg5[%parallel_loop3A_215, %parallel_loop3A_216, %parallel_loop3A_217] {strides = array<i32>} : memref<2x21x1024xf32, #tpu.memory_space<vmem>>, vector<16xf32>,
        %parallel_loop3A_219 = arith.constant 1 : i32
        %parallel_loop3A_220 = arith.constant 10 : i32
        %parallel_loop3A_221 = arith.index_cast %parallel_loop3A_219 : i32 to index
        %parallel_loop3A_222 = arith.index_cast %parallel_loop3A_220 : i32 to index
        %parallel_loop3A_223 = arith.index_cast %parallel_loop3A_154 : i32 to index
        %parallel_loop3A_224 = tpu.vector_load %arg5[%parallel_loop3A_221, %parallel_loop3A_222, %parallel_loop3A_223] {strides = array<i32>} : memref<2x21x1024xf32, #tpu.memory_space<vmem>>, vector<16xf32>,
        %parallel_loop3A_225 = arith.constant 1 : i32
        %parallel_loop3A_226 = arith.constant 11 : i32
        %parallel_loop3A_227 = arith.index_cast %parallel_loop3A_225 : i32 to index
        %parallel_loop3A_228 = arith.index_cast %parallel_loop3A_226 : i32 to index
        %parallel_loop3A_229 = arith.index_cast %parallel_loop3A_154 : i32 to index
        %parallel_loop3A_230 = tpu.vector_load %arg5[%parallel_loop3A_227, %parallel_loop3A_228, %parallel_loop3A_229] {strides = array<i32>} : memref<2x21x1024xf32, #tpu.memory_space<vmem>>, vector<16xf32>,
        %parallel_loop3A_231 = arith.constant 1 : i32
        %parallel_loop3A_232 = arith.constant 12 : i32
        %parallel_loop3A_233 = arith.index_cast %parallel_loop3A_231 : i32 to index
        %parallel_loop3A_234 = arith.index_cast %parallel_loop3A_232 : i32 to index
        %parallel_loop3A_235 = arith.index_cast %parallel_loop3A_154 : i32 to index
        %parallel_loop3A_236 = tpu.vector_load %arg5[%parallel_loop3A_233, %parallel_loop3A_234, %parallel_loop3A_235] {strides = array<i32>} : memref<2x21x1024xf32, #tpu.memory_space<vmem>>, vector<16xf32>,
        %parallel_loop3A_237 = arith.constant 1 : i32
        %parallel_loop3A_238 = arith.constant 13 : i32
        %parallel_loop3A_239 = arith.index_cast %parallel_loop3A_237 : i32 to index
        %parallel_loop3A_240 = arith.index_cast %parallel_loop3A_238 : i32 to index
        %parallel_loop3A_241 = arith.index_cast %parallel_loop3A_154 : i32 to index
        %parallel_loop3A_242 = tpu.vector_load %arg5[%parallel_loop3A_239, %parallel_loop3A_240, %parallel_loop3A_241] {strides = array<i32>} : memref<2x21x1024xf32, #tpu.memory_space<vmem>>, vector<16xf32>,
        %parallel_loop3A_243 = arith.constant 1 : i32
        %parallel_loop3A_244 = arith.constant 14 : i32
        %parallel_loop3A_245 = arith.index_cast %parallel_loop3A_243 : i32 to index
        %parallel_loop3A_246 = arith.index_cast %parallel_loop3A_244 : i32 to index
        %parallel_loop3A_247 = arith.index_cast %parallel_loop3A_154 : i32 to index
        %parallel_loop3A_248 = tpu.vector_load %arg5[%parallel_loop3A_245, %parallel_loop3A_246, %parallel_loop3A_247] {strides = array<i32>} : memref<2x21x1024xf32, #tpu.memory_space<vmem>>, vector<16xf32>,
        %parallel_loop3A_249 = arith.constant 1 : i32
        %parallel_loop3A_250 = arith.constant 15 : i32
        %parallel_loop3A_251 = arith.index_cast %parallel_loop3A_249 : i32 to index
        %parallel_loop3A_252 = arith.index_cast %parallel_loop3A_250 : i32 to index
        %parallel_loop3A_253 = arith.index_cast %parallel_loop3A_154 : i32 to index
        %parallel_loop3A_254 = tpu.vector_load %arg5[%parallel_loop3A_251, %parallel_loop3A_252, %parallel_loop3A_253] {strides = array<i32>} : memref<2x21x1024xf32, #tpu.memory_space<vmem>>, vector<16xf32>,
        %parallel_loop3A_255 = arith.constant 1 : i32
        %parallel_loop3A_256 = arith.constant 16 : i32
        %parallel_loop3A_257 = arith.index_cast %parallel_loop3A_255 : i32 to index
        %parallel_loop3A_258 = arith.index_cast %parallel_loop3A_256 : i32 to index
        %parallel_loop3A_259 = arith.index_cast %parallel_loop3A_154 : i32 to index
        %parallel_loop3A_260 = tpu.vector_load %arg5[%parallel_loop3A_257, %parallel_loop3A_258, %parallel_loop3A_259] {strides = array<i32>} : memref<2x21x1024xf32, #tpu.memory_space<vmem>>, vector<16xf32>,
        %parallel_loop3A_261 = arith.constant 1 : i32
        %parallel_loop3A_262 = arith.constant 17 : i32
        %parallel_loop3A_263 = arith.index_cast %parallel_loop3A_261 : i32 to index
        %parallel_loop3A_264 = arith.index_cast %parallel_loop3A_262 : i32 to index
        %parallel_loop3A_265 = arith.index_cast %parallel_loop3A_154 : i32 to index
        %parallel_loop3A_266 = tpu.vector_load %arg5[%parallel_loop3A_263, %parallel_loop3A_264, %parallel_loop3A_265] {strides = array<i32>} : memref<2x21x1024xf32, #tpu.memory_space<vmem>>, vector<16xf32>,
        %parallel_loop3A_267 = arith.constant 1 : i32
        %parallel_loop3A_268 = arith.constant 18 : i32
        %parallel_loop3A_269 = arith.index_cast %parallel_loop3A_267 : i32 to index
        %parallel_loop3A_270 = arith.index_cast %parallel_loop3A_268 : i32 to index
        %parallel_loop3A_271 = arith.index_cast %parallel_loop3A_154 : i32 to index
        %parallel_loop3A_272 = tpu.vector_load %arg5[%parallel_loop3A_269, %parallel_loop3A_270, %parallel_loop3A_271] {strides = array<i32>} : memref<2x21x1024xf32, #tpu.memory_space<vmem>>, vector<16xf32>,
        %parallel_loop3A_273 = arith.constant 1 : i32
        %parallel_loop3A_274 = arith.constant 19 : i32
        %parallel_loop3A_275 = arith.index_cast %parallel_loop3A_273 : i32 to index
        %parallel_loop3A_276 = arith.index_cast %parallel_loop3A_274 : i32 to index
        %parallel_loop3A_277 = arith.index_cast %parallel_loop3A_154 : i32 to index
        %parallel_loop3A_278 = tpu.vector_load %arg5[%parallel_loop3A_275, %parallel_loop3A_276, %parallel_loop3A_277] {strides = array<i32>} : memref<2x21x1024xf32, #tpu.memory_space<vmem>>, vector<16xf32>,
        %parallel_loop3A_279 = arith.constant 1 : i32
        %parallel_loop3A_280 = arith.constant 20 : i32
        %parallel_loop3A_281 = arith.index_cast %parallel_loop3A_279 : i32 to index
        %parallel_loop3A_282 = arith.index_cast %parallel_loop3A_280 : i32 to index
        %parallel_loop3A_283 = arith.index_cast %parallel_loop3A_154 : i32 to index
        %parallel_loop3A_284 = tpu.vector_load %arg5[%parallel_loop3A_281, %parallel_loop3A_282, %parallel_loop3A_283] {strides = array<i32>} : memref<2x21x1024xf32, #tpu.memory_space<vmem>>, vector<16xf32>,
        %parallel_loop3A_285 = math.exp %parallel_loop3A_164 : vector<16xf32>
        %parallel_loop3A_286 = math.exp %parallel_loop3A_170 : vector<16xf32>
        %parallel_loop3A_287 = math.exp %parallel_loop3A_176 : vector<16xf32>
        %parallel_loop3A_288 = math.exp %parallel_loop3A_182 : vector<16xf32>
        %parallel_loop3A_289 = math.exp %parallel_loop3A_188 : vector<16xf32>
        %parallel_loop3A_290 = math.exp %parallel_loop3A_194 : vector<16xf32>
        %parallel_loop3A_291 = math.exp %parallel_loop3A_200 : vector<16xf32>
        %parallel_loop3A_292 = math.exp %parallel_loop3A_206 : vector<16xf32>
        %parallel_loop3A_293 = math.exp %parallel_loop3A_212 : vector<16xf32>
        %parallel_loop3A_294 = math.exp %parallel_loop3A_218 : vector<16xf32>
        %parallel_loop3A_295 = math.exp %parallel_loop3A_224 : vector<16xf32>
        %parallel_loop3A_296 = math.exp %parallel_loop3A_230 : vector<16xf32>
        %parallel_loop3A_297 = math.exp %parallel_loop3A_236 : vector<16xf32>
        %parallel_loop3A_298 = math.exp %parallel_loop3A_242 : vector<16xf32>
        %parallel_loop3A_299 = math.exp %parallel_loop3A_248 : vector<16xf32>
        %parallel_loop3A_300 = math.exp %parallel_loop3A_254 : vector<16xf32>
        %parallel_loop3A_301 = math.exp %parallel_loop3A_260 : vector<16xf32>
        %parallel_loop3A_302 = math.exp %parallel_loop3A_266 : vector<16xf32>
        %parallel_loop3A_303 = math.exp %parallel_loop3A_272 : vector<16xf32>
        %parallel_loop3A_304 = math.exp %parallel_loop3A_278 : vector<16xf32>
        %parallel_loop3A_305 = math.exp %parallel_loop3A_284 : vector<16xf32>
        %parallel_loop3A_306 = arith.addf %parallel_loop3A_285, %parallel_loop3A_286 : vector<16xf32>
        %parallel_loop3A_307 = arith.addf %parallel_loop3A_287, %parallel_loop3A_288 : vector<16xf32>
        %parallel_loop3A_308 = arith.addf %parallel_loop3A_289, %parallel_loop3A_290 : vector<16xf32>
        %parallel_loop3A_309 = arith.addf %parallel_loop3A_291, %parallel_loop3A_292 : vector<16xf32>
        %parallel_loop3A_310 = arith.addf %parallel_loop3A_293, %parallel_loop3A_294 : vector<16xf32>
        %parallel_loop3A_311 = arith.addf %parallel_loop3A_295, %parallel_loop3A_296 : vector<16xf32>
        %parallel_loop3A_312 = arith.addf %parallel_loop3A_297, %parallel_loop3A_298 : vector<16xf32>
        %parallel_loop3A_313 = arith.addf %parallel_loop3A_299, %parallel_loop3A_300 : vector<16xf32>
        %parallel_loop3A_314 = arith.addf %parallel_loop3A_301, %parallel_loop3A_302 : vector<16xf32>
        %parallel_loop3A_315 = arith.addf %parallel_loop3A_303, %parallel_loop3A_304 : vector<16xf32>
        %parallel_loop3A_316 = arith.addf %parallel_loop3A_306, %parallel_loop3A_307 : vector<16xf32>
        %parallel_loop3A_317 = arith.addf %parallel_loop3A_308, %parallel_loop3A_309 : vector<16xf32>
        %parallel_loop3A_318 = arith.addf %parallel_loop3A_310, %parallel_loop3A_311 : vector<16xf32>
        %parallel_loop3A_319 = arith.addf %parallel_loop3A_312, %parallel_loop3A_313 : vector<16xf32>
        %parallel_loop3A_320 = arith.addf %parallel_loop3A_314, %parallel_loop3A_315 : vector<16xf32>
        %parallel_loop3A_321 = arith.addf %parallel_loop3A_316, %parallel_loop3A_317 : vector<16xf32>
        %parallel_loop3A_322 = arith.addf %parallel_loop3A_318, %parallel_loop3A_319 : vector<16xf32>
        %parallel_loop3A_323 = arith.addf %parallel_loop3A_320, %parallel_loop3A_305 : vector<16xf32>
        %parallel_loop3A_324 = arith.addf %parallel_loop3A_321, %parallel_loop3A_322 : vector<16xf32>
        %parallel_loop3A_325 = arith.addf %parallel_loop3A_324, %parallel_loop3A_323 : vector<16xf32>
        %parallel_loop3A_326 = arith.constant 1.024000e+03 : f32
        %parallel_loop3A_327 = vector.broadcast %parallel_loop3A_326 : f32 to vector<16xf32>
        %parallel_loop3A_328 = arith.divf %parallel_loop3A_327, %parallel_loop3A_325 : vector<16xf32>
        %parallel_loop3A_329 = arith.mulf %parallel_loop3A_285, %parallel_loop3A_328 : vector<16xf32>
        %parallel_loop3A_330 = arith.constant 0x4B400000 : f32
        %parallel_loop3A_331 = vector.broadcast %parallel_loop3A_330 : f32 to vector<16xf32>
        %parallel_loop3A_332 = arith.addf %parallel_loop3A_329, %parallel_loop3A_331 : vector<16xf32>
        %parallel_loop3A_333 = vector.bitcast %parallel_loop3A_332 : vector<16xf32> to vector<16xi32>
        %parallel_loop3A_334 = arith.constant -1262485504 : i32
        %parallel_loop3A_335 = vector.broadcast %parallel_loop3A_334 : i32 to vector<16xi32>
        %parallel_loop3A_336 = arith.addi %parallel_loop3A_333, %parallel_loop3A_335 : vector<16xi32>
        tpu.vector_store_idx %arg7[%parallel_loop3A_336], %broadcast_in_dim3A_40 {add = true} : memref<43008xf32, #tpu.memory_space<vmem>>[vector<16xi32>], vector<16xf32>,
        %parallel_loop3A_337 = arith.mulf %parallel_loop3A_286, %parallel_loop3A_328 : vector<16xf32>
        %parallel_loop3A_338 = arith.constant 0x4B400000 : f32
        %parallel_loop3A_339 = vector.broadcast %parallel_loop3A_338 : f32 to vector<16xf32>
        %parallel_loop3A_340 = arith.addf %parallel_loop3A_337, %parallel_loop3A_339 : vector<16xf32>
        %parallel_loop3A_341 = vector.bitcast %parallel_loop3A_340 : vector<16xf32> to vector<16xi32>
        %parallel_loop3A_342 = arith.constant -1262484480 : i32
        %parallel_loop3A_343 = vector.broadcast %parallel_loop3A_342 : i32 to vector<16xi32>
        %parallel_loop3A_344 = arith.addi %parallel_loop3A_341, %parallel_loop3A_343 : vector<16xi32>
        tpu.vector_store_idx %arg7[%parallel_loop3A_344], %broadcast_in_dim3A_40 {add = true} : memref<43008xf32, #tpu.memory_space<vmem>>[vector<16xi32>], vector<16xf32>,
        %parallel_loop3A_345 = arith.mulf %parallel_loop3A_287, %parallel_loop3A_328 : vector<16xf32>
        %parallel_loop3A_346 = arith.constant 0x4B400000 : f32
        %parallel_loop3A_347 = vector.broadcast %parallel_loop3A_346 : f32 to vector<16xf32>
        %parallel_loop3A_348 = arith.addf %parallel_loop3A_345, %parallel_loop3A_347 : vector<16xf32>
        %parallel_loop3A_349 = vector.bitcast %parallel_loop3A_348 : vector<16xf32> to vector<16xi32>
        %parallel_loop3A_350 = arith.constant -1262483456 : i32
        %parallel_loop3A_351 = vector.broadcast %parallel_loop3A_350 : i32 to vector<16xi32>
        %parallel_loop3A_352 = arith.addi %parallel_loop3A_349, %parallel_loop3A_351 : vector<16xi32>
        tpu.vector_store_idx %arg7[%parallel_loop3A_352], %broadcast_in_dim3A_40 {add = true} : memref<43008xf32, #tpu.memory_space<vmem>>[vector<16xi32>], vector<16xf32>,
        %parallel_loop3A_353 = arith.mulf %parallel_loop3A_288, %parallel_loop3A_328 : vector<16xf32>
        %parallel_loop3A_354 = arith.constant 0x4B400000 : f32
        %parallel_loop3A_355 = vector.broadcast %parallel_loop3A_354 : f32 to vector<16xf32>
        %parallel_loop3A_356 = arith.addf %parallel_loop3A_353, %parallel_loop3A_355 : vector<16xf32>
        %parallel_loop3A_357 = vector.bitcast %parallel_loop3A_356 : vector<16xf32> to vector<16xi32>
        %parallel_loop3A_358 = arith.constant -1262482432 : i32
        %parallel_loop3A_359 = vector.broadcast %parallel_loop3A_358 : i32 to vector<16xi32>
        %parallel_loop3A_360 = arith.addi %parallel_loop3A_357, %parallel_loop3A_359 : vector<16xi32>
        tpu.vector_store_idx %arg7[%parallel_loop3A_360], %broadcast_in_dim3A_40 {add = true} : memref<43008xf32, #tpu.memory_space<vmem>>[vector<16xi32>], vector<16xf32>,
        %parallel_loop3A_361 = arith.mulf %parallel_loop3A_289, %parallel_loop3A_328 : vector<16xf32>
        %parallel_loop3A_362 = arith.constant 0x4B400000 : f32
        %parallel_loop3A_363 = vector.broadcast %parallel_loop3A_362 : f32 to vector<16xf32>
        %parallel_loop3A_364 = arith.addf %parallel_loop3A_361, %parallel_loop3A_363 : vector<16xf32>
        %parallel_loop3A_365 = vector.bitcast %parallel_loop3A_364 : vector<16xf32> to vector<16xi32>
        %parallel_loop3A_366 = arith.constant -1262481408 : i32
        %parallel_loop3A_367 = vector.broadcast %parallel_loop3A_366 : i32 to vector<16xi32>
        %parallel_loop3A_368 = arith.addi %parallel_loop3A_365, %parallel_loop3A_367 : vector<16xi32>
        tpu.vector_store_idx %arg7[%parallel_loop3A_368], %broadcast_in_dim3A_40 {add = true} : memref<43008xf32, #tpu.memory_space<vmem>>[vector<16xi32>], vector<16xf32>,
        %parallel_loop3A_369 = arith.mulf %parallel_loop3A_290, %parallel_loop3A_328 : vector<16xf32>
        %parallel_loop3A_370 = arith.constant 0x4B400000 : f32
        %parallel_loop3A_371 = vector.broadcast %parallel_loop3A_370 : f32 to vector<16xf32>
        %parallel_loop3A_372 = arith.addf %parallel_loop3A_369, %parallel_loop3A_371 : vector<16xf32>
        %parallel_loop3A_373 = vector.bitcast %parallel_loop3A_372 : vector<16xf32> to vector<16xi32>
        %parallel_loop3A_374 = arith.constant -1262480384 : i32
        %parallel_loop3A_375 = vector.broadcast %parallel_loop3A_374 : i32 to vector<16xi32>
        %parallel_loop3A_376 = arith.addi %parallel_loop3A_373, %parallel_loop3A_375 : vector<16xi32>
        tpu.vector_store_idx %arg7[%parallel_loop3A_376], %broadcast_in_dim3A_40 {add = true} : memref<43008xf32, #tpu.memory_space<vmem>>[vector<16xi32>], vector<16xf32>,
        %parallel_loop3A_377 = arith.mulf %parallel_loop3A_291, %parallel_loop3A_328 : vector<16xf32>
        %parallel_loop3A_378 = arith.constant 0x4B400000 : f32
        %parallel_loop3A_379 = vector.broadcast %parallel_loop3A_378 : f32 to vector<16xf32>
        %parallel_loop3A_380 = arith.addf %parallel_loop3A_377, %parallel_loop3A_379 : vector<16xf32>
        %parallel_loop3A_381 = vector.bitcast %parallel_loop3A_380 : vector<16xf32> to vector<16xi32>
        %parallel_loop3A_382 = arith.constant -1262479360 : i32
        %parallel_loop3A_383 = vector.broadcast %parallel_loop3A_382 : i32 to vector<16xi32>
        %parallel_loop3A_384 = arith.addi %parallel_loop3A_381, %parallel_loop3A_383 : vector<16xi32>
        tpu.vector_store_idx %arg7[%parallel_loop3A_384], %broadcast_in_dim3A_40 {add = true} : memref<43008xf32, #tpu.memory_space<vmem>>[vector<16xi32>], vector<16xf32>,
        %parallel_loop3A_385 = arith.mulf %parallel_loop3A_292, %parallel_loop3A_328 : vector<16xf32>
        %parallel_loop3A_386 = arith.constant 0x4B400000 : f32
        %parallel_loop3A_387 = vector.broadcast %parallel_loop3A_386 : f32 to vector<16xf32>
        %parallel_loop3A_388 = arith.addf %parallel_loop3A_385, %parallel_loop3A_387 : vector<16xf32>
        %parallel_loop3A_389 = vector.bitcast %parallel_loop3A_388 : vector<16xf32> to vector<16xi32>
        %parallel_loop3A_390 = arith.constant -1262478336 : i32
        %parallel_loop3A_391 = vector.broadcast %parallel_loop3A_390 : i32 to vector<16xi32>
        %parallel_loop3A_392 = arith.addi %parallel_loop3A_389, %parallel_loop3A_391 : vector<16xi32>
        tpu.vector_store_idx %arg7[%parallel_loop3A_392], %broadcast_in_dim3A_40 {add = true} : memref<43008xf32, #tpu.memory_space<vmem>>[vector<16xi32>], vector<16xf32>,
        %parallel_loop3A_393 = arith.mulf %parallel_loop3A_293, %parallel_loop3A_328 : vector<16xf32>
        %parallel_loop3A_394 = arith.constant 0x4B400000 : f32
        %parallel_loop3A_395 = vector.broadcast %parallel_loop3A_394 : f32 to vector<16xf32>
        %parallel_loop3A_396 = arith.addf %parallel_loop3A_393, %parallel_loop3A_395 : vector<16xf32>
        %parallel_loop3A_397 = vector.bitcast %parallel_loop3A_396 : vector<16xf32> to vector<16xi32>
        %parallel_loop3A_398 = arith.constant -1262477312 : i32
        %parallel_loop3A_399 = vector.broadcast %parallel_loop3A_398 : i32 to vector<16xi32>
        %parallel_loop3A_400 = arith.addi %parallel_loop3A_397, %parallel_loop3A_399 : vector<16xi32>
        tpu.vector_store_idx %arg7[%parallel_loop3A_400], %broadcast_in_dim3A_40 {add = true} : memref<43008xf32, #tpu.memory_space<vmem>>[vector<16xi32>], vector<16xf32>,
        %parallel_loop3A_401 = arith.mulf %parallel_loop3A_294, %parallel_loop3A_328 : vector<16xf32>
        %parallel_loop3A_402 = arith.constant 0x4B400000 : f32
        %parallel_loop3A_403 = vector.broadcast %parallel_loop3A_402 : f32 to vector<16xf32>
        %parallel_loop3A_404 = arith.addf %parallel_loop3A_401, %parallel_loop3A_403 : vector<16xf32>
        %parallel_loop3A_405 = vector.bitcast %parallel_loop3A_404 : vector<16xf32> to vector<16xi32>
        %parallel_loop3A_406 = arith.constant -1262476288 : i32
        %parallel_loop3A_407 = vector.broadcast %parallel_loop3A_406 : i32 to vector<16xi32>
        %parallel_loop3A_408 = arith.addi %parallel_loop3A_405, %parallel_loop3A_407 : vector<16xi32>
        tpu.vector_store_idx %arg7[%parallel_loop3A_408], %broadcast_in_dim3A_40 {add = true} : memref<43008xf32, #tpu.memory_space<vmem>>[vector<16xi32>], vector<16xf32>,
        %parallel_loop3A_409 = arith.mulf %parallel_loop3A_295, %parallel_loop3A_328 : vector<16xf32>
        %parallel_loop3A_410 = arith.constant 0x4B400000 : f32
        %parallel_loop3A_411 = vector.broadcast %parallel_loop3A_410 : f32 to vector<16xf32>
        %parallel_loop3A_412 = arith.addf %parallel_loop3A_409, %parallel_loop3A_411 : vector<16xf32>
        %parallel_loop3A_413 = vector.bitcast %parallel_loop3A_412 : vector<16xf32> to vector<16xi32>
        %parallel_loop3A_414 = arith.constant -1262475264 : i32
        %parallel_loop3A_415 = vector.broadcast %parallel_loop3A_414 : i32 to vector<16xi32>
        %parallel_loop3A_416 = arith.addi %parallel_loop3A_413, %parallel_loop3A_415 : vector<16xi32>
        tpu.vector_store_idx %arg7[%parallel_loop3A_416], %broadcast_in_dim3A_40 {add = true} : memref<43008xf32, #tpu.memory_space<vmem>>[vector<16xi32>], vector<16xf32>,
        %parallel_loop3A_417 = arith.mulf %parallel_loop3A_296, %parallel_loop3A_328 : vector<16xf32>
        %parallel_loop3A_418 = arith.constant 0x4B400000 : f32
        %parallel_loop3A_419 = vector.broadcast %parallel_loop3A_418 : f32 to vector<16xf32>
        %parallel_loop3A_420 = arith.addf %parallel_loop3A_417, %parallel_loop3A_419 : vector<16xf32>
        %parallel_loop3A_421 = vector.bitcast %parallel_loop3A_420 : vector<16xf32> to vector<16xi32>
        %parallel_loop3A_422 = arith.constant -1262474240 : i32
        %parallel_loop3A_423 = vector.broadcast %parallel_loop3A_422 : i32 to vector<16xi32>
        %parallel_loop3A_424 = arith.addi %parallel_loop3A_421, %parallel_loop3A_423 : vector<16xi32>
        tpu.vector_store_idx %arg7[%parallel_loop3A_424], %broadcast_in_dim3A_40 {add = true} : memref<43008xf32, #tpu.memory_space<vmem>>[vector<16xi32>], vector<16xf32>,
        %parallel_loop3A_425 = arith.mulf %parallel_loop3A_297, %parallel_loop3A_328 : vector<16xf32>
        %parallel_loop3A_426 = arith.constant 0x4B400000 : f32
        %parallel_loop3A_427 = vector.broadcast %parallel_loop3A_426 : f32 to vector<16xf32>
        %parallel_loop3A_428 = arith.addf %parallel_loop3A_425, %parallel_loop3A_427 : vector<16xf32>
        %parallel_loop3A_429 = vector.bitcast %parallel_loop3A_428 : vector<16xf32> to vector<16xi32>
        %parallel_loop3A_430 = arith.constant -1262473216 : i32
        %parallel_loop3A_431 = vector.broadcast %parallel_loop3A_430 : i32 to vector<16xi32>
        %parallel_loop3A_432 = arith.addi %parallel_loop3A_429, %parallel_loop3A_431 : vector<16xi32>
        tpu.vector_store_idx %arg7[%parallel_loop3A_432], %broadcast_in_dim3A_40 {add = true} : memref<43008xf32, #tpu.memory_space<vmem>>[vector<16xi32>], vector<16xf32>,
        %parallel_loop3A_433 = arith.mulf %parallel_loop3A_298, %parallel_loop3A_328 : vector<16xf32>
        %parallel_loop3A_434 = arith.constant 0x4B400000 : f32
        %parallel_loop3A_435 = vector.broadcast %parallel_loop3A_434 : f32 to vector<16xf32>
        %parallel_loop3A_436 = arith.addf %parallel_loop3A_433, %parallel_loop3A_435 : vector<16xf32>
        %parallel_loop3A_437 = vector.bitcast %parallel_loop3A_436 : vector<16xf32> to vector<16xi32>
        %parallel_loop3A_438 = arith.constant -1262472192 : i32
        %parallel_loop3A_439 = vector.broadcast %parallel_loop3A_438 : i32 to vector<16xi32>
        %parallel_loop3A_440 = arith.addi %parallel_loop3A_437, %parallel_loop3A_439 : vector<16xi32>
        tpu.vector_store_idx %arg7[%parallel_loop3A_440], %broadcast_in_dim3A_40 {add = true} : memref<43008xf32, #tpu.memory_space<vmem>>[vector<16xi32>], vector<16xf32>,
        %parallel_loop3A_441 = arith.mulf %parallel_loop3A_299, %parallel_loop3A_328 : vector<16xf32>
        %parallel_loop3A_442 = arith.constant 0x4B400000 : f32
        %parallel_loop3A_443 = vector.broadcast %parallel_loop3A_442 : f32 to vector<16xf32>
        %parallel_loop3A_444 = arith.addf %parallel_loop3A_441, %parallel_loop3A_443 : vector<16xf32>
        %parallel_loop3A_445 = vector.bitcast %parallel_loop3A_444 : vector<16xf32> to vector<16xi32>
        %parallel_loop3A_446 = arith.constant -1262471168 : i32
        %parallel_loop3A_447 = vector.broadcast %parallel_loop3A_446 : i32 to vector<16xi32>
        %parallel_loop3A_448 = arith.addi %parallel_loop3A_445, %parallel_loop3A_447 : vector<16xi32>
        tpu.vector_store_idx %arg7[%parallel_loop3A_448], %broadcast_in_dim3A_40 {add = true} : memref<43008xf32, #tpu.memory_space<vmem>>[vector<16xi32>], vector<16xf32>,
        %parallel_loop3A_449 = arith.mulf %parallel_loop3A_300, %parallel_loop3A_328 : vector<16xf32>
        %parallel_loop3A_450 = arith.constant 0x4B400000 : f32
        %parallel_loop3A_451 = vector.broadcast %parallel_loop3A_450 : f32 to vector<16xf32>
        %parallel_loop3A_452 = arith.addf %parallel_loop3A_449, %parallel_loop3A_451 : vector<16xf32>
        %parallel_loop3A_453 = vector.bitcast %parallel_loop3A_452 : vector<16xf32> to vector<16xi32>
        %parallel_loop3A_454 = arith.constant -1262470144 : i32
        %parallel_loop3A_455 = vector.broadcast %parallel_loop3A_454 : i32 to vector<16xi32>
        %parallel_loop3A_456 = arith.addi %parallel_loop3A_453, %parallel_loop3A_455 : vector<16xi32>
        tpu.vector_store_idx %arg7[%parallel_loop3A_456], %broadcast_in_dim3A_40 {add = true} : memref<43008xf32, #tpu.memory_space<vmem>>[vector<16xi32>], vector<16xf32>,
        %parallel_loop3A_457 = arith.mulf %parallel_loop3A_301, %parallel_loop3A_328 : vector<16xf32>
        %parallel_loop3A_458 = arith.constant 0x4B400000 : f32
        %parallel_loop3A_459 = vector.broadcast %parallel_loop3A_458 : f32 to vector<16xf32>
        %parallel_loop3A_460 = arith.addf %parallel_loop3A_457, %parallel_loop3A_459 : vector<16xf32>
        %parallel_loop3A_461 = vector.bitcast %parallel_loop3A_460 : vector<16xf32> to vector<16xi32>
        %parallel_loop3A_462 = arith.constant -1262469120 : i32
        %parallel_loop3A_463 = vector.broadcast %parallel_loop3A_462 : i32 to vector<16xi32>
        %parallel_loop3A_464 = arith.addi %parallel_loop3A_461, %parallel_loop3A_463 : vector<16xi32>
        tpu.vector_store_idx %arg7[%parallel_loop3A_464], %broadcast_in_dim3A_40 {add = true} : memref<43008xf32, #tpu.memory_space<vmem>>[vector<16xi32>], vector<16xf32>,
        %parallel_loop3A_465 = arith.mulf %parallel_loop3A_302, %parallel_loop3A_328 : vector<16xf32>
        %parallel_loop3A_466 = arith.constant 0x4B400000 : f32
        %parallel_loop3A_467 = vector.broadcast %parallel_loop3A_466 : f32 to vector<16xf32>
        %parallel_loop3A_468 = arith.addf %parallel_loop3A_465, %parallel_loop3A_467 : vector<16xf32>
        %parallel_loop3A_469 = vector.bitcast %parallel_loop3A_468 : vector<16xf32> to vector<16xi32>
        %parallel_loop3A_470 = arith.constant -1262468096 : i32
        %parallel_loop3A_471 = vector.broadcast %parallel_loop3A_470 : i32 to vector<16xi32>
        %parallel_loop3A_472 = arith.addi %parallel_loop3A_469, %parallel_loop3A_471 : vector<16xi32>
        tpu.vector_store_idx %arg7[%parallel_loop3A_472], %broadcast_in_dim3A_40 {add = true} : memref<43008xf32, #tpu.memory_space<vmem>>[vector<16xi32>], vector<16xf32>,
        %parallel_loop3A_473 = arith.mulf %parallel_loop3A_303, %parallel_loop3A_328 : vector<16xf32>
        %parallel_loop3A_474 = arith.constant 0x4B400000 : f32
        %parallel_loop3A_475 = vector.broadcast %parallel_loop3A_474 : f32 to vector<16xf32>
        %parallel_loop3A_476 = arith.addf %parallel_loop3A_473, %parallel_loop3A_475 : vector<16xf32>
        %parallel_loop3A_477 = vector.bitcast %parallel_loop3A_476 : vector<16xf32> to vector<16xi32>
        %parallel_loop3A_478 = arith.constant -1262467072 : i32
        %parallel_loop3A_479 = vector.broadcast %parallel_loop3A_478 : i32 to vector<16xi32>
        %parallel_loop3A_480 = arith.addi %parallel_loop3A_477, %parallel_loop3A_479 : vector<16xi32>
        tpu.vector_store_idx %arg7[%parallel_loop3A_480], %broadcast_in_dim3A_40 {add = true} : memref<43008xf32, #tpu.memory_space<vmem>>[vector<16xi32>], vector<16xf32>,
        %parallel_loop3A_481 = arith.mulf %parallel_loop3A_304, %parallel_loop3A_328 : vector<16xf32>
        %parallel_loop3A_482 = arith.constant 0x4B400000 : f32
        %parallel_loop3A_483 = vector.broadcast %parallel_loop3A_482 : f32 to vector<16xf32>
        %parallel_loop3A_484 = arith.addf %parallel_loop3A_481, %parallel_loop3A_483 : vector<16xf32>
        %parallel_loop3A_485 = vector.bitcast %parallel_loop3A_484 : vector<16xf32> to vector<16xi32>
        %parallel_loop3A_486 = arith.constant -1262466048 : i32
        %parallel_loop3A_487 = vector.broadcast %parallel_loop3A_486 : i32 to vector<16xi32>
        %parallel_loop3A_488 = arith.addi %parallel_loop3A_485, %parallel_loop3A_487 : vector<16xi32>
        tpu.vector_store_idx %arg7[%parallel_loop3A_488], %broadcast_in_dim3A_40 {add = true} : memref<43008xf32, #tpu.memory_space<vmem>>[vector<16xi32>], vector<16xf32>,
        %parallel_loop3A_489 = arith.mulf %parallel_loop3A_305, %parallel_loop3A_328 : vector<16xf32>
        %parallel_loop3A_490 = arith.constant 0x4B400000 : f32
        %parallel_loop3A_491 = vector.broadcast %parallel_loop3A_490 : f32 to vector<16xf32>
        %parallel_loop3A_492 = arith.addf %parallel_loop3A_489, %parallel_loop3A_491 : vector<16xf32>
        %parallel_loop3A_493 = vector.bitcast %parallel_loop3A_492 : vector<16xf32> to vector<16xi32>
        %parallel_loop3A_494 = arith.constant -1262465024 : i32
        %parallel_loop3A_495 = vector.broadcast %parallel_loop3A_494 : i32 to vector<16xi32>
        %parallel_loop3A_496 = arith.addi %parallel_loop3A_493, %parallel_loop3A_495 : vector<16xi32>
        tpu.vector_store_idx %arg7[%parallel_loop3A_496], %broadcast_in_dim3A_40 {add = true} : memref<43008xf32, #tpu.memory_space<vmem>>[vector<16xi32>], vector<16xf32>,
        %parallel_loop3A_497 = tpu.iota {dimensions = array<i32: 0>} : vector<16xi32>
        %parallel_loop3A_498 = arith.constant 16 : i32
        %parallel_loop3A_499 = arith.muli %parallel_loop3A_152, %parallel_loop3A_498 : i32
        %parallel_loop3A_500 = vector.broadcast %parallel_loop3A_499 : i32 to vector<16xi32>
        %parallel_loop3A_501 = arith.addi %parallel_loop3A_497, %parallel_loop3A_500 : vector<16xi32>
        %parallel_loop3A_502 = arith.constant 1 : i32
        %parallel_loop3A_503 = vector.broadcast %parallel_loop3A_502 : i32 to vector<16xi32>
        %parallel_loop3A_504 = tpu.vector_load_idx %arg5[%parallel_loop3A_503, %parallel_loop3A_158, %parallel_loop3A_501] : memref<2x21x1024xf32, #tpu.memory_space<vmem>>[vector<16xi32>, vector<16xi32>, vector<16xi32>], vector<16xf32>,
        %parallel_loop3A_505 = math.exp %parallel_loop3A_504 : vector<16xf32>
        %parallel_loop3A_506 = arith.mulf %parallel_loop3A_505, %parallel_loop3A_328 : vector<16xf32>
        %parallel_loop3A_507 = arith.constant 0x4B400000 : f32
        %parallel_loop3A_508 = vector.broadcast %parallel_loop3A_507 : f32 to vector<16xf32>
        %parallel_loop3A_509 = arith.addf %parallel_loop3A_506, %parallel_loop3A_508 : vector<16xf32>
        %parallel_loop3A_510 = vector.bitcast %parallel_loop3A_509 : vector<16xf32> to vector<16xi32>
        %parallel_loop3A_511 = arith.constant 1262485504 : i32
        %parallel_loop3A_512 = vector.broadcast %parallel_loop3A_511 : i32 to vector<16xi32>
        %parallel_loop3A_513 = arith.subi %parallel_loop3A_510, %parallel_loop3A_512 : vector<16xi32>
        %parallel_loop3A_514 = arith.constant 1023 : i32
        %parallel_loop3A_515 = vector.broadcast %parallel_loop3A_514 : i32 to vector<16xi32>
        %parallel_loop3A_516 = arith.minsi %parallel_loop3A_513, %parallel_loop3A_515 : vector<16xi32>
        %parallel_loop3A_517 = arith.constant 1.024000e+03 : f32
        %parallel_loop3A_518 = vector.broadcast %parallel_loop3A_517 : f32 to vector<16xf32>
        %parallel_loop3A_519 = arith.subf %parallel_loop3A_518, %parallel_loop3A_506 : vector<16xf32>
        %parallel_loop3A_520 = arith.constant 0x4B400000 : f32
        %parallel_loop3A_521 = vector.broadcast %parallel_loop3A_520 : f32 to vector<16xf32>
        %parallel_loop3A_522 = arith.addf %parallel_loop3A_519, %parallel_loop3A_521 : vector<16xf32>
        %parallel_loop3A_523 = vector.bitcast %parallel_loop3A_522 : vector<16xf32> to vector<16xi32>
        %parallel_loop3A_524 = arith.constant 1262485504 : i32
        %parallel_loop3A_525 = vector.broadcast %parallel_loop3A_524 : i32 to vector<16xi32>
        %parallel_loop3A_526 = arith.subi %parallel_loop3A_523, %parallel_loop3A_525 : vector<16xi32>
        %parallel_loop3A_527 = arith.constant 1023 : i32
        %parallel_loop3A_528 = vector.broadcast %parallel_loop3A_527 : i32 to vector<16xi32>
        %parallel_loop3A_529 = arith.minsi %parallel_loop3A_526, %parallel_loop3A_528 : vector<16xi32>
        %parallel_loop3A_530 = arith.constant 1024 : i32
        %parallel_loop3A_531 = vector.broadcast %parallel_loop3A_530 : i32 to vector<16xi32>
        %parallel_loop3A_532 = arith.muli %parallel_loop3A_158, %parallel_loop3A_531 : vector<16xi32>
        %parallel_loop3A_533 = arith.addi %parallel_loop3A_532, %parallel_loop3A_516 : vector<16xi32>
        tpu.vector_store_idx %arg7[%parallel_loop3A_533], %broadcast_in_dim3A_42 {add = true} : memref<43008xf32, #tpu.memory_space<vmem>>[vector<16xi32>], vector<16xf32>,
        %parallel_loop3A_534 = arith.addi %parallel_loop3A_532, %parallel_loop3A_529 : vector<16xi32>
        tpu.vector_store_idx %arg7[%parallel_loop3A_534], %broadcast_in_dim3A_40 {add = true} : memref<43008xf32, #tpu.memory_space<vmem>>[vector<16xi32>], vector<16xf32>,
        %parallel_loop3A_535 = arith.addi %parallel_loop3A_532, %parallel_loop3A_529 : vector<16xi32>
        %parallel_loop3A_536 = arith.constant 21504 : i32
        %parallel_loop3A_537 = vector.broadcast %parallel_loop3A_536 : i32 to vector<16xi32>
        %parallel_loop3A_538 = arith.addi %parallel_loop3A_535, %parallel_loop3A_537 : vector<16xi32>
        tpu.vector_store_idx %arg7[%parallel_loop3A_538], %broadcast_in_dim3A_40 {add = true} : memref<43008xf32, #tpu.memory_space<vmem>>[vector<16xi32>], vector<16xf32>,
      } {sc.loop_unroll_factor = 12 : i64, sc.parallel_access}
    }
    %scan3A_72 = arith.constant 32 : i32
    "tpu.region"() ({
      %run_scoped3A = tpu.sem_alloc : memref<!tpu.dma_semaphore, #tpu.memory_space<semaphore_mem>>
      %dma_start3A_73 = arith.constant 0 : i32
      %dma_start3A_74 = tpu.memref_slice %arg4[%add3A, %dma_start3A_73] : memref<32x43008xf32, #tpu.memory_space<hbm>> -> memref<1x43008xf32, #tpu.memory_space<hbm>>
      %dma_start3A_75 = tpu.memref_squeeze %dma_start3A_74 : memref<1x43008xf32, #tpu.memory_space<hbm>> -> memref<43008xf32, #tpu.memory_space<hbm>>
      %dma_start3A_76 = arith.constant 0 : i32
      %dma_start3A_77 = tpu.memref_slice %arg4[%add3A, %dma_start3A_76] : memref<32x43008xf32, #tpu.memory_space<hbm>> -> memref<1x43008xf32, #tpu.memory_space<hbm>>
      %dma_start3A_78 = tpu.memref_squeeze %dma_start3A_77 : memref<1x43008xf32, #tpu.memory_space<hbm>> -> memref<43008xf32, #tpu.memory_space<hbm>>
      tpu.enqueue_dma source(%arg7 : memref<43008xf32, #tpu.memory_space<vmem>>) target(%dma_start3A_78 : memref<43008xf32, #tpu.memory_space<hbm>>) target_semaphore(%run_scoped3A : memref<!tpu.dma_semaphore, #tpu.memory_space<semaphore_mem>>)
      %dma_wait3A = arith.constant 0 : i32
      %dma_wait3A_79 = tpu.memref_slice %arg4[%add3A, %dma_wait3A] : memref<32x43008xf32, #tpu.memory_space<hbm>> -> memref<1x43008xf32, #tpu.memory_space<hbm>>
      %dma_wait3A_80 = tpu.memref_squeeze %dma_wait3A_79 : memref<1x43008xf32, #tpu.memory_space<hbm>> -> memref<43008xf32, #tpu.memory_space<hbm>>
      %dma_wait3A_81 = arith.constant 0 : i32
      %dma_wait3A_82 = tpu.memref_slice %arg4[%add3A, %dma_wait3A_81] : memref<32x43008xf32, #tpu.memory_space<hbm>> -> memref<1x43008xf32, #tpu.memory_space<hbm>>
      %dma_wait3A_83 = tpu.memref_squeeze %dma_wait3A_82 : memref<1x43008xf32, #tpu.memory_space<hbm>> -> memref<43008xf32, #tpu.memory_space<hbm>>
      tpu.wait_dma2 semaphore(%run_scoped3A : memref<!tpu.dma_semaphore, #tpu.memory_space<semaphore_mem>>) src(%arg7 : memref<43008xf32, #tpu.memory_space<vmem>>) dst(%dma_wait3A_83 : memref<43008xf32, #tpu.memory_space<hbm>>)
      tpu.yield
    }) : () -> ()
    return
  }
}

module attributes {stable_mosaic.version = 14 : i64} {
  func.func @_tc_finish_kernel(%arg0: memref<32x43008xf32, #tpu.memory_space<vmem>>, %arg1: memref<1x1xf32, #tpu.memory_space<vmem>>) attributes {dimension_semantics = [], scalar_prefetch = 0 : i64, scratch_operands = 0 : i64, tpu.core_type = #tpu.core_type<tc>} {
    %get3A = arith.constant 0 : index
    %get3A_0 = arith.constant 0 : index
    %get3A_1 = vector.load %arg0[%get3A, %get3A_0] : memref<32x43008xf32, #tpu.memory_space<vmem>>, vector<32x43008xf32>
    %reduce_sum3A = arith.constant dense<0.000000e+00> : vector<43008xf32>
    %reduce_sum3A_2 = vector.multi_reduction <add>, %get3A_1, %reduce_sum3A [0] : vector<32x43008xf32> to vector<43008xf32>
    %reshape3A = vector.shape_cast %reduce_sum3A_2 : vector<43008xf32> to vector<42x1024xf32>
    %iota3A = tpu.iota {dimensions = array<i32: 0>} : vector<1024x1024xi32>
    %iota3A_3 = tpu.iota {dimensions = array<i32: 1>} : vector<1024x1024xi32>
    %ge3A = arith.cmpi sge, %iota3A, %iota3A_3 : vector<1024x1024xi32>
    %convert_element_type3A = arith.extui %ge3A : vector<1024x1024xi1> to vector<1024x1024xi32>
    %convert_element_type3A_4 = arith.sitofp %convert_element_type3A : vector<1024x1024xi32> to vector<1024x1024xf32>
    %dot_general3A = arith.constant dense<0.000000e+00> : vector<42x1024xf32>
    %dot_general3A_5 = tpu.matmul %reshape3A, %convert_element_type3A_4, %dot_general3A {dimension_numbers = #tpu.dot_dimension_numbers<[1], [0], [0], [1], [0, 0, 1, 1], [], []>, transpose_lhs_hint = false} : vector<42x1024xf32>, vector<1024x1024xf32>, vector<42x1024xf32> -> vector<42x1024xf32>
    %slice3A = vector.extract_strided_slice %reshape3A {offsets = [0, 0], sizes = [21, 1024], strides = [1, 1]} : vector<42x1024xf32> to vector<21x1024xf32>
    %slice3A_6 = vector.extract_strided_slice %reshape3A {offsets = [21, 0], sizes = [21, 1024], strides = [1, 1]} : vector<42x1024xf32> to vector<21x1024xf32>
    %slice3A_7 = vector.extract_strided_slice %dot_general3A_5 {offsets = [0, 0], sizes = [21, 1024], strides = [1, 1]} : vector<42x1024xf32> to vector<21x1024xf32>
    %slice3A_8 = vector.extract_strided_slice %dot_general3A_5 {offsets = [21, 0], sizes = [21, 1024], strides = [1, 1]} : vector<42x1024xf32> to vector<21x1024xf32>
    %slice3A_9 = vector.extract_strided_slice %slice3A_8 {offsets = [0, 0], sizes = [21, 1], strides = [1, 1]} : vector<21x1024xf32> to vector<21x1xf32>
    %add3A = vector.broadcast %slice3A_9 : vector<21x1xf32> to vector<21x1024xf32>
    %add3A_10 = arith.addf %add3A, %slice3A_7 : vector<21x1024xf32>
    %sub3A = arith.subf %add3A_10, %slice3A_8 : vector<21x1024xf32>
    %gt3A = arith.constant 0.000000e+00 : f32
    %gt3A_11 = vector.broadcast %gt3A : f32 to vector<21x1024xf32>
    %gt3A_12 = arith.cmpf ogt, %sub3A, %gt3A_11 : vector<21x1024xf32>
    %sub3A_13 = vector.broadcast %slice3A_9 : vector<21x1xf32> to vector<21x1024xf32>
    %sub3A_14 = arith.subf %sub3A_13, %slice3A_8 : vector<21x1024xf32>
    %max3A = arith.constant 1.000000e+00 : f32
    %max3A_15 = vector.broadcast %max3A : f32 to vector<21x1024xf32>
    %max3A_16 = arith.maximumf %sub3A, %max3A_15 : vector<21x1024xf32>
    %div3A = arith.divf %sub3A_14, %max3A_16 : vector<21x1024xf32>
    %sub3A_17 = arith.constant 1.000000e+00 : f32
    %sub3A_18 = vector.broadcast %sub3A_17 : f32 to vector<21x1024xf32>
    %sub3A_19 = arith.subf %sub3A_18, %div3A : vector<21x1024xf32>
    %jit3A = arith.constant 0.000000e+00 : f32
    %broadcast_in_dim3A = vector.broadcast %jit3A : f32 to vector<21x1024xf32>
    %select_n3A = arith.select %gt3A_12, %sub3A_19, %broadcast_in_dim3A : vector<21x1024xi1>, vector<21x1024xf32>
    %sub3A_20 = arith.subf %slice3A_7, %slice3A : vector<21x1024xf32>
    %sub3A_21 = arith.subf %slice3A_8, %slice3A_6 : vector<21x1024xf32>
    %add3A_22 = vector.broadcast %slice3A_9 : vector<21x1xf32> to vector<21x1024xf32>
    %add3A_23 = arith.addf %add3A_22, %sub3A_20 : vector<21x1024xf32>
    %sub3A_24 = arith.subf %add3A_23, %sub3A_21 : vector<21x1024xf32>
    %gt3A_25 = arith.constant 0.000000e+00 : f32
    %gt3A_26 = vector.broadcast %gt3A_25 : f32 to vector<21x1024xf32>
    %gt3A_27 = arith.cmpf ogt, %sub3A_24, %gt3A_26 : vector<21x1024xf32>
    %sub3A_28 = vector.broadcast %slice3A_9 : vector<21x1xf32> to vector<21x1024xf32>
    %sub3A_29 = arith.subf %sub3A_28, %sub3A_21 : vector<21x1024xf32>
    %max3A_30 = arith.constant 1.000000e+00 : f32
    %max3A_31 = vector.broadcast %max3A_30 : f32 to vector<21x1024xf32>
    %max3A_32 = arith.maximumf %sub3A_24, %max3A_31 : vector<21x1024xf32>
    %div3A_33 = arith.divf %sub3A_29, %max3A_32 : vector<21x1024xf32>
    %sub3A_34 = arith.constant 1.000000e+00 : f32
    %sub3A_35 = vector.broadcast %sub3A_34 : f32 to vector<21x1024xf32>
    %sub3A_36 = arith.subf %sub3A_35, %div3A_33 : vector<21x1024xf32>
    %jit3A_37 = arith.constant 0.000000e+00 : f32
    %broadcast_in_dim3A_38 = vector.broadcast %jit3A_37 : f32 to vector<21x1024xf32>
    %select_n3A_39 = arith.select %gt3A_27, %sub3A_36, %broadcast_in_dim3A_38 : vector<21x1024xi1>, vector<21x1024xf32>
    %sub3A_40 = arith.subf %select_n3A, %select_n3A_39 : vector<21x1024xf32>
    %iota3A_41 = tpu.iota {dimensions = array<i32: 1>} : vector<1x1024xi32>
    %convert_element_type3A_42 = arith.sitofp %iota3A_41 : vector<1x1024xi32> to vector<1x1024xf32>
    %mul3A = arith.constant 9.765625E-4 : f32
    %mul3A_43 = vector.broadcast %mul3A : f32 to vector<1x1024xf32>
    %mul3A_44 = arith.mulf %convert_element_type3A_42, %mul3A_43 : vector<1x1024xf32>
    %mul3A_45 = vector.broadcast %mul3A_44 : vector<1x1024xf32> to vector<21x1024xf32>
    %mul3A_46 = arith.mulf %sub3A_40, %mul3A_45 : vector<21x1024xf32>
    %reduce_sum3A_47 = arith.constant dense<0.000000e+00> : vector<21xf32>
    %reduce_sum3A_48 = vector.multi_reduction <add>, %mul3A_46, %reduce_sum3A_47 [1] : vector<21x1024xf32> to vector<21xf32>
    %broadcast_in_dim3A_49 = vector.shape_cast %reduce_sum3A_48 : vector<21xf32> to vector<21x1xf32>
    %gt3A_50 = arith.constant 0.000000e+00 : f32
    %gt3A_51 = vector.broadcast %gt3A_50 : f32 to vector<21x1xf32>
    %gt3A_52 = arith.cmpf ogt, %slice3A_9, %gt3A_51 : vector<21x1xf32>
    %convert_element_type3A_53 = arith.extui %gt3A_52 : vector<21x1xi1> to vector<21x1xi32>
    %convert_element_type3A_54 = arith.sitofp %convert_element_type3A_53 : vector<21x1xi32> to vector<21x1xf32>
    %reduce_sum3A_55 = vector.shape_cast %convert_element_type3A_54 : vector<21x1xf32> to vector<1x21x1xf32>
    %reduce_sum3A_56 = arith.constant dense<0.000000e+00> : vector<1xf32>
    %reduce_sum3A_57 = vector.multi_reduction <add>, %reduce_sum3A_55, %reduce_sum3A_56 [1, 2] : vector<1x21x1xf32> to vector<1xf32>
    %reduce_sum3A_58 = vector.shape_cast %reduce_sum3A_57 : vector<1xf32> to vector<1x1x1xf32>
    %reduce_sum3A_59 = vector.extract %reduce_sum3A_58[0, 0, 0] : f32 from vector<1x1x1xf32>
    %mul3A_60 = arith.mulf %broadcast_in_dim3A_49, %convert_element_type3A_54 : vector<21x1xf32>
    %reduce_sum3A_61 = vector.shape_cast %mul3A_60 : vector<21x1xf32> to vector<1x21x1xf32>
    %reduce_sum3A_62 = arith.constant dense<0.000000e+00> : vector<1xf32>
    %reduce_sum3A_63 = vector.multi_reduction <add>, %reduce_sum3A_61, %reduce_sum3A_62 [1, 2] : vector<1x21x1xf32> to vector<1xf32>
    %reduce_sum3A_64 = vector.shape_cast %reduce_sum3A_63 : vector<1xf32> to vector<1x1x1xf32>
    %reduce_sum3A_65 = vector.extract %reduce_sum3A_64[0, 0, 0] : f32 from vector<1x1x1xf32>
    %gt3A_66 = arith.constant 0.000000e+00 : f32
    %gt3A_67 = arith.cmpf ogt, %reduce_sum3A_59, %gt3A_66 : f32
    %div3A_68 = arith.divf %reduce_sum3A_65, %reduce_sum3A_59 : f32
    %jit3A_69 = arith.constant 0.000000e+00 : f32
    %select_n3A_70 = arith.select %gt3A_67, %div3A_68, %jit3A_69 : f32
    %reshape3A_71 = vector.broadcast %select_n3A_70 : f32 to vector<1x1xf32>
    %swap3A = arith.constant 0 : index
    %swap3A_72 = arith.constant 0 : index
    %swap3A_73 = vector.load %arg1[%swap3A, %swap3A_72] : memref<1x1xf32, #tpu.memory_space<vmem>>, vector<1x1xf32>
    tpu.vector_store %arg1[%swap3A, %swap3A_72], %reshape3A_71 {strides = array<i32>} : memref<1x1xf32, #tpu.memory_space<vmem>>, vector<1x1xf32>,
    return
  }
}

</mosaic_0001>

<sc_bundles>
// kernel: kernel.4.cloned.1.call-start
scs
__scs_entry_jumppad:
0x0: {  	(pc) =	sbr.rel $0x88, $3  }
0x1: {  	(tag) =	ssettag $0x0;
	lr =	simm.s32 $0x1  }
0x2: {  	[smem:$0x3F9F] =	sst lr;
	_ =	strace $0xD0000000  }
0x3: {  	_ = 	snop  }
0x4: {  	_ = 	snop  }
0x5: {  	_ = 	snop  }
0x6: {  	_ = 	snop  }
0x7: {  	_ = 	snop  }
__scs_overlays_trampoline_lowered:
0x8: {  	[smem:$0x3FAE] =	sst s0  }
0x9: {  	[smem:$0x3FAF] =	sst s1  }
0xa: {  	[smem:$0x3FB0] =	sst s2  }
0xb: {  	[smem:$0x3FB1] =	sst s3  }
0xc: {  	[smem:$0x3FB2] =	sst s4  }
0xd: {  	[smem:$0x3FB3] =	sst s5  }
0xe: {  	[smem:$0x3FB4] =	sst s6  }
0xf: {  	[smem:$0x3FB5] =	sst s7  }
0x10: {  	[smem:$0x3FB6] =	sst s8  }
0x11: {  	[smem:$0x3FB7] =	sst s9;
	s0 =	simm.s32 @!p0 $0x0  }
0x12: {  	s1 =	sld [smem:$0x3F9D];
	s0 =	simm.s32 @p0 $0x1  }
0x13: {  	[smem:$0x3FB8] =	sst s0;
	s0 =	simm.s32 @!p1 $0x0  }
0x14: {  	s2 =	sld [smem:$0x3F9C];
	s0 =	simm.s32 @p1 $0x1  }
0x15: {  	[smem:$0x3FB9] =	sst s0;
	s0 =	simm.s32 @!p2 $0x0  }
0x16: {  	s3 =	sld [smem:$0x3FDB];
	s0 =	simm.s32 @p2 $0x1  }
0x17: {  	s4 =	simm.s32 $0x1BF5;
	[smem:$0x3FBB] =	sst s0  }
0x18: {  	s0 =	sld [smem:$0x3F9E];
	_ =	swait.ge [sflag:s4], $0x0  }
0x19: {  	s7 =	sld [smem:$0x3F9F]  }
0x1a: {  	s8 =	sadd.s32 $0xFFFFE003, lr  }
0x1b: {  	s9 =	sadd.s32 $0xFFFFFEF7, lr;
	s5 =	simm.s32 $0xFFFFFFFF;
	p2 =	slt.u32 s8, $0xFFFFF086  }
0x1c: {  	p1 =	slt.u32 s9, $0xF7A;
	s5 =	simm.s32 @!p2 $0x0  }
0x1d: {  	s5 =	simm.s32 @p1 $0x1;
	p0 =	seq.s32 s7, s2  }
0x1e: {  	s7 =	smul.u32 @!p0 $0xF7A, s2;
	p2 =	seq.s32 @!p0 s5, $0x0  }
0x1f: {  	s9 =	smul.u32 $0xF7A, s1;
	s8 =	simm.s32 @!p0 $0x1BF5;
	p2 =	por !p2, p0  }
0x20: {  	[sflag:s8] =	ssyncset.s32 @!p0 $0xFFFFF086;
	s6 =	sadd.s32 @!p0 s3, s7;
	s7 =	simm.s32 @!p0 $0x108  }
0x21: {  	s3 =	sadd.s32 s3, s9;
	s6 =	sadd.s32 @!p0 $0x88, s6;
	s7 =	simm.s32 @p2 $0x1082  }
0x22: {  	[simem:s7], [sflag:s8] =	dma.local @!p0 [hbm:s6], $0xF7A  }
0x23: {  	s9 =	sor.u32 $0xD0000000, s2;
	s6 =	simm.s32 $0x108;
	_ =	swait.ge @!p0 [sflag:s8], $0x0  }
0x24: {  	s3 =	sadd.s32 $0x88, s3;
	s6 =	simm.s32 @!p1 $0x1082;
	[sflag:s4] =	ssyncset.s32 $0xFFFFF086  }
0x25: {  	[simem:s6], [sflag:s4] =	dma.local [hbm:s3], $0xF7A  }
0x26: {  	[smem:$0x3F9F] =	sst s1;
	(tag) =	ssettag s2;
	_ =	strace s9  }
0x27: {  	s1 =	sld [smem:$0x3FAF]  }
0x28: {  	s2 =	sld [smem:$0x3FB0]  }
0x29: {  	s4 =	sld [smem:$0x3FB2]  }
0x2a: {  	p0 =	seq.s32 s5, $0x0;
	s5 =	sld [smem:$0x3FB3]  }
0x2b: {  	s6 =	sld [smem:$0x3FB4]  }
0x2c: {  	s7 =	sld [smem:$0x3FB5]  }
0x2d: {  	s3 =	simm.s32 $0x108;
	s8 =	sld [smem:$0x3FB6]  }
0x2e: {  	s3 =	simm.s32 @!p0 $0x1082;
	s9 =	sld [smem:$0x3FB7]  }
0x2f: {  	lr =	sadd.s32 s0, s3;
	s0 =	sld [smem:$0x3FAE]  }
0x30: {  	s3 =	sld [smem:$0x3FB1]  }
0x31: {  	[smem:$0x3FBA] =	sst s10  }
0x32: {  	s10 =	sld [smem:$0x3FB8];
	_ =	sdelay $0x3  }
0x33: {  	p0 =	seq.s32 s10, $0x1;
	s10 =	sld [smem:$0x3FBA];
	_ =	sdelay $0x3  }
0x34: {  	[smem:$0x3FBA] =	sst s10  }
0x35: {  	s10 =	sld [smem:$0x3FB9];
	_ =	sdelay $0x3  }
0x36: {  	p1 =	seq.s32 s10, $0x1;
	s10 =	sld [smem:$0x3FBA];
	_ =	sdelay $0x3  }
0x37: {  	[smem:$0x3FBA] =	sst s10  }
0x38: {  	s10 =	sld [smem:$0x3FBB]  }
0x39: {  	_ = 	snop;
	(pc) =	sbr.ind lr, $3  }
0x3a: {  	_ = 	snop  }
0x3b: {  	_ = 	snop  }
0x3c: {  	p2 =	seq.s32 s10, $0x1;
	s10 =	sld [smem:$0x3FBA]  }
0x3d: {  	_ =	shalt  }
0x3e: {  	_ =	shalt  }
0x3f: {  	_ =	shalt  }
0x40: {  	_ =	shalt  }
0x41: {  	_ =	shalt  }
0x42: {  	_ =	shalt  }
0x43: {  	_ =	shalt  }
0x44: {  	_ =	shalt  }
0x45: {  	_ =	shalt  }
0x46: {  	_ =	shalt  }
0x47: {  	_ =	shalt  }
0x48: {  	_ =	shalt  }
0x49: {  	_ =	shalt  }
0x4a: {  	_ =	shalt  }
0x4b: {  	_ =	shalt  }
0x4c: {  	_ =	shalt  }
0x4d: {  	_ =	shalt  }
0x4e: {  	_ =	shalt  }
0x4f: {  	_ =	shalt  }
0x50: {  	_ =	shalt  }
0x51: {  	_ =	shalt  }
0x52: {  	_ =	shalt  }
0x53: {  	_ =	shalt  }
0x54: {  	_ =	shalt  }
0x55: {  	_ =	shalt  }
0x56: {  	_ =	shalt  }
0x57: {  	_ =	shalt  }
0x58: {  	_ =	shalt  }
0x59: {  	_ =	shalt  }
0x5a: {  	_ =	shalt  }
0x5b: {  	_ =	shalt  }
0x5c: {  	_ =	shalt  }
0x5d: {  	_ =	shalt  }
0x5e: {  	_ =	shalt  }
0x5f: {  	_ =	shalt  }
0x60: {  	_ =	shalt  }
0x61: {  	_ =	shalt  }
0x62: {  	_ =	shalt  }
0x63: {  	_ =	shalt  }
0x64: {  	_ =	shalt  }
0x65: {  	_ =	shalt  }
0x66: {  	_ =	shalt  }
0x67: {  	_ =	shalt  }
0x68: {  	_ =	shalt  }
0x69: {  	_ =	shalt  }
0x6a: {  	_ =	shalt  }
0x6b: {  	_ =	shalt  }
0x6c: {  	_ =	shalt  }
0x6d: {  	_ =	shalt  }
0x6e: {  	_ =	shalt  }
0x6f: {  	_ =	shalt  }
0x70: {  	_ =	shalt  }
0x71: {  	_ =	shalt  }
0x72: {  	_ =	shalt  }
0x73: {  	_ =	shalt  }
0x74: {  	_ =	shalt  }
0x75: {  	_ =	shalt  }
0x76: {  	_ =	shalt  }
0x77: {  	_ =	shalt  }
0x78: {  	_ =	shalt  }
0x79: {  	_ =	shalt  }
0x7a: {  	_ =	shalt  }
0x7b: {  	_ =	shalt  }
0x7c: {  	_ =	shalt  }
0x7d: {  	_ =	shalt  }
0x7e: {  	_ =	shalt  }
0x7f: {  	_ =	shalt  }
0x80: {  	_ =	shalt  }
0x81: {  	_ =	shalt  }
0x82: {  	_ =	shalt  }
0x83: {  	_ =	shalt  }
0x84: {  	_ =	shalt  }
0x85: {  	_ =	shalt  }
0x86: {  	_ =	shalt  }
0x87: {  	_ =	shalt  }
.Lfunc_end0:
.L_simem_size_0:
called_computation_lowered:
.L_overlay_start_0:
0x88: {  	s2 =	sld [smem:$0x3FD9]  }
0x89: {  	s3 =	sld [smem:$0x3FFE];
	_ =	sdelay $0x1  }
0x8a: {  	s1 =	srdreg.scid  }
0x8b: {  	s0 =	sand.u32 $0x1, s1  }
0x8c: {  	s16 =	sshll.u32 s0, $0xA;
	s2 =	sadd.s32 s3, s2  }
0x8d: {  	s2 =	sadd.s32 s2, s16  }
0x8e: {  	[smem:$0x3FC6] =	sst s2  }
0x8f: {  	_ = 	snop  }
0x90: {  	(tm) =	ssettm $0x1  }
0x91: {  	s17 =	sld [smem:$0x3FFB];
	_ =	sdelay $0x3  }
0x92: {  	_ =	strace s17  }
0x93: {  	s2 =	sld [smem:$0x3FFC];
	_ =	sdelay $0x3  }
0x94: {  	_ =	strace s2  }
0x95: {  	s2 =	sld [smem:$0x3FFD];
	_ =	sdelay $0x3  }
0x96: {  	_ =	strace s2  }
0x97: {  	_ =	strace $0x8FFFFFFF  }
0x98: {  	s18 =	sld [smem:$0x3FDB];
	_ =	sdelay $0x1  }
0x99: {  	s19 =	simm.s32 $_scs_section_size  }
0x9a: {  	s4 =	simm.s32 $_size__tile_overlayer_lowered;
	s5 =	simm.s32 $_tile_overlayer_lowered  }
0x9b: {  	s22 =	simm.s32 $0x1BFF;
	s21 =	sshll.u32 s5, $0x1;
	s2 =	sadd.s32 s19, s18  }
0x9c: {  	s6 =	simm.s32 $0x0;
	s20 =	sshll.u32 s4, $0x1;
	s4 =	sadd.s32 s21, s2  }
0x9d: {  	[timem:s6], [sflag:s22] =	dma.local [hbm:s4], s20  }
0x9e: {  	_ =	swait.ge [sflag:s22], s20  }
0x9f: {  	s3 =	ssub.s32 $0x0, s20;
	[sflag:s22] =	ssyncset.done $0x0  }
0xa0: {  	[sflag:s22] =	ssyncadd.s32 s3;
	_ =	sdelay $0x1  }
0xa1: {  	s23 =	simm.s32 $0x1B8B  }
0xa2: {  	_ =	swait.ge [sflag:s23], $0x1  }
0xa3: {  	[sflag:s23] =	ssyncset.done $0x0  }
0xa4: {  	s25 =	simm.s32 $0x1B8E;
	s24 =	sld [smem:$0x3FFE];
	[sflag:s23] =	ssyncadd.s32 $0xFFFFFFFF  }
0xa5: {  	s26 =	simm.s32 $execute0_lowered;
	[smem:$0x3FD2] =	sst s25  }
0xa6: {  	s4 =	sshll.u32 s26, $0x1;
	_ =	strace $0x80000046;
	[dreg:$0x1] =	wrdreg $0xFFFFFFFF  }
0xa7: {  	s28 =	simm.s32 $_size_execute0_lowered;
	s2 =	sadd.s32 s2, s4;
	[dreg:$0x0] =	wrdreg $0x0  }
0xa8: {  	s4 =	sshll.u32 s28, $0x1;
	[dreg:$0x2] =	wrdreg s2  }
0xa9: {  	[dreg:$0x3] =	wrdreg s4  }
0xaa: {  	[dreg:$0x4] =	wrdreg $0xC0  }
0xab: {  	_ =	task [dreg:s6], $0x5FFFF  }
0xac: {  	[dreg:$0x1] =	wrdreg $0xFFFFFFFF  }
0xad: {  	[dreg:$0x0] =	wrdreg $0x60  }
0xae: {  	[dreg:$0x2] =	wrdreg s24  }
0xaf: {  	[dreg:$0x3] =	wrdreg $0x9  }
0xb0: {  	_ =	task.clear_ibuf [dreg:s6], $0x4FFFF;
	_ =	strace $0x90000046  }
0xb1: {  	s29 =	simm.s32 $0x9;
	_ =	strace $0x80000048  }
0xb2: {  	_ =	swait.ge [sflag:s29], $0x1  }
0xb3: {  	[sflag:s29] =	ssyncadd.s32 $0xFFFFFFFF  }
0xb4: {  	_ =	strace $0x90000048  }
0xb5: {  	_ =	sfence  }
0xb6: {  	s30 =	sld [smem:$0x0];
	_ =	sdelay $0x2  }
0xb7: {  	s31 =	sshll.u32 s1, $0xD;
	s1 =	sshrl.u32 s1, $0x2  }
0xb8: {  	s3 =	sand.u32 $0x4000, s31;
	s1 =	sadd.s32 s1, s30  }
0xb9: {  	s0 =	sor.u32 s3, s0;
	s1 =	sshll.u32 s1, $0x11  }
0xba: {  	s0 =	sor.u32 s1, s0  }
0xbb: {  	s0 =	sadd.s32 $0x8F2B, s0  }
0xbc: {  	[sflag:s0] =	ssyncadd.remote.s32 $0x1  }
0xbd: {  	_ =	sfence.sel $0xFFFF  }
0xbe: {  	[dreg:$0x0] =	wrdreg $0xFFFFFFFF;
	(pc) =	sbr.abs _section_cstart, $3  }
0xbf: {  	[dreg:$0x1] =	wrdreg $0xFFFFFFFF  }
0xc0: {  	_ =	task.clear_ibuf [dreg:s6], $0x2FFFF;
	_ =	strace $0x9FFFFFFF  }
0xc1: {  	(tm) =	ssettm $0x7FFFFFFF  }
tec
execute0_lowered:
.L_overlay_start_1:
0x0: {  	(tag) =	ssettag $0x1  }
0x1: {  	s0 =	srdreg.scid  }
0x2: {  	s1 =	rddreg [dreg:$0x0];
	s2 =	stileid.u32;
	s25 =	simm.s32 $0x0  }
0x3: {  	s0 =	sand.u32 $0x1, s0;
	[smem:$0x7FF] =	sst s25;
	s5 =	sand.u32 $0x3, s2  }
0x4: {  	s6 =	sshll.u32 s2, $0x7;
	s26 =	sadd.s32 $0x600, s1;
	s3 =	sshll.u32 s0, $0x4  }
0x5: {  	_ =	strace $0x80000047;
	p1 =	sne.s32 s5, $0x0;
	s6 =	sand.u32 $0x380, s6  }
0x6: {  	s0 =	ssub.s32 $0x2, s0;
	s12 =	sshll.u32 s5, $0x13;
	s13 =	sshll.u32 s5, $0x10  }
0x7: {  	[dreg:$0x3] =	wrdreg s26;
	s3 =	sor.u32 s2, s3;
	s2 =	sadd.s32 $0x40600, s1  }
0x8: {  	s7 =	sshrl.u32 s0, $0x1;
	s17 =	sor.u32 $0x4000, s12;
	s30 =	sor.u32 $0x2000, s12  }
0x9: {  	s4 =	sshrl.u32 s3, $0x3;
	p0 =	seq.s32 s3, $0x0;
	[dreg:$0x8] =	wrdreg s17  }
0xa: {  	s3 =	sshrl.u32 s3, $0x2;
	[dreg:$0x12] =	wrdreg s30;
	s4 =	smul.u32 $0x54000, s4  }
0xb: {  	s0 =	ssub.s32 s0, s7;
	[dreg:$0x2] =	wrdreg s2;
	p0 =	por !p1, !p0  }
0xc: {  	p0 =	por !p0, !p0;
	s4 =	sor.u32 s6, s4;
	s6 =	simm.s32 $0x1  }
0xd: {  	s0 =	smax.u32 s0, $0x1;
	s4 =	sshrl.u32 s4, $0x3;
	s6 =	simm.s32 @!p0 $0x0  }
0xe: {  	[dreg:$0xa] =	wrdreg s0;
	s1 =	sadd.s32 s4, s1;
	s3 =	ssub.s32 s3, s6  }
0xf: {  	s11 =	sshll.u32 s3, $0x12;
	s6 =	sshll.u32 s3, $0x7;
	s28 =	smul.u32 $0x600000, s3  }
0x10: {  	s1 =	sadd.s32 $0x640600, s1;
	s4 =	sand.u32 $0xFFE00000, s11;
	s6 =	sand.u32 $0x380, s6  }
0x11: {  	[dreg:$0x9] =	wrdreg s1;
	s29 =	sor.u32 s4, s6;
	s15 =	sshrl.u32 s28, $0x3  }
0x12: {  	s4 =	sadd.s32 s2, s13;
	[dreg:$0x4] =	wrdreg s28;
	s14 =	sor.u32 s12, s29  }
0x13: {  	s4 =	sadd.s32 s15, s4;
	[dreg:$0x5] =	wrdreg s29;
	s5 =	sshrl.u32 s14, $0x3  }
0x14: {  	[dreg:$0x6] =	wrdreg s4;
	s16 =	sadd.s32 s26, s5  }
0x15: {  	s18 =	sadd.s32 $0x80, s16;
	[dreg:$0x7] =	wrdreg s16  }
0x16: {  	s19 =	sadd.s32 $0x100, s16;
	[dreg:$0xb] =	wrdreg s18  }
0x17: {  	s20 =	sadd.s32 $0x180, s16;
	[dreg:$0xc] =	wrdreg s19  }
0x18: {  	s21 =	sadd.s32 $0x200, s16;
	[dreg:$0xd] =	wrdreg s20  }
0x19: {  	s22 =	sadd.s32 $0x280, s16;
	[dreg:$0xe] =	wrdreg s21  }
0x1a: {  	s23 =	sadd.s32 $0x300, s16;
	[dreg:$0xf] =	wrdreg s22  }
0x1b: {  	v0 =	vimm.f32 $0.0e+00;
	s24 =	sadd.s32 $0x380, s16;
	[dreg:$0x10] =	wrdreg s23  }
0x1c: {  	s31 =	simm.s32 $0xC800;
	v1 =	vimm.f32 $1.000000000e+00;
	v2 =	vlaneseq.u32;
	v3 =	vimm.f32 $-1.000000000e+00;
	s3 =	simm.s32 $0x0;
	[dreg:$0x11] =	wrdreg s24  }
.LBB2_1:
0x1d: {  	[dreg:$0x13] =	wrdreg s3;
	s0 =	simm.s32 $0x40;
	s1 =	simm.s32 $0x0  }
.LBB2_2:
0x1e: {  	p0 =	sne.s32 s0, $0x29FC0;
	[tilespmem:s1+$0xC800] =	vst v0;
	s1 =	smov.u32 s0;
	s0 =	sadd.s32 $0x40, s0  }
.Ltmp0:
0x1f: {  	(pc) =	sbr.rel @p0 .LBB2_2-.Ltmp0, $2  }
0x20: {  	_ =	sdelay $0x2  }
0x21: {  	s1 =	sshra.s32 s1, $0x2  }
0x22: {  	s30 =	simm.s32 $0x0  }
0x23: {  	[tilespmem:s1+$0xC800] =	vst v0;
	s0 =	rddreg [dreg:$0x6];
	s8 =	simm.s32 $0x2000;
	s3 =	simm.s32 $0x200000  }
0x24: {  	[tilespmem:s30], [sflag:$0x1] =	stream.strided.gather [hbm4b:s0+s8], $0x6000, s3, s8, $0x38;
	[tilespmem:$0x17000] =	vst v63  }
0x25: {  	s9 =	rddreg [dreg:$0x7];
	s10 =	simm.s32 $0xC000  }
0x26: {  	[tilespmem:s10], [sflag:$0x1] =	stream.linear.gather [hbm4b:s9+s30], $0x80, $0x38;
	[tilespmem:$0x17000] =	vst v63  }
0x27: {  	s11 =	rddreg [dreg:$0xb];
	s12 =	simm.s32 $0xC100  }
0x28: {  	[tilespmem:s12], [sflag:$0x1] =	stream.linear.gather [hbm4b:s11+s30], $0x80, $0x38;
	[tilespmem:$0x17000] =	vst v63  }
0x29: {  	s13 =	rddreg [dreg:$0xc];
	s14 =	simm.s32 $0xC200  }
0x2a: {  	[tilespmem:s14], [sflag:$0x1] =	stream.linear.gather [hbm4b:s13+s30], $0x80, $0x38;
	[tilespmem:$0x17000] =	vst v63  }
0x2b: {  	s15 =	rddreg [dreg:$0xd];
	s16 =	simm.s32 $0xC300  }
0x2c: {  	[tilespmem:s16], [sflag:$0x1] =	stream.linear.gather [hbm4b:s15+s30], $0x80, $0x38;
	[tilespmem:$0x17000] =	vst v63  }
0x2d: {  	s17 =	rddreg [dreg:$0xe];
	s18 =	simm.s32 $0xC400  }
0x2e: {  	[tilespmem:s18], [sflag:$0x1] =	stream.linear.gather [hbm4b:s17+s30], $0x80, $0x38;
	[tilespmem:$0x17000] =	vst v63  }
0x2f: {  	s19 =	rddreg [dreg:$0xf];
	s20 =	simm.s32 $0xC500  }
0x30: {  	[tilespmem:s20], [sflag:$0x1] =	stream.linear.gather [hbm4b:s19+s30], $0x80, $0x38;
	[tilespmem:$0x17000] =	vst v63  }
0x31: {  	s21 =	rddreg [dreg:$0x10];
	s22 =	simm.s32 $0xC600  }
0x32: {  	[tilespmem:s22], [sflag:$0x1] =	stream.linear.gather [hbm4b:s21+s30], $0x80, $0x38;
	[tilespmem:$0x17000] =	vst v63  }
0x33: {  	s23 =	rddreg [dreg:$0x11];
	s24 =	simm.s32 $0xC700  }
0x34: {  	[tilespmem:s24], [sflag:$0x1] =	stream.linear.gather [hbm4b:s23+s30], $0x80, $0x38;
	[tilespmem:$0x17000] =	vst v63  }
.LBB2_4:
0x35: {  	s14 =	sshll.u32 s30, $0xE;
	s0 =	rddreg [dreg:$0x12]  }
0x36: {  	s0 =	sor.u32 s0, s14  }
0x37: {  	s3 =	simm.s32 $0x2000;
	s1 =	sor.u32 s28, s0  }
0x38: {  	s4 =	simm.s32 $0x200000;
	s0 =	sor.u32 s0, s29;
	s1 =	sshrl.u32 s1, $0x3  }
0x39: {  	s5 =	simm.s32 $0x6000;
	s0 =	sshrl.u32 s0, $0x3;
	s1 =	sadd.s32 s2, s1  }
0x3a: {  	[tilespmem:s5], [sflag:$0x2] =	stream.strided.gather [hbm4b:s1+s3], $0x6000, s4, s3, $0x38;
	[tilespmem:$0x17000] =	vst v63  }
0x3b: {  	s9 =	simm.s32 $0xC080;
	s0 =	sadd.s32 s26, s0  }
0x3c: {  	[tilespmem:s9], [sflag:$0x2] =	stream.linear.gather [hbm4b:s0+s25], $0x80, $0x38;
	[tilespmem:$0x17000] =	vst v63  }
0x3d: {  	s11 =	simm.s32 $0xC180;
	s10 =	sadd.s32 $0x80, s0  }
0x3e: {  	[tilespmem:s11], [sflag:$0x2] =	stream.linear.gather [hbm4b:s10+s25], $0x80, $0x38;
	[tilespmem:$0x17000] =	vst v63  }
0x3f: {  	s13 =	simm.s32 $0xC280;
	s12 =	sadd.s32 $0x100, s0  }
0x40: {  	[tilespmem:s13], [sflag:$0x2] =	stream.linear.gather [hbm4b:s12+s25], $0x80, $0x38;
	[tilespmem:$0x17000] =	vst v63  }
0x41: {  	s16 =	simm.s32 $0xC380;
	s15 =	sadd.s32 $0x180, s0  }
0x42: {  	[tilespmem:s16], [sflag:$0x2] =	stream.linear.gather [hbm4b:s15+s25], $0x80, $0x38;
	[tilespmem:$0x17000] =	vst v63  }
0x43: {  	s18 =	simm.s32 $0xC480;
	s17 =	sadd.s32 $0x200, s0  }
0x44: {  	[tilespmem:s18], [sflag:$0x2] =	stream.linear.gather [hbm4b:s17+s25], $0x80, $0x38;
	[tilespmem:$0x17000] =	vst v63  }
0x45: {  	s20 =	simm.s32 $0xC580;
	s19 =	sadd.s32 $0x280, s0  }
0x46: {  	[tilespmem:s20], [sflag:$0x2] =	stream.linear.gather [hbm4b:s19+s25], $0x80, $0x38;
	[tilespmem:$0x17000] =	vst v63  }
0x47: {  	s22 =	simm.s32 $0xC680;
	s21 =	sadd.s32 $0x300, s0  }
0x48: {  	[tilespmem:s22], [sflag:$0x2] =	stream.linear.gather [hbm4b:s21+s25], $0x80, $0x38;
	[tilespmem:$0x17000] =	vst v63  }
0x49: {  	s23 =	simm.s32 $0xC780;
	s24 =	simm.s32 $0x1;
	s0 =	sadd.s32 $0x380, s0  }
0x4a: {  	[tilespmem:s23], [sflag:$0x2] =	stream.linear.gather [hbm4b:s0+s25], $0x80, $0x38;
	[tilespmem:$0x17000] =	vst v63  }
0x4b: {  	_ =	swait.ge [sflag:s24], $0x6000  }
0x4c: {  	[sflag:s24] =	ssyncset.done $0x0  }
0x4d: {  	[sflag:s24] =	ssyncadd.s32 $0xFFFFA000  }
0x4e: {  	_ =	swait.ge [sflag:s24], $0x400  }
0x4f: {  	s15 =	simm.s32 $0xFFFFFFF4;
	[sflag:s24] =	ssyncset.done $0x0  }
0x50: {  	s16 =	simm.s32 $0x580;
	s17 =	simm.s32 $0xB0;
	[sflag:s24] =	ssyncadd.s32 $0xFFFFFC00  }
.LBB2_5:
0x51: {  	s8 =	sadd.s32 $0xFFFFFF50, s17;
	s0 =	sadd.s32 $0xFFFFFA80, s16  }
0x52: {  	s19 =	sand.u32 $0x40, s8;
	s5 =	sand.u32 $0x1C00, s0  }
0x53: {  	s1 =	sor.u32 s19, s5  }
0x54: {  	v4 =	vld [tilespmem:s1+$0x0]  }
0x55: {  	v5 =	vld [tilespmem:s1+$0x80]  }
0x56: {  	v6 =	vld [tilespmem:s1+$0x100]  }
0x57: {  	v7 =	vld [tilespmem:s1+$0x180]  }
0x58: {  	v8 =	vld [tilespmem:s1+$0x200]  }
0x59: {  	v9 =	vld [tilespmem:s1+$0x280];
	v4 =	vmul.f32 $1.442695020e+00, v4  }
0x5a: {  	s0 =	sor.u32 $0x2000, s5;
	v10 =	vld [tilespmem:s1+$0x300];
	v5 =	vmul.f32 $1.442695020e+00, v5  }
0x5b: {  	v11 =	vld [tilespmem:s1+$0x380];
	s3 =	sor.u32 s19, s0;
	s1 =	sor.u32 $0x2080, s5;
	(erf) = vpow2.f32 v4;
	v4 =	vmul.f32 $1.442695020e+00, v6  }
0x5c: {  	v31 =	vld [tilespmem:s3+$0x0];
	s4 =	sor.u32 s19, s1;
	s3 =	sor.u32 $0x2100, s5;
	(erf) = vpow2.f32 v5;
	v5 =	vmul.f32 $1.442695020e+00, v7  }
0x5d: {  	v32 =	vld [tilespmem:s4+$0x0];
	s6 =	sor.u32 s19, s3;
	s4 =	sor.u32 $0x2180, s5;
	(erf) = vpow2.f32 v4;
	v4 =	vmul.f32 $1.442695020e+00, v8  }
0x5e: {  	v33 =	vld [tilespmem:s6+$0x0];
	s7 =	sor.u32 s19, s4;
	s6 =	sor.u32 $0x2200, s5;
	(erf) = vpow2.f32 v5;
	v5 =	vmul.f32 $1.442695020e+00, v9  }
0x5f: {  	v34 =	vld [tilespmem:s7+$0x0];
	s9 =	sor.u32 s19, s6;
	s7 =	sor.u32 $0x2280, s5;
	(erf) = vpow2.f32 v4;
	v4 =	vmul.f32 $1.442695020e+00, v10  }
0x60: {  	v35 =	vld [tilespmem:s9+$0x0];
	s10 =	sor.u32 s19, s7;
	s9 =	sor.u32 $0x2300, s5;
	(erf) = vpow2.f32 v5;
	v5 =	vmul.f32 $1.442695020e+00, v11  }
0x61: {  	v36 =	vld [tilespmem:s10+$0x0];
	s11 =	sor.u32 s19, s9;
	s10 =	sor.u32 $0x2380, s5;
	(erf) = vpow2.f32 v4;
	v4 =	vmul.f32 $1.442695020e+00, v31  }
0x62: {  	v37 =	vld [tilespmem:s11+$0x0];
	s12 =	sor.u32 s19, s10;
	s11 =	sor.u32 $0x4000, s5;
	(erf) = vpow2.f32 v5;
	v5 =	vmul.f32 $1.442695020e+00, v32  }
0x63: {  	v38 =	vld [tilespmem:s12+$0x0];
	s13 =	sor.u32 s19, s11;
	s12 =	sor.u32 $0x4080, s5;
	(erf) = vpow2.f32 v4;
	v4 =	vmul.f32 $1.442695020e+00, v33  }
0x64: {  	s20 =	sor.u32 $0x4100, s5;
	v39 =	vld [tilespmem:s13+$0x0];
	s22 =	sor.u32 s19, s12;
	v12 =	vpop (erf);
	(erf) = vpow2.f32 v5;
	v5 =	vmul.f32 $1.442695020e+00, v34  }
0x65: {  	s21 =	sor.u32 $0x4180, s5;
	s23 =	sor.u32 s19, s20;
	v40 =	vld [tilespmem:s22+$0x0];
	v13 =	vpop (erf);
	(erf) = vpow2.f32 v4;
	v4 =	vmul.f32 $1.442695020e+00, v35  }
0x66: {  	s24 =	sor.u32 s19, s21;
	v41 =	vld [tilespmem:s23+$0x0];
	v14 =	vpop (erf);
	(erf) = vpow2.f32 v5;
	v5 =	vmul.f32 $1.442695020e+00, v36  }
0x67: {  	v42 =	vld [tilespmem:s24+$0x0];
	v15 =	vpop (erf);
	(erf) = vpow2.f32 v4;
	v4 =	vmul.f32 $1.442695020e+00, v37  }
0x68: {  	v43 =	vpop (erf);
	(erf) = vpow2.f32 v5;
	v5 =	vmul.f32 $1.442695020e+00, v38  }
0x69: {  	v44 =	vpop (erf);
	(erf) = vpow2.f32 v4;
	v4 =	vmul.f32 $1.442695020e+00, v39  }
0x6a: {  	v45 =	vpop (erf);
	(erf) = vpow2.f32 v5;
	v5 =	vmul.f32 $1.442695020e+00, v40  }
0x6b: {  	v46 =	vpop (erf);
	(erf) = vpow2.f32 v4;
	v4 =	vmul.f32 $1.442695020e+00, v41  }
0x6c: {  	s22 =	sor.u32 $0x4200, s5;
	v47 =	vpop (erf);
	(erf) = vpow2.f32 v5;
	v5 =	vmul.f32 $1.442695020e+00, v42  }
0x6d: {  	s18 =	sor.u32 s19, s22  }
0x6e: {  	v48 =	vld [tilespmem:s18+$0x0];
	v16 =	vpop (erf)  }
0x6f: {  	(erf) = vpow2.f32 v4;
	v4 =	vpop (erf)  }
0x70: {  	(erf) = vpow2.f32 v5;
	v5 =	vpop (erf)  }
0x71: {  	v17 =	vpop (erf)  }
0x72: {  	v18 =	vpop (erf)  }
0x73: {  	v11 =	vmul.f32 $1.442695020e+00, v48;
	v19 =	vpop (erf)  }
0x74: {  	v20 =	vpop (erf)  }
0x75: {  	v49 =	vadd.f32 v13, v12;
	v22 =	vadd.f32 v15, v14;
	v21 =	vpop (erf);
	(erf) = vpow2.f32 v11  }
0x76: {  	v24 =	vadd.f32 v44, v43;
	v25 =	vadd.f32 v46, v45  }
0x77: {  	v27 =	vadd.f32 v16, v47;
	v28 =	vadd.f32 v5, v4  }
0x78: {  	v50 =	vadd.f32 v25, v24;
	v30 =	vadd.f32 v18, v17;
	v23 =	vpop (erf)  }
0x79: {  	v51 =	vadd.f32 v28, v27;
	v31 =	vadd.f32 v20, v19;
	v26 =	vpop (erf)  }
0x7a: {  	v11 =	vadd.f32 v22, v49;
	v32 =	vadd.f32 v23, v21;
	v29 =	vpop (erf)  }
0x7b: {  	v52 =	vadd.f32 v31, v30;
	v33 =	vadd.f32 v29, v26  }
0x7c: {  	v11 =	vadd.f32 v50, v11  }
0x7d: {  	v54 =	vadd.f32 v52, v51;
	v53 =	vadd.f32 v33, v32  }
0x7e: {  	v55 =	vpop (erf)  }
0x7f: {  	v11 =	vadd.f32 v54, v11;
	v56 =	vadd.f32 v53, v55;
	_ =	sdelay $0x1  }
0x80: {  	v11 =	vadd.f32 v56, v11;
	_ =	sdelay $0x1  }
0x81: {  	(erf) = vrcp.f32 v11;
	_ =	sdelay $0x8  }
0x82: {  	v11 =	vpop (erf)  }
0x83: {  	v11 =	vmul.f32 $1.024000000e+03, v11;
	_ =	sdelay $0x1  }
0x84: {  	v40 =	vmov s8;
	v12 =	vmul.f32 v11, v12  }
0x85: {  	v42 =	vor.u32 s8, v2;
	v13 =	vmul.f32 v11, v13;
	v14 =	vmul.f32 v11, v14  }
0x86: {  	v15 =	vmul.f32 v11, v15;
	v6 =	vmul.f32 v11, v43;
	v12 =	vadd.f32 $1.258291200e+07, v12  }
0x87: {  	v7 =	vmul.f32 v11, v44;
	v8 =	vmul.f32 v11, v45;
	v13 =	vadd.f32 $1.258291200e+07, v13  }
0x88: {  	v9 =	vmul.f32 v11, v46;
	v14 =	vadd.f32 $1.258291200e+07, v14;
	v12 =	vadd.s32 $0xB4C00000, v12  }
0x89: {  	s23 =	sshrl.u32 s5, $0x2;
	v10 =	vmul.f32 v11, v47;
	v15 =	vadd.f32 $1.258291200e+07, v15;
	v13 =	vadd.s32 $0xB4C00400, v13  }
0x8a: {  	s23 =	sor.u32 $0xC000, s23;
	v16 =	vmul.f32 v11, v16;
	v6 =	vadd.f32 $1.258291200e+07, v6;
	v14 =	vadd.s32 $0xB4C00800, v14  }
0x8b: {  	s13 =	sor.u32 s19, s23;
	v4 =	vmul.f32 v11, v4;
	v7 =	vadd.f32 $1.258291200e+07, v7;
	v15 =	vadd.s32 $0xB4C00C00, v15  }
0x8c: {  	v57 =	vld [tilespmem:s13+$0x0];
	v5 =	vmul.f32 v11, v5;
	v8 =	vadd.f32 $1.258291200e+07, v8;
	v6 =	vadd.s32 $0xB4C01000, v6  }
0x8d: {  	v59 =	vmul.f32 v11, v17;
	v9 =	vadd.f32 $1.258291200e+07, v9;
	v7 =	vadd.s32 $0xB4C01400, v7;
	[tilespmem:v12+s31+$0x0] =	vst.idx.add.f32.msk $0xffff, v1  }
0x8e: {  	v60 =	vmul.f32 v11, v18;
	v10 =	vadd.f32 $1.258291200e+07, v10;
	v8 =	vadd.s32 $0xB4C01800, v8;
	[tilespmem:v13+s31+$0x0] =	vst.idx.add.f32.msk $0xffff, v1  }
0x8f: {  	v62 =	vmul.f32 v11, v19;
	v58 =	vadd.f32 $1.258291200e+07, v16;
	v9 =	vadd.s32 $0xB4C01C00, v9;
	[tilespmem:v14+s31+$0x0] =	vst.idx.add.f32.msk $0xffff, v1  }
0x90: {  	v27 =	vmul.f32 v11, v20;
	v4 =	vadd.f32 $1.258291200e+07, v4;
	v10 =	vadd.s32 $0xB4C02000, v10;
	[tilespmem:v15+s31+$0x0] =	vst.idx.add.f32.msk $0xffff, v1  }
0x91: {  	v28 =	vmul.f32 v11, v21;
	v5 =	vadd.f32 $1.258291200e+07, v5;
	v12 =	vadd.s32 $0xB4C02400, v58;
	[tilespmem:v6+s31+$0x0] =	vst.idx.add.f32.msk $0xffff, v1  }
0x92: {  	v30 =	vmul.f32 v11, v23;
	v4 =	vadd.s32 $0xB4C02800, v4;
	v13 =	vadd.f32 $1.258291200e+07, v59;
	[tilespmem:v7+s31+$0x0] =	vst.idx.add.f32.msk $0xffff, v1  }
0x93: {  	v32 =	vmul.f32 v11, v26;
	v61 =	vadd.f32 $1.258291200e+07, v60;
	v5 =	vadd.s32 $0xB4C02C00, v5;
	[tilespmem:v8+s31+$0x0] =	vst.idx.add.f32.msk $0xffff, v1  }
0x94: {  	v33 =	vmul.f32 v11, v29;
	v63 =	vadd.s32 $0xB4C03000, v13;
	v6 =	vadd.f32 $1.258291200e+07, v62;
	[tilespmem:v9+s31+$0x0] =	vst.idx.add.f32.msk $0xffff, v1  }
0x95: {  	v38 =	vmul.f32 v11, v55;
	v31 =	vadd.f32 $1.258291200e+07, v27;
	v25 =	vadd.s32 $0xB4C03400, v61;
	[tilespmem:v10+s31+$0x0] =	vst.idx.add.f32.msk $0xffff, v1  }
0x96: {  	v43 =	vshll.u32 v57, $0xA;
	v6 =	vadd.s32 $0xB4C03800, v6;
	v8 =	vadd.f32 $1.258291200e+07, v28;
	[tilespmem:v12+s31+$0x0] =	vst.idx.add.f32.msk $0xffff, v1  }
0x97: {  	v45 =	vshll.u32 v57, $0x7;
	v34 =	vadd.f32 $1.258291200e+07, v30;
	v9 =	vadd.s32 $0xB4C03C00, v31;
	[tilespmem:v4+s31+$0x0] =	vst.idx.add.f32.msk $0xffff, v1  }
0x98: {  	v35 =	vadd.f32 $1.258291200e+07, v32;
	v36 =	vadd.f32 $1.258291200e+07, v33;
	v4 =	vadd.s32 $0xB4C04000, v8;
	[tilespmem:v5+s31+$0x0] =	vst.idx.add.f32.msk $0xffff, v1  }
0x99: {  	v41 =	vadd.f32 $1.258291200e+07, v38;
	v37 =	vadd.s32 $0xB4C04400, v34;
	v14 =	vshll.u32 v40, $0x3;
	[tilespmem:v63+s31+$0x0] =	vst.idx.add.f32.msk $0xffff, v1  }
0x9a: {  	v14 =	vand.u32 $0x1C00, v14;
	v10 =	vand.u32 $0x4F, v42;
	v5 =	vadd.s32 $0xB4C04800, v35;
	[tilespmem:v25+s31+$0x0] =	vst.idx.add.f32.msk $0xffff, v1  }
0x9b: {  	v44 =	vand.u32 $0xFFFFE000, v43;
	v39 =	vadd.s32 $0xB4C04C00, v36;
	v10 =	vor.u32 v14, v10;
	[tilespmem:v6+s31+$0x0] =	vst.idx.add.f32.msk $0xffff, v1  }
0x9c: {  	v46 =	vand.u32 $0x380, v45;
	v7 =	vadd.s32 $0xB4C05000, v41;
	v6 =	vor.u32 v44, v10;
	[tilespmem:v9+s31+$0x0] =	vst.idx.add.f32.msk $0xffff, v1  }
0x9d: {  	[tilespmem:v4+s31+$0x0] =	vst.idx.add.f32.msk $0xffff, v1;
	v4 =	vor.u32 v46, v6  }
0x9e: {  	[tilespmem:v37+s31+$0x0] =	vst.idx.add.f32.msk $0xffff, v1  }
0x9f: {  	[tilespmem:v5+s31+$0x0] =	vst.idx.add.f32.msk $0xffff, v1  }
0xa0: {  	[tilespmem:v39+s31+$0x0] =	vst.idx.add.f32.msk $0xffff, v1  }
0xa1: {  	s18 =	simm.s32 $0x0;
	[tilespmem:v7+s31+$0x0] =	vst.idx.add.f32.msk $0xffff, v1  }
0xa2: {  	v4 =	vld.idx.msk [tilespmem:v4+s18+$0x0], $0xffff;
	_ =	sdelay $0x4  }
0xa3: {  	v4 =	vmul.f32 $1.442695020e+00, v4;
	_ =	sdelay $0x1  }
0xa4: {  	(erf) = vpow2.f32 v4;
	_ =	sdelay $0x8  }
0xa5: {  	v4 =	vpop (erf)  }
0xa6: {  	v4 =	vmul.f32 v4, v11;
	_ =	sdelay $0x1  }
0xa7: {  	v5 =	vsub.f32 $1.024000000e+03, v4;
	_ =	sdelay $0x1  }
0xa8: {  	s8 =	sadd.s32 $0xFFFFFF60, s17;
	v4 =	vadd.f32 $1.258291200e+07, v4;
	v5 =	vadd.f32 $1.258291200e+07, v5  }
0xa9: {  	s13 =	sand.u32 $0x50, s8  }
0xaa: {  	s24 =	sor.u32 s13, s23;
	v4 =	vadd.s32 $0xB4C00000, v4;
	v5 =	vadd.s32 $0xB4C00000, v5  }
0xab: {  	v6 =	vld [tilespmem:s24+$0x0];
	s24 =	sor.u32 s13, s5;
	vm1 =	vlt.s32 v4, $0x3FF;
	vm0 =	vlt.s32 v5, $0x3FF  }
0xac: {  	v49 =	vld [tilespmem:s24+$0x100];
	v4 =	vnsel vm1, $0x3FF, v4;
	v5 =	vnsel vm0, $0x3FF, v5  }
0xad: {  	v50 =	vld [tilespmem:s24+$0x180];
	v4 =	vadd.s32 v43, v4;
	v47 =	vadd.s32 v43, v5  }
0xae: {  	v51 =	vld [tilespmem:s24+$0x200];
	v5 =	vand.u32 $0x7F, v5;
	v48 =	vand.u32 $0xFFFFFF80, v47  }
0xaf: {  	v52 =	vld [tilespmem:s24+$0x280];
	v5 =	vor.u32 v5, v48  }
0xb0: {  	v53 =	vld [tilespmem:s24+$0x300];
	v5 =	vadd.s32 $0x5400, v5  }
0xb1: {  	v54 =	vld [tilespmem:s24+$0x380]  }
0xb2: {  	[tilespmem:v4+s31+$0x0] =	vst.idx.add.f32.msk $0xffff, v3  }
0xb3: {  	v4 =	vld [tilespmem:s24+$0x0]  }
0xb4: {  	[tilespmem:v47+s31+$0x0] =	vst.idx.add.f32.msk $0xffff, v1  }
0xb5: {  	[tilespmem:v5+s31+$0x0] =	vst.idx.add.f32.msk $0xffff, v1  }
0xb6: {  	v5 =	vld [tilespmem:s24+$0x80];
	s24 =	sor.u32 s13, s0  }
0xb7: {  	v55 =	vld [tilespmem:s24+$0x0];
	s24 =	sor.u32 s13, s1  }
0xb8: {  	v4 =	vmul.f32 $1.442695020e+00, v4;
	v56 =	vld [tilespmem:s24+$0x0];
	s24 =	sor.u32 s13, s3  }
0xb9: {  	v57 =	vld [tilespmem:s24+$0x0];
	s24 =	sor.u32 s13, s4  }
0xba: {  	(erf) = vpow2.f32 v4;
	v58 =	vld [tilespmem:s24+$0x0];
	s24 =	sor.u32 s13, s6  }
0xbb: {  	v59 =	vld [tilespmem:s24+$0x0];
	s24 =	sor.u32 s13, s7  }
0xbc: {  	v4 =	vld [tilespmem:s24+$0x0];
	s24 =	sor.u32 s13, s9  }
0xbd: {  	v60 =	vld [tilespmem:s24+$0x0];
	s24 =	sor.u32 s13, s10  }
0xbe: {  	v61 =	vld [tilespmem:s24+$0x0];
	s24 =	sor.u32 s13, s11  }
0xbf: {  	v62 =	vld [tilespmem:s24+$0x0];
	s24 =	sor.u32 s13, s12  }
0xc0: {  	v63 =	vld [tilespmem:s24+$0x0];
	s24 =	sor.u32 s13, s20  }
0xc1: {  	v28 =	vld [tilespmem:s24+$0x0];
	s24 =	sor.u32 s13, s21  }
0xc2: {  	v5 =	vmul.f32 $1.442695020e+00, v5;
	s13 =	sor.u32 s13, s22;
	v29 =	vld [tilespmem:s24+$0x0]  }
0xc3: {  	v7 =	vmul.f32 $1.442695020e+00, v49;
	v30 =	vld [tilespmem:s13+$0x0];
	v25 =	vpop (erf)  }
0xc4: {  	(erf) = vpow2.f32 v5;
	v5 =	vmul.f32 $1.442695020e+00, v50  }
0xc5: {  	v31 =	vmul.f32 $1.442695020e+00, v51;
	(erf) = vpow2.f32 v7  }
0xc6: {  	(erf) = vpow2.f32 v5;
	v5 =	vmul.f32 $1.442695020e+00, v52  }
0xc7: {  	v32 =	vmul.f32 $1.442695020e+00, v53;
	(erf) = vpow2.f32 v31  }
0xc8: {  	(erf) = vpow2.f32 v5;
	v5 =	vmul.f32 $1.442695020e+00, v54  }
0xc9: {  	v33 =	vmul.f32 $1.442695020e+00, v55;
	(erf) = vpow2.f32 v32  }
0xca: {  	(erf) = vpow2.f32 v5;
	v5 =	vmul.f32 $1.442695020e+00, v56  }
0xcb: {  	v34 =	vmul.f32 $1.442695020e+00, v57;
	(erf) = vpow2.f32 v33  }
0xcc: {  	(erf) = vpow2.f32 v5;
	v5 =	vmul.f32 $1.442695020e+00, v58  }
0xcd: {  	v35 =	vmul.f32 $1.442695020e+00, v59;
	v8 =	vpop (erf);
	(erf) = vpow2.f32 v34  }
0xce: {  	v4 =	vmul.f32 $1.442695020e+00, v4;
	v9 =	vpop (erf);
	(erf) = vpow2.f32 v5  }
0xcf: {  	v5 =	vmul.f32 $1.442695020e+00, v60;
	v36 =	vpop (erf);
	(erf) = vpow2.f32 v35  }
0xd0: {  	v37 =	vpop (erf);
	(erf) = vpow2.f32 v4;
	v4 =	vmul.f32 $1.442695020e+00, v61  }
0xd1: {  	v38 =	vpop (erf);
	(erf) = vpow2.f32 v5;
	v5 =	vmul.f32 $1.442695020e+00, v62  }
0xd2: {  	v39 =	vpop (erf);
	(erf) = vpow2.f32 v4;
	v4 =	vmul.f32 $1.442695020e+00, v63  }
0xd3: {  	v40 =	vpop (erf);
	(erf) = vpow2.f32 v5  }
0xd4: {  	v41 =	vpop (erf);
	(erf) = vpow2.f32 v4;
	v4 =	vmul.f32 $1.442695020e+00, v29  }
0xd5: {  	v5 =	vmul.f32 $1.442695020e+00, v28  }
0xd6: {  	v42 =	vpop (erf)  }
0xd7: {  	(erf) = vpow2.f32 v5;
	v43 =	vpop (erf)  }
0xd8: {  	(erf) = vpow2.f32 v4;
	v4 =	vpop (erf)  }
0xd9: {  	v44 =	vpop (erf)  }
0xda: {  	v45 =	vpop (erf)  }
0xdb: {  	v5 =	vmul.f32 $1.442695020e+00, v30;
	v46 =	vpop (erf)  }
0xdc: {  	v47 =	vpop (erf)  }
0xdd: {  	v51 =	vadd.f32 v38, v37;
	v52 =	vadd.f32 v40, v39;
	v48 =	vpop (erf);
	(erf) = vpow2.f32 v5  }
0xde: {  	v49 =	vadd.f32 v36, v9;
	v54 =	vadd.f32 v42, v41  }
0xdf: {  	v60 =	vadd.f32 v52, v51;
	v55 =	vadd.f32 v4, v43  }
0xe0: {  	v57 =	vadd.f32 v45, v44;
	v5 =	vadd.f32 v8, v25;
	v50 =	vpop (erf)  }
0xe1: {  	v61 =	vadd.f32 v55, v54;
	v58 =	vadd.f32 v47, v46;
	v53 =	vpop (erf)  }
0xe2: {  	v59 =	vadd.f32 v50, v48;
	v5 =	vadd.f32 v49, v5;
	v56 =	vpop (erf)  }
0xe3: {  	v62 =	vadd.f32 v58, v57;
	v34 =	vadd.f32 v56, v53  }
0xe4: {  	v5 =	vadd.f32 v60, v5  }
0xe5: {  	v31 =	vadd.f32 v62, v61;
	v63 =	vadd.f32 v34, v59  }
0xe6: {  	v32 =	vpop (erf)  }
0xe7: {  	v5 =	vadd.f32 v31, v5;
	v33 =	vadd.f32 v63, v32;
	_ =	sdelay $0x1  }
0xe8: {  	v5 =	vadd.f32 v33, v5;
	_ =	sdelay $0x1  }
0xe9: {  	(erf) = vrcp.f32 v5;
	_ =	sdelay $0x8  }
0xea: {  	v5 =	vpop (erf)  }
0xeb: {  	v5 =	vmul.f32 $1.024000000e+03, v5;
	_ =	sdelay $0x1  }
0xec: {  	v62 =	vor.u32 s8, v2;
	v34 =	vmul.f32 v5, v25  }
0xed: {  	v17 =	vand.u32 $0x5F, v62;
	v8 =	vmul.f32 v5, v8;
	v9 =	vmul.f32 v5, v9  }
0xee: {  	v10 =	vmul.f32 v5, v36;
	v7 =	vmul.f32 v5, v37;
	v22 =	vadd.f32 $1.258291200e+07, v34  }
0xef: {  	v11 =	vmul.f32 v5, v38;
	v12 =	vmul.f32 v5, v39;
	v8 =	vadd.f32 $1.258291200e+07, v8  }
0xf0: {  	v13 =	vmul.f32 v5, v40;
	v9 =	vadd.f32 $1.258291200e+07, v9;
	v22 =	vadd.s32 $0xB4C00000, v22  }
0xf1: {  	v14 =	vmul.f32 v5, v41;
	v10 =	vadd.f32 $1.258291200e+07, v10;
	v8 =	vadd.s32 $0xB4C00400, v8  }
0xf2: {  	v15 =	vmul.f32 v5, v42;
	v7 =	vadd.f32 $1.258291200e+07, v7;
	v9 =	vadd.s32 $0xB4C00800, v9  }
0xf3: {  	v16 =	vmul.f32 v5, v43;
	v11 =	vadd.f32 $1.258291200e+07, v11;
	v10 =	vadd.s32 $0xB4C00C00, v10  }
0xf4: {  	v4 =	vmul.f32 v5, v4;
	v12 =	vadd.f32 $1.258291200e+07, v12;
	v7 =	vadd.s32 $0xB4C01000, v7  }
0xf5: {  	v36 =	vmul.f32 v5, v44;
	v13 =	vadd.f32 $1.258291200e+07, v13;
	v11 =	vadd.s32 $0xB4C01400, v11;
	[tilespmem:v22+s31+$0x0] =	vst.idx.add.f32.msk $0xffff, v1  }
0xf6: {  	v37 =	vmul.f32 v5, v45;
	v14 =	vadd.f32 $1.258291200e+07, v14;
	v12 =	vadd.s32 $0xB4C01800, v12;
	[tilespmem:v8+s31+$0x0] =	vst.idx.add.f32.msk $0xffff, v1  }
0xf7: {  	v43 =	vmul.f32 v5, v46;
	v35 =	vadd.f32 $1.258291200e+07, v15;
	v13 =	vadd.s32 $0xB4C01C00, v13;
	[tilespmem:v9+s31+$0x0] =	vst.idx.add.f32.msk $0xffff, v1  }
0xf8: {  	v45 =	vmul.f32 v5, v47;
	v39 =	vadd.f32 $1.258291200e+07, v16;
	v38 =	vadd.s32 $0xB4C02000, v14;
	[tilespmem:v10+s31+$0x0] =	vst.idx.add.f32.msk $0xffff, v1  }
0xf9: {  	v47 =	vmul.f32 v5, v48;
	v4 =	vadd.f32 $1.258291200e+07, v4;
	v8 =	vadd.s32 $0xB4C02400, v35;
	[tilespmem:v7+s31+$0x0] =	vst.idx.add.f32.msk $0xffff, v1  }
0xfa: {  	v48 =	vmul.f32 v5, v50;
	v40 =	vadd.f32 $1.258291200e+07, v36;
	v42 =	vadd.s32 $0xB4C02800, v39;
	[tilespmem:v11+s31+$0x0] =	vst.idx.add.f32.msk $0xffff, v1  }
0xfb: {  	v50 =	vmul.f32 v5, v53;
	v41 =	vadd.f32 $1.258291200e+07, v37;
	v4 =	vadd.s32 $0xB4C02C00, v4;
	[tilespmem:v12+s31+$0x0] =	vst.idx.add.f32.msk $0xffff, v1  }
0xfc: {  	v51 =	vmul.f32 v5, v56;
	v46 =	vadd.f32 $1.258291200e+07, v43;
	v10 =	vadd.s32 $0xB4C03000, v40;
	[tilespmem:v13+s31+$0x0] =	vst.idx.add.f32.msk $0xffff, v1  }
0xfd: {  	v60 =	vmul.f32 v5, v32;
	v49 =	vadd.f32 $1.258291200e+07, v45;
	v44 =	vadd.s32 $0xB4C03400, v41;
	[tilespmem:v38+s31+$0x0] =	vst.idx.add.f32.msk $0xffff, v1  }
0xfe: {  	v53 =	vadd.f32 $1.258291200e+07, v47;
	v54 =	vadd.f32 $1.258291200e+07, v48;
	v52 =	vadd.s32 $0xB4C03800, v46;
	[tilespmem:v8+s31+$0x0] =	vst.idx.add.f32.msk $0xffff, v1  }
0xff: {  	v56 =	vadd.f32 $1.258291200e+07, v50;
	v57 =	vadd.f32 $1.258291200e+07, v51;
	v55 =	vadd.s32 $0xB4C03C00, v49;
	[tilespmem:v42+s31+$0x0] =	vst.idx.add.f32.msk $0xffff, v1  }
0x100: {  	v61 =	vadd.f32 $1.258291200e+07, v60;
	v58 =	vadd.s32 $0xB4C04000, v53;
	[tilespmem:v4+s31+$0x0] =	vst.idx.add.f32.msk $0xffff, v1;
	v4 =	vmov s8  }
0x101: {  	v59 =	vadd.s32 $0xB4C04400, v54;
	v15 =	vadd.s32 $0xB4C04C00, v57;
	[tilespmem:v10+s31+$0x0] =	vst.idx.add.f32.msk $0xffff, v1;
	v63 =	vshll.u32 v4, $0x3  }
0x102: {  	v13 =	vadd.s32 $0xB4C04800, v56;
	v4 =	vshll.u32 v6, $0xA;
	[tilespmem:v44+s31+$0x0] =	vst.idx.add.f32.msk $0xffff, v1;
	v18 =	vand.u32 $0x1C00, v63  }
0x103: {  	v6 =	vshll.u32 v6, $0x7;
	v19 =	vand.u32 $0xFFFFE000, v4;
	[tilespmem:v52+s31+$0x0] =	vst.idx.add.f32.msk $0xffff, v1;
	v11 =	vor.u32 v18, v17  }
0x104: {  	v20 =	vadd.s32 $0xB4C05000, v61;
	v6 =	vand.u32 $0x380, v6;
	[tilespmem:v55+s31+$0x0] =	vst.idx.add.f32.msk $0xffff, v1;
	v9 =	vor.u32 v19, v11  }
0x105: {  	[tilespmem:v58+s31+$0x0] =	vst.idx.add.f32.msk $0xffff, v1;
	v6 =	vor.u32 v6, v9  }
0x106: {  	[tilespmem:v59+s31+$0x0] =	vst.idx.add.f32.msk $0xffff, v1  }
0x107: {  	[tilespmem:v13+s31+$0x0] =	vst.idx.add.f32.msk $0xffff, v1  }
0x108: {  	s8 =	sadd.s32 $0xFFFFFF70, s17;
	[tilespmem:v15+s31+$0x0] =	vst.idx.add.f32.msk $0xffff, v1  }
0x109: {  	s13 =	sand.u32 $0x60, s8;
	[tilespmem:v20+s31+$0x0] =	vst.idx.add.f32.msk $0xffff, v1  }
0x10a: {  	s24 =	sor.u32 s13, s5;
	v6 =	vld.idx.msk [tilespmem:v6+s18+$0x0], $0xffff  }
0x10b: {  	v21 =	vld [tilespmem:s24+$0x0]  }
0x10c: {  	v22 =	vld [tilespmem:s24+$0x80]  }
0x10d: {  	v23 =	vld [tilespmem:s24+$0x100]  }
0x10e: {  	v24 =	vld [tilespmem:s24+$0x180]  }
0x10f: {  	v25 =	vld [tilespmem:s24+$0x200];
	v6 =	vmul.f32 $1.442695020e+00, v6  }
0x110: {  	v26 =	vld [tilespmem:s24+$0x280];
	v7 =	vmul.f32 $1.442695020e+00, v21  }
0x111: {  	v27 =	vld [tilespmem:s24+$0x300];
	v8 =	vmul.f32 $1.442695020e+00, v22;
	(erf) = vpow2.f32 v6  }
0x112: {  	v28 =	vld [tilespmem:s24+$0x380];
	s24 =	sor.u32 s13, s0;
	v29 =	vmul.f32 $1.442695020e+00, v23;
	(erf) = vpow2.f32 v7  }
0x113: {  	v30 =	vld [tilespmem:s24+$0x0];
	s24 =	sor.u32 s13, s1;
	v31 =	vmul.f32 $1.442695020e+00, v24;
	(erf) = vpow2.f32 v8  }
0x114: {  	v32 =	vld [tilespmem:s24+$0x0];
	s24 =	sor.u32 s13, s3;
	v33 =	vmul.f32 $1.442695020e+00, v25;
	(erf) = vpow2.f32 v29  }
0x115: {  	v34 =	vld [tilespmem:s24+$0x0];
	s24 =	sor.u32 s13, s4;
	v35 =	vmul.f32 $1.442695020e+00, v26;
	(erf) = vpow2.f32 v31  }
0x116: {  	v36 =	vld [tilespmem:s24+$0x0];
	s24 =	sor.u32 s13, s6;
	v6 =	vmul.f32 $1.442695020e+00, v27;
	(erf) = vpow2.f32 v33  }
0x117: {  	v37 =	vld [tilespmem:s24+$0x0];
	s24 =	sor.u32 s13, s7;
	v38 =	vmul.f32 $1.442695020e+00, v28;
	(erf) = vpow2.f32 v35  }
0x118: {  	v39 =	vld [tilespmem:s24+$0x0];
	s24 =	sor.u32 s13, s9;
	v40 =	vmul.f32 $1.442695020e+00, v30;
	(erf) = vpow2.f32 v6  }
0x119: {  	v41 =	vld [tilespmem:s24+$0x0];
	s24 =	sor.u32 s13, s10;
	v10 =	vmul.f32 $1.442695020e+00, v32;
	(erf) = vpow2.f32 v38  }
0x11a: {  	v42 =	vld [tilespmem:s24+$0x0];
	s24 =	sor.u32 s13, s11;
	v43 =	vmul.f32 $1.442695020e+00, v34;
	v7 =	vpop (erf);
	(erf) = vpow2.f32 v40  }
0x11b: {  	v44 =	vld [tilespmem:s24+$0x0];
	v45 =	vmul.f32 $1.442695020e+00, v36;
	v15 =	vpop (erf);
	(erf) = vpow2.f32 v10  }
0x11c: {  	v47 =	vmul.f32 $1.442695020e+00, v37;
	v16 =	vpop (erf);
	(erf) = vpow2.f32 v43  }
0x11d: {  	s24 =	sor.u32 s13, s12;
	v8 =	vmul.f32 $1.442695020e+00, v39;
	v17 =	vpop (erf);
	(erf) = vpow2.f32 v45  }
0x11e: {  	v46 =	vld [tilespmem:s24+$0x0];
	s24 =	sor.u32 s13, s20;
	v50 =	vmul.f32 $1.442695020e+00, v41;
	v18 =	vpop (erf);
	(erf) = vpow2.f32 v47  }
0x11f: {  	v48 =	vld [tilespmem:s24+$0x0];
	s24 =	sor.u32 s13, s21;
	v51 =	vmul.f32 $1.442695020e+00, v42;
	v9 =	vpop (erf);
	(erf) = vpow2.f32 v8  }
0x120: {  	v49 =	vld [tilespmem:s24+$0x0];
	v52 =	vmul.f32 $1.442695020e+00, v44;
	v13 =	vpop (erf);
	(erf) = vpow2.f32 v50  }
0x121: {  	v11 =	vpop (erf);
	(erf) = vpow2.f32 v51  }
0x122: {  	v12 =	vpop (erf);
	(erf) = vpow2.f32 v52  }
0x123: {  	s24 =	sor.u32 s13, s22;
	v53 =	vmul.f32 $1.442695020e+00, v46;
	v14 =	vpop (erf)  }
0x124: {  	v56 =	vld [tilespmem:s24+$0x0];
	v54 =	vmul.f32 $1.442695020e+00, v48;
	v19 =	vpop (erf)  }
0x125: {  	v55 =	vmul.f32 $1.442695020e+00, v49;
	(erf) = vpow2.f32 v53;
	v57 =	vpop (erf)  }
0x126: {  	(erf) = vpow2.f32 v54;
	v58 =	vpop (erf)  }
0x127: {  	(erf) = vpow2.f32 v55;
	v59 =	vpop (erf)  }
0x128: {  	v60 =	vpop (erf)  }
0x129: {  	v61 =	vmul.f32 $1.442695020e+00, v56;
	v23 =	vpop (erf)  }
0x12a: {  	v10 =	vpop (erf)  }
0x12b: {  	v62 =	vadd.f32 v16, v15;
	v63 =	vadd.f32 v18, v17;
	v24 =	vpop (erf);
	(erf) = vpow2.f32 v61  }
0x12c: {  	v41 =	vadd.f32 v13, v9;
	v42 =	vadd.f32 v12, v11  }
0x12d: {  	v6 =	vadd.f32 v63, v62;
	v44 =	vadd.f32 v19, v14  }
0x12e: {  	v49 =	vadd.f32 v42, v41;
	v45 =	vadd.f32 v58, v57;
	v40 =	vpop (erf)  }
0x12f: {  	v47 =	vadd.f32 v60, v59;
	v48 =	vadd.f32 v10, v23;
	v43 =	vpop (erf)  }
0x130: {  	v50 =	vadd.f32 v45, v44;
	v35 =	vadd.f32 v40, v24;
	v46 =	vpop (erf)  }
0x131: {  	v51 =	vadd.f32 v48, v47;
	v36 =	vadd.f32 v46, v43  }
0x132: {  	v6 =	vadd.f32 v49, v6  }
0x133: {  	v53 =	vadd.f32 v51, v50;
	v52 =	vadd.f32 v36, v35  }
0x134: {  	v54 =	vpop (erf)  }
0x135: {  	v6 =	vadd.f32 v53, v6;
	v55 =	vadd.f32 v52, v54;
	_ =	sdelay $0x1  }
0x136: {  	v6 =	vadd.f32 v55, v6;
	_ =	sdelay $0x1  }
0x137: {  	(erf) = vrcp.f32 v6;
	_ =	sdelay $0x8  }
0x138: {  	v6 =	vpop (erf)  }
0x139: {  	v6 =	vmul.f32 $1.024000000e+03, v6;
	_ =	sdelay $0x1  }
0x13a: {  	v15 =	vmul.f32 v6, v15;
	v16 =	vmul.f32 v6, v16  }
0x13b: {  	v42 =	vor.u32 s8, v2;
	v17 =	vmul.f32 v6, v17;
	v18 =	vmul.f32 v6, v18  }
0x13c: {  	v9 =	vmul.f32 v6, v9;
	v13 =	vmul.f32 v6, v13;
	v15 =	vadd.f32 $1.258291200e+07, v15  }
0x13d: {  	v11 =	vmul.f32 v6, v11;
	v12 =	vmul.f32 v6, v12;
	v16 =	vadd.f32 $1.258291200e+07, v16  }
0x13e: {  	v14 =	vmul.f32 v6, v14;
	v17 =	vadd.f32 $1.258291200e+07, v17;
	v15 =	vadd.s32 $0xB4C00000, v15  }
0x13f: {  	v19 =	vmul.f32 v6, v19;
	v18 =	vadd.f32 $1.258291200e+07, v18;
	v16 =	vadd.s32 $0xB4C00400, v16  }
0x140: {  	v57 =	vmul.f32 v6, v57;
	v9 =	vadd.f32 $1.258291200e+07, v9;
	v17 =	vadd.s32 $0xB4C00800, v17  }
0x141: {  	s13 =	sor.u32 s13, s23;
	v8 =	vmul.f32 v6, v58;
	v13 =	vadd.f32 $1.258291200e+07, v13;
	v18 =	vadd.s32 $0xB4C00C00, v18  }
0x142: {  	v56 =	vld [tilespmem:s13+$0x0];
	v59 =	vmul.f32 v6, v59;
	v11 =	vadd.f32 $1.258291200e+07, v11;
	v9 =	vadd.s32 $0xB4C01000, v9  }
0x143: {  	v60 =	vmul.f32 v6, v60;
	v12 =	vadd.f32 $1.258291200e+07, v12;
	v13 =	vadd.s32 $0xB4C01400, v13;
	[tilespmem:v15+s31+$0x0] =	vst.idx.add.f32.msk $0xffff, v1  }
0x144: {  	v20 =	vmul.f32 v6, v23;
	v14 =	vadd.f32 $1.258291200e+07, v14;
	v11 =	vadd.s32 $0xB4C01800, v11;
	[tilespmem:v16+s31+$0x0] =	vst.idx.add.f32.msk $0xffff, v1  }
0x145: {  	v10 =	vmul.f32 v6, v10;
	v58 =	vadd.f32 $1.258291200e+07, v19;
	v12 =	vadd.s32 $0xB4C01C00, v12;
	[tilespmem:v17+s31+$0x0] =	vst.idx.add.f32.msk $0xffff, v1  }
0x146: {  	v28 =	vmul.f32 v6, v24;
	v14 =	vadd.s32 $0xB4C02000, v14;
	v15 =	vadd.f32 $1.258291200e+07, v57;
	[tilespmem:v18+s31+$0x0] =	vst.idx.add.f32.msk $0xffff, v1  }
0x147: {  	v30 =	vmul.f32 v6, v40;
	v8 =	vadd.f32 $1.258291200e+07, v8;
	v16 =	vadd.s32 $0xB4C02400, v58;
	[tilespmem:v9+s31+$0x0] =	vst.idx.add.f32.msk $0xffff, v1  }
0x148: {  	v31 =	vmul.f32 v6, v43;
	v61 =	vadd.f32 $1.258291200e+07, v59;
	v63 =	vadd.s32 $0xB4C02800, v15;
	[tilespmem:v13+s31+$0x0] =	vst.idx.add.f32.msk $0xffff, v1  }
0x149: {  	v33 =	vmul.f32 v6, v46;
	v62 =	vadd.f32 $1.258291200e+07, v60;
	v8 =	vadd.s32 $0xB4C02C00, v8;
	[tilespmem:v11+s31+$0x0] =	vst.idx.add.f32.msk $0xffff, v1  }
0x14a: {  	v39 =	vmul.f32 v6, v54;
	v23 =	vadd.f32 $1.258291200e+07, v20;
	v21 =	vadd.s32 $0xB4C03000, v61;
	[tilespmem:v12+s31+$0x0] =	vst.idx.add.f32.msk $0xffff, v1  }
0x14b: {  	v40 =	vmov s8;
	v10 =	vadd.f32 $1.258291200e+07, v10;
	v22 =	vadd.s32 $0xB4C03400, v62;
	[tilespmem:v14+s31+$0x0] =	vst.idx.add.f32.msk $0xffff, v1  }
0x14c: {  	v46 =	vshll.u32 v56, $0x7;
	v34 =	vadd.f32 $1.258291200e+07, v28;
	v11 =	vadd.s32 $0xB4C03800, v23;
	[tilespmem:v16+s31+$0x0] =	vst.idx.add.f32.msk $0xffff, v1  }
0x14d: {  	v43 =	vshll.u32 v40, $0x3;
	v35 =	vadd.f32 $1.258291200e+07, v30;
	v10 =	vadd.s32 $0xB4C03C00, v10;
	[tilespmem:v63+s31+$0x0] =	vst.idx.add.f32.msk $0xffff, v1  }
0x14e: {  	v36 =	vadd.f32 $1.258291200e+07, v33;
	v37 =	vadd.s32 $0xB4C04000, v34;
	v12 =	vadd.f32 $1.258291200e+07, v31;
	[tilespmem:v8+s31+$0x0] =	vst.idx.add.f32.msk $0xffff, v1  }
0x14f: {  	v41 =	vadd.f32 $1.258291200e+07, v39;
	v44 =	vand.u32 $0x1C00, v43;
	v38 =	vadd.s32 $0xB4C04400, v35;
	[tilespmem:v21+s31+$0x0] =	vst.idx.add.f32.msk $0xffff, v1  }
0x150: {  	v15 =	vand.u32 $0x6F, v42;
	v12 =	vadd.s32 $0xB4C04800, v12;
	v8 =	vshll.u32 v56, $0xA;
	[tilespmem:v22+s31+$0x0] =	vst.idx.add.f32.msk $0xffff, v1  }
0x151: {  	v15 =	vor.u32 v44, v15;
	v16 =	vadd.s32 $0xB4C04C00, v36;
	v45 =	vand.u32 $0xFFFFE000, v8;
	[tilespmem:v11+s31+$0x0] =	vst.idx.add.f32.msk $0xffff, v1  }
0x152: {  	v48 =	vand.u32 $0x380, v46;
	v47 =	vadd.s32 $0xB4C05000, v41;
	v11 =	vor.u32 v45, v15;
	[tilespmem:v10+s31+$0x0] =	vst.idx.add.f32.msk $0xffff, v1  }
0x153: {  	v49 =	vor.u32 v48, v11;
	[tilespmem:v37+s31+$0x0] =	vst.idx.add.f32.msk $0xffff, v1  }
0x154: {  	[tilespmem:v38+s31+$0x0] =	vst.idx.add.f32.msk $0xffff, v1  }
0x155: {  	[tilespmem:v12+s31+$0x0] =	vst.idx.add.f32.msk $0xffff, v1  }
0x156: {  	s8 =	sadd.s32 $0xFFFFFF80, s17;
	[tilespmem:v16+s31+$0x0] =	vst.idx.add.f32.msk $0xffff, v1  }
0x157: {  	s24 =	sand.u32 $0x70, s8;
	[tilespmem:v47+s31+$0x0] =	vst.idx.add.f32.msk $0xffff, v1  }
0x158: {  	s5 =	sor.u32 s24, s5;
	v9 =	vld.idx.msk [tilespmem:v49+s18+$0x0], $0xffff  }
0x159: {  	v50 =	vld [tilespmem:s5+$0x0]  }
0x15a: {  	v51 =	vld [tilespmem:s5+$0x80]  }
0x15b: {  	v52 =	vld [tilespmem:s5+$0x100]  }
0x15c: {  	v53 =	vld [tilespmem:s5+$0x180]  }
0x15d: {  	v54 =	vld [tilespmem:s5+$0x200];
	v9 =	vmul.f32 $1.442695020e+00, v9  }
0x15e: {  	v55 =	vld [tilespmem:s5+$0x280];
	v10 =	vmul.f32 $1.442695020e+00, v50  }
0x15f: {  	v56 =	vld [tilespmem:s5+$0x300];
	v11 =	vmul.f32 $1.442695020e+00, v51;
	(erf) = vpow2.f32 v9  }
0x160: {  	s0 =	sor.u32 s24, s0;
	v57 =	vld [tilespmem:s5+$0x380];
	v58 =	vmul.f32 $1.442695020e+00, v52;
	(erf) = vpow2.f32 v10  }
0x161: {  	s1 =	sor.u32 s24, s1;
	v59 =	vld [tilespmem:s0+$0x0];
	v60 =	vmul.f32 $1.442695020e+00, v53;
	(erf) = vpow2.f32 v11  }
0x162: {  	s3 =	sor.u32 s24, s3;
	v61 =	vld [tilespmem:s1+$0x0];
	v62 =	vmul.f32 $1.442695020e+00, v54;
	(erf) = vpow2.f32 v58  }
0x163: {  	v20 =	vmul.f32 $1.442695020e+00, v55;
	v63 =	vld [tilespmem:s3+$0x0];
	s5 =	sor.u32 s24, s4;
	(erf) = vpow2.f32 v60  }
0x164: {  	s6 =	sor.u32 s24, s6;
	v21 =	vld [tilespmem:s5+$0x0];
	v9 =	vmul.f32 $1.442695020e+00, v56;
	(erf) = vpow2.f32 v62  }
0x165: {  	s7 =	sor.u32 s24, s7;
	v23 =	vmul.f32 $1.442695020e+00, v57;
	v22 =	vld [tilespmem:s6+$0x0];
	(erf) = vpow2.f32 v20  }
0x166: {  	s9 =	sor.u32 s24, s9;
	v24 =	vld [tilespmem:s7+$0x0];
	v12 =	vmul.f32 $1.442695020e+00, v59;
	(erf) = vpow2.f32 v9  }
0x167: {  	s10 =	sor.u32 s24, s10;
	v25 =	vld [tilespmem:s9+$0x0];
	v26 =	vmul.f32 $1.442695020e+00, v61;
	(erf) = vpow2.f32 v23  }
0x168: {  	s11 =	sor.u32 s24, s11;
	v27 =	vld [tilespmem:s10+$0x0];
	v28 =	vmul.f32 $1.442695020e+00, v63;
	v9 =	vpop (erf);
	(erf) = vpow2.f32 v12  }
0x169: {  	s12 =	sor.u32 s24, s12;
	v29 =	vld [tilespmem:s11+$0x0];
	v30 =	vmul.f32 $1.442695020e+00, v21;
	v18 =	vpop (erf);
	(erf) = vpow2.f32 v26  }
0x16a: {  	s20 =	sor.u32 s24, s20;
	v31 =	vld [tilespmem:s12+$0x0];
	v10 =	vmul.f32 $1.442695020e+00, v22;
	v19 =	vpop (erf);
	(erf) = vpow2.f32 v28  }
0x16b: {  	s21 =	sor.u32 s24, s21;
	v32 =	vld [tilespmem:s20+$0x0];
	v33 =	vmul.f32 $1.442695020e+00, v24;
	v20 =	vpop (erf);
	(erf) = vpow2.f32 v30  }
0x16c: {  	v34 =	vld [tilespmem:s21+$0x0];
	v35 =	vmul.f32 $1.442695020e+00, v25;
	v21 =	vpop (erf);
	(erf) = vpow2.f32 v10  }
0x16d: {  	v36 =	vmul.f32 $1.442695020e+00, v27;
	v17 =	vpop (erf);
	(erf) = vpow2.f32 v33  }
0x16e: {  	v37 =	vmul.f32 $1.442695020e+00, v29;
	v13 =	vpop (erf);
	(erf) = vpow2.f32 v35  }
0x16f: {  	s22 =	sor.u32 s24, s22;
	v38 =	vmul.f32 $1.442695020e+00, v31;
	v14 =	vpop (erf);
	(erf) = vpow2.f32 v36  }
0x170: {  	v41 =	vld [tilespmem:s22+$0x0];
	v39 =	vmul.f32 $1.442695020e+00, v32;
	v15 =	vpop (erf);
	(erf) = vpow2.f32 v37  }
0x171: {  	v40 =	vmul.f32 $1.442695020e+00, v34;
	v12 =	vpop (erf);
	(erf) = vpow2.f32 v38  }
0x172: {  	v22 =	vpop (erf);
	(erf) = vpow2.f32 v39  }
0x173: {  	v23 =	vpop (erf);
	(erf) = vpow2.f32 v40  }
0x174: {  	v11 =	vpop (erf)  }
0x175: {  	v44 =	vmul.f32 $1.442695020e+00, v41;
	v24 =	vpop (erf)  }
0x176: {  	v42 =	vpop (erf)  }
0x177: {  	v47 =	vadd.f32 v19, v18;
	v48 =	vadd.f32 v21, v20;
	(erf) = vpow2.f32 v44;
	v43 =	vpop (erf)  }
0x178: {  	v50 =	vadd.f32 v13, v17;
	v51 =	vadd.f32 v15, v14;
	v45 =	vpop (erf)  }
0x179: {  	v10 =	vadd.f32 v48, v47;
	v53 =	vadd.f32 v22, v12;
	v46 =	vpop (erf)  }
0x17a: {  	v57 =	vadd.f32 v51, v50;
	v54 =	vadd.f32 v11, v23;
	v49 =	vpop (erf)  }
0x17b: {  	v56 =	vadd.f32 v42, v24;
	v37 =	vadd.f32 v45, v43;
	v52 =	vpop (erf)  }
0x17c: {  	v58 =	vadd.f32 v54, v53;
	v38 =	vadd.f32 v49, v46;
	v55 =	vpop (erf)  }
0x17d: {  	v59 =	vadd.f32 v37, v56;
	v39 =	vadd.f32 v55, v52  }
0x17e: {  	v10 =	vadd.f32 v57, v10  }
0x17f: {  	v61 =	vadd.f32 v59, v58;
	v60 =	vadd.f32 v39, v38  }
0x180: {  	v62 =	vpop (erf)  }
0x181: {  	v10 =	vadd.f32 v61, v10;
	v63 =	vadd.f32 v60, v62;
	_ =	sdelay $0x1  }
0x182: {  	v10 =	vadd.f32 v63, v10;
	_ =	sdelay $0x1  }
0x183: {  	(erf) = vrcp.f32 v10;
	_ =	sdelay $0x8  }
0x184: {  	v10 =	vpop (erf)  }
0x185: {  	v10 =	vmul.f32 $1.024000000e+03, v10;
	_ =	sdelay $0x1  }
0x186: {  	v57 =	vmov s8;
	v18 =	vmul.f32 v10, v18  }
0x187: {  	v59 =	vor.u32 s8, v2;
	v60 =	vshll.u32 v57, $0x3;
	v19 =	vmul.f32 v10, v19  }
0x188: {  	v61 =	vand.u32 $0x1C00, v60;
	v20 =	vmul.f32 v10, v20;
	v18 =	vadd.f32 $1.258291200e+07, v18  }
0x189: {  	v21 =	vmul.f32 v10, v21;
	v17 =	vmul.f32 v10, v17;
	v19 =	vadd.f32 $1.258291200e+07, v19  }
0x18a: {  	v13 =	vmul.f32 v10, v13;
	v20 =	vadd.f32 $1.258291200e+07, v20;
	v18 =	vadd.s32 $0xB4C00000, v18  }
0x18b: {  	v14 =	vmul.f32 v10, v14;
	v21 =	vadd.f32 $1.258291200e+07, v21;
	v19 =	vadd.s32 $0xB4C00400, v19  }
0x18c: {  	v15 =	vmul.f32 v10, v15;
	v17 =	vadd.f32 $1.258291200e+07, v17;
	v20 =	vadd.s32 $0xB4C00800, v20  }
0x18d: {  	s23 =	sor.u32 s24, s23;
	v12 =	vmul.f32 v10, v12;
	v13 =	vadd.f32 $1.258291200e+07, v13;
	v21 =	vadd.s32 $0xB4C00C00, v21  }
0x18e: {  	v33 =	vld [tilespmem:s23+$0x0];
	v22 =	vmul.f32 v10, v22;
	v14 =	vadd.f32 $1.258291200e+07, v14;
	v17 =	vadd.s32 $0xB4C01000, v17  }
0x18f: {  	v34 =	vmul.f32 v10, v23;
	v15 =	vadd.f32 $1.258291200e+07, v15;
	v13 =	vadd.s32 $0xB4C01400, v13;
	[tilespmem:v18+s31+$0x0] =	vst.idx.add.f32.msk $0xffff, v1  }
0x190: {  	v11 =	vmul.f32 v10, v11;
	v12 =	vadd.f32 $1.258291200e+07, v12;
	v14 =	vadd.s32 $0xB4C01800, v14;
	[tilespmem:v19+s31+$0x0] =	vst.idx.add.f32.msk $0xffff, v1  }
0x191: {  	v37 =	vmul.f32 v10, v24;
	v36 =	vadd.f32 $1.258291200e+07, v22;
	v15 =	vadd.s32 $0xB4C01C00, v15;
	[tilespmem:v20+s31+$0x0] =	vst.idx.add.f32.msk $0xffff, v1  }
0x192: {  	v38 =	vmul.f32 v10, v42;
	v12 =	vadd.s32 $0xB4C02000, v12;
	v18 =	vadd.f32 $1.258291200e+07, v34;
	[tilespmem:v21+s31+$0x0] =	vst.idx.add.f32.msk $0xffff, v1  }
0x193: {  	v42 =	vmul.f32 v10, v43;
	v11 =	vadd.f32 $1.258291200e+07, v11;
	v19 =	vadd.s32 $0xB4C02400, v36;
	[tilespmem:v17+s31+$0x0] =	vst.idx.add.f32.msk $0xffff, v1  }
0x194: {  	v16 =	vmul.f32 v10, v45;
	v39 =	vadd.f32 $1.258291200e+07, v37;
	v41 =	vadd.s32 $0xB4C02800, v18;
	[tilespmem:v13+s31+$0x0] =	vst.idx.add.f32.msk $0xffff, v1  }
0x195: {  	v46 =	vmul.f32 v10, v46;
	v40 =	vadd.f32 $1.258291200e+07, v38;
	v11 =	vadd.s32 $0xB4C02C00, v11;
	[tilespmem:v14+s31+$0x0] =	vst.idx.add.f32.msk $0xffff, v1  }
0x196: {  	v47 =	vmul.f32 v10, v49;
	v45 =	vadd.f32 $1.258291200e+07, v42;
	v43 =	vadd.s32 $0xB4C03000, v39;
	[tilespmem:v15+s31+$0x0] =	vst.idx.add.f32.msk $0xffff, v1  }
0x197: {  	v49 =	vmul.f32 v10, v52;
	v48 =	vadd.f32 $1.258291200e+07, v16;
	v44 =	vadd.s32 $0xB4C03400, v40;
	[tilespmem:v12+s31+$0x0] =	vst.idx.add.f32.msk $0xffff, v1  }
0x198: {  	v50 =	vmul.f32 v10, v55;
	v52 =	vadd.f32 $1.258291200e+07, v46;
	v51 =	vadd.s32 $0xB4C03800, v45;
	[tilespmem:v19+s31+$0x0] =	vst.idx.add.f32.msk $0xffff, v1  }
0x199: {  	v56 =	vmul.f32 v10, v62;
	v53 =	vadd.f32 $1.258291200e+07, v47;
	v15 =	vadd.s32 $0xB4C03C00, v48;
	[tilespmem:v41+s31+$0x0] =	vst.idx.add.f32.msk $0xffff, v1  }
0x19a: {  	v63 =	vshll.u32 v33, $0x7;
	v16 =	vadd.f32 $1.258291200e+07, v49;
	v14 =	vadd.s32 $0xB4C04000, v52;
	[tilespmem:v11+s31+$0x0] =	vst.idx.add.f32.msk $0xffff, v1  }
0x19b: {  	v54 =	vadd.f32 $1.258291200e+07, v50;
	v58 =	vadd.f32 $1.258291200e+07, v56;
	v55 =	vadd.s32 $0xB4C04400, v53;
	[tilespmem:v43+s31+$0x0] =	vst.idx.add.f32.msk $0xffff, v1  }
0x19c: {  	v16 =	vadd.s32 $0xB4C04800, v16;
	v18 =	vand.u32 $0x7F, v59;
	v11 =	vshll.u32 v33, $0xA;
	[tilespmem:v44+s31+$0x0] =	vst.idx.add.f32.msk $0xffff, v1  }
0x19d: {  	v18 =	vor.u32 v61, v18;
	v19 =	vadd.s32 $0xB4C04C00, v54;
	v62 =	vand.u32 $0xFFFFE000, v11;
	[tilespmem:v51+s31+$0x0] =	vst.idx.add.f32.msk $0xffff, v1  }
0x19e: {  	v24 =	vand.u32 $0x380, v63;
	v13 =	vadd.s32 $0xB4C05000, v58;
	v12 =	vor.u32 v62, v18;
	[tilespmem:v15+s31+$0x0] =	vst.idx.add.f32.msk $0xffff, v1  }
0x19f: {  	v12 =	vor.u32 v24, v12;
	[tilespmem:v14+s31+$0x0] =	vst.idx.add.f32.msk $0xffff, v1  }
0x1a0: {  	[tilespmem:v55+s31+$0x0] =	vst.idx.add.f32.msk $0xffff, v1  }
0x1a1: {  	[tilespmem:v16+s31+$0x0] =	vst.idx.add.f32.msk $0xffff, v1  }
0x1a2: {  	s24 =	sadd.s32 $0xFFFFFF90, s17;
	s5 =	sadd.s32 $0xFFFFFC80, s16;
	[tilespmem:v19+s31+$0x0] =	vst.idx.add.f32.msk $0xffff, v1  }
0x1a3: {  	s6 =	sand.u32 $0x40, s24;
	s3 =	sand.u32 $0x3C00, s5;
	[tilespmem:v13+s31+$0x0] =	vst.idx.add.f32.msk $0xffff, v1  }
0x1a4: {  	s7 =	sor.u32 s6, s3;
	v12 =	vld.idx.msk [tilespmem:v12+s18+$0x0], $0xffff  }
0x1a5: {  	v25 =	vld [tilespmem:s7+$0x0]  }
0x1a6: {  	v26 =	vld [tilespmem:s7+$0x80]  }
0x1a7: {  	v27 =	vld [tilespmem:s7+$0x100]  }
0x1a8: {  	v28 =	vld [tilespmem:s7+$0x180]  }
0x1a9: {  	v29 =	vld [tilespmem:s7+$0x200];
	v12 =	vmul.f32 $1.442695020e+00, v12  }
0x1aa: {  	v30 =	vld [tilespmem:s7+$0x280];
	v13 =	vmul.f32 $1.442695020e+00, v25  }
0x1ab: {  	v31 =	vld [tilespmem:s7+$0x300];
	v14 =	vmul.f32 $1.442695020e+00, v26;
	(erf) = vpow2.f32 v12  }
0x1ac: {  	v32 =	vld [tilespmem:s7+$0x380];
	v33 =	vmul.f32 $1.442695020e+00, v27;
	(erf) = vpow2.f32 v13  }
0x1ad: {  	v35 =	vmul.f32 $1.442695020e+00, v28;
	v34 =	vld [tilespmem:s7+$0x2000];
	(erf) = vpow2.f32 v14  }
0x1ae: {  	v37 =	vmul.f32 $1.442695020e+00, v29;
	v36 =	vld [tilespmem:s7+$0x2080];
	(erf) = vpow2.f32 v33  }
0x1af: {  	v38 =	vld [tilespmem:s7+$0x2100];
	v39 =	vmul.f32 $1.442695020e+00, v30;
	(erf) = vpow2.f32 v35  }
0x1b0: {  	v40 =	vld [tilespmem:s7+$0x2180];
	v12 =	vmul.f32 $1.442695020e+00, v31;
	(erf) = vpow2.f32 v37  }
0x1b1: {  	v42 =	vmul.f32 $1.442695020e+00, v32;
	v41 =	vld [tilespmem:s7+$0x2200];
	(erf) = vpow2.f32 v39  }
0x1b2: {  	v43 =	vld [tilespmem:s7+$0x2280];
	v15 =	vmul.f32 $1.442695020e+00, v34;
	(erf) = vpow2.f32 v12  }
0x1b3: {  	v45 =	vmul.f32 $1.442695020e+00, v36;
	v44 =	vld [tilespmem:s7+$0x2300];
	(erf) = vpow2.f32 v42  }
0x1b4: {  	v46 =	vld [tilespmem:s7+$0x2380];
	v47 =	vmul.f32 $1.442695020e+00, v38;
	v12 =	vpop (erf);
	(erf) = vpow2.f32 v15  }
0x1b5: {  	v49 =	vmul.f32 $1.442695020e+00, v40;
	v48 =	vld [tilespmem:s7+$0x4000];
	v21 =	vpop (erf);
	(erf) = vpow2.f32 v45  }
0x1b6: {  	v50 =	vld [tilespmem:s7+$0x4080];
	v13 =	vmul.f32 $1.442695020e+00, v41;
	v22 =	vpop (erf);
	(erf) = vpow2.f32 v47  }
0x1b7: {  	v51 =	vld [tilespmem:s7+$0x4100];
	v52 =	vmul.f32 $1.442695020e+00, v43;
	v23 =	vpop (erf);
	(erf) = vpow2.f32 v49  }
0x1b8: {  	v53 =	vld [tilespmem:s7+$0x4180];
	v54 =	vmul.f32 $1.442695020e+00, v44;
	v24 =	vpop (erf);
	(erf) = vpow2.f32 v13  }
0x1b9: {  	v55 =	vmul.f32 $1.442695020e+00, v46;
	v20 =	vpop (erf);
	(erf) = vpow2.f32 v52  }
0x1ba: {  	v56 =	vmul.f32 $1.442695020e+00, v48;
	v16 =	vpop (erf);
	(erf) = vpow2.f32 v54  }
0x1bb: {  	v57 =	vmul.f32 $1.442695020e+00, v50;
	v17 =	vpop (erf);
	(erf) = vpow2.f32 v55  }
0x1bc: {  	v60 =	vld [tilespmem:s7+$0x4200];
	v58 =	vmul.f32 $1.442695020e+00, v51;
	v18 =	vpop (erf);
	(erf) = vpow2.f32 v56  }
0x1bd: {  	v59 =	vmul.f32 $1.442695020e+00, v53;
	v15 =	vpop (erf);
	(erf) = vpow2.f32 v57  }
0x1be: {  	v25 =	vpop (erf);
	(erf) = vpow2.f32 v58  }
0x1bf: {  	v26 =	vpop (erf);
	(erf) = vpow2.f32 v59  }
0x1c0: {  	v14 =	vpop (erf)  }
0x1c1: {  	v61 =	vmul.f32 $1.442695020e+00, v60;
	v27 =	vpop (erf)  }
0x1c2: {  	v28 =	vpop (erf)  }
0x1c3: {  	v62 =	vadd.f32 v22, v21;
	v63 =	vadd.f32 v24, v23;
	v29 =	vpop (erf);
	(erf) = vpow2.f32 v61  }
0x1c4: {  	v46 =	vadd.f32 v16, v20;
	v47 =	vadd.f32 v18, v17;
	v19 =	vpop (erf)  }
0x1c5: {  	v13 =	vadd.f32 v63, v62;
	v49 =	vadd.f32 v25, v15;
	v30 =	vpop (erf)  }
0x1c6: {  	v53 =	vadd.f32 v47, v46;
	v50 =	vadd.f32 v14, v26;
	v45 =	vpop (erf)  }
0x1c7: {  	v52 =	vadd.f32 v28, v27;
	v40 =	vadd.f32 v19, v29;
	v48 =	vpop (erf)  }
0x1c8: {  	v54 =	vadd.f32 v50, v49;
	v41 =	vadd.f32 v45, v30;
	v51 =	vpop (erf)  }
0x1c9: {  	v55 =	vadd.f32 v40, v52;
	v42 =	vadd.f32 v51, v48  }
0x1ca: {  	v13 =	vadd.f32 v53, v13  }
0x1cb: {  	v57 =	vadd.f32 v55, v54;
	v56 =	vadd.f32 v42, v41  }
0x1cc: {  	v58 =	vpop (erf)  }
0x1cd: {  	v13 =	vadd.f32 v57, v13;
	v59 =	vadd.f32 v56, v58;
	_ =	sdelay $0x1  }
0x1ce: {  	v13 =	vadd.f32 v59, v13;
	_ =	sdelay $0x1  }
0x1cf: {  	(erf) = vrcp.f32 v13;
	_ =	sdelay $0x8  }
0x1d0: {  	v13 =	vpop (erf)  }
0x1d1: {  	v13 =	vmul.f32 $1.024000000e+03, v13;
	_ =	sdelay $0x1  }
0x1d2: {  	v54 =	vmov s24;
	v21 =	vmul.f32 v13, v21  }
0x1d3: {  	v56 =	vshll.u32 v54, $0x3;
	v59 =	vor.u32 s24, v2;
	v22 =	vmul.f32 v13, v22  }
0x1d4: {  	v23 =	vmul.f32 v13, v23;
	v24 =	vmul.f32 v13, v24;
	v21 =	vadd.f32 $1.258291200e+07, v21  }
0x1d5: {  	v20 =	vmul.f32 v13, v20;
	v16 =	vmul.f32 v13, v16;
	v22 =	vadd.f32 $1.258291200e+07, v22  }
0x1d6: {  	v17 =	vmul.f32 v13, v17;
	v23 =	vadd.f32 $1.258291200e+07, v23;
	v21 =	vadd.s32 $0xB4C00000, v21  }
0x1d7: {  	v18 =	vmul.f32 v13, v18;
	v24 =	vadd.f32 $1.258291200e+07, v24;
	v22 =	vadd.s32 $0xB4C00400, v22  }
0x1d8: {  	s3 =	sshrl.u32 s3, $0x2;
	v15 =	vmul.f32 v13, v15;
	v20 =	vadd.f32 $1.258291200e+07, v20;
	v23 =	vadd.s32 $0xB4C00800, v23  }
0x1d9: {  	s1 =	sor.u32 s6, s3;
	v25 =	vmul.f32 v13, v25;
	v16 =	vadd.f32 $1.258291200e+07, v16;
	v24 =	vadd.s32 $0xB4C00C00, v24  }
0x1da: {  	v60 =	vld [tilespmem:s1+$0xC000];
	v61 =	vmul.f32 v13, v26;
	v17 =	vadd.f32 $1.258291200e+07, v17;
	v20 =	vadd.s32 $0xB4C01000, v20  }
0x1db: {  	v14 =	vmul.f32 v13, v14;
	v18 =	vadd.f32 $1.258291200e+07, v18;
	v16 =	vadd.s32 $0xB4C01400, v16;
	[tilespmem:v21+s31+$0x0] =	vst.idx.add.f32.msk $0xffff, v1  }
0x1dc: {  	v63 =	vmul.f32 v13, v27;
	v15 =	vadd.f32 $1.258291200e+07, v15;
	v17 =	vadd.s32 $0xB4C01800, v17;
	[tilespmem:v22+s31+$0x0] =	vst.idx.add.f32.msk $0xffff, v1  }
0x1dd: {  	v28 =	vmul.f32 v13, v28;
	v62 =	vadd.f32 $1.258291200e+07, v25;
	v18 =	vadd.s32 $0xB4C01C00, v18;
	[tilespmem:v23+s31+$0x0] =	vst.idx.add.f32.msk $0xffff, v1  }
0x1de: {  	v39 =	vmul.f32 v13, v29;
	v15 =	vadd.s32 $0xB4C02000, v15;
	v21 =	vadd.f32 $1.258291200e+07, v61;
	[tilespmem:v24+s31+$0x0] =	vst.idx.add.f32.msk $0xffff, v1  }
0x1df: {  	v19 =	vmul.f32 v13, v19;
	v14 =	vadd.f32 $1.258291200e+07, v14;
	v22 =	vadd.s32 $0xB4C02400, v62;
	[tilespmem:v20+s31+$0x0] =	vst.idx.add.f32.msk $0xffff, v1  }
0x1e0: {  	v43 =	vmul.f32 v13, v30;
	v34 =	vadd.f32 $1.258291200e+07, v63;
	v37 =	vadd.s32 $0xB4C02800, v21;
	[tilespmem:v16+s31+$0x0] =	vst.idx.add.f32.msk $0xffff, v1  }
0x1e1: {  	v44 =	vmul.f32 v13, v45;
	v36 =	vadd.f32 $1.258291200e+07, v28;
	v14 =	vadd.s32 $0xB4C02C00, v14;
	[tilespmem:v17+s31+$0x0] =	vst.idx.add.f32.msk $0xffff, v1  }
0x1e2: {  	v46 =	vmul.f32 v13, v48;
	v42 =	vadd.f32 $1.258291200e+07, v39;
	v40 =	vadd.s32 $0xB4C03000, v34;
	[tilespmem:v18+s31+$0x0] =	vst.idx.add.f32.msk $0xffff, v1  }
0x1e3: {  	v47 =	vmul.f32 v13, v51;
	v45 =	vadd.f32 $1.258291200e+07, v19;
	v41 =	vadd.s32 $0xB4C03400, v36;
	[tilespmem:v15+s31+$0x0] =	vst.idx.add.f32.msk $0xffff, v1  }
0x1e4: {  	v53 =	vmul.f32 v13, v58;
	v49 =	vadd.f32 $1.258291200e+07, v43;
	v48 =	vadd.s32 $0xB4C03800, v42;
	[tilespmem:v22+s31+$0x0] =	vst.idx.add.f32.msk $0xffff, v1  }
0x1e5: {  	v58 =	vshll.u32 v60, $0x7;
	v50 =	vadd.f32 $1.258291200e+07, v44;
	v18 =	vadd.s32 $0xB4C03C00, v45;
	[tilespmem:v37+s31+$0x0] =	vst.idx.add.f32.msk $0xffff, v1  }
0x1e6: {  	v19 =	vadd.f32 $1.258291200e+07, v46;
	v51 =	vadd.f32 $1.258291200e+07, v47;
	v17 =	vadd.s32 $0xB4C04000, v49;
	[tilespmem:v14+s31+$0x0] =	vst.idx.add.f32.msk $0xffff, v1  }
0x1e7: {  	v55 =	vadd.f32 $1.258291200e+07, v53;
	v52 =	vadd.s32 $0xB4C04400, v50;
	v14 =	vshll.u32 v60, $0xA;
	[tilespmem:v40+s31+$0x0] =	vst.idx.add.f32.msk $0xffff, v1  }
0x1e8: {  	v19 =	vadd.s32 $0xB4C04800, v19;
	v21 =	vand.u32 $0x3C00, v56;
	v57 =	vand.u32 $0xFFFFE000, v14;
	[tilespmem:v41+s31+$0x0] =	vst.idx.add.f32.msk $0xffff, v1  }
0x1e9: {  	v22 =	vadd.s32 $0xB4C04C00, v51;
	v60 =	vand.u32 $0x380, v58;
	v21 =	vadd.s32 v21, v57;
	[tilespmem:v48+s31+$0x0] =	vst.idx.add.f32.msk $0xffff, v1  }
0x1ea: {  	v16 =	vadd.s32 $0xB4C05000, v55;
	v15 =	vand.u32 $0x4F, v59;
	v61 =	vor.u32 v60, v21;
	[tilespmem:v18+s31+$0x0] =	vst.idx.add.f32.msk $0xffff, v1  }
0x1eb: {  	v15 =	vor.u32 v15, v61;
	[tilespmem:v17+s31+$0x0] =	vst.idx.add.f32.msk $0xffff, v1  }
0x1ec: {  	[tilespmem:v52+s31+$0x0] =	vst.idx.add.f32.msk $0xffff, v1  }
0x1ed: {  	[tilespmem:v19+s31+$0x0] =	vst.idx.add.f32.msk $0xffff, v1  }
0x1ee: {  	s9 =	sadd.s32 $0xFFFFFD00, s16;
	s8 =	sadd.s32 $0xFFFFFFA0, s17;
	[tilespmem:v22+s31+$0x0] =	vst.idx.add.f32.msk $0xffff, v1  }
0x1ef: {  	s3 =	sand.u32 $0x3C00, s9;
	s10 =	sand.u32 $0x50, s8;
	[tilespmem:v16+s31+$0x0] =	vst.idx.add.f32.msk $0xffff, v1  }
0x1f0: {  	s11 =	sor.u32 s10, s3;
	v15 =	vld.idx.msk [tilespmem:v15+s18+$0x0], $0xffff  }
0x1f1: {  	v62 =	vld [tilespmem:s11+$0x0]  }
0x1f2: {  	v63 =	vld [tilespmem:s11+$0x80]  }
0x1f3: {  	v24 =	vld [tilespmem:s11+$0x100]  }
0x1f4: {  	v25 =	vld [tilespmem:s11+$0x180]  }
0x1f5: {  	v26 =	vld [tilespmem:s11+$0x200];
	v15 =	vmul.f32 $1.442695020e+00, v15  }
0x1f6: {  	v27 =	vld [tilespmem:s11+$0x280];
	v16 =	vmul.f32 $1.442695020e+00, v62  }
0x1f7: {  	v28 =	vld [tilespmem:s11+$0x300];
	v17 =	vmul.f32 $1.442695020e+00, v63;
	(erf) = vpow2.f32 v15  }
0x1f8: {  	v29 =	vld [tilespmem:s11+$0x380];
	v30 =	vmul.f32 $1.442695020e+00, v24;
	(erf) = vpow2.f32 v16  }
0x1f9: {  	v31 =	vld [tilespmem:s11+$0x2000];
	v32 =	vmul.f32 $1.442695020e+00, v25;
	(erf) = vpow2.f32 v17  }
0x1fa: {  	v33 =	vld [tilespmem:s11+$0x2080];
	v34 =	vmul.f32 $1.442695020e+00, v26;
	(erf) = vpow2.f32 v30  }
0x1fb: {  	v35 =	vld [tilespmem:s11+$0x2100];
	v36 =	vmul.f32 $1.442695020e+00, v27;
	(erf) = vpow2.f32 v32  }
0x1fc: {  	v37 =	vld [tilespmem:s11+$0x2180];
	v15 =	vmul.f32 $1.442695020e+00, v28;
	(erf) = vpow2.f32 v34  }
0x1fd: {  	v38 =	vld [tilespmem:s11+$0x2200];
	v39 =	vmul.f32 $1.442695020e+00, v29;
	(erf) = vpow2.f32 v36  }
0x1fe: {  	v40 =	vld [tilespmem:s11+$0x2280];
	v18 =	vmul.f32 $1.442695020e+00, v31;
	(erf) = vpow2.f32 v15  }
0x1ff: {  	v42 =	vmul.f32 $1.442695020e+00, v33;
	v41 =	vld [tilespmem:s11+$0x2300];
	(erf) = vpow2.f32 v39  }
0x200: {  	v43 =	vld [tilespmem:s11+$0x2380];
	v44 =	vmul.f32 $1.442695020e+00, v35;
	v15 =	vpop (erf);
	(erf) = vpow2.f32 v18  }
0x201: {  	v45 =	vld [tilespmem:s11+$0x4000];
	v46 =	vmul.f32 $1.442695020e+00, v37;
	v24 =	vpop (erf);
	(erf) = vpow2.f32 v42  }
0x202: {  	v16 =	vmul.f32 $1.442695020e+00, v38;
	v25 =	vpop (erf);
	(erf) = vpow2.f32 v44  }
0x203: {  	v49 =	vmul.f32 $1.442695020e+00, v40;
	v26 =	vpop (erf);
	(erf) = vpow2.f32 v46  }
0x204: {  	v47 =	vld [tilespmem:s11+$0x4080];
	v51 =	vmul.f32 $1.442695020e+00, v41;
	v27 =	vpop (erf);
	(erf) = vpow2.f32 v16  }
0x205: {  	v48 =	vld [tilespmem:s11+$0x4100];
	v52 =	vmul.f32 $1.442695020e+00, v43;
	v23 =	vpop (erf);
	(erf) = vpow2.f32 v49  }
0x206: {  	v50 =	vld [tilespmem:s11+$0x4180];
	v53 =	vmul.f32 $1.442695020e+00, v45;
	v19 =	vpop (erf);
	(erf) = vpow2.f32 v51  }
0x207: {  	v20 =	vpop (erf);
	(erf) = vpow2.f32 v52  }
0x208: {  	v21 =	vpop (erf);
	(erf) = vpow2.f32 v53  }
0x209: {  	v54 =	vmul.f32 $1.442695020e+00, v47;
	v18 =	vpop (erf)  }
0x20a: {  	v57 =	vld [tilespmem:s11+$0x4200];
	v55 =	vmul.f32 $1.442695020e+00, v48;
	v28 =	vpop (erf)  }
0x20b: {  	v56 =	vmul.f32 $1.442695020e+00, v50;
	(erf) = vpow2.f32 v54;
	v29 =	vpop (erf)  }
0x20c: {  	(erf) = vpow2.f32 v55;
	v17 =	vpop (erf)  }
0x20d: {  	(erf) = vpow2.f32 v56;
	v30 =	vpop (erf)  }
0x20e: {  	v31 =	vpop (erf)  }
0x20f: {  	v58 =	vmul.f32 $1.442695020e+00, v57;
	v32 =	vpop (erf)  }
0x210: {  	v22 =	vpop (erf)  }
0x211: {  	v59 =	vadd.f32 v25, v24;
	v60 =	vadd.f32 v27, v26;
	v33 =	vpop (erf);
	(erf) = vpow2.f32 v58  }
0x212: {  	v61 =	vadd.f32 v19, v23;
	v62 =	vadd.f32 v21, v20  }
0x213: {  	v16 =	vadd.f32 v60, v59;
	v63 =	vadd.f32 v28, v18  }
0x214: {  	v51 =	vadd.f32 v62, v61;
	v48 =	vadd.f32 v17, v29;
	v35 =	vpop (erf)  }
0x215: {  	v50 =	vadd.f32 v31, v30;
	v43 =	vadd.f32 v22, v32;
	v38 =	vpop (erf)  }
0x216: {  	v52 =	vadd.f32 v48, v63;
	v44 =	vadd.f32 v35, v33;
	v49 =	vpop (erf)  }
0x217: {  	v53 =	vadd.f32 v43, v50;
	v45 =	vadd.f32 v49, v38  }
0x218: {  	v16 =	vadd.f32 v51, v16  }
0x219: {  	v55 =	vadd.f32 v53, v52;
	v54 =	vadd.f32 v45, v44  }
0x21a: {  	v56 =	vpop (erf)  }
0x21b: {  	v16 =	vadd.f32 v55, v16;
	v57 =	vadd.f32 v54, v56;
	_ =	sdelay $0x1  }
0x21c: {  	v16 =	vadd.f32 v57, v16;
	_ =	sdelay $0x1  }
0x21d: {  	(erf) = vrcp.f32 v16;
	_ =	sdelay $0x8  }
0x21e: {  	v16 =	vpop (erf)  }
0x21f: {  	v16 =	vmul.f32 $1.024000000e+03, v16  }
0x220: {  	s13 =	sadd.s32 $0xFFFFFD80, s16;
	v7 =	vmul.f32 v7, v5;
	s12 =	sadd.s32 $0xFFFFFFB0, s17  }
0x221: {  	s21 =	sand.u32 $0x3C00, s13;
	s20 =	sand.u32 $0x60, s12;
	s3 =	sshrl.u32 s3, $0x2;
	v24 =	vmul.f32 v16, v24;
	v25 =	vmul.f32 v16, v25  }
0x222: {  	s1 =	sor.u32 s10, s3;
	s3 =	sor.u32 s20, s21;
	v26 =	vmul.f32 v16, v26;
	v27 =	vmul.f32 v16, v27  }
0x223: {  	v34 =	vld [tilespmem:s3+$0x100];
	v23 =	vmul.f32 v16, v23;
	v19 =	vmul.f32 v16, v19  }
0x224: {  	v36 =	vld [tilespmem:s3+$0x200];
	v20 =	vmul.f32 v16, v20;
	v21 =	vmul.f32 v16, v21;
	v5 =	vadd.f32 $1.258291200e+07, v24  }
0x225: {  	v59 =	vld [tilespmem:s1+$0xC000];
	v18 =	vmul.f32 v16, v18;
	v63 =	vmul.f32 v16, v31;
	v58 =	vadd.f32 $1.258291200e+07, v25  }
0x226: {  	v40 =	vmul.f32 v16, v32;
	v31 =	vld [tilespmem:s3+$0x0];
	v26 =	vadd.f32 $1.258291200e+07, v26;
	v5 =	vadd.s32 $0xB4C00000, v5  }
0x227: {  	v46 =	vmul.f32 v16, v35;
	v32 =	vld [tilespmem:s3+$0x80];
	v27 =	vadd.f32 $1.258291200e+07, v27;
	v24 =	vadd.s32 $0xB4C00400, v58  }
0x228: {  	v35 =	vld [tilespmem:s3+$0x180];
	v23 =	vadd.f32 $1.258291200e+07, v23;
	v39 =	vadd.f32 $1.258291200e+07, v63;
	v26 =	vadd.s32 $0xB4C00800, v26  }
0x229: {  	v48 =	vmul.f32 v16, v38;
	v38 =	vld [tilespmem:s3+$0x280];
	v19 =	vadd.f32 $1.258291200e+07, v19;
	v27 =	vadd.s32 $0xB4C00C00, v27  }
0x22a: {  	v20 =	vadd.f32 $1.258291200e+07, v20;
	v23 =	vadd.s32 $0xB4C01000, v23;
	v43 =	vadd.s32 $0xB4C03400, v39;
	v39 =	vld [tilespmem:s3+$0x300]  }
0x22b: {  	v28 =	vmul.f32 v16, v28;
	v21 =	vadd.f32 $1.258291200e+07, v21;
	v19 =	vadd.s32 $0xB4C01400, v19;
	[tilespmem:v5+s31+$0x0] =	vst.idx.add.f32.msk $0xffff, v1  }
0x22c: {  	v60 =	vmul.f32 v16, v29;
	v20 =	vadd.s32 $0xB4C01800, v20;
	v5 =	vadd.f32 $1.258291200e+07, v18;
	[tilespmem:v24+s31+$0x0] =	vst.idx.add.f32.msk $0xffff, v1  }
0x22d: {  	v17 =	vmul.f32 v16, v17;
	v61 =	vadd.f32 $1.258291200e+07, v28;
	v21 =	vadd.s32 $0xB4C01C00, v21;
	[tilespmem:v26+s31+$0x0] =	vst.idx.add.f32.msk $0xffff, v1  }
0x22e: {  	v62 =	vmul.f32 v16, v30;
	v18 =	vadd.f32 $1.258291200e+07, v60;
	v5 =	vadd.s32 $0xB4C02000, v5;
	[tilespmem:v27+s31+$0x0] =	vst.idx.add.f32.msk $0xffff, v1  }
0x22f: {  	v17 =	vadd.f32 $1.258291200e+07, v17;
	v24 =	vadd.s32 $0xB4C02400, v61;
	[tilespmem:v23+s31+$0x0] =	vst.idx.add.f32.msk $0xffff, v1  }
0x230: {  	v22 =	vmul.f32 v16, v22;
	v37 =	vadd.f32 $1.258291200e+07, v62;
	v18 =	vadd.s32 $0xB4C02800, v18;
	[tilespmem:v19+s31+$0x0] =	vst.idx.add.f32.msk $0xffff, v1  }
0x231: {  	v45 =	vmul.f32 v16, v33;
	v49 =	vmul.f32 v16, v49;
	v17 =	vadd.s32 $0xB4C02C00, v17;
	[tilespmem:v20+s31+$0x0] =	vst.idx.add.f32.msk $0xffff, v1  }
0x232: {  	v44 =	vadd.f32 $1.258291200e+07, v40;
	v47 =	vadd.f32 $1.258291200e+07, v22;
	v42 =	vadd.s32 $0xB4C03000, v37;
	[tilespmem:v21+s31+$0x0] =	vst.idx.add.f32.msk $0xffff, v1  }
0x233: {  	v55 =	vmov s8;
	v50 =	vadd.f32 $1.258291200e+07, v46;
	[tilespmem:v5+s31+$0x0] =	vst.idx.add.f32.msk $0xffff, v1;
	v5 =	vadd.f32 $1.258291200e+07, v45  }
0x234: {  	v22 =	vadd.f32 $1.258291200e+07, v48;
	v51 =	vadd.f32 $1.258291200e+07, v49;
	v20 =	vadd.s32 $0xB4C03800, v44;
	[tilespmem:v24+s31+$0x0] =	vst.idx.add.f32.msk $0xffff, v1  }
0x235: {  	v21 =	vadd.s32 $0xB4C03C00, v47;
	[tilespmem:v18+s31+$0x0] =	vst.idx.add.f32.msk $0xffff, v1;
	v52 =	vadd.s32 $0xB4C04000, v5;
	v5 =	vmul.f32 v16, v56  }
0x236: {  	v53 =	vadd.s32 $0xB4C04800, v22;
	v54 =	vadd.s32 $0xB4C04C00, v51;
	v23 =	vadd.s32 $0xB4C04400, v50;
	[tilespmem:v17+s31+$0x0] =	vst.idx.add.f32.msk $0xffff, v1  }
0x237: {  	v24 =	vshll.u32 v55, $0x3;
	[tilespmem:v42+s31+$0x0] =	vst.idx.add.f32.msk $0xffff, v1;
	v56 =	vadd.f32 $1.258291200e+07, v5;
	v5 =	vshll.u32 v59, $0xA  }
0x238: {  	v58 =	vshll.u32 v59, $0x7;
	v24 =	vand.u32 $0x3C00, v24;
	[tilespmem:v43+s31+$0x0] =	vst.idx.add.f32.msk $0xffff, v1;
	v57 =	vand.u32 $0xFFFFE000, v5  }
0x239: {  	v60 =	vand.u32 $0x380, v58;
	v59 =	vor.u32 s8, v2;
	[tilespmem:v20+s31+$0x0] =	vst.idx.add.f32.msk $0xffff, v1;
	v24 =	vadd.s32 v24, v57  }
0x23a: {  	v19 =	vadd.s32 $0xB4C05000, v56;
	v20 =	vand.u32 $0x5F, v59;
	[tilespmem:v21+s31+$0x0] =	vst.idx.add.f32.msk $0xffff, v1;
	v61 =	vor.u32 v60, v24  }
0x23b: {  	v30 =	vmul.f32 v15, v13;
	v25 =	vsub.f32 $1.024000000e+03, v7;
	[tilespmem:v52+s31+$0x0] =	vst.idx.add.f32.msk $0xffff, v1;
	v62 =	vor.u32 v20, v61  }
0x23c: {  	v6 =	vmul.f32 v9, v6;
	v10 =	vmul.f32 v12, v10;
	v7 =	vadd.f32 $1.258291200e+07, v7;
	[tilespmem:v23+s31+$0x0] =	vst.idx.add.f32.msk $0xffff, v1  }
0x23d: {  	v41 =	vmul.f32 $1.442695020e+00, v34;
	v13 =	vadd.f32 $1.258291200e+07, v30;
	v63 =	vadd.f32 $1.258291200e+07, v25;
	[tilespmem:v53+s31+$0x0] =	vst.idx.add.f32.msk $0xffff, v1  }
0x23e: {  	v7 =	vadd.s32 $0xB4C00000, v7;
	v22 =	vsub.f32 $1.024000000e+03, v6;
	v6 =	vadd.f32 $1.258291200e+07, v6;
	[tilespmem:v54+s31+$0x0] =	vst.idx.add.f32.msk $0xffff, v1  }
0x23f: {  	v25 =	vsub.f32 $1.024000000e+03, v10;
	v10 =	vadd.f32 $1.258291200e+07, v10;
	v13 =	vadd.s32 $0xB4C00000, v13;
	[tilespmem:v19+s31+$0x0] =	vst.idx.add.f32.msk $0xffff, v1  }
0x240: {  	vm6 =	vlt.s32 v7, $0x3FF;
	vm12 =	vlt.s32 v13, $0x3FF;
	v15 =	vmul.f32 $1.442695020e+00, v32;
	v18 =	vld.idx.msk [tilespmem:v62+s18+$0x0], $0xffff  }
0x241: {  	v48 =	vmul.f32 $1.442695020e+00, v38;
	v7 =	vnsel vm6, $0x3FF, v7;
	v6 =	vadd.s32 $0xB4C00000, v6;
	v44 =	vld [tilespmem:s3+$0x2080]  }
0x242: {  	v29 =	vadd.s32 $0xB4C00000, v10;
	v13 =	vnsel vm12, $0x3FF, v13;
	v10 =	vmul.f32 $1.442695020e+00, v31;
	v47 =	vld [tilespmem:s3+$0x2100]  }
0x243: {  	v40 =	vld [tilespmem:s3+$0x380];
	v7 =	vadd.s32 v4, v7;
	vm8 =	vlt.s32 v6, $0x3FF;
	vm11 =	vlt.s32 v29, $0x3FF  }
0x244: {  	v51 =	vld [tilespmem:s3+$0x2200];
	v13 =	vadd.s32 v14, v13;
	v50 =	vmul.f32 $1.442695020e+00, v39;
	v17 =	vadd.f32 $1.258291200e+07, v22  }
0x245: {  	v6 =	vnsel vm8, $0x3FF, v6;
	v45 =	vmul.f32 $1.442695020e+00, v36;
	v42 =	vld [tilespmem:s3+$0x2000];
	v18 =	vmul.f32 $1.442695020e+00, v18  }
0x246: {  	v43 =	vmul.f32 $1.442695020e+00, v35;
	v56 =	vld [tilespmem:s3+$0x2300];
	v57 =	vmul.f32 $1.442695020e+00, v44;
	v24 =	vadd.s32 $0xB4C00000, v17  }
0x247: {  	v59 =	vld [tilespmem:s3+$0x2380];
	v17 =	vadd.f32 $1.258291200e+07, v25;
	v60 =	vmul.f32 $1.442695020e+00, v47;
	(erf) = vpow2.f32 v18  }
0x248: {  	v20 =	vadd.s32 $0xB4C00000, v63;
	vm9 =	vlt.s32 v24, $0x3FF;
	v52 =	vmul.f32 $1.442695020e+00, v40  }
0x249: {  	v49 =	vld [tilespmem:s3+$0x2180];
	vm7 =	vlt.s32 v20, $0x3FF;
	v12 =	vnsel vm9, $0x3FF, v24;
	v28 =	vadd.s32 $0xB4C00000, v17  }
0x24a: {  	[tilespmem:v7+s31+$0x0] =	vst.idx.add.f32.msk $0xffff, v3;
	v55 =	vmul.f32 $1.442695020e+00, v42;
	v21 =	vnsel vm7, $0x3FF, v20;
	vm10 =	vlt.s32 v28, $0x3FF  }
0x24b: {  	v63 =	vld [tilespmem:s3+$0x4080];
	v4 =	vadd.s32 v4, v21;
	v7 =	vnsel vm10, $0x3FF, v28;
	v28 =	vmul.f32 $1.442695020e+00, v51  }
0x24c: {  	v9 =	vand.u32 $0x7F, v21;
	v31 =	vmul.f32 $1.442695020e+00, v56;
	v32 =	vmul.f32 $1.442695020e+00, v59  }
0x24d: {  	v23 =	vand.u32 $0xFFFFFF80, v4;
	v19 =	vadd.s32 v8, v12;
	v12 =	vand.u32 $0x7F, v12  }
0x24e: {  	v9 =	vor.u32 v9, v23;
	v26 =	vand.u32 $0xFFFFFF80, v19;
	(erf) = vpow2.f32 v10  }
0x24f: {  	v54 =	vld [tilespmem:s3+$0x2280];
	v62 =	vmul.f32 $1.442695020e+00, v49;
	v9 =	vadd.s32 $0x5400, v9;
	(erf) = vpow2.f32 v15  }
0x250: {  	v34 =	vmul.f32 $1.442695020e+00, v63;
	v27 =	vor.u32 v12, v26;
	v37 =	vpop (erf);
	(erf) = vpow2.f32 v41  }
0x251: {  	v12 =	vadd.s32 v11, v7;
	v7 =	vand.u32 $0x7F, v7;
	(erf) = vpow2.f32 v43  }
0x252: {  	v33 =	vand.u32 $0xFFFFFF80, v12;
	[tilespmem:v4+s31+$0x0] =	vst.idx.add.f32.msk $0xffff, v1;
	v4 =	vadd.s32 v8, v6;
	(erf) = vpow2.f32 v45  }
0x253: {  	v61 =	vld [tilespmem:s3+$0x4000];
	v6 =	vadd.s32 $0x5400, v27;
	v8 =	vnsel vm11, $0x3FF, v29;
	(erf) = vpow2.f32 v48  }
0x254: {  	v29 =	vmul.f32 $1.442695020e+00, v54;
	[tilespmem:v9+s31+$0x0] =	vst.idx.add.f32.msk $0xffff, v1;
	v9 =	vsub.f32 $1.024000000e+03, v30;
	(erf) = vpow2.f32 v50  }
0x255: {  	v7 =	vor.u32 v7, v33;
	v16 =	vmul.f32 v37, v16;
	(erf) = vpow2.f32 v52  }
0x256: {  	v8 =	vadd.s32 v11, v8;
	v9 =	vadd.f32 $1.258291200e+07, v9;
	(erf) = vpow2.f32 v55  }
0x257: {  	v24 =	vpop (erf);
	v53 =	vadd.f32 $1.258291200e+07, v16;
	v16 =	vsub.f32 $1.024000000e+03, v16;
	(erf) = vpow2.f32 v57  }
0x258: {  	v33 =	vmul.f32 $1.442695020e+00, v61;
	v9 =	vadd.s32 $0xB4C00000, v9;
	v25 =	vpop (erf);
	(erf) = vpow2.f32 v60  }
0x259: {  	[tilespmem:v4+s31+$0x0] =	vst.idx.add.f32.msk $0xffff, v3;
	vm13 =	vlt.s32 v9, $0x3FF;
	v4 =	vadd.f32 $1.258291200e+07, v16;
	v11 =	vpop (erf);
	(erf) = vpow2.f32 v62  }
0x25a: {  	v7 =	vadd.s32 $0x5400, v7;
	[tilespmem:v19+s31+$0x0] =	vst.idx.add.f32.msk $0xffff, v1;
	v9 =	vnsel vm13, $0x3FF, v9;
	v17 =	vpop (erf);
	(erf) = vpow2.f32 v28  }
0x25b: {  	[tilespmem:v6+s31+$0x0] =	vst.idx.add.f32.msk $0xffff, v1;
	v58 =	vadd.s32 $0xB4C00000, v53;
	v4 =	vadd.s32 $0xB4C00000, v4;
	v6 =	vpop (erf);
	(erf) = vpow2.f32 v29  }
0x25c: {  	[tilespmem:v8+s31+$0x0] =	vst.idx.add.f32.msk $0xffff, v3;
	vm14 =	vlt.s32 v58, $0x3FF;
	vm15 =	vlt.s32 v4, $0x3FF;
	v8 =	vpop (erf);
	(erf) = vpow2.f32 v31  }
0x25d: {  	[tilespmem:v12+s31+$0x0] =	vst.idx.add.f32.msk $0xffff, v1;
	v30 =	vnsel vm14, $0x3FF, v58;
	v4 =	vnsel vm15, $0x3FF, v4;
	v12 =	vpop (erf);
	(erf) = vpow2.f32 v32  }
0x25e: {  	v35 =	vadd.s32 v5, v30;
	v5 =	vadd.s32 v5, v4;
	v16 =	vpop (erf);
	(erf) = vpow2.f32 v33  }
0x25f: {  	[tilespmem:v13+s31+$0x0] =	vst.idx.add.f32.msk $0xffff, v3;
	v4 =	vand.u32 $0x7F, v4;
	v36 =	vand.u32 $0xFFFFFF80, v5;
	v37 =	vpop (erf);
	(erf) = vpow2.f32 v34  }
0x260: {  	v47 =	vld [tilespmem:s3+$0x4200];
	v14 =	vadd.s32 v14, v9;
	v4 =	vor.u32 v4, v36;
	v38 =	vpop (erf)  }
0x261: {  	v40 =	vld [tilespmem:s3+$0x4100];
	v9 =	vand.u32 $0x7F, v9;
	v46 =	vand.u32 $0xFFFFFF80, v14;
	v4 =	vadd.s32 $0x5400, v4;
	v39 =	vpop (erf)  }
0x262: {  	v42 =	vld [tilespmem:s3+$0x4180];
	v9 =	vor.u32 v9, v46;
	v41 =	vpop (erf)  }
0x263: {  	[tilespmem:v7+s31+$0x0] =	vst.idx.add.f32.msk $0xffff, v1;
	v9 =	vadd.s32 $0x5400, v9;
	v43 =	vpop (erf)  }
0x264: {  	[tilespmem:v35+s31+$0x0] =	vst.idx.add.f32.msk $0xffff, v3;
	v44 =	vpop (erf)  }
0x265: {  	[tilespmem:v5+s31+$0x0] =	vst.idx.add.f32.msk $0xffff, v1;
	v45 =	vpop (erf)  }
0x266: {  	[tilespmem:v4+s31+$0x0] =	vst.idx.add.f32.msk $0xffff, v1;
	v4 =	vpop (erf)  }
0x267: {  	s4 =	sshrl.u32 s21, $0x2;
	[tilespmem:v14+s31+$0x0] =	vst.idx.add.f32.msk $0xffff, v1;
	v5 =	vmul.f32 $1.442695020e+00, v40;
	v46 =	vpop (erf)  }
0x268: {  	s1 =	sor.u32 s20, s4;
	v18 =	vmul.f32 $1.442695020e+00, v42;
	[tilespmem:v9+s31+$0x0] =	vst.idx.add.f32.msk $0xffff, v1;
	v48 =	vpop (erf)  }
0x269: {  	v21 =	vld [tilespmem:s1+$0xC000];
	(erf) = vpow2.f32 v5  }
0x26a: {  	(erf) = vpow2.f32 v18;
	_ =	sdelay $0x1  }
0x26b: {  	v5 =	vmul.f32 $1.442695020e+00, v47;
	_ =	sdelay $0x1  }
0x26c: {  	v50 =	vadd.f32 v8, v6;
	v51 =	vadd.f32 v16, v12;
	(erf) = vpow2.f32 v5  }
0x26d: {  	v49 =	vadd.f32 v17, v11;
	v53 =	vadd.f32 v38, v37  }
0x26e: {  	v60 =	vadd.f32 v51, v50;
	v54 =	vadd.f32 v41, v39  }
0x26f: {  	v56 =	vadd.f32 v44, v43;
	v57 =	vadd.f32 v4, v45  }
0x270: {  	v61 =	vadd.f32 v54, v53;
	v5 =	vadd.f32 v25, v24;
	v52 =	vpop (erf)  }
0x271: {  	v58 =	vadd.f32 v48, v46;
	v62 =	vadd.f32 v57, v56;
	v55 =	vpop (erf)  }
0x272: {  	v5 =	vadd.f32 v49, v5;
	v59 =	vadd.f32 v55, v52  }
0x273: {  	v31 =	vadd.f32 v62, v61  }
0x274: {  	v5 =	vadd.f32 v60, v5;
	v63 =	vadd.f32 v59, v58  }
0x275: {  	v32 =	vpop (erf)  }
0x276: {  	v5 =	vadd.f32 v31, v5;
	v33 =	vadd.f32 v63, v32;
	_ =	sdelay $0x1  }
0x277: {  	v5 =	vadd.f32 v33, v5;
	_ =	sdelay $0x1  }
0x278: {  	(erf) = vrcp.f32 v5;
	_ =	sdelay $0x8  }
0x279: {  	v5 =	vpop (erf)  }
0x27a: {  	v5 =	vmul.f32 $1.024000000e+03, v5;
	_ =	sdelay $0x1  }
0x27b: {  	v59 =	vmov s12;
	v34 =	vmul.f32 v5, v24  }
0x27c: {  	v61 =	vshll.u32 v59, $0x3;
	v63 =	vshll.u32 v21, $0x7;
	v35 =	vmul.f32 v5, v25  }
0x27d: {  	v18 =	vand.u32 $0x380, v63;
	v11 =	vmul.f32 v5, v11;
	v14 =	vadd.f32 $1.258291200e+07, v34  }
0x27e: {  	v17 =	vmul.f32 v5, v17;
	v6 =	vmul.f32 v5, v6;
	v24 =	vadd.f32 $1.258291200e+07, v35  }
0x27f: {  	v8 =	vmul.f32 v5, v8;
	v11 =	vadd.f32 $1.258291200e+07, v11;
	v14 =	vadd.s32 $0xB4C00000, v14  }
0x280: {  	v12 =	vmul.f32 v5, v12;
	v17 =	vadd.f32 $1.258291200e+07, v17;
	v24 =	vadd.s32 $0xB4C00400, v24  }
0x281: {  	v16 =	vmul.f32 v5, v16;
	v6 =	vadd.f32 $1.258291200e+07, v6;
	v11 =	vadd.s32 $0xB4C00800, v11  }
0x282: {  	v13 =	vmul.f32 v5, v37;
	v8 =	vadd.f32 $1.258291200e+07, v8;
	v17 =	vadd.s32 $0xB4C00C00, v17  }
0x283: {  	v10 =	vmul.f32 v5, v38;
	v12 =	vadd.f32 $1.258291200e+07, v12;
	v6 =	vadd.s32 $0xB4C01000, v6  }
0x284: {  	v9 =	vmul.f32 v5, v39;
	v16 =	vadd.f32 $1.258291200e+07, v16;
	v8 =	vadd.s32 $0xB4C01400, v8;
	[tilespmem:v14+s31+$0x0] =	vst.idx.add.f32.msk $0xffff, v1  }
0x285: {  	v36 =	vmul.f32 v5, v41;
	v13 =	vadd.f32 $1.258291200e+07, v13;
	v12 =	vadd.s32 $0xB4C01800, v12;
	[tilespmem:v24+s31+$0x0] =	vst.idx.add.f32.msk $0xffff, v1  }
0x286: {  	v37 =	vmul.f32 v5, v43;
	v10 =	vadd.f32 $1.258291200e+07, v10;
	v16 =	vadd.s32 $0xB4C01C00, v16;
	[tilespmem:v11+s31+$0x0] =	vst.idx.add.f32.msk $0xffff, v1  }
0x287: {  	v7 =	vmul.f32 v5, v44;
	v9 =	vadd.f32 $1.258291200e+07, v9;
	v38 =	vadd.s32 $0xB4C02000, v13;
	[tilespmem:v17+s31+$0x0] =	vst.idx.add.f32.msk $0xffff, v1  }
0x288: {  	v43 =	vmul.f32 v5, v45;
	v39 =	vadd.f32 $1.258291200e+07, v36;
	v10 =	vadd.s32 $0xB4C02400, v10;
	[tilespmem:v6+s31+$0x0] =	vst.idx.add.f32.msk $0xffff, v1  }
0x289: {  	v4 =	vmul.f32 v5, v4;
	v40 =	vadd.f32 $1.258291200e+07, v37;
	v41 =	vadd.s32 $0xB4C02800, v9;
	[tilespmem:v8+s31+$0x0] =	vst.idx.add.f32.msk $0xffff, v1  }
0x28a: {  	v46 =	vmul.f32 v5, v46;
	v7 =	vadd.f32 $1.258291200e+07, v7;
	v42 =	vadd.s32 $0xB4C02C00, v39;
	[tilespmem:v12+s31+$0x0] =	vst.idx.add.f32.msk $0xffff, v1  }
0x28b: {  	v47 =	vmul.f32 v5, v48;
	v45 =	vadd.f32 $1.258291200e+07, v43;
	v44 =	vadd.s32 $0xB4C03000, v40;
	[tilespmem:v16+s31+$0x0] =	vst.idx.add.f32.msk $0xffff, v1  }
0x28c: {  	v48 =	vmul.f32 v5, v52;
	v4 =	vadd.f32 $1.258291200e+07, v4;
	v7 =	vadd.s32 $0xB4C03400, v7;
	[tilespmem:v38+s31+$0x0] =	vst.idx.add.f32.msk $0xffff, v1  }
0x28d: {  	v49 =	vmul.f32 v5, v55;
	v51 =	vadd.f32 $1.258291200e+07, v46;
	v50 =	vadd.s32 $0xB4C03800, v45;
	[tilespmem:v10+s31+$0x0] =	vst.idx.add.f32.msk $0xffff, v1  }
0x28e: {  	v52 =	vadd.f32 $1.258291200e+07, v47;
	v53 =	vadd.s32 $0xB4C03C00, v4;
	v4 =	vadd.f32 $1.258291200e+07, v48;
	[tilespmem:v41+s31+$0x0] =	vst.idx.add.f32.msk $0xffff, v1  }
0x28f: {  	v57 =	vmul.f32 v5, v32;
	v54 =	vadd.f32 $1.258291200e+07, v49;
	v55 =	vadd.s32 $0xB4C04000, v51;
	[tilespmem:v42+s31+$0x0] =	vst.idx.add.f32.msk $0xffff, v1  }
0x290: {  	v56 =	vadd.s32 $0xB4C04400, v52;
	v58 =	vadd.s32 $0xB4C04800, v4;
	v4 =	vshll.u32 v21, $0xA;
	[tilespmem:v44+s31+$0x0] =	vst.idx.add.f32.msk $0xffff, v1  }
0x291: {  	v60 =	vadd.f32 $1.258291200e+07, v57;
	v13 =	vand.u32 $0x3C00, v61;
	v62 =	vand.u32 $0xFFFFE000, v4;
	[tilespmem:v7+s31+$0x0] =	vst.idx.add.f32.msk $0xffff, v1  }
0x292: {  	v14 =	vadd.s32 $0xB4C04C00, v54;
	v17 =	vor.u32 s12, v2;
	v7 =	vadd.s32 v13, v62;
	[tilespmem:v50+s31+$0x0] =	vst.idx.add.f32.msk $0xffff, v1  }
0x293: {  	v19 =	vand.u32 $0x6F, v17;
	v8 =	vadd.s32 $0xB4C05000, v60;
	v7 =	vor.u32 v18, v7;
	[tilespmem:v53+s31+$0x0] =	vst.idx.add.f32.msk $0xffff, v1  }
0x294: {  	v20 =	vor.u32 v19, v7;
	[tilespmem:v55+s31+$0x0] =	vst.idx.add.f32.msk $0xffff, v1  }
0x295: {  	[tilespmem:v56+s31+$0x0] =	vst.idx.add.f32.msk $0xffff, v1  }
0x296: {  	[tilespmem:v58+s31+$0x0] =	vst.idx.add.f32.msk $0xffff, v1  }
0x297: {  	s22 =	sadd.s32 $0xFFFFFFC0, s17;
	s23 =	sadd.s32 $0xFFFFFE00, s16;
	[tilespmem:v14+s31+$0x0] =	vst.idx.add.f32.msk $0xffff, v1  }
0x298: {  	s24 =	sand.u32 $0x70, s22;
	s3 =	sand.u32 $0x3C00, s23;
	[tilespmem:v8+s31+$0x0] =	vst.idx.add.f32.msk $0xffff, v1  }
0x299: {  	s5 =	sor.u32 s24, s3;
	v6 =	vld.idx.msk [tilespmem:v20+s18+$0x0], $0xffff  }
0x29a: {  	v21 =	vld [tilespmem:s5+$0x0]  }
0x29b: {  	v22 =	vld [tilespmem:s5+$0x80]  }
0x29c: {  	v23 =	vld [tilespmem:s5+$0x100]  }
0x29d: {  	v24 =	vld [tilespmem:s5+$0x180]  }
0x29e: {  	v25 =	vld [tilespmem:s5+$0x200];
	v6 =	vmul.f32 $1.442695020e+00, v6  }
0x29f: {  	v26 =	vld [tilespmem:s5+$0x280];
	v7 =	vmul.f32 $1.442695020e+00, v21  }
0x2a0: {  	v27 =	vld [tilespmem:s5+$0x300];
	v8 =	vmul.f32 $1.442695020e+00, v22;
	(erf) = vpow2.f32 v6  }
0x2a1: {  	v28 =	vld [tilespmem:s5+$0x380];
	v29 =	vmul.f32 $1.442695020e+00, v23;
	(erf) = vpow2.f32 v7  }
0x2a2: {  	v30 =	vld [tilespmem:s5+$0x2000];
	v31 =	vmul.f32 $1.442695020e+00, v24;
	(erf) = vpow2.f32 v8  }
0x2a3: {  	v32 =	vld [tilespmem:s5+$0x2080];
	v33 =	vmul.f32 $1.442695020e+00, v25;
	(erf) = vpow2.f32 v29  }
0x2a4: {  	v34 =	vld [tilespmem:s5+$0x2100];
	v35 =	vmul.f32 $1.442695020e+00, v26;
	(erf) = vpow2.f32 v31  }
0x2a5: {  	v36 =	vld [tilespmem:s5+$0x2180];
	v6 =	vmul.f32 $1.442695020e+00, v27;
	(erf) = vpow2.f32 v33  }
0x2a6: {  	v37 =	vld [tilespmem:s5+$0x2200];
	v38 =	vmul.f32 $1.442695020e+00, v28;
	(erf) = vpow2.f32 v35  }
0x2a7: {  	v39 =	vld [tilespmem:s5+$0x2280];
	v40 =	vmul.f32 $1.442695020e+00, v30;
	(erf) = vpow2.f32 v6  }
0x2a8: {  	v10 =	vmul.f32 $1.442695020e+00, v32;
	v41 =	vld [tilespmem:s5+$0x2300];
	(erf) = vpow2.f32 v38  }
0x2a9: {  	v43 =	vmul.f32 $1.442695020e+00, v34;
	v42 =	vld [tilespmem:s5+$0x2380];
	v7 =	vpop (erf);
	(erf) = vpow2.f32 v40  }
0x2aa: {  	v45 =	vmul.f32 $1.442695020e+00, v36;
	v44 =	vld [tilespmem:s5+$0x4000];
	v15 =	vpop (erf);
	(erf) = vpow2.f32 v10  }
0x2ab: {  	v46 =	vld [tilespmem:s5+$0x4080];
	v47 =	vmul.f32 $1.442695020e+00, v37;
	v16 =	vpop (erf);
	(erf) = vpow2.f32 v43  }
0x2ac: {  	v48 =	vld [tilespmem:s5+$0x4100];
	v8 =	vmul.f32 $1.442695020e+00, v39;
	v17 =	vpop (erf);
	(erf) = vpow2.f32 v45  }
0x2ad: {  	v49 =	vld [tilespmem:s5+$0x4180];
	v50 =	vmul.f32 $1.442695020e+00, v41;
	v18 =	vpop (erf);
	(erf) = vpow2.f32 v47  }
0x2ae: {  	v51 =	vmul.f32 $1.442695020e+00, v42;
	v9 =	vpop (erf);
	(erf) = vpow2.f32 v8  }
0x2af: {  	v52 =	vmul.f32 $1.442695020e+00, v44;
	v13 =	vpop (erf);
	(erf) = vpow2.f32 v50  }
0x2b0: {  	v53 =	vmul.f32 $1.442695020e+00, v46;
	v11 =	vpop (erf);
	(erf) = vpow2.f32 v51  }
0x2b1: {  	v54 =	vmul.f32 $1.442695020e+00, v48;
	v56 =	vld [tilespmem:s5+$0x4200];
	v12 =	vpop (erf);
	(erf) = vpow2.f32 v52  }
0x2b2: {  	v55 =	vmul.f32 $1.442695020e+00, v49;
	v14 =	vpop (erf);
	(erf) = vpow2.f32 v53  }
0x2b3: {  	v19 =	vpop (erf);
	(erf) = vpow2.f32 v54  }
0x2b4: {  	v57 =	vpop (erf);
	(erf) = vpow2.f32 v55  }
0x2b5: {  	v58 =	vpop (erf)  }
0x2b6: {  	v60 =	vmul.f32 $1.442695020e+00, v56;
	v59 =	vpop (erf)  }
0x2b7: {  	v22 =	vpop (erf)  }
0x2b8: {  	v61 =	vadd.f32 v16, v15;
	v62 =	vadd.f32 v18, v17;
	v23 =	vpop (erf);
	(erf) = vpow2.f32 v60  }
0x2b9: {  	v63 =	vadd.f32 v13, v9;
	v40 =	vadd.f32 v12, v11;
	v10 =	vpop (erf)  }
0x2ba: {  	v6 =	vadd.f32 v62, v61;
	v42 =	vadd.f32 v19, v14;
	v24 =	vpop (erf)  }
0x2bb: {  	v49 =	vadd.f32 v40, v63;
	v43 =	vadd.f32 v58, v57;
	v26 =	vpop (erf)  }
0x2bc: {  	v45 =	vadd.f32 v22, v59;
	v46 =	vadd.f32 v10, v23;
	v41 =	vpop (erf)  }
0x2bd: {  	v50 =	vadd.f32 v43, v42;
	v47 =	vadd.f32 v26, v24;
	v44 =	vpop (erf)  }
0x2be: {  	v51 =	vadd.f32 v46, v45;
	v48 =	vadd.f32 v44, v41  }
0x2bf: {  	v6 =	vadd.f32 v49, v6  }
0x2c0: {  	v53 =	vadd.f32 v51, v50;
	v52 =	vadd.f32 v48, v47  }
0x2c1: {  	v54 =	vpop (erf)  }
0x2c2: {  	v6 =	vadd.f32 v53, v6;
	v55 =	vadd.f32 v52, v54;
	_ =	sdelay $0x1  }
0x2c3: {  	v6 =	vadd.f32 v55, v6;
	_ =	sdelay $0x1  }
0x2c4: {  	(erf) = vrcp.f32 v6;
	_ =	sdelay $0x8  }
0x2c5: {  	v6 =	vpop (erf)  }
0x2c6: {  	v6 =	vmul.f32 $1.024000000e+03, v6;
	_ =	sdelay $0x1  }
0x2c7: {  	v40 =	vmov s22;
	v15 =	vmul.f32 v6, v15  }
0x2c8: {  	v42 =	vshll.u32 v40, $0x3;
	v45 =	vor.u32 s22, v2;
	v16 =	vmul.f32 v6, v16  }
0x2c9: {  	v17 =	vmul.f32 v6, v17;
	v18 =	vmul.f32 v6, v18;
	v15 =	vadd.f32 $1.258291200e+07, v15  }
0x2ca: {  	v9 =	vmul.f32 v6, v9;
	v13 =	vmul.f32 v6, v13;
	v16 =	vadd.f32 $1.258291200e+07, v16  }
0x2cb: {  	v11 =	vmul.f32 v6, v11;
	v17 =	vadd.f32 $1.258291200e+07, v17;
	v15 =	vadd.s32 $0xB4C00000, v15  }
0x2cc: {  	v12 =	vmul.f32 v6, v12;
	v18 =	vadd.f32 $1.258291200e+07, v18;
	v16 =	vadd.s32 $0xB4C00400, v16  }
0x2cd: {  	s3 =	sshrl.u32 s3, $0x2;
	v14 =	vmul.f32 v6, v14;
	v9 =	vadd.f32 $1.258291200e+07, v9;
	v17 =	vadd.s32 $0xB4C00800, v17  }
0x2ce: {  	s1 =	sor.u32 s24, s3;
	v19 =	vmul.f32 v6, v19;
	v13 =	vadd.f32 $1.258291200e+07, v13;
	v18 =	vadd.s32 $0xB4C00C00, v18  }
0x2cf: {  	v56 =	vld [tilespmem:s1+$0xC000];
	v57 =	vmul.f32 v6, v57;
	v11 =	vadd.f32 $1.258291200e+07, v11;
	v9 =	vadd.s32 $0xB4C01000, v9  }
0x2d0: {  	v8 =	vmul.f32 v6, v58;
	v12 =	vadd.f32 $1.258291200e+07, v12;
	v13 =	vadd.s32 $0xB4C01400, v13;
	[tilespmem:v15+s31+$0x0] =	vst.idx.add.f32.msk $0xffff, v1  }
0x2d1: {  	v59 =	vmul.f32 v6, v59;
	v14 =	vadd.f32 $1.258291200e+07, v14;
	v11 =	vadd.s32 $0xB4C01800, v11;
	[tilespmem:v16+s31+$0x0] =	vst.idx.add.f32.msk $0xffff, v1  }
0x2d2: {  	v60 =	vmul.f32 v6, v22;
	v58 =	vadd.f32 $1.258291200e+07, v19;
	v12 =	vadd.s32 $0xB4C01C00, v12;
	[tilespmem:v17+s31+$0x0] =	vst.idx.add.f32.msk $0xffff, v1  }
0x2d3: {  	v20 =	vmul.f32 v6, v23;
	v14 =	vadd.s32 $0xB4C02000, v14;
	v15 =	vadd.f32 $1.258291200e+07, v57;
	[tilespmem:v18+s31+$0x0] =	vst.idx.add.f32.msk $0xffff, v1  }
0x2d4: {  	v10 =	vmul.f32 v6, v10;
	v8 =	vadd.f32 $1.258291200e+07, v8;
	v16 =	vadd.s32 $0xB4C02400, v58;
	[tilespmem:v9+s31+$0x0] =	vst.idx.add.f32.msk $0xffff, v1  }
0x2d5: {  	v28 =	vmul.f32 v6, v24;
	v61 =	vadd.f32 $1.258291200e+07, v59;
	v63 =	vadd.s32 $0xB4C02800, v15;
	[tilespmem:v13+s31+$0x0] =	vst.idx.add.f32.msk $0xffff, v1  }
0x2d6: {  	v30 =	vmul.f32 v6, v26;
	v62 =	vadd.f32 $1.258291200e+07, v60;
	v8 =	vadd.s32 $0xB4C02C00, v8;
	[tilespmem:v11+s31+$0x0] =	vst.idx.add.f32.msk $0xffff, v1  }
0x2d7: {  	v31 =	vmul.f32 v6, v41;
	v23 =	vadd.f32 $1.258291200e+07, v20;
	v21 =	vadd.s32 $0xB4C03000, v61;
	[tilespmem:v12+s31+$0x0] =	vst.idx.add.f32.msk $0xffff, v1  }
0x2d8: {  	v33 =	vmul.f32 v6, v44;
	v10 =	vadd.f32 $1.258291200e+07, v10;
	v22 =	vadd.s32 $0xB4C03400, v62;
	[tilespmem:v14+s31+$0x0] =	vst.idx.add.f32.msk $0xffff, v1  }
0x2d9: {  	v39 =	vmul.f32 v6, v54;
	v34 =	vadd.f32 $1.258291200e+07, v28;
	v11 =	vadd.s32 $0xB4C03800, v23;
	[tilespmem:v16+s31+$0x0] =	vst.idx.add.f32.msk $0xffff, v1  }
0x2da: {  	v44 =	vshll.u32 v56, $0x7;
	v35 =	vadd.f32 $1.258291200e+07, v30;
	v10 =	vadd.s32 $0xB4C03C00, v10;
	[tilespmem:v63+s31+$0x0] =	vst.idx.add.f32.msk $0xffff, v1  }
0x2db: {  	v36 =	vadd.f32 $1.258291200e+07, v33;
	v37 =	vadd.s32 $0xB4C04000, v34;
	v12 =	vadd.f32 $1.258291200e+07, v31;
	[tilespmem:v8+s31+$0x0] =	vst.idx.add.f32.msk $0xffff, v1  }
0x2dc: {  	v41 =	vadd.f32 $1.258291200e+07, v39;
	v38 =	vadd.s32 $0xB4C04400, v35;
	v8 =	vshll.u32 v56, $0xA;
	[tilespmem:v21+s31+$0x0] =	vst.idx.add.f32.msk $0xffff, v1  }
0x2dd: {  	v15 =	vand.u32 $0x3C00, v42;
	v12 =	vadd.s32 $0xB4C04800, v12;
	v43 =	vand.u32 $0xFFFFE000, v8;
	[tilespmem:v22+s31+$0x0] =	vst.idx.add.f32.msk $0xffff, v1  }
0x2de: {  	v46 =	vand.u32 $0x380, v44;
	v16 =	vadd.s32 $0xB4C04C00, v36;
	v15 =	vadd.s32 v15, v43;
	[tilespmem:v11+s31+$0x0] =	vst.idx.add.f32.msk $0xffff, v1  }
0x2df: {  	v47 =	vadd.s32 $0xB4C05000, v41;
	v11 =	vand.u32 $0x7F, v45;
	v48 =	vor.u32 v46, v15;
	[tilespmem:v10+s31+$0x0] =	vst.idx.add.f32.msk $0xffff, v1  }
0x2e0: {  	v49 =	vor.u32 v11, v48;
	[tilespmem:v37+s31+$0x0] =	vst.idx.add.f32.msk $0xffff, v1  }
0x2e1: {  	[tilespmem:v38+s31+$0x0] =	vst.idx.add.f32.msk $0xffff, v1  }
0x2e2: {  	[tilespmem:v12+s31+$0x0] =	vst.idx.add.f32.msk $0xffff, v1  }
0x2e3: {  	s6 =	sadd.s32 $0xFFFFFE80, s16;
	[tilespmem:v16+s31+$0x0] =	vst.idx.add.f32.msk $0xffff, v1  }
0x2e4: {  	s0 =	sand.u32 $0x3C00, s6;
	[tilespmem:v47+s31+$0x0] =	vst.idx.add.f32.msk $0xffff, v1  }
0x2e5: {  	s7 =	sor.u32 s19, s0;
	v9 =	vld.idx.msk [tilespmem:v49+s18+$0x0], $0xffff  }
0x2e6: {  	v50 =	vld [tilespmem:s7+$0x0]  }
0x2e7: {  	v51 =	vld [tilespmem:s7+$0x80]  }
0x2e8: {  	v52 =	vld [tilespmem:s7+$0x100]  }
0x2e9: {  	v53 =	vld [tilespmem:s7+$0x180]  }
0x2ea: {  	v54 =	vld [tilespmem:s7+$0x200];
	v9 =	vmul.f32 $1.442695020e+00, v9  }
0x2eb: {  	v55 =	vld [tilespmem:s7+$0x280];
	v10 =	vmul.f32 $1.442695020e+00, v50  }
0x2ec: {  	v56 =	vld [tilespmem:s7+$0x300];
	v11 =	vmul.f32 $1.442695020e+00, v51;
	(erf) = vpow2.f32 v9  }
0x2ed: {  	v57 =	vld [tilespmem:s7+$0x380];
	v58 =	vmul.f32 $1.442695020e+00, v52;
	(erf) = vpow2.f32 v10  }
0x2ee: {  	v59 =	vld [tilespmem:s7+$0x2000];
	v60 =	vmul.f32 $1.442695020e+00, v53;
	(erf) = vpow2.f32 v11  }
0x2ef: {  	v61 =	vld [tilespmem:s7+$0x2080];
	v62 =	vmul.f32 $1.442695020e+00, v54;
	(erf) = vpow2.f32 v58  }
0x2f0: {  	v20 =	vmul.f32 $1.442695020e+00, v55;
	v63 =	vld [tilespmem:s7+$0x2100];
	(erf) = vpow2.f32 v60  }
0x2f1: {  	v21 =	vld [tilespmem:s7+$0x2180];
	v9 =	vmul.f32 $1.442695020e+00, v56;
	(erf) = vpow2.f32 v62  }
0x2f2: {  	v23 =	vmul.f32 $1.442695020e+00, v57;
	v22 =	vld [tilespmem:s7+$0x2200];
	(erf) = vpow2.f32 v20  }
0x2f3: {  	v24 =	vld [tilespmem:s7+$0x2280];
	v12 =	vmul.f32 $1.442695020e+00, v59;
	(erf) = vpow2.f32 v9  }
0x2f4: {  	v25 =	vld [tilespmem:s7+$0x2300];
	v26 =	vmul.f32 $1.442695020e+00, v61;
	(erf) = vpow2.f32 v23  }
0x2f5: {  	v27 =	vld [tilespmem:s7+$0x2380];
	v28 =	vmul.f32 $1.442695020e+00, v63;
	v9 =	vpop (erf);
	(erf) = vpow2.f32 v12  }
0x2f6: {  	v29 =	vld [tilespmem:s7+$0x4000];
	v30 =	vmul.f32 $1.442695020e+00, v21;
	v18 =	vpop (erf);
	(erf) = vpow2.f32 v26  }
0x2f7: {  	v10 =	vmul.f32 $1.442695020e+00, v22;
	v19 =	vpop (erf);
	(erf) = vpow2.f32 v28  }
0x2f8: {  	v33 =	vmul.f32 $1.442695020e+00, v24;
	v20 =	vpop (erf);
	(erf) = vpow2.f32 v30  }
0x2f9: {  	v35 =	vmul.f32 $1.442695020e+00, v25;
	v31 =	vld [tilespmem:s7+$0x4080];
	v21 =	vpop (erf);
	(erf) = vpow2.f32 v10  }
0x2fa: {  	v32 =	vld [tilespmem:s7+$0x4100];
	v36 =	vmul.f32 $1.442695020e+00, v27;
	v17 =	vpop (erf);
	(erf) = vpow2.f32 v33  }
0x2fb: {  	v34 =	vld [tilespmem:s7+$0x4180];
	v37 =	vmul.f32 $1.442695020e+00, v29;
	v13 =	vpop (erf);
	(erf) = vpow2.f32 v35  }
0x2fc: {  	v14 =	vpop (erf);
	(erf) = vpow2.f32 v36  }
0x2fd: {  	v15 =	vpop (erf);
	(erf) = vpow2.f32 v37  }
0x2fe: {  	v38 =	vmul.f32 $1.442695020e+00, v31;
	v12 =	vpop (erf)  }
0x2ff: {  	v39 =	vmul.f32 $1.442695020e+00, v32;
	v41 =	vld [tilespmem:s7+$0x4200];
	v22 =	vpop (erf)  }
0x300: {  	v40 =	vmul.f32 $1.442695020e+00, v34;
	(erf) = vpow2.f32 v38;
	v23 =	vpop (erf)  }
0x301: {  	(erf) = vpow2.f32 v39;
	v11 =	vpop (erf)  }
0x302: {  	(erf) = vpow2.f32 v40;
	v24 =	vpop (erf)  }
0x303: {  	v42 =	vpop (erf)  }
0x304: {  	v44 =	vmul.f32 $1.442695020e+00, v41;
	v43 =	vpop (erf)  }
0x305: {  	v16 =	vpop (erf)  }
0x306: {  	v45 =	vadd.f32 v19, v18;
	v46 =	vadd.f32 v21, v20;
	v27 =	vpop (erf);
	(erf) = vpow2.f32 v44  }
0x307: {  	v47 =	vadd.f32 v13, v17;
	v48 =	vadd.f32 v15, v14  }
0x308: {  	v10 =	vadd.f32 v46, v45;
	v50 =	vadd.f32 v22, v12  }
0x309: {  	v57 =	vadd.f32 v48, v47;
	v51 =	vadd.f32 v11, v23;
	v29 =	vpop (erf)  }
0x30a: {  	v53 =	vadd.f32 v42, v24;
	v54 =	vadd.f32 v16, v43;
	v49 =	vpop (erf)  }
0x30b: {  	v58 =	vadd.f32 v51, v50;
	v55 =	vadd.f32 v29, v27;
	v52 =	vpop (erf)  }
0x30c: {  	v59 =	vadd.f32 v54, v53;
	v56 =	vadd.f32 v52, v49  }
0x30d: {  	v10 =	vadd.f32 v57, v10  }
0x30e: {  	v61 =	vadd.f32 v59, v58;
	v60 =	vadd.f32 v56, v55  }
0x30f: {  	v62 =	vpop (erf)  }
0x310: {  	v10 =	vadd.f32 v61, v10;
	v63 =	vadd.f32 v60, v62;
	_ =	sdelay $0x1  }
0x311: {  	v10 =	vadd.f32 v63, v10;
	_ =	sdelay $0x1  }
0x312: {  	(erf) = vrcp.f32 v10;
	_ =	sdelay $0x5  }
0x313: {  	s0 =	sshrl.u32 s0, $0x2  }
0x314: {  	s0 =	sor.u32 s19, s0  }
0x315: {  	v33 =	vld [tilespmem:s0+$0xC000]  }
0x316: {  	v10 =	vpop (erf)  }
0x317: {  	v10 =	vmul.f32 $1.024000000e+03, v10  }
0x318: {  	s8 =	sadd.s32 $0xFFFFFFD0, s17  }
0x319: {  	v57 =	vmov s8;
	v18 =	vmul.f32 v10, v18  }
0x31a: {  	v59 =	vshll.u32 v57, $0x3;
	v61 =	vshll.u32 v33, $0x7;
	v19 =	vmul.f32 v10, v19  }
0x31b: {  	v63 =	vand.u32 $0x380, v61;
	v20 =	vmul.f32 v10, v20;
	v18 =	vadd.f32 $1.258291200e+07, v18  }
0x31c: {  	v21 =	vmul.f32 v10, v21;
	v17 =	vmul.f32 v10, v17;
	v19 =	vadd.f32 $1.258291200e+07, v19  }
0x31d: {  	v13 =	vmul.f32 v10, v13;
	v20 =	vadd.f32 $1.258291200e+07, v20;
	v18 =	vadd.s32 $0xB4C00000, v18  }
0x31e: {  	v14 =	vmul.f32 v10, v14;
	v21 =	vadd.f32 $1.258291200e+07, v21;
	v19 =	vadd.s32 $0xB4C00400, v19  }
0x31f: {  	v15 =	vmul.f32 v10, v15;
	v17 =	vadd.f32 $1.258291200e+07, v17;
	v20 =	vadd.s32 $0xB4C00800, v20  }
0x320: {  	v12 =	vmul.f32 v10, v12;
	v13 =	vadd.f32 $1.258291200e+07, v13;
	v21 =	vadd.s32 $0xB4C00C00, v21  }
0x321: {  	v22 =	vmul.f32 v10, v22;
	v14 =	vadd.f32 $1.258291200e+07, v14;
	v17 =	vadd.s32 $0xB4C01000, v17  }
0x322: {  	v34 =	vmul.f32 v10, v23;
	v15 =	vadd.f32 $1.258291200e+07, v15;
	v13 =	vadd.s32 $0xB4C01400, v13;
	[tilespmem:v18+s31+$0x0] =	vst.idx.add.f32.msk $0xffff, v1  }
0x323: {  	v11 =	vmul.f32 v10, v11;
	v12 =	vadd.f32 $1.258291200e+07, v12;
	v14 =	vadd.s32 $0xB4C01800, v14;
	[tilespmem:v19+s31+$0x0] =	vst.idx.add.f32.msk $0xffff, v1  }
0x324: {  	v37 =	vmul.f32 v10, v24;
	v36 =	vadd.f32 $1.258291200e+07, v22;
	v15 =	vadd.s32 $0xB4C01C00, v15;
	[tilespmem:v20+s31+$0x0] =	vst.idx.add.f32.msk $0xffff, v1  }
0x325: {  	v38 =	vmul.f32 v10, v42;
	v12 =	vadd.s32 $0xB4C02000, v12;
	v18 =	vadd.f32 $1.258291200e+07, v34;
	[tilespmem:v21+s31+$0x0] =	vst.idx.add.f32.msk $0xffff, v1  }
0x326: {  	v42 =	vmul.f32 v10, v43;
	v11 =	vadd.f32 $1.258291200e+07, v11;
	v19 =	vadd.s32 $0xB4C02400, v36;
	[tilespmem:v17+s31+$0x0] =	vst.idx.add.f32.msk $0xffff, v1  }
0x327: {  	v16 =	vmul.f32 v10, v16;
	v39 =	vadd.f32 $1.258291200e+07, v37;
	v41 =	vadd.s32 $0xB4C02800, v18;
	[tilespmem:v13+s31+$0x0] =	vst.idx.add.f32.msk $0xffff, v1  }
0x328: {  	v46 =	vmul.f32 v10, v27;
	v40 =	vadd.f32 $1.258291200e+07, v38;
	v11 =	vadd.s32 $0xB4C02C00, v11;
	[tilespmem:v14+s31+$0x0] =	vst.idx.add.f32.msk $0xffff, v1  }
0x329: {  	v47 =	vmul.f32 v10, v29;
	v45 =	vadd.f32 $1.258291200e+07, v42;
	v43 =	vadd.s32 $0xB4C03000, v39;
	[tilespmem:v15+s31+$0x0] =	vst.idx.add.f32.msk $0xffff, v1  }
0x32a: {  	v49 =	vmul.f32 v10, v49;
	v48 =	vadd.f32 $1.258291200e+07, v16;
	v44 =	vadd.s32 $0xB4C03400, v40;
	[tilespmem:v12+s31+$0x0] =	vst.idx.add.f32.msk $0xffff, v1  }
0x32b: {  	v50 =	vmul.f32 v10, v52;
	v52 =	vadd.f32 $1.258291200e+07, v46;
	v51 =	vadd.s32 $0xB4C03800, v45;
	[tilespmem:v19+s31+$0x0] =	vst.idx.add.f32.msk $0xffff, v1  }
0x32c: {  	v56 =	vmul.f32 v10, v62;
	v53 =	vadd.f32 $1.258291200e+07, v47;
	v15 =	vadd.s32 $0xB4C03C00, v48;
	[tilespmem:v41+s31+$0x0] =	vst.idx.add.f32.msk $0xffff, v1  }
0x32d: {  	v16 =	vadd.f32 $1.258291200e+07, v49;
	v54 =	vadd.f32 $1.258291200e+07, v50;
	v14 =	vadd.s32 $0xB4C04000, v52;
	[tilespmem:v11+s31+$0x0] =	vst.idx.add.f32.msk $0xffff, v1  }
0x32e: {  	v58 =	vadd.f32 $1.258291200e+07, v56;
	v55 =	vadd.s32 $0xB4C04400, v53;
	v11 =	vshll.u32 v33, $0xA;
	[tilespmem:v43+s31+$0x0] =	vst.idx.add.f32.msk $0xffff, v1  }
0x32f: {  	v16 =	vadd.s32 $0xB4C04800, v16;
	v18 =	vand.u32 $0x3C00, v59;
	v60 =	vand.u32 $0xFFFFE000, v11;
	[tilespmem:v44+s31+$0x0] =	vst.idx.add.f32.msk $0xffff, v1  }
0x330: {  	v62 =	vor.u32 s8, v2;
	v19 =	vadd.s32 $0xB4C04C00, v54;
	v18 =	vadd.s32 v18, v60;
	[tilespmem:v51+s31+$0x0] =	vst.idx.add.f32.msk $0xffff, v1  }
0x331: {  	v13 =	vadd.s32 $0xB4C05000, v58;
	v12 =	vand.u32 $0x4F, v62;
	v20 =	vor.u32 v63, v18;
	[tilespmem:v15+s31+$0x0] =	vst.idx.add.f32.msk $0xffff, v1  }
0x332: {  	v12 =	vor.u32 v12, v20;
	[tilespmem:v14+s31+$0x0] =	vst.idx.add.f32.msk $0xffff, v1  }
0x333: {  	[tilespmem:v55+s31+$0x0] =	vst.idx.add.f32.msk $0xffff, v1  }
0x334: {  	[tilespmem:v16+s31+$0x0] =	vst.idx.add.f32.msk $0xffff, v1  }
0x335: {  	s9 =	sadd.s32 $0xFFFFFFE0, s17;
	s10 =	sadd.s32 $0xFFFFFF00, s16;
	[tilespmem:v19+s31+$0x0] =	vst.idx.add.f32.msk $0xffff, v1  }
0x336: {  	s11 =	sand.u32 $0x50, s9;
	s3 =	sand.u32 $0x3C00, s10;
	[tilespmem:v13+s31+$0x0] =	vst.idx.add.f32.msk $0xffff, v1  }
0x337: {  	s12 =	sor.u32 s11, s3;
	v12 =	vld.idx.msk [tilespmem:v12+s18+$0x0], $0xffff  }
0x338: {  	v21 =	vld [tilespmem:s12+$0x0]  }
0x339: {  	v22 =	vld [tilespmem:s12+$0x80]  }
0x33a: {  	v23 =	vld [tilespmem:s12+$0x100]  }
0x33b: {  	v24 =	vld [tilespmem:s12+$0x180]  }
0x33c: {  	v25 =	vld [tilespmem:s12+$0x200];
	v12 =	vmul.f32 $1.442695020e+00, v12  }
0x33d: {  	v26 =	vld [tilespmem:s12+$0x280];
	v13 =	vmul.f32 $1.442695020e+00, v21  }
0x33e: {  	v27 =	vld [tilespmem:s12+$0x300];
	v14 =	vmul.f32 $1.442695020e+00, v22;
	(erf) = vpow2.f32 v12  }
0x33f: {  	v28 =	vld [tilespmem:s12+$0x380];
	v29 =	vmul.f32 $1.442695020e+00, v23;
	(erf) = vpow2.f32 v13  }
0x340: {  	v30 =	vld [tilespmem:s12+$0x2000];
	v31 =	vmul.f32 $1.442695020e+00, v24;
	(erf) = vpow2.f32 v14  }
0x341: {  	v32 =	vld [tilespmem:s12+$0x2080];
	v33 =	vmul.f32 $1.442695020e+00, v25;
	(erf) = vpow2.f32 v29  }
0x342: {  	v35 =	vmul.f32 $1.442695020e+00, v26;
	v34 =	vld [tilespmem:s12+$0x2100];
	(erf) = vpow2.f32 v31  }
0x343: {  	v36 =	vld [tilespmem:s12+$0x2180];
	v12 =	vmul.f32 $1.442695020e+00, v27;
	(erf) = vpow2.f32 v33  }
0x344: {  	v37 =	vld [tilespmem:s12+$0x2200];
	v38 =	vmul.f32 $1.442695020e+00, v28;
	(erf) = vpow2.f32 v35  }
0x345: {  	v39 =	vld [tilespmem:s12+$0x2280];
	v15 =	vmul.f32 $1.442695020e+00, v30;
	(erf) = vpow2.f32 v12  }
0x346: {  	v40 =	vld [tilespmem:s12+$0x2300];
	v41 =	vmul.f32 $1.442695020e+00, v32;
	(erf) = vpow2.f32 v38  }
0x347: {  	v42 =	vld [tilespmem:s12+$0x2380];
	v43 =	vmul.f32 $1.442695020e+00, v34;
	v12 =	vpop (erf);
	(erf) = vpow2.f32 v15  }
0x348: {  	v45 =	vmul.f32 $1.442695020e+00, v36;
	v44 =	vld [tilespmem:s12+$0x4000];
	v21 =	vpop (erf);
	(erf) = vpow2.f32 v41  }
0x349: {  	v46 =	vld [tilespmem:s12+$0x4080];
	v13 =	vmul.f32 $1.442695020e+00, v37;
	v22 =	vpop (erf);
	(erf) = vpow2.f32 v43  }
0x34a: {  	v47 =	vld [tilespmem:s12+$0x4100];
	v48 =	vmul.f32 $1.442695020e+00, v39;
	v23 =	vpop (erf);
	(erf) = vpow2.f32 v45  }
0x34b: {  	v49 =	vld [tilespmem:s12+$0x4180];
	v50 =	vmul.f32 $1.442695020e+00, v40;
	v24 =	vpop (erf);
	(erf) = vpow2.f32 v13  }
0x34c: {  	v51 =	vmul.f32 $1.442695020e+00, v42;
	v20 =	vpop (erf);
	(erf) = vpow2.f32 v48  }
0x34d: {  	v52 =	vmul.f32 $1.442695020e+00, v44;
	v16 =	vpop (erf);
	(erf) = vpow2.f32 v50  }
0x34e: {  	v53 =	vmul.f32 $1.442695020e+00, v46;
	v17 =	vpop (erf);
	(erf) = vpow2.f32 v51  }
0x34f: {  	v56 =	vld [tilespmem:s12+$0x4200];
	v54 =	vmul.f32 $1.442695020e+00, v47;
	v18 =	vpop (erf);
	(erf) = vpow2.f32 v52  }
0x350: {  	v55 =	vmul.f32 $1.442695020e+00, v49;
	v15 =	vpop (erf);
	(erf) = vpow2.f32 v53  }
0x351: {  	v25 =	vpop (erf);
	(erf) = vpow2.f32 v54  }
0x352: {  	v26 =	vpop (erf);
	(erf) = vpow2.f32 v55  }
0x353: {  	v14 =	vpop (erf)  }
0x354: {  	v57 =	vmul.f32 $1.442695020e+00, v56;
	v27 =	vpop (erf)  }
0x355: {  	v28 =	vpop (erf)  }
0x356: {  	v58 =	vadd.f32 v22, v21;
	v59 =	vadd.f32 v24, v23;
	(erf) = vpow2.f32 v57;
	v29 =	vpop (erf)  }
0x357: {  	v60 =	vadd.f32 v16, v20;
	v61 =	vadd.f32 v18, v17;
	v19 =	vpop (erf)  }
0x358: {  	v13 =	vadd.f32 v59, v58;
	v62 =	vadd.f32 v25, v15;
	v30 =	vpop (erf)  }
0x359: {  	v50 =	vadd.f32 v61, v60;
	v63 =	vadd.f32 v14, v26;
	v32 =	vpop (erf)  }
0x35a: {  	v46 =	vadd.f32 v28, v27;
	v47 =	vadd.f32 v19, v29;
	v35 =	vpop (erf)  }
0x35b: {  	v51 =	vadd.f32 v63, v62;
	v48 =	vadd.f32 v32, v30;
	v45 =	vpop (erf)  }
0x35c: {  	v52 =	vadd.f32 v47, v46;
	v49 =	vadd.f32 v45, v35  }
0x35d: {  	v13 =	vadd.f32 v50, v13  }
0x35e: {  	v54 =	vadd.f32 v52, v51;
	v53 =	vadd.f32 v49, v48  }
0x35f: {  	v55 =	vpop (erf)  }
0x360: {  	v13 =	vadd.f32 v54, v13;
	v56 =	vadd.f32 v53, v55;
	_ =	sdelay $0x1  }
0x361: {  	v13 =	vadd.f32 v56, v13;
	_ =	sdelay $0x1  }
0x362: {  	(erf) = vrcp.f32 v13;
	_ =	sdelay $0x5  }
0x363: {  	s3 =	sshrl.u32 s3, $0x2  }
0x364: {  	s1 =	sor.u32 s11, s3  }
0x365: {  	v57 =	vld [tilespmem:s1+$0xC000]  }
0x366: {  	v13 =	vpop (erf)  }
0x367: {  	v13 =	vmul.f32 $1.024000000e+03, v13;
	_ =	sdelay $0x1  }
0x368: {  	v50 =	vmov s9;
	v21 =	vmul.f32 v13, v21  }
0x369: {  	v52 =	vshll.u32 v50, $0x3;
	v54 =	vshll.u32 v57, $0x7;
	v22 =	vmul.f32 v13, v22  }
0x36a: {  	v56 =	vand.u32 $0x380, v54;
	v23 =	vmul.f32 v13, v23;
	v21 =	vadd.f32 $1.258291200e+07, v21  }
0x36b: {  	v24 =	vmul.f32 v13, v24;
	v20 =	vmul.f32 v13, v20;
	v22 =	vadd.f32 $1.258291200e+07, v22  }
0x36c: {  	v16 =	vmul.f32 v13, v16;
	v23 =	vadd.f32 $1.258291200e+07, v23;
	v21 =	vadd.s32 $0xB4C00000, v21  }
0x36d: {  	v17 =	vmul.f32 v13, v17;
	v24 =	vadd.f32 $1.258291200e+07, v24;
	v22 =	vadd.s32 $0xB4C00400, v22  }
0x36e: {  	v18 =	vmul.f32 v13, v18;
	v20 =	vadd.f32 $1.258291200e+07, v20;
	v23 =	vadd.s32 $0xB4C00800, v23  }
0x36f: {  	v15 =	vmul.f32 v13, v15;
	v16 =	vadd.f32 $1.258291200e+07, v16;
	v24 =	vadd.s32 $0xB4C00C00, v24  }
0x370: {  	v25 =	vmul.f32 v13, v25;
	v17 =	vadd.f32 $1.258291200e+07, v17;
	v20 =	vadd.s32 $0xB4C01000, v20  }
0x371: {  	v58 =	vmul.f32 v13, v26;
	v18 =	vadd.f32 $1.258291200e+07, v18;
	v16 =	vadd.s32 $0xB4C01400, v16;
	[tilespmem:v21+s31+$0x0] =	vst.idx.add.f32.msk $0xffff, v1  }
0x372: {  	v14 =	vmul.f32 v13, v14;
	v15 =	vadd.f32 $1.258291200e+07, v15;
	v17 =	vadd.s32 $0xB4C01800, v17;
	[tilespmem:v22+s31+$0x0] =	vst.idx.add.f32.msk $0xffff, v1  }
0x373: {  	v60 =	vmul.f32 v13, v27;
	v59 =	vadd.f32 $1.258291200e+07, v25;
	v18 =	vadd.s32 $0xB4C01C00, v18;
	[tilespmem:v23+s31+$0x0] =	vst.idx.add.f32.msk $0xffff, v1  }
0x374: {  	v61 =	vmul.f32 v13, v28;
	v15 =	vadd.s32 $0xB4C02000, v15;
	v21 =	vadd.f32 $1.258291200e+07, v58;
	[tilespmem:v24+s31+$0x0] =	vst.idx.add.f32.msk $0xffff, v1  }
0x375: {  	v29 =	vmul.f32 v13, v29;
	v14 =	vadd.f32 $1.258291200e+07, v14;
	v22 =	vadd.s32 $0xB4C02400, v59;
	[tilespmem:v20+s31+$0x0] =	vst.idx.add.f32.msk $0xffff, v1  }
0x376: {  	v19 =	vmul.f32 v13, v19;
	v62 =	vadd.f32 $1.258291200e+07, v60;
	v28 =	vadd.s32 $0xB4C02800, v21;
	[tilespmem:v16+s31+$0x0] =	vst.idx.add.f32.msk $0xffff, v1  }
0x377: {  	v39 =	vmul.f32 v13, v30;
	v63 =	vadd.f32 $1.258291200e+07, v61;
	v14 =	vadd.s32 $0xB4C02C00, v14;
	[tilespmem:v17+s31+$0x0] =	vst.idx.add.f32.msk $0xffff, v1  }
0x378: {  	v40 =	vmul.f32 v13, v32;
	v37 =	vadd.f32 $1.258291200e+07, v29;
	v34 =	vadd.s32 $0xB4C03000, v62;
	[tilespmem:v18+s31+$0x0] =	vst.idx.add.f32.msk $0xffff, v1  }
0x379: {  	v42 =	vmul.f32 v13, v35;
	v41 =	vadd.f32 $1.258291200e+07, v19;
	v36 =	vadd.s32 $0xB4C03400, v63;
	[tilespmem:v15+s31+$0x0] =	vst.idx.add.f32.msk $0xffff, v1  }
0x37a: {  	v43 =	vmul.f32 v13, v45;
	v45 =	vadd.f32 $1.258291200e+07, v39;
	v44 =	vadd.s32 $0xB4C03800, v37;
	[tilespmem:v22+s31+$0x0] =	vst.idx.add.f32.msk $0xffff, v1  }
0x37b: {  	v49 =	vmul.f32 v13, v55;
	v46 =	vadd.f32 $1.258291200e+07, v40;
	v18 =	vadd.s32 $0xB4C03C00, v41;
	[tilespmem:v28+s31+$0x0] =	vst.idx.add.f32.msk $0xffff, v1  }
0x37c: {  	v19 =	vadd.f32 $1.258291200e+07, v42;
	v47 =	vadd.f32 $1.258291200e+07, v43;
	v17 =	vadd.s32 $0xB4C04000, v45;
	[tilespmem:v14+s31+$0x0] =	vst.idx.add.f32.msk $0xffff, v1  }
0x37d: {  	v51 =	vadd.f32 $1.258291200e+07, v49;
	v48 =	vadd.s32 $0xB4C04400, v46;
	v14 =	vshll.u32 v57, $0xA;
	[tilespmem:v34+s31+$0x0] =	vst.idx.add.f32.msk $0xffff, v1  }
0x37e: {  	v19 =	vadd.s32 $0xB4C04800, v19;
	v21 =	vand.u32 $0x3C00, v52;
	v53 =	vand.u32 $0xFFFFE000, v14;
	[tilespmem:v36+s31+$0x0] =	vst.idx.add.f32.msk $0xffff, v1  }
0x37f: {  	v55 =	vor.u32 s9, v2;
	v22 =	vadd.s32 $0xB4C04C00, v47;
	v21 =	vadd.s32 v21, v53;
	[tilespmem:v44+s31+$0x0] =	vst.idx.add.f32.msk $0xffff, v1  }
0x380: {  	v16 =	vadd.s32 $0xB4C05000, v51;
	v15 =	vand.u32 $0x5F, v55;
	v57 =	vor.u32 v56, v21;
	[tilespmem:v18+s31+$0x0] =	vst.idx.add.f32.msk $0xffff, v1  }
0x381: {  	v15 =	vor.u32 v15, v57;
	[tilespmem:v17+s31+$0x0] =	vst.idx.add.f32.msk $0xffff, v1  }
0x382: {  	[tilespmem:v48+s31+$0x0] =	vst.idx.add.f32.msk $0xffff, v1  }
0x383: {  	[tilespmem:v19+s31+$0x0] =	vst.idx.add.f32.msk $0xffff, v1  }
0x384: {  	s13 =	sadd.s32 $0xFFFFFFF0, s17;
	s19 =	sadd.s32 $0xFFFFFF80, s16;
	[tilespmem:v22+s31+$0x0] =	vst.idx.add.f32.msk $0xffff, v1  }
0x385: {  	s20 =	sand.u32 $0x60, s13;
	s3 =	sand.u32 $0x3C00, s19;
	[tilespmem:v16+s31+$0x0] =	vst.idx.add.f32.msk $0xffff, v1  }
0x386: {  	s21 =	sor.u32 s20, s3;
	v15 =	vld.idx.msk [tilespmem:v15+s18+$0x0], $0xffff  }
0x387: {  	v58 =	vld [tilespmem:s21+$0x0]  }
0x388: {  	v59 =	vld [tilespmem:s21+$0x80]  }
0x389: {  	v60 =	vld [tilespmem:s21+$0x100]  }
0x38a: {  	v61 =	vld [tilespmem:s21+$0x180]  }
0x38b: {  	v62 =	vld [tilespmem:s21+$0x200];
	v15 =	vmul.f32 $1.442695020e+00, v15  }
0x38c: {  	v63 =	vld [tilespmem:s21+$0x280];
	v16 =	vmul.f32 $1.442695020e+00, v58  }
0x38d: {  	v24 =	vld [tilespmem:s21+$0x300];
	v17 =	vmul.f32 $1.442695020e+00, v59;
	(erf) = vpow2.f32 v15  }
0x38e: {  	v25 =	vld [tilespmem:s21+$0x380];
	v26 =	vmul.f32 $1.442695020e+00, v60;
	(erf) = vpow2.f32 v16  }
0x38f: {  	v27 =	vld [tilespmem:s21+$0x2000];
	v28 =	vmul.f32 $1.442695020e+00, v61;
	(erf) = vpow2.f32 v17  }
0x390: {  	v29 =	vld [tilespmem:s21+$0x2080];
	v30 =	vmul.f32 $1.442695020e+00, v62;
	(erf) = vpow2.f32 v26  }
0x391: {  	v31 =	vld [tilespmem:s21+$0x2100];
	v32 =	vmul.f32 $1.442695020e+00, v63;
	(erf) = vpow2.f32 v28  }
0x392: {  	v33 =	vld [tilespmem:s21+$0x2180];
	v15 =	vmul.f32 $1.442695020e+00, v24;
	(erf) = vpow2.f32 v30  }
0x393: {  	v35 =	vmul.f32 $1.442695020e+00, v25;
	v34 =	vld [tilespmem:s21+$0x2200];
	(erf) = vpow2.f32 v32  }
0x394: {  	v36 =	vld [tilespmem:s21+$0x2280];
	v18 =	vmul.f32 $1.442695020e+00, v27;
	(erf) = vpow2.f32 v15  }
0x395: {  	v37 =	vld [tilespmem:s21+$0x2300];
	v38 =	vmul.f32 $1.442695020e+00, v29;
	(erf) = vpow2.f32 v35  }
0x396: {  	v39 =	vld [tilespmem:s21+$0x2380];
	v40 =	vmul.f32 $1.442695020e+00, v31;
	v15 =	vpop (erf);
	(erf) = vpow2.f32 v18  }
0x397: {  	v42 =	vmul.f32 $1.442695020e+00, v33;
	v24 =	vpop (erf);
	(erf) = vpow2.f32 v38  }
0x398: {  	v41 =	vld [tilespmem:s21+$0x4000];
	v16 =	vmul.f32 $1.442695020e+00, v34;
	v25 =	vpop (erf);
	(erf) = vpow2.f32 v40  }
0x399: {  	v43 =	vld [tilespmem:s21+$0x4080];
	v45 =	vmul.f32 $1.442695020e+00, v36;
	v26 =	vpop (erf);
	(erf) = vpow2.f32 v42  }
0x39a: {  	v47 =	vmul.f32 $1.442695020e+00, v37;
	v44 =	vld [tilespmem:s21+$0x4100];
	v27 =	vpop (erf);
	(erf) = vpow2.f32 v16  }
0x39b: {  	v46 =	vld [tilespmem:s21+$0x4180];
	v48 =	vmul.f32 $1.442695020e+00, v39;
	v23 =	vpop (erf);
	(erf) = vpow2.f32 v45  }
0x39c: {  	v19 =	vpop (erf);
	(erf) = vpow2.f32 v47  }
0x39d: {  	v49 =	vmul.f32 $1.442695020e+00, v41;
	v20 =	vpop (erf);
	(erf) = vpow2.f32 v48  }
0x39e: {  	v50 =	vmul.f32 $1.442695020e+00, v43;
	v21 =	vpop (erf)  }
0x39f: {  	v53 =	vld [tilespmem:s21+$0x4200];
	v51 =	vmul.f32 $1.442695020e+00, v44;
	(erf) = vpow2.f32 v49;
	v18 =	vpop (erf)  }
0x3a0: {  	v52 =	vmul.f32 $1.442695020e+00, v46;
	(erf) = vpow2.f32 v50;
	v28 =	vpop (erf)  }
0x3a1: {  	(erf) = vpow2.f32 v51;
	v29 =	vpop (erf)  }
0x3a2: {  	(erf) = vpow2.f32 v52;
	v17 =	vpop (erf)  }
0x3a3: {  	v30 =	vpop (erf)  }
0x3a4: {  	v54 =	vmul.f32 $1.442695020e+00, v53;
	v31 =	vpop (erf)  }
0x3a5: {  	v32 =	vpop (erf)  }
0x3a6: {  	v55 =	vadd.f32 v25, v24;
	v56 =	vadd.f32 v27, v26;
	v22 =	vpop (erf);
	(erf) = vpow2.f32 v54  }
0x3a7: {  	v57 =	vadd.f32 v19, v23;
	v58 =	vadd.f32 v21, v20  }
0x3a8: {  	v16 =	vadd.f32 v56, v55;
	v59 =	vadd.f32 v28, v18;
	v33 =	vpop (erf)  }
0x3a9: {  	v49 =	vadd.f32 v58, v57;
	v60 =	vadd.f32 v17, v29;
	v35 =	vpop (erf)  }
0x3aa: {  	v61 =	vadd.f32 v31, v30;
	v62 =	vadd.f32 v22, v32;
	v38 =	vpop (erf)  }
0x3ab: {  	v50 =	vadd.f32 v60, v59;
	v63 =	vadd.f32 v35, v33;
	v41 =	vpop (erf)  }
0x3ac: {  	v51 =	vadd.f32 v62, v61;
	v48 =	vadd.f32 v41, v38  }
0x3ad: {  	v16 =	vadd.f32 v49, v16  }
0x3ae: {  	v53 =	vadd.f32 v51, v50;
	v52 =	vadd.f32 v48, v63  }
0x3af: {  	v54 =	vpop (erf)  }
0x3b0: {  	v16 =	vadd.f32 v53, v16;
	v55 =	vadd.f32 v52, v54;
	_ =	sdelay $0x1  }
0x3b1: {  	v16 =	vadd.f32 v55, v16;
	_ =	sdelay $0x1  }
0x3b2: {  	(erf) = vrcp.f32 v16;
	_ =	sdelay $0x8  }
0x3b3: {  	v16 =	vpop (erf)  }
0x3b4: {  	v16 =	vmul.f32 $1.024000000e+03, v16;
	_ =	sdelay $0x1  }
0x3b5: {  	v24 =	vmul.f32 v16, v24;
	v25 =	vmul.f32 v16, v25  }
0x3b6: {  	v52 =	vmov s13;
	v26 =	vmul.f32 v16, v26;
	v27 =	vmul.f32 v16, v27  }
0x3b7: {  	v23 =	vmul.f32 v16, v23;
	v19 =	vmul.f32 v16, v19;
	v24 =	vadd.f32 $1.258291200e+07, v24  }
0x3b8: {  	v20 =	vmul.f32 v16, v20;
	v21 =	vmul.f32 v16, v21;
	v25 =	vadd.f32 $1.258291200e+07, v25  }
0x3b9: {  	v18 =	vmul.f32 v16, v18;
	v26 =	vadd.f32 $1.258291200e+07, v26;
	v24 =	vadd.s32 $0xB4C00000, v24  }
0x3ba: {  	v28 =	vmul.f32 v16, v28;
	v27 =	vadd.f32 $1.258291200e+07, v27;
	v25 =	vadd.s32 $0xB4C00400, v25  }
0x3bb: {  	s3 =	sshrl.u32 s3, $0x2;
	v57 =	vmul.f32 v16, v29;
	v23 =	vadd.f32 $1.258291200e+07, v23;
	v26 =	vadd.s32 $0xB4C00800, v26  }
0x3bc: {  	s1 =	sor.u32 s20, s3;
	v17 =	vmul.f32 v16, v17;
	v19 =	vadd.f32 $1.258291200e+07, v19;
	v27 =	vadd.s32 $0xB4C00C00, v27  }
0x3bd: {  	v56 =	vld [tilespmem:s1+$0xC000];
	v59 =	vmul.f32 v16, v30;
	v20 =	vadd.f32 $1.258291200e+07, v20;
	v23 =	vadd.s32 $0xB4C01000, v23  }
0x3be: {  	v60 =	vmul.f32 v16, v31;
	v21 =	vadd.f32 $1.258291200e+07, v21;
	v19 =	vadd.s32 $0xB4C01400, v19;
	[tilespmem:v24+s31+$0x0] =	vst.idx.add.f32.msk $0xffff, v1  }
0x3bf: {  	v31 =	vmul.f32 v16, v32;
	v18 =	vadd.f32 $1.258291200e+07, v18;
	v20 =	vadd.s32 $0xB4C01800, v20;
	[tilespmem:v25+s31+$0x0] =	vst.idx.add.f32.msk $0xffff, v1  }
0x3c0: {  	v22 =	vmul.f32 v16, v22;
	v58 =	vadd.f32 $1.258291200e+07, v28;
	v21 =	vadd.s32 $0xB4C01C00, v21;
	[tilespmem:v26+s31+$0x0] =	vst.idx.add.f32.msk $0xffff, v1  }
0x3c1: {  	v40 =	vmul.f32 v16, v33;
	v18 =	vadd.s32 $0xB4C02000, v18;
	v24 =	vadd.f32 $1.258291200e+07, v57;
	[tilespmem:v27+s31+$0x0] =	vst.idx.add.f32.msk $0xffff, v1  }
0x3c2: {  	v42 =	vmul.f32 v16, v35;
	v17 =	vadd.f32 $1.258291200e+07, v17;
	v25 =	vadd.s32 $0xB4C02400, v58;
	[tilespmem:v23+s31+$0x0] =	vst.idx.add.f32.msk $0xffff, v1  }
0x3c3: {  	v44 =	vmul.f32 v16, v38;
	v61 =	vadd.f32 $1.258291200e+07, v59;
	v63 =	vadd.s32 $0xB4C02800, v24;
	[tilespmem:v19+s31+$0x0] =	vst.idx.add.f32.msk $0xffff, v1  }
0x3c4: {  	v45 =	vmul.f32 v16, v41;
	v62 =	vadd.f32 $1.258291200e+07, v60;
	v17 =	vadd.s32 $0xB4C02C00, v17;
	[tilespmem:v20+s31+$0x0] =	vst.idx.add.f32.msk $0xffff, v1  }
0x3c5: {  	v51 =	vmul.f32 v16, v54;
	v39 =	vadd.f32 $1.258291200e+07, v31;
	v32 =	vadd.s32 $0xB4C03000, v61;
	[tilespmem:v21+s31+$0x0] =	vst.idx.add.f32.msk $0xffff, v1  }
0x3c6: {  	v54 =	vshll.u32 v52, $0x3;
	v43 =	vadd.f32 $1.258291200e+07, v22;
	v37 =	vadd.s32 $0xB4C03400, v62;
	[tilespmem:v18+s31+$0x0] =	vst.idx.add.f32.msk $0xffff, v1  }
0x3c7: {  	v47 =	vadd.f32 $1.258291200e+07, v40;
	v48 =	vadd.f32 $1.258291200e+07, v42;
	v46 =	vadd.s32 $0xB4C03800, v39;
	[tilespmem:v25+s31+$0x0] =	vst.idx.add.f32.msk $0xffff, v1  }
0x3c8: {  	v22 =	vadd.f32 $1.258291200e+07, v44;
	v49 =	vadd.f32 $1.258291200e+07, v45;
	v21 =	vadd.s32 $0xB4C03C00, v43;
	[tilespmem:v63+s31+$0x0] =	vst.idx.add.f32.msk $0xffff, v1  }
0x3c9: {  	v53 =	vadd.f32 $1.258291200e+07, v51;
	v50 =	vadd.s32 $0xB4C04400, v48;
	v20 =	vadd.s32 $0xB4C04000, v47;
	[tilespmem:v17+s31+$0x0] =	vst.idx.add.f32.msk $0xffff, v1  }
0x3ca: {  	v22 =	vadd.s32 $0xB4C04800, v22;
	v57 =	vor.u32 s13, v2;
	v17 =	vshll.u32 v56, $0xA;
	[tilespmem:v32+s31+$0x0] =	vst.idx.add.f32.msk $0xffff, v1  }
0x3cb: {  	v24 =	vand.u32 $0x3C00, v54;
	v56 =	vshll.u32 v56, $0x7;
	v55 =	vand.u32 $0xFFFFE000, v17;
	[tilespmem:v37+s31+$0x0] =	vst.idx.add.f32.msk $0xffff, v1  }
0x3cc: {  	v25 =	vadd.s32 $0xB4C04C00, v49;
	v58 =	vand.u32 $0x380, v56;
	v24 =	vadd.s32 v24, v55;
	[tilespmem:v46+s31+$0x0] =	vst.idx.add.f32.msk $0xffff, v1  }
0x3cd: {  	v19 =	vadd.s32 $0xB4C05000, v53;
	v18 =	vand.u32 $0x6F, v57;
	v59 =	vor.u32 v58, v24;
	[tilespmem:v21+s31+$0x0] =	vst.idx.add.f32.msk $0xffff, v1  }
0x3ce: {  	v18 =	vor.u32 v18, v59;
	[tilespmem:v20+s31+$0x0] =	vst.idx.add.f32.msk $0xffff, v1  }
0x3cf: {  	[tilespmem:v50+s31+$0x0] =	vst.idx.add.f32.msk $0xffff, v1  }
0x3d0: {  	[tilespmem:v22+s31+$0x0] =	vst.idx.add.f32.msk $0xffff, v1  }
0x3d1: {  	[tilespmem:v25+s31+$0x0] =	vst.idx.add.f32.msk $0xffff, v1  }
0x3d2: {  	s23 =	sand.u32 $0x3C00, s16;
	s22 =	sand.u32 $0x70, s17;
	[tilespmem:v19+s31+$0x0] =	vst.idx.add.f32.msk $0xffff, v1  }
0x3d3: {  	s24 =	sor.u32 s22, s23;
	v18 =	vld.idx.msk [tilespmem:v18+s18+$0x0], $0xffff  }
0x3d4: {  	v60 =	vld [tilespmem:s24+$0x0]  }
0x3d5: {  	v61 =	vld [tilespmem:s24+$0x80]  }
0x3d6: {  	v62 =	vld [tilespmem:s24+$0x100]  }
0x3d7: {  	v63 =	vld [tilespmem:s24+$0x180]  }
0x3d8: {  	v28 =	vld [tilespmem:s24+$0x200];
	v18 =	vmul.f32 $1.442695020e+00, v18  }
0x3d9: {  	v29 =	vld [tilespmem:s24+$0x280];
	v19 =	vmul.f32 $1.442695020e+00, v60  }
0x3da: {  	v30 =	vld [tilespmem:s24+$0x300];
	v20 =	vmul.f32 $1.442695020e+00, v61;
	(erf) = vpow2.f32 v18  }
0x3db: {  	v31 =	vld [tilespmem:s24+$0x380];
	v32 =	vmul.f32 $1.442695020e+00, v62;
	(erf) = vpow2.f32 v19  }
0x3dc: {  	v33 =	vld [tilespmem:s24+$0x2000];
	v34 =	vmul.f32 $1.442695020e+00, v63;
	(erf) = vpow2.f32 v20  }
0x3dd: {  	v35 =	vld [tilespmem:s24+$0x2080];
	v36 =	vmul.f32 $1.442695020e+00, v28;
	(erf) = vpow2.f32 v32  }
0x3de: {  	v38 =	vmul.f32 $1.442695020e+00, v29;
	v37 =	vld [tilespmem:s24+$0x2100];
	(erf) = vpow2.f32 v34  }
0x3df: {  	v39 =	vld [tilespmem:s24+$0x2180];
	v18 =	vmul.f32 $1.442695020e+00, v30;
	(erf) = vpow2.f32 v36  }
0x3e0: {  	v40 =	vld [tilespmem:s24+$0x2200];
	v41 =	vmul.f32 $1.442695020e+00, v31;
	(erf) = vpow2.f32 v38  }
0x3e1: {  	v42 =	vld [tilespmem:s24+$0x2280];
	v21 =	vmul.f32 $1.442695020e+00, v33;
	(erf) = vpow2.f32 v18  }
0x3e2: {  	v44 =	vmul.f32 $1.442695020e+00, v35;
	v43 =	vld [tilespmem:s24+$0x2300];
	(erf) = vpow2.f32 v41  }
0x3e3: {  	v45 =	vld [tilespmem:s24+$0x2380];
	v46 =	vmul.f32 $1.442695020e+00, v37;
	v18 =	vpop (erf);
	(erf) = vpow2.f32 v21  }
0x3e4: {  	v48 =	vmul.f32 $1.442695020e+00, v39;
	v47 =	vld [tilespmem:s24+$0x4000];
	v27 =	vpop (erf);
	(erf) = vpow2.f32 v44  }
0x3e5: {  	v49 =	vld [tilespmem:s24+$0x4080];
	v19 =	vmul.f32 $1.442695020e+00, v40;
	v28 =	vpop (erf);
	(erf) = vpow2.f32 v46  }
0x3e6: {  	v51 =	vmul.f32 $1.442695020e+00, v42;
	v50 =	vld [tilespmem:s24+$0x4100];
	v29 =	vpop (erf);
	(erf) = vpow2.f32 v48  }
0x3e7: {  	v52 =	vld [tilespmem:s24+$0x4180];
	v53 =	vmul.f32 $1.442695020e+00, v43;
	v30 =	vpop (erf);
	(erf) = vpow2.f32 v19  }
0x3e8: {  	v54 =	vmul.f32 $1.442695020e+00, v45;
	v26 =	vpop (erf);
	(erf) = vpow2.f32 v51  }
0x3e9: {  	v55 =	vmul.f32 $1.442695020e+00, v47;
	v22 =	vpop (erf);
	(erf) = vpow2.f32 v53  }
0x3ea: {  	v56 =	vmul.f32 $1.442695020e+00, v49;
	v23 =	vpop (erf);
	(erf) = vpow2.f32 v54  }
0x3eb: {  	v58 =	vld [tilespmem:s24+$0x4200];
	v57 =	vmul.f32 $1.442695020e+00, v50;
	v24 =	vpop (erf);
	(erf) = vpow2.f32 v55  }
0x3ec: {  	v59 =	vmul.f32 $1.442695020e+00, v52;
	v31 =	vpop (erf);
	(erf) = vpow2.f32 v56  }
0x3ed: {  	v25 =	vpop (erf);
	(erf) = vpow2.f32 v57  }
0x3ee: {  	v32 =	vpop (erf);
	(erf) = vpow2.f32 v59  }
0x3ef: {  	v20 =	vpop (erf)  }
0x3f0: {  	v60 =	vmul.f32 $1.442695020e+00, v58;
	v33 =	vpop (erf)  }
0x3f1: {  	v34 =	vpop (erf)  }
0x3f2: {  	v61 =	vadd.f32 v28, v27;
	v62 =	vadd.f32 v30, v29;
	(erf) = vpow2.f32 v60;
	v21 =	vpop (erf)  }
0x3f3: {  	v63 =	vadd.f32 v22, v26;
	v48 =	vadd.f32 v24, v23;
	v35 =	vpop (erf)  }
0x3f4: {  	v19 =	vadd.f32 v62, v61;
	v49 =	vadd.f32 v25, v31;
	v37 =	vpop (erf)  }
0x3f5: {  	v38 =	vadd.f32 v48, v63;
	v50 =	vadd.f32 v20, v32;
	v40 =	vpop (erf)  }
0x3f6: {  	v52 =	vadd.f32 v34, v33;
	v53 =	vadd.f32 v35, v21;
	v51 =	vpop (erf)  }
0x3f7: {  	v41 =	vadd.f32 v50, v49;
	v54 =	vadd.f32 v40, v37;
	v46 =	vpop (erf)  }
0x3f8: {  	v56 =	vadd.f32 v53, v52;
	v55 =	vadd.f32 v46, v51  }
0x3f9: {  	v19 =	vadd.f32 v38, v19  }
0x3fa: {  	v57 =	vadd.f32 v56, v41;
	v36 =	vadd.f32 v55, v54  }
0x3fb: {  	v39 =	vpop (erf)  }
0x3fc: {  	v19 =	vadd.f32 v57, v19;
	v36 =	vadd.f32 v36, v39;
	_ =	sdelay $0x1  }
0x3fd: {  	v19 =	vadd.f32 v36, v19;
	_ =	sdelay $0x1  }
0x3fe: {  	(erf) = vrcp.f32 v19;
	_ =	sdelay $0x8  }
0x3ff: {  	v19 =	vpop (erf)  }
0x400: {  	v19 =	vmul.f32 $1.024000000e+03, v19;
	_ =	sdelay $0x1  }
0x401: {  	v5 =	vmul.f32 v7, v5;
	v27 =	vmul.f32 v19, v27  }
0x402: {  	v28 =	vmul.f32 v19, v28;
	v29 =	vmul.f32 v19, v29  }
0x403: {  	v30 =	vmul.f32 v19, v30;
	v26 =	vmul.f32 v19, v26  }
0x404: {  	v22 =	vmul.f32 v19, v22;
	v23 =	vmul.f32 v19, v23;
	v58 =	vadd.f32 $1.258291200e+07, v27  }
0x405: {  	v24 =	vmul.f32 v19, v24;
	v31 =	vmul.f32 v19, v31;
	v59 =	vadd.f32 $1.258291200e+07, v28  }
0x406: {  	v25 =	vmul.f32 v19, v25;
	v29 =	vadd.f32 $1.258291200e+07, v29;
	v7 =	vadd.s32 $0xB4C00000, v58  }
0x407: {  	v61 =	vmul.f32 v19, v32;
	v30 =	vadd.f32 $1.258291200e+07, v30;
	v27 =	vadd.s32 $0xB4C00400, v59  }
0x408: {  	s1 =	sshrl.u32 s23, $0x2;
	v20 =	vmul.f32 v19, v20;
	v26 =	vadd.f32 $1.258291200e+07, v26;
	v29 =	vadd.s32 $0xB4C00800, v29  }
0x409: {  	s0 =	sor.u32 s22, s1;
	v62 =	vmul.f32 v19, v33;
	v22 =	vadd.f32 $1.258291200e+07, v22;
	v30 =	vadd.s32 $0xB4C00C00, v30  }
0x40a: {  	v36 =	vld [tilespmem:s0+$0xC000];
	v63 =	vmul.f32 v19, v34;
	v23 =	vadd.f32 $1.258291200e+07, v23;
	v26 =	vadd.s32 $0xB4C01000, v26  }
0x40b: {  	v21 =	vmul.f32 v19, v21;
	v24 =	vadd.f32 $1.258291200e+07, v24;
	v22 =	vadd.s32 $0xB4C01400, v22;
	[tilespmem:v7+s31+$0x0] =	vst.idx.add.f32.msk $0xffff, v1  }
0x40c: {  	v47 =	vmul.f32 v19, v35;
	v60 =	vadd.f32 $1.258291200e+07, v31;
	v23 =	vadd.s32 $0xB4C01800, v23;
	[tilespmem:v27+s31+$0x0] =	vst.idx.add.f32.msk $0xffff, v1  }
0x40d: {  	v48 =	vmul.f32 v19, v37;
	v25 =	vadd.f32 $1.258291200e+07, v25;
	v24 =	vadd.s32 $0xB4C01C00, v24;
	[tilespmem:v29+s31+$0x0] =	vst.idx.add.f32.msk $0xffff, v1  }
0x40e: {  	v49 =	vmul.f32 v19, v40;
	v38 =	vadd.f32 $1.258291200e+07, v61;
	v7 =	vadd.s32 $0xB4C02000, v60;
	[tilespmem:v30+s31+$0x0] =	vst.idx.add.f32.msk $0xffff, v1  }
0x40f: {  	v51 =	vmul.f32 v19, v51;
	v20 =	vadd.f32 $1.258291200e+07, v20;
	v25 =	vadd.s32 $0xB4C02400, v25;
	[tilespmem:v26+s31+$0x0] =	vst.idx.add.f32.msk $0xffff, v1  }
0x410: {  	v52 =	vmul.f32 v19, v46;
	v42 =	vadd.s32 $0xB4C02800, v38;
	v27 =	vadd.f32 $1.258291200e+07, v62;
	[tilespmem:v22+s31+$0x0] =	vst.idx.add.f32.msk $0xffff, v1  }
0x411: {  	v33 =	vshll.u32 v36, $0x7;
	v41 =	vadd.f32 $1.258291200e+07, v63;
	v20 =	vadd.s32 $0xB4C02C00, v20;
	[tilespmem:v23+s31+$0x0] =	vst.idx.add.f32.msk $0xffff, v1  }
0x412: {  	v34 =	vor.u32 s17, v2;
	v21 =	vadd.f32 $1.258291200e+07, v21;
	v44 =	vadd.s32 $0xB4C03000, v27;
	[tilespmem:v24+s31+$0x0] =	vst.idx.add.f32.msk $0xffff, v1  }
0x413: {  	v50 =	vadd.f32 $1.258291200e+07, v47;
	v54 =	vadd.f32 $1.258291200e+07, v48;
	v45 =	vadd.s32 $0xB4C03400, v41;
	[tilespmem:v7+s31+$0x0] =	vst.idx.add.f32.msk $0xffff, v1  }
0x414: {  	v55 =	vadd.f32 $1.258291200e+07, v49;
	v56 =	vadd.f32 $1.258291200e+07, v51;
	v53 =	vadd.s32 $0xB4C03800, v21;
	[tilespmem:v25+s31+$0x0] =	vst.idx.add.f32.msk $0xffff, v1  }
0x415: {  	v57 =	vadd.f32 $1.258291200e+07, v52;
	v61 =	vmov s17;
	v24 =	vadd.s32 $0xB4C03C00, v50;
	[tilespmem:v42+s31+$0x0] =	vst.idx.add.f32.msk $0xffff, v1  }
0x416: {  	v21 =	vadd.s32 $0xB4C04000, v54;
	v58 =	vmul.f32 v19, v39;
	v59 =	vadd.s32 $0xB4C04800, v56;
	[tilespmem:v20+s31+$0x0] =	vst.idx.add.f32.msk $0xffff, v1  }
0x417: {  	v29 =	vshll.u32 v61, $0x3;
	v26 =	vshll.u32 v36, $0xA;
	v23 =	vadd.s32 $0xB4C04400, v55;
	[tilespmem:v44+s31+$0x0] =	vst.idx.add.f32.msk $0xffff, v1  }
0x418: {  	v62 =	vadd.f32 $1.258291200e+07, v58;
	v29 =	vand.u32 $0x3C00, v29;
	v63 =	vand.u32 $0xFFFFE000, v26;
	[tilespmem:v45+s31+$0x0] =	vst.idx.add.f32.msk $0xffff, v1  }
0x419: {  	v35 =	vand.u32 $0x380, v33;
	v60 =	vadd.s32 $0xB4C04C00, v57;
	v27 =	vadd.s32 v29, v63;
	[tilespmem:v53+s31+$0x0] =	vst.idx.add.f32.msk $0xffff, v1  }
0x41a: {  	v22 =	vadd.s32 $0xB4C05000, v62;
	v36 =	vor.u32 v35, v27;
	v7 =	vand.u32 $0x7F, v34;
	[tilespmem:v24+s31+$0x0] =	vst.idx.add.f32.msk $0xffff, v1  }
0x41b: {  	v16 =	vmul.f32 v18, v16;
	v28 =	vsub.f32 $1.024000000e+03, v5;
	v7 =	vor.u32 v7, v36;
	[tilespmem:v21+s31+$0x0] =	vst.idx.add.f32.msk $0xffff, v1  }
0x41c: {  	v6 =	vmul.f32 v9, v6;
	v5 =	vadd.f32 $1.258291200e+07, v5;
	[tilespmem:v23+s31+$0x0] =	vst.idx.add.f32.msk $0xffff, v1  }
0x41d: {  	v47 =	vmul.f32 v15, v13;
	v51 =	vsub.f32 $1.024000000e+03, v16;
	v37 =	vadd.f32 $1.258291200e+07, v28;
	[tilespmem:v59+s31+$0x0] =	vst.idx.add.f32.msk $0xffff, v1  }
0x41e: {  	v39 =	vsub.f32 $1.024000000e+03, v6;
	v6 =	vadd.f32 $1.258291200e+07, v6;
	[tilespmem:v60+s31+$0x0] =	vst.idx.add.f32.msk $0xffff, v1  }
0x41f: {  	v5 =	vadd.s32 $0xB4C00000, v5;
	v13 =	vsub.f32 $1.024000000e+03, v47;
	v38 =	vadd.s32 $0xB4C00000, v37;
	[tilespmem:v22+s31+$0x0] =	vst.idx.add.f32.msk $0xffff, v1  }
0x420: {  	vm4 =	vlt.s32 v5, $0x3FF;
	v6 =	vadd.s32 $0xB4C00000, v6;
	vm5 =	vlt.s32 v38, $0x3FF;
	v7 =	vld.idx.msk [tilespmem:v7+s18+$0x0], $0xffff  }
0x421: {  	v5 =	vnsel vm4, $0x3FF, v5;
	vm7 =	vlt.s32 v6, $0x3FF;
	v9 =	vnsel vm5, $0x3FF, v38  }
0x422: {  	v5 =	vadd.s32 v4, v5;
	v6 =	vnsel vm7, $0x3FF, v6;
	v4 =	vadd.s32 v4, v9  }
0x423: {  	v9 =	vand.u32 $0x7F, v9;
	v6 =	vadd.s32 v8, v6;
	v40 =	vand.u32 $0xFFFFFF80, v4  }
0x424: {  	v16 =	vadd.f32 $1.258291200e+07, v16;
	v13 =	vadd.f32 $1.258291200e+07, v13;
	v9 =	vor.u32 v9, v40  }
0x425: {  	v10 =	vmul.f32 v12, v10;
	v9 =	vadd.s32 $0x5400, v9;
	v7 =	vmul.f32 $1.442695020e+00, v7  }
0x426: {  	v56 =	vadd.s32 $0xB4C00000, v16;
	v50 =	vadd.s32 $0xB4C00000, v13;
	v13 =	vadd.f32 $1.258291200e+07, v51  }
0x427: {  	vm13 =	vlt.s32 v56, $0x3FF;
	[tilespmem:v5+s31+$0x0] =	vst.idx.add.f32.msk $0xffff, v3;
	v20 =	vadd.f32 $1.258291200e+07, v39;
	(erf) = vpow2.f32 v7  }
0x428: {  	[tilespmem:v6+s31+$0x0] =	vst.idx.add.f32.msk $0xffff, v3;
	v6 =	vnsel vm13, $0x3FF, v56;
	v54 =	vadd.s32 $0xB4C00000, v13;
	v42 =	vsub.f32 $1.024000000e+03, v10  }
0x429: {  	[tilespmem:v4+s31+$0x0] =	vst.idx.add.f32.msk $0xffff, v1;
	v10 =	vadd.f32 $1.258291200e+07, v10;
	vm12 =	vlt.s32 v54, $0x3FF;
	v20 =	vadd.s32 $0xB4C00000, v20  }
0x42a: {  	v6 =	vadd.s32 v17, v6;
	[tilespmem:v9+s31+$0x0] =	vst.idx.add.f32.msk $0xffff, v1;
	v9 =	vnsel vm12, $0x3FF, v54;
	vm6 =	vlt.s32 v20, $0x3FF  }
0x42b: {  	v10 =	vadd.s32 $0xB4C00000, v10;
	v41 =	vnsel vm6, $0x3FF, v20;
	v20 =	vadd.f32 $1.258291200e+07, v42  }
0x42c: {  	vm11 =	vlt.s32 v50, $0x3FF;
	v57 =	vadd.s32 v17, v9;
	vm9 =	vlt.s32 v10, $0x3FF  }
0x42d: {  	v10 =	vnsel vm9, $0x3FF, v10;
	v43 =	vadd.s32 v8, v41;
	v46 =	vadd.s32 $0xB4C00000, v20  }
0x42e: {  	v12 =	vand.u32 $0x7F, v41;
	v44 =	vand.u32 $0xFFFFFF80, v43;
	vm8 =	vlt.s32 v46, $0x3FF  }
0x42f: {  	v45 =	vor.u32 v12, v44;
	v12 =	vadd.f32 $1.258291200e+07, v47;
	v8 =	vnsel vm8, $0x3FF, v46  }
0x430: {  	v10 =	vadd.s32 v11, v10;
	v48 =	vadd.s32 v11, v8;
	v8 =	vand.u32 $0x7F, v8;
	v52 =	vpop (erf)  }
0x431: {  	v12 =	vadd.s32 $0xB4C00000, v12;
	v11 =	vnsel vm11, $0x3FF, v50;
	v53 =	vmul.f32 v52, v19  }
0x432: {  	v49 =	vand.u32 $0xFFFFFF80, v48;
	vm10 =	vlt.s32 v12, $0x3FF;
	v5 =	vadd.s32 v14, v11  }
0x433: {  	v11 =	vand.u32 $0x7F, v11;
	v8 =	vor.u32 v8, v49;
	v55 =	vsub.f32 $1.024000000e+03, v53  }
0x434: {  	v12 =	vnsel vm10, $0x3FF, v12;
	v4 =	vand.u32 $0xFFFFFF80, v5;
	v8 =	vadd.s32 $0x5400, v8  }
0x435: {  	[tilespmem:v6+s31+$0x0] =	vst.idx.add.f32.msk $0xffff, v3;
	v12 =	vadd.s32 v14, v12;
	v4 =	vor.u32 v11, v4;
	v11 =	vadd.f32 $1.258291200e+07, v55  }
0x436: {  	v9 =	vand.u32 $0x7F, v9;
	[tilespmem:v57+s31+$0x0] =	vst.idx.add.f32.msk $0xffff, v1;
	v58 =	vadd.f32 $1.258291200e+07, v53  }
0x437: {  	v59 =	vand.u32 $0xFFFFFF80, v57;
	[tilespmem:v10+s31+$0x0] =	vst.idx.add.f32.msk $0xffff, v3;
	v4 =	vadd.s32 $0x5400, v4;
	v11 =	vadd.s32 $0xB4C00000, v11  }
0x438: {  	v60 =	vor.u32 v9, v59;
	[tilespmem:v48+s31+$0x0] =	vst.idx.add.f32.msk $0xffff, v1;
	v13 =	vadd.s32 $0xB4C00000, v58;
	vm14 =	vlt.s32 v11, $0x3FF  }
0x439: {  	v7 =	vadd.s32 $0x5400, v45;
	[tilespmem:v8+s31+$0x0] =	vst.idx.add.f32.msk $0xffff, v1;
	vm15 =	vlt.s32 v13, $0x3FF;
	v61 =	vnsel vm14, $0x3FF, v11  }
0x43a: {  	[tilespmem:v12+s31+$0x0] =	vst.idx.add.f32.msk $0xffff, v3;
	v8 =	vadd.s32 $0x5400, v60;
	v62 =	vnsel vm15, $0x3FF, v13;
	v11 =	vadd.s32 v26, v61  }
0x43b: {  	[tilespmem:v5+s31+$0x0] =	vst.idx.add.f32.msk $0xffff, v1;
	v5 =	vadd.s32 v26, v62;
	v9 =	vand.u32 $0x7F, v61;
	v63 =	vand.u32 $0xFFFFFF80, v11  }
0x43c: {  	s15 =	sadd.s32 $0xC, s15;
	[tilespmem:v4+s31+$0x0] =	vst.idx.add.f32.msk $0xffff, v1;
	v4 =	vor.u32 v9, v63  }
0x43d: {  	p0 =	slt.u32 s15, $0x30;
	[tilespmem:v43+s31+$0x0] =	vst.idx.add.f32.msk $0xffff, v1;
	v4 =	vadd.s32 $0x5400, v4  }
.Ltmp1:
0x43e: {  	[tilespmem:v7+s31+$0x0] =	vst.idx.add.f32.msk $0xffff, v1;
	(pc) =	sbr.rel @p0 .LBB2_5-.Ltmp1, $4  }
0x43f: {  	[tilespmem:v8+s31+$0x0] =	vst.idx.add.f32.msk $0xffff, v1  }
0x440: {  	[tilespmem:v5+s31+$0x0] =	vst.idx.add.f32.msk $0xffff, v3  }
0x441: {  	s16 =	sadd.s32 $0x600, s16;
	[tilespmem:v11+s31+$0x0] =	vst.idx.add.f32.msk $0xffff, v1  }
0x442: {  	s1 =	simm.s32 $0x3C0;
	s0 =	simm.s32 $0x1E00;
	s17 =	sadd.s32 $0xC0, s17;
	[tilespmem:v4+s31+$0x0] =	vst.idx.add.f32.msk $0xffff, v1  }
.LBB2_6:
0x443: {  	s4 =	sand.u32 $0x3FFFFC00, s0;
	s3 =	sshra.s32 s18, $0x2  }
0x444: {  	s4 =	sadd.s32 s3, s4  }
0x445: {  	v4 =	vld [tilespmem:s4+$0x40]  }
0x446: {  	v5 =	vld [tilespmem:s4+$0xC0]  }
0x447: {  	v6 =	vld [tilespmem:s4+$0x140]  }
0x448: {  	v7 =	vld [tilespmem:s4+$0x1C0]  }
0x449: {  	v8 =	vld [tilespmem:s4+$0x240]  }
0x44a: {  	v9 =	vld [tilespmem:s4+$0x2C0];
	v4 =	vmul.f32 $1.442695020e+00, v4  }
0x44b: {  	v10 =	vld [tilespmem:s4+$0x340];
	v5 =	vmul.f32 $1.442695020e+00, v5  }
0x44c: {  	v11 =	vld [tilespmem:s4+$0x3C0];
	(erf) = vpow2.f32 v4;
	v4 =	vmul.f32 $1.442695020e+00, v6  }
0x44d: {  	v43 =	vld [tilespmem:s4+$0x2040];
	(erf) = vpow2.f32 v5;
	v5 =	vmul.f32 $1.442695020e+00, v7  }
0x44e: {  	v44 =	vld [tilespmem:s4+$0x20C0];
	(erf) = vpow2.f32 v4;
	v4 =	vmul.f32 $1.442695020e+00, v8  }
0x44f: {  	v45 =	vld [tilespmem:s4+$0x2140];
	(erf) = vpow2.f32 v5;
	v5 =	vmul.f32 $1.442695020e+00, v9  }
0x450: {  	v46 =	vld [tilespmem:s4+$0x21C0];
	(erf) = vpow2.f32 v4;
	v4 =	vmul.f32 $1.442695020e+00, v10  }
0x451: {  	v47 =	vld [tilespmem:s4+$0x2240];
	(erf) = vpow2.f32 v5;
	v5 =	vmul.f32 $1.442695020e+00, v11  }
0x452: {  	v48 =	vld [tilespmem:s4+$0x22C0];
	(erf) = vpow2.f32 v4;
	v4 =	vmul.f32 $1.442695020e+00, v43  }
0x453: {  	v49 =	vld [tilespmem:s4+$0x2340];
	(erf) = vpow2.f32 v5;
	v5 =	vmul.f32 $1.442695020e+00, v44  }
0x454: {  	v50 =	vld [tilespmem:s4+$0x23C0];
	(erf) = vpow2.f32 v4;
	v4 =	vmul.f32 $1.442695020e+00, v45  }
0x455: {  	v51 =	vld [tilespmem:s4+$0x4040];
	v12 =	vpop (erf);
	(erf) = vpow2.f32 v5;
	v5 =	vmul.f32 $1.442695020e+00, v46  }
0x456: {  	v52 =	vld [tilespmem:s4+$0x40C0];
	v13 =	vpop (erf);
	(erf) = vpow2.f32 v4;
	v4 =	vmul.f32 $1.442695020e+00, v47  }
0x457: {  	v53 =	vld [tilespmem:s4+$0x4140];
	v14 =	vpop (erf);
	(erf) = vpow2.f32 v5;
	v5 =	vmul.f32 $1.442695020e+00, v48  }
0x458: {  	v54 =	vld [tilespmem:s4+$0x41C0];
	v15 =	vpop (erf);
	(erf) = vpow2.f32 v4;
	v4 =	vmul.f32 $1.442695020e+00, v49  }
0x459: {  	v55 =	vpop (erf);
	(erf) = vpow2.f32 v5;
	v5 =	vmul.f32 $1.442695020e+00, v50  }
0x45a: {  	v56 =	vpop (erf);
	(erf) = vpow2.f32 v4;
	v4 =	vmul.f32 $1.442695020e+00, v51  }
0x45b: {  	v57 =	vpop (erf);
	(erf) = vpow2.f32 v5;
	v5 =	vmul.f32 $1.442695020e+00, v52  }
0x45c: {  	v58 =	vpop (erf);
	(erf) = vpow2.f32 v4;
	v4 =	vmul.f32 $1.442695020e+00, v53  }
0x45d: {  	v59 =	vpop (erf);
	(erf) = vpow2.f32 v5;
	v5 =	vmul.f32 $1.442695020e+00, v54  }
0x45e: {  	v60 =	vld [tilespmem:s4+$0x4240]  }
0x45f: {  	v16 =	vpop (erf);
	(erf) = vpow2.f32 v4  }
0x460: {  	v4 =	vpop (erf);
	(erf) = vpow2.f32 v5  }
0x461: {  	v5 =	vpop (erf)  }
0x462: {  	v17 =	vpop (erf)  }
0x463: {  	v11 =	vmul.f32 $1.442695020e+00, v60;
	v18 =	vpop (erf)  }
0x464: {  	v19 =	vpop (erf)  }
0x465: {  	v24 =	vadd.f32 v56, v55;
	v25 =	vadd.f32 v58, v57;
	(erf) = vpow2.f32 v11;
	v20 =	vpop (erf)  }
0x466: {  	v61 =	vadd.f32 v13, v12;
	v22 =	vadd.f32 v15, v14;
	v21 =	vpop (erf)  }
0x467: {  	v27 =	vadd.f32 v16, v59;
	v62 =	vadd.f32 v25, v24;
	v23 =	vpop (erf)  }
0x468: {  	v11 =	vadd.f32 v22, v61;
	v28 =	vadd.f32 v5, v4;
	v26 =	vpop (erf)  }
0x469: {  	v30 =	vadd.f32 v18, v17;
	v31 =	vadd.f32 v20, v19;
	v29 =	vpop (erf)  }
0x46a: {  	v63 =	vadd.f32 v28, v27;
	v33 =	vadd.f32 v29, v26  }
0x46b: {  	v32 =	vadd.f32 v23, v21;
	v30 =	vadd.f32 v31, v30  }
0x46c: {  	v11 =	vadd.f32 v62, v11  }
0x46d: {  	v31 =	vadd.f32 v33, v32;
	v32 =	vadd.f32 v30, v63  }
0x46e: {  	v33 =	vpop (erf)  }
0x46f: {  	v11 =	vadd.f32 v32, v11;
	v34 =	vadd.f32 v31, v33;
	_ =	sdelay $0x1  }
0x470: {  	v11 =	vadd.f32 v34, v11;
	_ =	sdelay $0x1  }
0x471: {  	(erf) = vrcp.f32 v11;
	_ =	sdelay $0x4  }
0x472: {  	s24 =	sshrl.u32 s0, $0x2  }
0x473: {  	s4 =	sand.u32 $0x3FFFFF00, s24  }
0x474: {  	s3 =	sadd.s32 s3, s4  }
0x475: {  	v35 =	vld [tilespmem:s3+$0xC040]  }
0x476: {  	v11 =	vpop (erf)  }
0x477: {  	v11 =	vmul.f32 $1.024000000e+03, v11;
	_ =	sdelay $0x1  }
0x478: {  	v12 =	vmul.f32 v11, v12;
	v13 =	vmul.f32 v11, v13  }
0x479: {  	v60 =	vshll.u32 v35, $0x7;
	v14 =	vmul.f32 v11, v14;
	v15 =	vmul.f32 v11, v15  }
0x47a: {  	v6 =	vmul.f32 v11, v55;
	v7 =	vmul.f32 v11, v56;
	v12 =	vadd.f32 $1.258291200e+07, v12  }
0x47b: {  	v8 =	vmul.f32 v11, v57;
	v9 =	vmul.f32 v11, v58;
	v13 =	vadd.f32 $1.258291200e+07, v13  }
0x47c: {  	v10 =	vmul.f32 v11, v59;
	v14 =	vadd.f32 $1.258291200e+07, v14;
	v12 =	vadd.s32 $0xB4C00000, v12  }
0x47d: {  	v16 =	vmul.f32 v11, v16;
	v15 =	vadd.f32 $1.258291200e+07, v15;
	v13 =	vadd.s32 $0xB4C00400, v13  }
0x47e: {  	v4 =	vmul.f32 v11, v4;
	v6 =	vadd.f32 $1.258291200e+07, v6;
	v14 =	vadd.s32 $0xB4C00800, v14  }
0x47f: {  	v5 =	vmul.f32 v11, v5;
	v7 =	vadd.f32 $1.258291200e+07, v7;
	v15 =	vadd.s32 $0xB4C00C00, v15  }
0x480: {  	v37 =	vmul.f32 v11, v17;
	v8 =	vadd.f32 $1.258291200e+07, v8;
	v6 =	vadd.s32 $0xB4C01000, v6  }
0x481: {  	v38 =	vmul.f32 v11, v18;
	v9 =	vadd.f32 $1.258291200e+07, v9;
	v7 =	vadd.s32 $0xB4C01400, v7;
	[tilespmem:v12+s31+$0x0] =	vst.idx.add.f32.msk $0xffff, v1  }
0x482: {  	v40 =	vmul.f32 v11, v19;
	v10 =	vadd.f32 $1.258291200e+07, v10;
	v8 =	vadd.s32 $0xB4C01800, v8;
	[tilespmem:v13+s31+$0x0] =	vst.idx.add.f32.msk $0xffff, v1  }
0x483: {  	v43 =	vmul.f32 v11, v20;
	v36 =	vadd.f32 $1.258291200e+07, v16;
	v9 =	vadd.s32 $0xB4C01C00, v9;
	[tilespmem:v14+s31+$0x0] =	vst.idx.add.f32.msk $0xffff, v1  }
0x484: {  	v44 =	vmul.f32 v11, v21;
	v4 =	vadd.f32 $1.258291200e+07, v4;
	v10 =	vadd.s32 $0xB4C02000, v10;
	[tilespmem:v15+s31+$0x0] =	vst.idx.add.f32.msk $0xffff, v1  }
0x485: {  	v45 =	vmul.f32 v11, v23;
	v5 =	vadd.f32 $1.258291200e+07, v5;
	v12 =	vadd.s32 $0xB4C02400, v36;
	[tilespmem:v6+s31+$0x0] =	vst.idx.add.f32.msk $0xffff, v1  }
0x486: {  	v47 =	vmul.f32 v11, v26;
	v4 =	vadd.s32 $0xB4C02800, v4;
	v13 =	vadd.f32 $1.258291200e+07, v37;
	[tilespmem:v7+s31+$0x0] =	vst.idx.add.f32.msk $0xffff, v1  }
0x487: {  	v48 =	vmul.f32 v11, v29;
	v39 =	vadd.f32 $1.258291200e+07, v38;
	v5 =	vadd.s32 $0xB4C02C00, v5;
	[tilespmem:v8+s31+$0x0] =	vst.idx.add.f32.msk $0xffff, v1  }
0x488: {  	v53 =	vmul.f32 v11, v33;
	v41 =	vadd.s32 $0xB4C03000, v13;
	v6 =	vadd.f32 $1.258291200e+07, v40;
	[tilespmem:v9+s31+$0x0] =	vst.idx.add.f32.msk $0xffff, v1  }
0x489: {  	v55 =	vmov s1;
	v46 =	vadd.f32 $1.258291200e+07, v43;
	v42 =	vadd.s32 $0xB4C03400, v39;
	[tilespmem:v10+s31+$0x0] =	vst.idx.add.f32.msk $0xffff, v1  }
0x48a: {  	v57 =	vor.u32 s1, v2;
	v6 =	vadd.s32 $0xB4C03800, v6;
	v8 =	vadd.f32 $1.258291200e+07, v44;
	[tilespmem:v12+s31+$0x0] =	vst.idx.add.f32.msk $0xffff, v1  }
0x48b: {  	v58 =	vshll.u32 v35, $0xA;
	v49 =	vadd.f32 $1.258291200e+07, v45;
	v9 =	vadd.s32 $0xB4C03C00, v46;
	[tilespmem:v4+s31+$0x0] =	vst.idx.add.f32.msk $0xffff, v1  }
0x48c: {  	v50 =	vadd.f32 $1.258291200e+07, v47;
	v51 =	vadd.f32 $1.258291200e+07, v48;
	v4 =	vadd.s32 $0xB4C04000, v8;
	[tilespmem:v5+s31+$0x0] =	vst.idx.add.f32.msk $0xffff, v1  }
0x48d: {  	v56 =	vadd.f32 $1.258291200e+07, v53;
	v52 =	vadd.s32 $0xB4C04400, v49;
	v14 =	vshll.u32 v55, $0x3;
	[tilespmem:v41+s31+$0x0] =	vst.idx.add.f32.msk $0xffff, v1  }
0x48e: {  	v14 =	vand.u32 $0x1C00, v14;
	v10 =	vand.u32 $0x7F, v57;
	v5 =	vadd.s32 $0xB4C04800, v50;
	[tilespmem:v42+s31+$0x0] =	vst.idx.add.f32.msk $0xffff, v1  }
0x48f: {  	v59 =	vand.u32 $0xFFFFE000, v58;
	v54 =	vadd.s32 $0xB4C04C00, v51;
	v10 =	vor.u32 v14, v10;
	[tilespmem:v6+s31+$0x0] =	vst.idx.add.f32.msk $0xffff, v1  }
0x490: {  	v61 =	vand.u32 $0x380, v60;
	v7 =	vadd.s32 $0xB4C05000, v56;
	v6 =	vor.u32 v59, v10;
	[tilespmem:v9+s31+$0x0] =	vst.idx.add.f32.msk $0xffff, v1  }
0x491: {  	[tilespmem:v4+s31+$0x0] =	vst.idx.add.f32.msk $0xffff, v1;
	v4 =	vor.u32 v61, v6  }
0x492: {  	[tilespmem:v52+s31+$0x0] =	vst.idx.add.f32.msk $0xffff, v1  }
0x493: {  	[tilespmem:v5+s31+$0x0] =	vst.idx.add.f32.msk $0xffff, v1  }
0x494: {  	[tilespmem:v54+s31+$0x0] =	vst.idx.add.f32.msk $0xffff, v1  }
0x495: {  	[tilespmem:v7+s31+$0x0] =	vst.idx.add.f32.msk $0xffff, v1  }
0x496: {  	v4 =	vld.idx.msk [tilespmem:v4+s25+$0x0], $0xffff;
	_ =	sdelay $0x4  }
0x497: {  	v4 =	vmul.f32 $1.442695020e+00, v4;
	_ =	sdelay $0x1  }
0x498: {  	(erf) = vpow2.f32 v4;
	_ =	sdelay $0x8  }
0x499: {  	v4 =	vpop (erf)  }
0x49a: {  	v4 =	vmul.f32 v4, v11;
	_ =	sdelay $0x1  }
0x49b: {  	v5 =	vsub.f32 $1.024000000e+03, v4;
	_ =	sdelay $0x1  }
0x49c: {  	v5 =	vadd.f32 $1.258291200e+07, v5  }
0x49d: {  	v4 =	vadd.f32 $1.258291200e+07, v4  }
0x49e: {  	v5 =	vadd.s32 $0xB4C00000, v5  }
0x49f: {  	v4 =	vadd.s32 $0xB4C00000, v4;
	vm0 =	vlt.s32 v5, $0x3FF  }
0x4a0: {  	vm15 =	vlt.s32 v4, $0x3FF;
	v5 =	vnsel vm0, $0x3FF, v5  }
0x4a1: {  	v4 =	vnsel vm15, $0x3FF, v4;
	v62 =	vadd.s32 v58, v5  }
0x4a2: {  	v4 =	vadd.s32 v58, v4;
	v5 =	vand.u32 $0x7F, v5;
	v63 =	vand.u32 $0xFFFFFF80, v62  }
0x4a3: {  	v5 =	vor.u32 v5, v63  }
0x4a4: {  	p0 =	sne.s32 s18, $0xC0;
	v5 =	vadd.s32 $0x5400, v5  }
.Ltmp2:
0x4a5: {  	_ = 	snop;
	(pc) =	sbr.rel @p0 .LBB2_6-.Ltmp2, $4  }
0x4a6: {  	_ = 	snop  }
0x4a7: {  	[tilespmem:v4+s31+$0x0] =	vst.idx.add.f32.msk $0xffff, v3  }
0x4a8: {  	[tilespmem:v62+s31+$0x0] =	vst.idx.add.f32.msk $0xffff, v1  }
0x4a9: {  	s0 =	sadd.s32 $0x80, s0;
	s18 =	sadd.s32 $0x40, s18;
	s1 =	sadd.s32 $0x10, s1;
	[tilespmem:v5+s31+$0x0] =	vst.idx.add.f32.msk $0xffff, v1  }
0x4aa: {  	p0 =	seq.s32 s30, $0x1F;
	s0 =	rddreg [dreg:$0x8]  }
0x4ab: {  	s0 =	sadd.s32 @!p0 s14, s0  }
0x4ac: {  	s3 =	simm.s32 @!p0 $0x2000;
	s1 =	sadd.s32 @!p0 s28, s0  }
0x4ad: {  	s4 =	simm.s32 @!p0 $0x200000;
	s0 =	sadd.s32 @!p0 s29, s0;
	s1 =	sshrl.u32 @!p0 s1, $0x3  }
0x4ae: {  	s5 =	simm.s32 @!p0 $0x0;
	s0 =	sshrl.u32 @!p0 s0, $0x3;
	s1 =	sadd.s32 @!p0 s2, s1  }
0x4af: {  	[tilespmem:s5], [sflag:$0x1] =	stream.strided.gather @!p0 [hbm4b:s1+s3], $0x6000, s4, s3, $0x38;
	[tilespmem:$0x17000] =	vst v63  }
0x4b0: {  	s0 =	sadd.s32 @!p0 s26, s0;
	s1 =	simm.s32 @!p0 $0xC000  }
0x4b1: {  	[tilespmem:s1], [sflag:$0x1] =	stream.linear.gather @!p0 [hbm4b:s0+s5], $0x80, $0x38;
	[tilespmem:$0x17000] =	vst v63  }
0x4b2: {  	s3 =	simm.s32 @!p0 $0xC100;
	s1 =	sadd.s32 @!p0 $0x80, s0  }
0x4b3: {  	[tilespmem:s3], [sflag:$0x1] =	stream.linear.gather @!p0 [hbm4b:s1+s5], $0x80, $0x38;
	[tilespmem:$0x17000] =	vst v63  }
0x4b4: {  	s1 =	sadd.s32 @!p0 $0x100, s0;
	s3 =	simm.s32 @!p0 $0xC200  }
0x4b5: {  	[tilespmem:s3], [sflag:$0x1] =	stream.linear.gather @!p0 [hbm4b:s1+s5], $0x80, $0x38;
	[tilespmem:$0x17000] =	vst v63  }
0x4b6: {  	s1 =	sadd.s32 @!p0 $0x180, s0;
	s3 =	simm.s32 @!p0 $0xC300  }
0x4b7: {  	[tilespmem:s3], [sflag:$0x1] =	stream.linear.gather @!p0 [hbm4b:s1+s5], $0x80, $0x38;
	[tilespmem:$0x17000] =	vst v63  }
0x4b8: {  	s1 =	sadd.s32 @!p0 $0x200, s0;
	s3 =	simm.s32 @!p0 $0xC400  }
0x4b9: {  	[tilespmem:s3], [sflag:$0x1] =	stream.linear.gather @!p0 [hbm4b:s1+s5], $0x80, $0x38;
	[tilespmem:$0x17000] =	vst v63  }
0x4ba: {  	s1 =	sadd.s32 @!p0 $0x280, s0;
	s3 =	simm.s32 @!p0 $0xC500  }
0x4bb: {  	[tilespmem:s3], [sflag:$0x1] =	stream.linear.gather @!p0 [hbm4b:s1+s5], $0x80, $0x38;
	[tilespmem:$0x17000] =	vst v63  }
0x4bc: {  	[dreg:$0x14] =	wrdreg s30;
	s1 =	sadd.s32 @!p0 $0x300, s0;
	s3 =	simm.s32 @!p0 $0xC600  }
0x4bd: {  	[tilespmem:s3], [sflag:$0x1] =	stream.linear.gather @!p0 [hbm4b:s1+s5], $0x80, $0x38;
	[tilespmem:$0x17000] =	vst v63  }
0x4be: {  	s30 =	simm.s32 $0x2;
	s0 =	sadd.s32 @!p0 $0x380, s0;
	s1 =	simm.s32 @!p0 $0xC700  }
0x4bf: {  	[tilespmem:s1], [sflag:$0x1] =	stream.linear.gather @!p0 [hbm4b:s0+s5], $0x80, $0x38;
	[tilespmem:$0x17000] =	vst v63  }
0x4c0: {  	_ =	swait.ge [sflag:s30], $0x6000  }
0x4c1: {  	[sflag:s30] =	ssyncset.done $0x0  }
0x4c2: {  	[sflag:s30] =	ssyncadd.s32 $0xFFFFA000  }
0x4c3: {  	_ =	swait.ge [sflag:s30], $0x400  }
0x4c4: {  	s15 =	simm.s32 $0x580;
	[sflag:s30] =	ssyncset.done $0x0  }
0x4c5: {  	s16 =	simm.s32 $0xB0;
	s14 =	simm.s32 $0xFFFFFFF4;
	[sflag:s30] =	ssyncadd.s32 $0xFFFFFC00  }
.LBB2_8:
0x4c6: {  	s0 =	sadd.s32 $0xFFFFFA80, s15  }
0x4c7: {  	s17 =	sadd.s32 $0xFFFFFF50, s16;
	s7 =	sand.u32 $0x1C00, s0  }
0x4c8: {  	s18 =	sand.u32 $0x40, s17;
	s19 =	sor.u32 $0x6000, s7  }
0x4c9: {  	s9 =	sor.u32 $0x6080, s7;
	s20 =	sor.u32 s18, s19  }
0x4ca: {  	s11 =	sor.u32 $0x6100, s7;
	s21 =	sor.u32 s18, s9;
	v4 =	vld [tilespmem:s20+$0x0]  }
0x4cb: {  	s12 =	sor.u32 $0x6180, s7;
	s22 =	sor.u32 s18, s11;
	v5 =	vld [tilespmem:s21+$0x0]  }
0x4cc: {  	s0 =	sor.u32 $0x6200, s7;
	s1 =	sor.u32 s18, s12;
	v6 =	vld [tilespmem:s22+$0x0]  }
0x4cd: {  	s3 =	sor.u32 s18, s0;
	v7 =	vld [tilespmem:s1+$0x0];
	s1 =	sor.u32 $0x6280, s7  }
0x4ce: {  	s24 =	sor.u32 $0x6300, s7;
	v8 =	vld [tilespmem:s3+$0x0];
	s23 =	sor.u32 s18, s1  }
0x4cf: {  	s25 =	sor.u32 s18, s24;
	v9 =	vld [tilespmem:s23+$0x0];
	s23 =	sor.u32 $0x6380, s7;
	v4 =	vmul.f32 $1.442695020e+00, v4  }
0x4d0: {  	v10 =	vld [tilespmem:s25+$0x0];
	s25 =	sor.u32 $0x8000, s7;
	s26 =	sor.u32 s18, s23;
	v5 =	vmul.f32 $1.442695020e+00, v5  }
0x4d1: {  	s28 =	sor.u32 s18, s25;
	v11 =	vld [tilespmem:s26+$0x0];
	s26 =	sor.u32 $0x8080, s7;
	(erf) = vpow2.f32 v4;
	v4 =	vmul.f32 $1.442695020e+00, v6  }
0x4d2: {  	v29 =	vld [tilespmem:s28+$0x0];
	s28 =	sor.u32 $0x8100, s7;
	s29 =	sor.u32 s18, s26;
	(erf) = vpow2.f32 v5;
	v5 =	vmul.f32 $1.442695020e+00, v7  }
0x4d3: {  	s30 =	sor.u32 s18, s28;
	v30 =	vld [tilespmem:s29+$0x0];
	s29 =	sor.u32 $0x8180, s7;
	(erf) = vpow2.f32 v4;
	v4 =	vmul.f32 $1.442695020e+00, v8  }
0x4d4: {  	v31 =	vld [tilespmem:s30+$0x0];
	s30 =	sor.u32 $0x8200, s7;
	s2 =	sor.u32 s18, s29;
	(erf) = vpow2.f32 v5;
	v5 =	vmul.f32 $1.442695020e+00, v9  }
0x4d5: {  	s21 =	sor.u32 $0x8280, s7;
	s4 =	sor.u32 s18, s30;
	v32 =	vld [tilespmem:s2+$0x0];
	(erf) = vpow2.f32 v4;
	v4 =	vmul.f32 $1.442695020e+00, v10  }
0x4d6: {  	s22 =	sor.u32 $0x8300, s7;
	s5 =	sor.u32 s18, s21;
	v33 =	vld [tilespmem:s4+$0x0];
	(erf) = vpow2.f32 v5;
	v5 =	vmul.f32 $1.442695020e+00, v11  }
0x4d7: {  	s10 =	sor.u32 $0x8380, s7;
	s6 =	sor.u32 s18, s22;
	v34 =	vld [tilespmem:s5+$0x0];
	(erf) = vpow2.f32 v4;
	v4 =	vmul.f32 $1.442695020e+00, v29  }
0x4d8: {  	s8 =	sor.u32 s18, s10;
	s20 =	sor.u32 $0xA000, s7;
	v35 =	vld [tilespmem:s6+$0x0];
	(erf) = vpow2.f32 v5;
	v5 =	vmul.f32 $1.442695020e+00, v30  }
0x4d9: {  	v36 =	vld [tilespmem:s8+$0x0];
	s3 =	sor.u32 $0xA080, s7;
	s4 =	sor.u32 s18, s20;
	(erf) = vpow2.f32 v4;
	v4 =	vmul.f32 $1.442695020e+00, v31  }
0x4da: {  	s5 =	sor.u32 s18, s3;
	v37 =	vld [tilespmem:s4+$0x0];
	s4 =	sor.u32 $0xA100, s7;
	v12 =	vpop (erf);
	(erf) = vpow2.f32 v5;
	v5 =	vmul.f32 $1.442695020e+00, v32  }
0x4db: {  	v38 =	vld [tilespmem:s5+$0x0];
	s5 =	sor.u32 $0xA180, s7;
	s6 =	sor.u32 s18, s4;
	v13 =	vpop (erf);
	(erf) = vpow2.f32 v4;
	v4 =	vmul.f32 $1.442695020e+00, v33  }
0x4dc: {  	s13 =	sor.u32 s18, s5;
	v39 =	vld [tilespmem:s6+$0x0];
	v14 =	vpop (erf);
	(erf) = vpow2.f32 v5;
	v5 =	vmul.f32 $1.442695020e+00, v34  }
0x4dd: {  	v40 =	vld [tilespmem:s13+$0x0];
	v15 =	vpop (erf);
	(erf) = vpow2.f32 v4;
	v4 =	vmul.f32 $1.442695020e+00, v35  }
0x4de: {  	v41 =	vpop (erf);
	(erf) = vpow2.f32 v5;
	v5 =	vmul.f32 $1.442695020e+00, v36  }
0x4df: {  	v42 =	vpop (erf);
	(erf) = vpow2.f32 v4;
	v4 =	vmul.f32 $1.442695020e+00, v37  }
0x4e0: {  	v43 =	vpop (erf);
	(erf) = vpow2.f32 v5;
	v5 =	vmul.f32 $1.442695020e+00, v38  }
0x4e1: {  	v44 =	vpop (erf);
	(erf) = vpow2.f32 v4;
	v4 =	vmul.f32 $1.442695020e+00, v39  }
0x4e2: {  	s6 =	sor.u32 $0xA200, s7;
	v45 =	vpop (erf);
	(erf) = vpow2.f32 v5;
	v5 =	vmul.f32 $1.442695020e+00, v40  }
0x4e3: {  	s8 =	sor.u32 s18, s6  }
0x4e4: {  	v46 =	vld [tilespmem:s8+$0x0];
	v16 =	vpop (erf)  }
0x4e5: {  	(erf) = vpow2.f32 v4;
	v4 =	vpop (erf)  }
0x4e6: {  	(erf) = vpow2.f32 v5;
	v5 =	vpop (erf)  }
0x4e7: {  	v17 =	vpop (erf)  }
0x4e8: {  	v18 =	vpop (erf)  }
0x4e9: {  	v11 =	vmul.f32 $1.442695020e+00, v46;
	v19 =	vpop (erf)  }
0x4ea: {  	v20 =	vpop (erf)  }
0x4eb: {  	v47 =	vadd.f32 v13, v12;
	v22 =	vadd.f32 v15, v14;
	v21 =	vpop (erf);
	(erf) = vpow2.f32 v11  }
0x4ec: {  	v24 =	vadd.f32 v42, v41;
	v25 =	vadd.f32 v44, v43  }
0x4ed: {  	v27 =	vadd.f32 v16, v45;
	v28 =	vadd.f32 v5, v4  }
0x4ee: {  	v48 =	vadd.f32 v25, v24;
	v30 =	vadd.f32 v18, v17;
	v23 =	vpop (erf)  }
0x4ef: {  	v49 =	vadd.f32 v28, v27;
	v31 =	vadd.f32 v20, v19;
	v26 =	vpop (erf)  }
0x4f0: {  	v11 =	vadd.f32 v22, v47;
	v32 =	vadd.f32 v23, v21;
	v29 =	vpop (erf)  }
0x4f1: {  	v50 =	vadd.f32 v31, v30;
	v33 =	vadd.f32 v29, v26  }
0x4f2: {  	v11 =	vadd.f32 v48, v11  }
0x4f3: {  	v52 =	vadd.f32 v50, v49;
	v51 =	vadd.f32 v33, v32  }
0x4f4: {  	v53 =	vpop (erf)  }
0x4f5: {  	v11 =	vadd.f32 v52, v11;
	v54 =	vadd.f32 v51, v53;
	_ =	sdelay $0x1  }
0x4f6: {  	v11 =	vadd.f32 v54, v11;
	_ =	sdelay $0x1  }
0x4f7: {  	(erf) = vrcp.f32 v11;
	_ =	sdelay $0x5  }
0x4f8: {  	s7 =	sshrl.u32 s7, $0x2  }
0x4f9: {  	s7 =	sor.u32 $0xC000, s7  }
0x4fa: {  	s2 =	sor.u32 s18, s7  }
0x4fb: {  	v55 =	vld [tilespmem:s2+$0x80];
	v11 =	vpop (erf)  }
0x4fc: {  	v11 =	vmul.f32 $1.024000000e+03, v11;
	_ =	sdelay $0x1  }
0x4fd: {  	v12 =	vmul.f32 v11, v12  }
0x4fe: {  	v39 =	vmov s17;
	v13 =	vmul.f32 v11, v13;
	v14 =	vmul.f32 v11, v14  }
0x4ff: {  	v40 =	vshll.u32 v55, $0xA;
	v15 =	vmul.f32 v11, v15;
	v6 =	vmul.f32 v11, v41  }
0x500: {  	v7 =	vmul.f32 v11, v42;
	v8 =	vmul.f32 v11, v43;
	v12 =	vadd.f32 $1.258291200e+07, v12  }
0x501: {  	v9 =	vmul.f32 v11, v44;
	v10 =	vmul.f32 v11, v45;
	v13 =	vadd.f32 $1.258291200e+07, v13  }
0x502: {  	v16 =	vmul.f32 v11, v16;
	v14 =	vadd.f32 $1.258291200e+07, v14;
	v12 =	vadd.s32 $0xB4C00000, v12  }
0x503: {  	v4 =	vmul.f32 v11, v4;
	v15 =	vadd.f32 $1.258291200e+07, v15;
	v13 =	vadd.s32 $0xB4C00400, v13  }
0x504: {  	v5 =	vmul.f32 v11, v5;
	v6 =	vadd.f32 $1.258291200e+07, v6;
	v14 =	vadd.s32 $0xB4C00800, v14  }
0x505: {  	v57 =	vmul.f32 v11, v17;
	v7 =	vadd.f32 $1.258291200e+07, v7;
	v15 =	vadd.s32 $0xB4C00C00, v15  }
0x506: {  	v59 =	vmul.f32 v11, v18;
	v8 =	vadd.f32 $1.258291200e+07, v8;
	v6 =	vadd.s32 $0xB4C01000, v6  }
0x507: {  	v60 =	vmul.f32 v11, v19;
	v9 =	vadd.f32 $1.258291200e+07, v9;
	v7 =	vadd.s32 $0xB4C01400, v7;
	[tilespmem:v12+s31+$0x0] =	vst.idx.add.f32.msk $0xffff, v1  }
0x508: {  	v63 =	vmul.f32 v11, v20;
	v10 =	vadd.f32 $1.258291200e+07, v10;
	v8 =	vadd.s32 $0xB4C01800, v8;
	[tilespmem:v13+s31+$0x0] =	vst.idx.add.f32.msk $0xffff, v1  }
0x509: {  	v21 =	vmul.f32 v11, v21;
	v56 =	vadd.f32 $1.258291200e+07, v16;
	v9 =	vadd.s32 $0xB4C01C00, v9;
	[tilespmem:v14+s31+$0x0] =	vst.idx.add.f32.msk $0xffff, v1  }
0x50a: {  	v25 =	vmul.f32 v11, v23;
	v4 =	vadd.f32 $1.258291200e+07, v4;
	v10 =	vadd.s32 $0xB4C02000, v10;
	[tilespmem:v15+s31+$0x0] =	vst.idx.add.f32.msk $0xffff, v1  }
0x50b: {  	v30 =	vmul.f32 v11, v26;
	v5 =	vadd.f32 $1.258291200e+07, v5;
	v12 =	vadd.s32 $0xB4C02400, v56;
	[tilespmem:v6+s31+$0x0] =	vst.idx.add.f32.msk $0xffff, v1  }
0x50c: {  	v35 =	vmul.f32 v11, v29;
	v58 =	vadd.f32 $1.258291200e+07, v57;
	v4 =	vadd.s32 $0xB4C02800, v4;
	[tilespmem:v7+s31+$0x0] =	vst.idx.add.f32.msk $0xffff, v1  }
0x50d: {  	v37 =	vmul.f32 v11, v53;
	v62 =	vadd.f32 $1.258291200e+07, v59;
	v5 =	vadd.s32 $0xB4C02C00, v5;
	[tilespmem:v8+s31+$0x0] =	vst.idx.add.f32.msk $0xffff, v1  }
0x50e: {  	v41 =	vand.u32 $0xFFFFE000, v40;
	v20 =	vadd.f32 $1.258291200e+07, v60;
	v61 =	vadd.s32 $0xB4C03000, v58;
	[tilespmem:v9+s31+$0x0] =	vst.idx.add.f32.msk $0xffff, v1  }
0x50f: {  	v42 =	vshll.u32 v55, $0x7;
	v28 =	vadd.f32 $1.258291200e+07, v63;
	v27 =	vadd.s32 $0xB4C03400, v62;
	[tilespmem:v10+s31+$0x0] =	vst.idx.add.f32.msk $0xffff, v1  }
0x510: {  	v43 =	vor.u32 s17, v2;
	v31 =	vadd.f32 $1.258291200e+07, v21;
	v7 =	vadd.s32 $0xB4C03800, v20;
	[tilespmem:v12+s31+$0x0] =	vst.idx.add.f32.msk $0xffff, v1  }
0x511: {  	v44 =	vand.u32 $0x380, v42;
	v32 =	vadd.f32 $1.258291200e+07, v25;
	v33 =	vadd.s32 $0xB4C03C00, v28;
	[tilespmem:v4+s31+$0x0] =	vst.idx.add.f32.msk $0xffff, v1  }
0x512: {  	v34 =	vadd.f32 $1.258291200e+07, v30;
	v14 =	vshll.u32 v39, $0x3;
	v9 =	vadd.s32 $0xB4C04000, v31;
	[tilespmem:v5+s31+$0x0] =	vst.idx.add.f32.msk $0xffff, v1  }
0x513: {  	v38 =	vadd.f32 $1.258291200e+07, v35;
	v36 =	vadd.s32 $0xB4C04400, v32;
	v14 =	vand.u32 $0x1C00, v14;
	[tilespmem:v61+s31+$0x0] =	vst.idx.add.f32.msk $0xffff, v1  }
0x514: {  	v6 =	vor.u32 v14, v41;
	v4 =	vadd.s32 $0xB4C04800, v34;
	v5 =	vadd.f32 $1.258291200e+07, v37;
	[tilespmem:v27+s31+$0x0] =	vst.idx.add.f32.msk $0xffff, v1  }
0x515: {  	v45 =	vadd.s32 $0xB4C04C00, v38;
	v6 =	vor.u32 v44, v6;
	v8 =	vand.u32 $0x4F, v43;
	[tilespmem:v7+s31+$0x0] =	vst.idx.add.f32.msk $0xffff, v1  }
0x516: {  	v6 =	vor.u32 v8, v6;
	v5 =	vadd.s32 $0xB4C05000, v5;
	[tilespmem:v33+s31+$0x0] =	vst.idx.add.f32.msk $0xffff, v1  }
0x517: {  	v6 =	vadd.s32 $0x6000, v6;
	[tilespmem:v9+s31+$0x0] =	vst.idx.add.f32.msk $0xffff, v1  }
0x518: {  	[tilespmem:v36+s31+$0x0] =	vst.idx.add.f32.msk $0xffff, v1  }
0x519: {  	[tilespmem:v4+s31+$0x0] =	vst.idx.add.f32.msk $0xffff, v1  }
0x51a: {  	[tilespmem:v45+s31+$0x0] =	vst.idx.add.f32.msk $0xffff, v1  }
0x51b: {  	s17 =	simm.s32 $0x0;
	[tilespmem:v5+s31+$0x0] =	vst.idx.add.f32.msk $0xffff, v1  }
0x51c: {  	v4 =	vld.idx.msk [tilespmem:v6+s17+$0x0], $0xffff;
	_ =	sdelay $0x4  }
0x51d: {  	v4 =	vmul.f32 $1.442695020e+00, v4;
	_ =	sdelay $0x1  }
0x51e: {  	(erf) = vpow2.f32 v4  }
0x51f: {  	s8 =	sadd.s32 $0xFFFFFF60, s16  }
0x520: {  	s13 =	sand.u32 $0x50, s8  }
0x521: {  	s2 =	sor.u32 s13, s7  }
0x522: {  	v6 =	vld [tilespmem:s2+$0x80];
	s2 =	sor.u32 s13, s19  }
0x523: {  	v4 =	vld [tilespmem:s2+$0x0];
	s2 =	sor.u32 s13, s9  }
0x524: {  	v5 =	vld [tilespmem:s2+$0x0];
	s2 =	sor.u32 s13, s11  }
0x525: {  	v46 =	vld [tilespmem:s2+$0x0];
	s2 =	sor.u32 s13, s12  }
0x526: {  	v47 =	vld [tilespmem:s2+$0x0];
	s2 =	sor.u32 s13, s0  }
0x527: {  	v48 =	vld [tilespmem:s2+$0x0];
	s2 =	sor.u32 s13, s1;
	v49 =	vpop (erf)  }
0x528: {  	v50 =	vld [tilespmem:s2+$0x0];
	s2 =	sor.u32 s13, s24;
	v10 =	vmul.f32 v49, v11  }
0x529: {  	v51 =	vld [tilespmem:s2+$0x0];
	s2 =	sor.u32 s13, s23  }
0x52a: {  	v52 =	vld [tilespmem:s2+$0x0];
	s2 =	sor.u32 s13, s25;
	v53 =	vsub.f32 $1.024000000e+03, v10  }
0x52b: {  	v54 =	vld [tilespmem:s2+$0x0];
	s2 =	sor.u32 s13, s26  }
0x52c: {  	v55 =	vld [tilespmem:s2+$0x0];
	s2 =	sor.u32 s13, s28;
	v14 =	vadd.f32 $1.258291200e+07, v53  }
0x52d: {  	v56 =	vld [tilespmem:s2+$0x0];
	s2 =	sor.u32 s13, s29;
	v10 =	vadd.f32 $1.258291200e+07, v10  }
0x52e: {  	v57 =	vld [tilespmem:s2+$0x0];
	s2 =	sor.u32 s13, s30;
	v14 =	vadd.s32 $0xB4C00000, v14  }
0x52f: {  	v4 =	vmul.f32 $1.442695020e+00, v4;
	v58 =	vld [tilespmem:s2+$0x0];
	s2 =	sor.u32 s13, s21;
	v10 =	vadd.s32 $0xB4C00000, v10;
	vm1 =	vlt.s32 v14, $0x3FF  }
0x530: {  	v59 =	vld [tilespmem:s2+$0x0];
	s2 =	sor.u32 s13, s22;
	vm0 =	vlt.s32 v10, $0x3FF;
	v14 =	vnsel vm1, $0x3FF, v14  }
0x531: {  	(erf) = vpow2.f32 v4;
	v60 =	vld [tilespmem:s2+$0x0];
	s2 =	sor.u32 s13, s10;
	v10 =	vnsel vm0, $0x3FF, v10;
	v15 =	vadd.s32 v40, v14  }
0x532: {  	v61 =	vld [tilespmem:s2+$0x0];
	s2 =	sor.u32 s13, s20;
	v10 =	vadd.s32 v40, v10;
	v14 =	vand.u32 $0x7F, v14;
	v62 =	vand.u32 $0xFFFFFF80, v15  }
0x533: {  	v4 =	vld [tilespmem:s2+$0x0];
	s2 =	sor.u32 s13, s3;
	v14 =	vor.u32 v14, v62  }
0x534: {  	v63 =	vld [tilespmem:s2+$0x0];
	s2 =	sor.u32 s13, s4;
	v14 =	vadd.s32 $0x5400, v14  }
0x535: {  	v28 =	vld [tilespmem:s2+$0x0];
	s2 =	sor.u32 s13, s5  }
0x536: {  	v29 =	vld [tilespmem:s2+$0x0]  }
0x537: {  	[tilespmem:v10+s31+$0x0] =	vst.idx.add.f32.msk $0xffff, v3  }
0x538: {  	[tilespmem:v15+s31+$0x0] =	vst.idx.add.f32.msk $0xffff, v1  }
0x539: {  	v5 =	vmul.f32 $1.442695020e+00, v5;
	s13 =	sor.u32 s13, s6;
	[tilespmem:v14+s31+$0x0] =	vst.idx.add.f32.msk $0xffff, v1  }
0x53a: {  	v7 =	vmul.f32 $1.442695020e+00, v46;
	v30 =	vld [tilespmem:s13+$0x0];
	v14 =	vpop (erf)  }
0x53b: {  	(erf) = vpow2.f32 v5;
	v5 =	vmul.f32 $1.442695020e+00, v47  }
0x53c: {  	v31 =	vmul.f32 $1.442695020e+00, v48;
	(erf) = vpow2.f32 v7  }
0x53d: {  	(erf) = vpow2.f32 v5;
	v5 =	vmul.f32 $1.442695020e+00, v50  }
0x53e: {  	v32 =	vmul.f32 $1.442695020e+00, v51;
	(erf) = vpow2.f32 v31  }
0x53f: {  	(erf) = vpow2.f32 v5;
	v5 =	vmul.f32 $1.442695020e+00, v52  }
0x540: {  	v33 =	vmul.f32 $1.442695020e+00, v54;
	(erf) = vpow2.f32 v32  }
0x541: {  	(erf) = vpow2.f32 v5;
	v5 =	vmul.f32 $1.442695020e+00, v55  }
0x542: {  	v34 =	vmul.f32 $1.442695020e+00, v56;
	(erf) = vpow2.f32 v33  }
0x543: {  	(erf) = vpow2.f32 v5;
	v5 =	vmul.f32 $1.442695020e+00, v57  }
0x544: {  	v35 =	vmul.f32 $1.442695020e+00, v58;
	v8 =	vpop (erf);
	(erf) = vpow2.f32 v34  }
0x545: {  	v9 =	vpop (erf);
	(erf) = vpow2.f32 v5;
	v5 =	vmul.f32 $1.442695020e+00, v59  }
0x546: {  	v36 =	vmul.f32 $1.442695020e+00, v60;
	v11 =	vpop (erf);
	(erf) = vpow2.f32 v35  }
0x547: {  	v37 =	vpop (erf);
	(erf) = vpow2.f32 v5;
	v5 =	vmul.f32 $1.442695020e+00, v61  }
0x548: {  	v4 =	vmul.f32 $1.442695020e+00, v4;
	v38 =	vpop (erf);
	(erf) = vpow2.f32 v36  }
0x549: {  	v39 =	vpop (erf);
	(erf) = vpow2.f32 v5  }
0x54a: {  	v40 =	vpop (erf);
	(erf) = vpow2.f32 v4;
	v4 =	vmul.f32 $1.442695020e+00, v28  }
0x54b: {  	v5 =	vmul.f32 $1.442695020e+00, v63  }
0x54c: {  	v41 =	vpop (erf)  }
0x54d: {  	(erf) = vpow2.f32 v5;
	v42 =	vpop (erf)  }
0x54e: {  	v5 =	vmul.f32 $1.442695020e+00, v29;
	(erf) = vpow2.f32 v4;
	v4 =	vpop (erf)  }
0x54f: {  	v43 =	vpop (erf)  }
0x550: {  	(erf) = vpow2.f32 v5;
	v44 =	vpop (erf)  }
0x551: {  	v45 =	vpop (erf)  }
0x552: {  	v5 =	vmul.f32 $1.442695020e+00, v30;
	v46 =	vpop (erf)  }
0x553: {  	v47 =	vpop (erf)  }
0x554: {  	v51 =	vadd.f32 v38, v37;
	v52 =	vadd.f32 v40, v39;
	v48 =	vpop (erf);
	(erf) = vpow2.f32 v5  }
0x555: {  	v49 =	vadd.f32 v11, v9;
	v54 =	vadd.f32 v42, v41  }
0x556: {  	v60 =	vadd.f32 v52, v51;
	v55 =	vadd.f32 v43, v4  }
0x557: {  	v57 =	vadd.f32 v45, v44;
	v5 =	vadd.f32 v8, v14;
	v50 =	vpop (erf)  }
0x558: {  	v61 =	vadd.f32 v55, v54;
	v58 =	vadd.f32 v47, v46;
	v53 =	vpop (erf)  }
0x559: {  	v59 =	vadd.f32 v50, v48;
	v5 =	vadd.f32 v49, v5;
	v56 =	vpop (erf)  }
0x55a: {  	v62 =	vadd.f32 v58, v57;
	v34 =	vadd.f32 v56, v53  }
0x55b: {  	v5 =	vadd.f32 v60, v5  }
0x55c: {  	v31 =	vadd.f32 v62, v61;
	v63 =	vadd.f32 v34, v59  }
0x55d: {  	v32 =	vpop (erf)  }
0x55e: {  	v5 =	vadd.f32 v31, v5;
	v33 =	vadd.f32 v63, v32;
	_ =	sdelay $0x1  }
0x55f: {  	v5 =	vadd.f32 v33, v5;
	_ =	sdelay $0x1  }
0x560: {  	(erf) = vrcp.f32 v5;
	_ =	sdelay $0x8  }
0x561: {  	v5 =	vpop (erf)  }
0x562: {  	v5 =	vmul.f32 $1.024000000e+03, v5  }
0x563: {  	v59 =	vmov s8  }
0x564: {  	v61 =	vshll.u32 v59, $0x3;
	v14 =	vmul.f32 v5, v14;
	v8 =	vmul.f32 v5, v8  }
0x565: {  	v63 =	vor.u32 s8, v2;
	v9 =	vmul.f32 v5, v9;
	v11 =	vmul.f32 v5, v11  }
0x566: {  	v12 =	vmul.f32 v5, v37;
	v13 =	vmul.f32 v5, v38;
	v14 =	vadd.f32 $1.258291200e+07, v14  }
0x567: {  	v7 =	vmul.f32 v5, v39;
	v15 =	vmul.f32 v5, v40;
	v8 =	vadd.f32 $1.258291200e+07, v8  }
0x568: {  	v16 =	vmul.f32 v5, v41;
	v9 =	vadd.f32 $1.258291200e+07, v9;
	v14 =	vadd.s32 $0xB4C00000, v14  }
0x569: {  	v17 =	vmul.f32 v5, v42;
	v11 =	vadd.f32 $1.258291200e+07, v11;
	v8 =	vadd.s32 $0xB4C00400, v8  }
0x56a: {  	v4 =	vmul.f32 v5, v4;
	v12 =	vadd.f32 $1.258291200e+07, v12;
	v9 =	vadd.s32 $0xB4C00800, v9  }
0x56b: {  	v18 =	vmul.f32 v5, v43;
	v13 =	vadd.f32 $1.258291200e+07, v13;
	v11 =	vadd.s32 $0xB4C00C00, v11  }
0x56c: {  	v36 =	vmul.f32 v5, v44;
	v7 =	vadd.f32 $1.258291200e+07, v7;
	v12 =	vadd.s32 $0xB4C01000, v12  }
0x56d: {  	v41 =	vmul.f32 v5, v45;
	v15 =	vadd.f32 $1.258291200e+07, v15;
	v13 =	vadd.s32 $0xB4C01400, v13;
	[tilespmem:v14+s31+$0x0] =	vst.idx.add.f32.msk $0xffff, v1  }
0x56e: {  	v43 =	vmul.f32 v5, v46;
	v16 =	vadd.f32 $1.258291200e+07, v16;
	v7 =	vadd.s32 $0xB4C01800, v7;
	[tilespmem:v8+s31+$0x0] =	vst.idx.add.f32.msk $0xffff, v1  }
0x56f: {  	v10 =	vmul.f32 v5, v47;
	v35 =	vadd.f32 $1.258291200e+07, v17;
	v34 =	vadd.s32 $0xB4C01C00, v15;
	[tilespmem:v9+s31+$0x0] =	vst.idx.add.f32.msk $0xffff, v1  }
0x570: {  	v47 =	vmul.f32 v5, v48;
	v4 =	vadd.f32 $1.258291200e+07, v4;
	v37 =	vadd.s32 $0xB4C02000, v16;
	[tilespmem:v11+s31+$0x0] =	vst.idx.add.f32.msk $0xffff, v1  }
0x571: {  	v48 =	vmul.f32 v5, v50;
	v38 =	vadd.f32 $1.258291200e+07, v18;
	v39 =	vadd.s32 $0xB4C02400, v35;
	[tilespmem:v12+s31+$0x0] =	vst.idx.add.f32.msk $0xffff, v1  }
0x572: {  	v50 =	vmul.f32 v5, v53;
	v40 =	vadd.f32 $1.258291200e+07, v36;
	v4 =	vadd.s32 $0xB4C02800, v4;
	[tilespmem:v13+s31+$0x0] =	vst.idx.add.f32.msk $0xffff, v1  }
0x573: {  	v55 =	vmul.f32 v5, v56;
	v45 =	vadd.f32 $1.258291200e+07, v41;
	v42 =	vadd.s32 $0xB4C02C00, v38;
	[tilespmem:v7+s31+$0x0] =	vst.idx.add.f32.msk $0xffff, v1  }
0x574: {  	v58 =	vmul.f32 v5, v32;
	v46 =	vadd.f32 $1.258291200e+07, v43;
	v44 =	vadd.s32 $0xB4C03000, v40;
	[tilespmem:v34+s31+$0x0] =	vst.idx.add.f32.msk $0xffff, v1  }
0x575: {  	v10 =	vadd.f32 $1.258291200e+07, v10;
	v51 =	vadd.f32 $1.258291200e+07, v47;
	v49 =	vadd.s32 $0xB4C03400, v45;
	[tilespmem:v37+s31+$0x0] =	vst.idx.add.f32.msk $0xffff, v1  }
0x576: {  	v52 =	vadd.f32 $1.258291200e+07, v48;
	v54 =	vadd.f32 $1.258291200e+07, v50;
	v13 =	vadd.s32 $0xB4C03800, v46;
	[tilespmem:v39+s31+$0x0] =	vst.idx.add.f32.msk $0xffff, v1  }
0x577: {  	v60 =	vadd.f32 $1.258291200e+07, v58;
	v53 =	vadd.s32 $0xB4C03C00, v10;
	v56 =	vadd.s32 $0xB4C04000, v51;
	[tilespmem:v4+s31+$0x0] =	vst.idx.add.f32.msk $0xffff, v1  }
0x578: {  	v57 =	vadd.s32 $0xB4C04400, v52;
	v15 =	vadd.f32 $1.258291200e+07, v55;
	v4 =	vshll.u32 v6, $0xA;
	[tilespmem:v42+s31+$0x0] =	vst.idx.add.f32.msk $0xffff, v1  }
0x579: {  	v16 =	vand.u32 $0x1C00, v61;
	v6 =	vshll.u32 v6, $0x7;
	v62 =	vand.u32 $0xFFFFE000, v4;
	[tilespmem:v44+s31+$0x0] =	vst.idx.add.f32.msk $0xffff, v1  }
0x57a: {  	v10 =	vadd.s32 $0xB4C04800, v54;
	v6 =	vand.u32 $0x380, v6;
	v12 =	vor.u32 v16, v62;
	[tilespmem:v49+s31+$0x0] =	vst.idx.add.f32.msk $0xffff, v1  }
0x57b: {  	v7 =	vand.u32 $0x5F, v63;
	v16 =	vadd.s32 $0xB4C04C00, v15;
	v6 =	vor.u32 v6, v12;
	[tilespmem:v13+s31+$0x0] =	vst.idx.add.f32.msk $0xffff, v1  }
0x57c: {  	v17 =	vadd.s32 $0xB4C05000, v60;
	v6 =	vor.u32 v7, v6;
	[tilespmem:v53+s31+$0x0] =	vst.idx.add.f32.msk $0xffff, v1  }
0x57d: {  	v6 =	vadd.s32 $0x6000, v6;
	[tilespmem:v56+s31+$0x0] =	vst.idx.add.f32.msk $0xffff, v1  }
0x57e: {  	[tilespmem:v57+s31+$0x0] =	vst.idx.add.f32.msk $0xffff, v1  }
0x57f: {  	[tilespmem:v10+s31+$0x0] =	vst.idx.add.f32.msk $0xffff, v1  }
0x580: {  	s8 =	sadd.s32 $0xFFFFFF70, s16;
	[tilespmem:v16+s31+$0x0] =	vst.idx.add.f32.msk $0xffff, v1  }
0x581: {  	s13 =	sand.u32 $0x60, s8;
	[tilespmem:v17+s31+$0x0] =	vst.idx.add.f32.msk $0xffff, v1  }
0x582: {  	s2 =	sor.u32 s13, s19;
	v6 =	vld.idx.msk [tilespmem:v6+s17+$0x0], $0xffff  }
0x583: {  	v18 =	vld [tilespmem:s2+$0x0];
	s2 =	sor.u32 s13, s9  }
0x584: {  	v19 =	vld [tilespmem:s2+$0x0];
	s2 =	sor.u32 s13, s11  }
0x585: {  	v20 =	vld [tilespmem:s2+$0x0];
	s2 =	sor.u32 s13, s12  }
0x586: {  	v21 =	vld [tilespmem:s2+$0x0];
	s2 =	sor.u32 s13, s0  }
0x587: {  	v22 =	vld [tilespmem:s2+$0x0];
	s2 =	sor.u32 s13, s1;
	v6 =	vmul.f32 $1.442695020e+00, v6  }
0x588: {  	v23 =	vld [tilespmem:s2+$0x0];
	s2 =	sor.u32 s13, s24;
	v7 =	vmul.f32 $1.442695020e+00, v18  }
0x589: {  	v24 =	vld [tilespmem:s2+$0x0];
	v25 =	vmul.f32 $1.442695020e+00, v19;
	s2 =	sor.u32 s13, s23;
	(erf) = vpow2.f32 v6  }
0x58a: {  	v26 =	vld [tilespmem:s2+$0x0];
	v27 =	vmul.f32 $1.442695020e+00, v20;
	s2 =	sor.u32 s13, s25;
	(erf) = vpow2.f32 v7  }
0x58b: {  	v28 =	vld [tilespmem:s2+$0x0];
	v29 =	vmul.f32 $1.442695020e+00, v21;
	s2 =	sor.u32 s13, s26;
	(erf) = vpow2.f32 v25  }
0x58c: {  	v30 =	vld [tilespmem:s2+$0x0];
	v31 =	vmul.f32 $1.442695020e+00, v22;
	s2 =	sor.u32 s13, s28;
	(erf) = vpow2.f32 v27  }
0x58d: {  	v32 =	vld [tilespmem:s2+$0x0];
	v33 =	vmul.f32 $1.442695020e+00, v23;
	s2 =	sor.u32 s13, s29;
	(erf) = vpow2.f32 v29  }
0x58e: {  	v35 =	vmul.f32 $1.442695020e+00, v24;
	v34 =	vld [tilespmem:s2+$0x0];
	s2 =	sor.u32 s13, s30;
	(erf) = vpow2.f32 v31  }
0x58f: {  	v36 =	vld [tilespmem:s2+$0x0];
	v37 =	vmul.f32 $1.442695020e+00, v26;
	s2 =	sor.u32 s13, s21;
	(erf) = vpow2.f32 v33  }
0x590: {  	v9 =	vmul.f32 $1.442695020e+00, v28;
	v38 =	vld [tilespmem:s2+$0x0];
	s2 =	sor.u32 s13, s22;
	(erf) = vpow2.f32 v35  }
0x591: {  	v40 =	vmul.f32 $1.442695020e+00, v30;
	v39 =	vld [tilespmem:s2+$0x0];
	s2 =	sor.u32 s13, s10;
	(erf) = vpow2.f32 v37  }
0x592: {  	v41 =	vld [tilespmem:s2+$0x0];
	v42 =	vmul.f32 $1.442695020e+00, v32;
	s2 =	sor.u32 s13, s20;
	v7 =	vpop (erf);
	(erf) = vpow2.f32 v9  }
0x593: {  	v43 =	vld [tilespmem:s2+$0x0];
	v44 =	vmul.f32 $1.442695020e+00, v34;
	v15 =	vpop (erf);
	(erf) = vpow2.f32 v40  }
0x594: {  	v46 =	vmul.f32 $1.442695020e+00, v36;
	v16 =	vpop (erf);
	(erf) = vpow2.f32 v42  }
0x595: {  	s2 =	sor.u32 s13, s3;
	v48 =	vmul.f32 $1.442695020e+00, v38;
	v17 =	vpop (erf);
	(erf) = vpow2.f32 v44  }
0x596: {  	v45 =	vld [tilespmem:s2+$0x0];
	s2 =	sor.u32 s13, s4;
	v50 =	vmul.f32 $1.442695020e+00, v39;
	v18 =	vpop (erf);
	(erf) = vpow2.f32 v46  }
0x597: {  	v47 =	vld [tilespmem:s2+$0x0];
	s2 =	sor.u32 s13, s5;
	v51 =	vmul.f32 $1.442695020e+00, v41;
	v14 =	vpop (erf);
	(erf) = vpow2.f32 v48  }
0x598: {  	v49 =	vld [tilespmem:s2+$0x0];
	v52 =	vmul.f32 $1.442695020e+00, v43;
	v10 =	vpop (erf);
	(erf) = vpow2.f32 v50  }
0x599: {  	v11 =	vpop (erf);
	(erf) = vpow2.f32 v51  }
0x59a: {  	v12 =	vpop (erf);
	(erf) = vpow2.f32 v52  }
0x59b: {  	s2 =	sor.u32 s13, s6;
	v53 =	vmul.f32 $1.442695020e+00, v45;
	v13 =	vpop (erf)  }
0x59c: {  	v56 =	vld [tilespmem:s2+$0x0];
	v54 =	vmul.f32 $1.442695020e+00, v47;
	v57 =	vpop (erf)  }
0x59d: {  	v55 =	vmul.f32 $1.442695020e+00, v49;
	(erf) = vpow2.f32 v53;
	v58 =	vpop (erf)  }
0x59e: {  	(erf) = vpow2.f32 v54;
	v59 =	vpop (erf)  }
0x59f: {  	(erf) = vpow2.f32 v55;
	v60 =	vpop (erf)  }
0x5a0: {  	v22 =	vpop (erf)  }
0x5a1: {  	v61 =	vmul.f32 $1.442695020e+00, v56;
	v23 =	vpop (erf)  }
0x5a2: {  	v8 =	vpop (erf)  }
0x5a3: {  	v62 =	vadd.f32 v16, v15;
	v63 =	vadd.f32 v18, v17;
	v24 =	vpop (erf);
	(erf) = vpow2.f32 v61  }
0x5a4: {  	v41 =	vadd.f32 v10, v14;
	v42 =	vadd.f32 v12, v11  }
0x5a5: {  	v6 =	vadd.f32 v63, v62;
	v44 =	vadd.f32 v57, v13  }
0x5a6: {  	v49 =	vadd.f32 v42, v41;
	v45 =	vadd.f32 v59, v58;
	v40 =	vpop (erf)  }
0x5a7: {  	v47 =	vadd.f32 v22, v60;
	v48 =	vadd.f32 v8, v23;
	v43 =	vpop (erf)  }
0x5a8: {  	v50 =	vadd.f32 v45, v44;
	v35 =	vadd.f32 v40, v24;
	v46 =	vpop (erf)  }
0x5a9: {  	v51 =	vadd.f32 v48, v47;
	v36 =	vadd.f32 v46, v43  }
0x5aa: {  	v6 =	vadd.f32 v49, v6  }
0x5ab: {  	v53 =	vadd.f32 v51, v50;
	v52 =	vadd.f32 v36, v35  }
0x5ac: {  	v54 =	vpop (erf)  }
0x5ad: {  	v6 =	vadd.f32 v53, v6;
	v55 =	vadd.f32 v52, v54;
	_ =	sdelay $0x1  }
0x5ae: {  	v6 =	vadd.f32 v55, v6;
	_ =	sdelay $0x1  }
0x5af: {  	(erf) = vrcp.f32 v6;
	_ =	sdelay $0x5  }
0x5b0: {  	s13 =	sor.u32 s13, s7  }
0x5b1: {  	v56 =	vld [tilespmem:s13+$0x80];
	_ =	sdelay $0x1  }
0x5b2: {  	v6 =	vpop (erf)  }
0x5b3: {  	v6 =	vmul.f32 $1.024000000e+03, v6  }
0x5b4: {  	v38 =	vmov s8  }
0x5b5: {  	v42 =	vshll.u32 v56, $0x7;
	v15 =	vmul.f32 v6, v15;
	v16 =	vmul.f32 v6, v16  }
0x5b6: {  	v44 =	vand.u32 $0x380, v42;
	v17 =	vmul.f32 v6, v17;
	v18 =	vmul.f32 v6, v18  }
0x5b7: {  	v14 =	vmul.f32 v6, v14;
	v10 =	vmul.f32 v6, v10;
	v15 =	vadd.f32 $1.258291200e+07, v15  }
0x5b8: {  	v11 =	vmul.f32 v6, v11;
	v12 =	vmul.f32 v6, v12;
	v16 =	vadd.f32 $1.258291200e+07, v16  }
0x5b9: {  	v13 =	vmul.f32 v6, v13;
	v17 =	vadd.f32 $1.258291200e+07, v17;
	v15 =	vadd.s32 $0xB4C00000, v15  }
0x5ba: {  	v19 =	vmul.f32 v6, v57;
	v18 =	vadd.f32 $1.258291200e+07, v18;
	v16 =	vadd.s32 $0xB4C00400, v16  }
0x5bb: {  	v9 =	vmul.f32 v6, v58;
	v14 =	vadd.f32 $1.258291200e+07, v14;
	v17 =	vadd.s32 $0xB4C00800, v17  }
0x5bc: {  	v20 =	vmul.f32 v6, v59;
	v10 =	vadd.f32 $1.258291200e+07, v10;
	v18 =	vadd.s32 $0xB4C00C00, v18  }
0x5bd: {  	v58 =	vmul.f32 v6, v60;
	v11 =	vadd.f32 $1.258291200e+07, v11;
	v14 =	vadd.s32 $0xB4C01000, v14  }
0x5be: {  	v61 =	vmul.f32 v6, v22;
	v12 =	vadd.f32 $1.258291200e+07, v12;
	v10 =	vadd.s32 $0xB4C01400, v10;
	[tilespmem:v15+s31+$0x0] =	vst.idx.add.f32.msk $0xffff, v1  }
0x5bf: {  	v62 =	vmul.f32 v6, v23;
	v13 =	vadd.f32 $1.258291200e+07, v13;
	v11 =	vadd.s32 $0xB4C01800, v11;
	[tilespmem:v16+s31+$0x0] =	vst.idx.add.f32.msk $0xffff, v1  }
0x5c0: {  	v8 =	vmul.f32 v6, v8;
	v57 =	vadd.f32 $1.258291200e+07, v19;
	v12 =	vadd.s32 $0xB4C01C00, v12;
	[tilespmem:v17+s31+$0x0] =	vst.idx.add.f32.msk $0xffff, v1  }
0x5c1: {  	v23 =	vmul.f32 v6, v24;
	v9 =	vadd.f32 $1.258291200e+07, v9;
	v13 =	vadd.s32 $0xB4C02000, v13;
	[tilespmem:v18+s31+$0x0] =	vst.idx.add.f32.msk $0xffff, v1  }
0x5c2: {  	v24 =	vmul.f32 v6, v40;
	v59 =	vadd.f32 $1.258291200e+07, v20;
	v15 =	vadd.s32 $0xB4C02400, v57;
	[tilespmem:v14+s31+$0x0] =	vst.idx.add.f32.msk $0xffff, v1  }
0x5c3: {  	v28 =	vmul.f32 v6, v43;
	v60 =	vadd.f32 $1.258291200e+07, v58;
	v9 =	vadd.s32 $0xB4C02800, v9;
	[tilespmem:v10+s31+$0x0] =	vst.idx.add.f32.msk $0xffff, v1  }
0x5c4: {  	v34 =	vmul.f32 v6, v46;
	v21 =	vadd.f32 $1.258291200e+07, v61;
	v16 =	vadd.s32 $0xB4C02C00, v59;
	[tilespmem:v11+s31+$0x0] =	vst.idx.add.f32.msk $0xffff, v1  }
0x5c5: {  	v36 =	vmul.f32 v6, v54;
	v22 =	vadd.f32 $1.258291200e+07, v62;
	v63 =	vadd.s32 $0xB4C03000, v60;
	[tilespmem:v12+s31+$0x0] =	vst.idx.add.f32.msk $0xffff, v1  }
0x5c6: {  	v40 =	vshll.u32 v38, $0x3;
	v8 =	vadd.f32 $1.258291200e+07, v8;
	v26 =	vadd.s32 $0xB4C03400, v21;
	[tilespmem:v13+s31+$0x0] =	vst.idx.add.f32.msk $0xffff, v1  }
0x5c7: {  	v29 =	vadd.f32 $1.258291200e+07, v23;
	v30 =	vadd.f32 $1.258291200e+07, v24;
	v10 =	vadd.s32 $0xB4C03800, v22;
	[tilespmem:v15+s31+$0x0] =	vst.idx.add.f32.msk $0xffff, v1  }
0x5c8: {  	v43 =	vor.u32 s8, v2;
	v33 =	vadd.f32 $1.258291200e+07, v28;
	v31 =	vadd.s32 $0xB4C03C00, v8;
	[tilespmem:v9+s31+$0x0] =	vst.idx.add.f32.msk $0xffff, v1  }
0x5c9: {  	v35 =	vadd.s32 $0xB4C04400, v30;
	v8 =	vshll.u32 v56, $0xA;
	v12 =	vadd.s32 $0xB4C04000, v29;
	[tilespmem:v16+s31+$0x0] =	vst.idx.add.f32.msk $0xffff, v1  }
0x5ca: {  	v41 =	vand.u32 $0xFFFFE000, v8;
	v17 =	vadd.f32 $1.258291200e+07, v34;
	v18 =	vand.u32 $0x1C00, v40;
	[tilespmem:v63+s31+$0x0] =	vst.idx.add.f32.msk $0xffff, v1  }
0x5cb: {  	v39 =	vadd.f32 $1.258291200e+07, v36;
	v37 =	vadd.s32 $0xB4C04800, v33;
	v14 =	vor.u32 v18, v41;
	[tilespmem:v26+s31+$0x0] =	vst.idx.add.f32.msk $0xffff, v1  }
0x5cc: {  	v45 =	vadd.s32 $0xB4C04C00, v17;
	v14 =	vor.u32 v44, v14;
	v11 =	vand.u32 $0x6F, v43;
	[tilespmem:v10+s31+$0x0] =	vst.idx.add.f32.msk $0xffff, v1  }
0x5cd: {  	v46 =	vadd.s32 $0xB4C05000, v39;
	v11 =	vor.u32 v11, v14;
	[tilespmem:v31+s31+$0x0] =	vst.idx.add.f32.msk $0xffff, v1  }
0x5ce: {  	v11 =	vadd.s32 $0x6000, v11;
	[tilespmem:v12+s31+$0x0] =	vst.idx.add.f32.msk $0xffff, v1  }
0x5cf: {  	[tilespmem:v35+s31+$0x0] =	vst.idx.add.f32.msk $0xffff, v1  }
0x5d0: {  	[tilespmem:v37+s31+$0x0] =	vst.idx.add.f32.msk $0xffff, v1  }
0x5d1: {  	s8 =	sadd.s32 $0xFFFFFF80, s16;
	[tilespmem:v45+s31+$0x0] =	vst.idx.add.f32.msk $0xffff, v1  }
0x5d2: {  	s13 =	sand.u32 $0x70, s8;
	[tilespmem:v46+s31+$0x0] =	vst.idx.add.f32.msk $0xffff, v1  }
0x5d3: {  	s19 =	sor.u32 s13, s19;
	v9 =	vld.idx.msk [tilespmem:v11+s17+$0x0], $0xffff  }
0x5d4: {  	s9 =	sor.u32 s13, s9;
	v47 =	vld [tilespmem:s19+$0x0]  }
0x5d5: {  	s11 =	sor.u32 s13, s11;
	v48 =	vld [tilespmem:s9+$0x0]  }
0x5d6: {  	v49 =	vld [tilespmem:s11+$0x0];
	s19 =	sor.u32 s13, s12  }
0x5d7: {  	s0 =	sor.u32 s13, s0;
	v50 =	vld [tilespmem:s19+$0x0]  }
0x5d8: {  	v51 =	vld [tilespmem:s0+$0x0];
	s9 =	sor.u32 s13, s1;
	v9 =	vmul.f32 $1.442695020e+00, v9  }
0x5d9: {  	s11 =	sor.u32 s13, s24;
	v52 =	vld [tilespmem:s9+$0x0];
	v10 =	vmul.f32 $1.442695020e+00, v47  }
0x5da: {  	s12 =	sor.u32 s13, s23;
	v53 =	vld [tilespmem:s11+$0x0];
	v54 =	vmul.f32 $1.442695020e+00, v48;
	(erf) = vpow2.f32 v9  }
0x5db: {  	v55 =	vld [tilespmem:s12+$0x0];
	s19 =	sor.u32 s13, s25;
	v56 =	vmul.f32 $1.442695020e+00, v49;
	(erf) = vpow2.f32 v10  }
0x5dc: {  	s23 =	sor.u32 s13, s26;
	v57 =	vld [tilespmem:s19+$0x0];
	v58 =	vmul.f32 $1.442695020e+00, v50;
	(erf) = vpow2.f32 v54  }
0x5dd: {  	s24 =	sor.u32 s13, s28;
	v60 =	vmul.f32 $1.442695020e+00, v51;
	v59 =	vld [tilespmem:s23+$0x0];
	(erf) = vpow2.f32 v56  }
0x5de: {  	s26 =	sor.u32 s13, s29;
	v61 =	vld [tilespmem:s24+$0x0];
	v62 =	vmul.f32 $1.442695020e+00, v52;
	(erf) = vpow2.f32 v58  }
0x5df: {  	s28 =	sor.u32 s13, s30;
	v21 =	vmul.f32 $1.442695020e+00, v53;
	v63 =	vld [tilespmem:s26+$0x0];
	(erf) = vpow2.f32 v60  }
0x5e0: {  	s29 =	sor.u32 s13, s21;
	v23 =	vmul.f32 $1.442695020e+00, v55;
	v22 =	vld [tilespmem:s28+$0x0];
	(erf) = vpow2.f32 v62  }
0x5e1: {  	s30 =	sor.u32 s13, s22;
	v24 =	vld [tilespmem:s29+$0x0];
	v25 =	vmul.f32 $1.442695020e+00, v57;
	(erf) = vpow2.f32 v21  }
0x5e2: {  	s1 =	sor.u32 s13, s10;
	v13 =	vmul.f32 $1.442695020e+00, v59;
	v26 =	vld [tilespmem:s30+$0x0];
	(erf) = vpow2.f32 v23  }
0x5e3: {  	s2 =	sor.u32 s13, s20;
	v27 =	vld [tilespmem:s1+$0x0];
	v28 =	vmul.f32 $1.442695020e+00, v61;
	v9 =	vpop (erf);
	(erf) = vpow2.f32 v25  }
0x5e4: {  	s3 =	sor.u32 s13, s3;
	v29 =	vld [tilespmem:s2+$0x0];
	v30 =	vmul.f32 $1.442695020e+00, v63;
	v18 =	vpop (erf);
	(erf) = vpow2.f32 v13  }
0x5e5: {  	s4 =	sor.u32 s13, s4;
	v32 =	vmul.f32 $1.442695020e+00, v22;
	v31 =	vld [tilespmem:s3+$0x0];
	v19 =	vpop (erf);
	(erf) = vpow2.f32 v28  }
0x5e6: {  	s5 =	sor.u32 s13, s5;
	v33 =	vld [tilespmem:s4+$0x0];
	v11 =	vmul.f32 $1.442695020e+00, v24;
	v20 =	vpop (erf);
	(erf) = vpow2.f32 v30  }
0x5e7: {  	v34 =	vld [tilespmem:s5+$0x0];
	v35 =	vmul.f32 $1.442695020e+00, v26;
	v21 =	vpop (erf);
	(erf) = vpow2.f32 v32  }
0x5e8: {  	v36 =	vmul.f32 $1.442695020e+00, v27;
	v12 =	vpop (erf);
	(erf) = vpow2.f32 v11  }
0x5e9: {  	v37 =	vmul.f32 $1.442695020e+00, v29;
	v17 =	vpop (erf);
	(erf) = vpow2.f32 v35  }
0x5ea: {  	s6 =	sor.u32 s13, s6;
	v38 =	vmul.f32 $1.442695020e+00, v31;
	v14 =	vpop (erf);
	(erf) = vpow2.f32 v36  }
0x5eb: {  	v39 =	vmul.f32 $1.442695020e+00, v33;
	v41 =	vld [tilespmem:s6+$0x0];
	v15 =	vpop (erf);
	(erf) = vpow2.f32 v37  }
0x5ec: {  	v40 =	vmul.f32 $1.442695020e+00, v34;
	v16 =	vpop (erf);
	(erf) = vpow2.f32 v38  }
0x5ed: {  	v22 =	vpop (erf);
	(erf) = vpow2.f32 v39  }
0x5ee: {  	v42 =	vpop (erf);
	(erf) = vpow2.f32 v40  }
0x5ef: {  	v43 =	vpop (erf)  }
0x5f0: {  	v47 =	vmul.f32 $1.442695020e+00, v41;
	v44 =	vpop (erf)  }
0x5f1: {  	v45 =	vpop (erf)  }
0x5f2: {  	v50 =	vadd.f32 v19, v18;
	v51 =	vadd.f32 v21, v20;
	(erf) = vpow2.f32 v47;
	v46 =	vpop (erf)  }
0x5f3: {  	v53 =	vadd.f32 v17, v12;
	v54 =	vadd.f32 v15, v14;
	v48 =	vpop (erf)  }
0x5f4: {  	v10 =	vadd.f32 v51, v50;
	v56 =	vadd.f32 v22, v16;
	v49 =	vpop (erf)  }
0x5f5: {  	v60 =	vadd.f32 v54, v53;
	v57 =	vadd.f32 v43, v42;
	v52 =	vpop (erf)  }
0x5f6: {  	v59 =	vadd.f32 v45, v44;
	v37 =	vadd.f32 v48, v46;
	v55 =	vpop (erf)  }
0x5f7: {  	v61 =	vadd.f32 v57, v56;
	v38 =	vadd.f32 v52, v49;
	v58 =	vpop (erf)  }
0x5f8: {  	v62 =	vadd.f32 v37, v59;
	v39 =	vadd.f32 v58, v55  }
0x5f9: {  	v10 =	vadd.f32 v60, v10  }
0x5fa: {  	v34 =	vadd.f32 v62, v61;
	v63 =	vadd.f32 v39, v38  }
0x5fb: {  	v36 =	vpop (erf)  }
0x5fc: {  	v10 =	vadd.f32 v34, v10;
	v37 =	vadd.f32 v63, v36;
	_ =	sdelay $0x1  }
0x5fd: {  	v10 =	vadd.f32 v37, v10;
	_ =	sdelay $0x1  }
0x5fe: {  	(erf) = vrcp.f32 v10;
	_ =	sdelay $0x5  }
0x5ff: {  	s7 =	sor.u32 s13, s7  }
0x600: {  	v38 =	vld [tilespmem:s7+$0x80];
	_ =	sdelay $0x1  }
0x601: {  	v10 =	vpop (erf)  }
0x602: {  	v10 =	vmul.f32 $1.024000000e+03, v10  }
0x603: {  	v60 =	vmov s8  }
0x604: {  	v63 =	vor.u32 s8, v2;
	v62 =	vshll.u32 v38, $0x7;
	v18 =	vmul.f32 v10, v18  }
0x605: {  	v24 =	vand.u32 $0x380, v62;
	v19 =	vmul.f32 v10, v19;
	v20 =	vmul.f32 v10, v20  }
0x606: {  	v21 =	vmul.f32 v10, v21;
	v12 =	vmul.f32 v10, v12;
	v18 =	vadd.f32 $1.258291200e+07, v18  }
0x607: {  	v17 =	vmul.f32 v10, v17;
	v14 =	vmul.f32 v10, v14;
	v19 =	vadd.f32 $1.258291200e+07, v19  }
0x608: {  	v15 =	vmul.f32 v10, v15;
	v20 =	vadd.f32 $1.258291200e+07, v20;
	v18 =	vadd.s32 $0xB4C00000, v18  }
0x609: {  	v16 =	vmul.f32 v10, v16;
	v21 =	vadd.f32 $1.258291200e+07, v21;
	v19 =	vadd.s32 $0xB4C00400, v19  }
0x60a: {  	v22 =	vmul.f32 v10, v22;
	v12 =	vadd.f32 $1.258291200e+07, v12;
	v20 =	vadd.s32 $0xB4C00800, v20  }
0x60b: {  	v23 =	vmul.f32 v10, v42;
	v17 =	vadd.f32 $1.258291200e+07, v17;
	v21 =	vadd.s32 $0xB4C00C00, v21  }
0x60c: {  	v11 =	vmul.f32 v10, v43;
	v14 =	vadd.f32 $1.258291200e+07, v14;
	v12 =	vadd.s32 $0xB4C01000, v12  }
0x60d: {  	v40 =	vmul.f32 v10, v44;
	v15 =	vadd.f32 $1.258291200e+07, v15;
	v17 =	vadd.s32 $0xB4C01400, v17;
	[tilespmem:v18+s31+$0x0] =	vst.idx.add.f32.msk $0xffff, v1  }
0x60e: {  	v43 =	vmul.f32 v10, v45;
	v16 =	vadd.f32 $1.258291200e+07, v16;
	v14 =	vadd.s32 $0xB4C01800, v14;
	[tilespmem:v19+s31+$0x0] =	vst.idx.add.f32.msk $0xffff, v1  }
0x60f: {  	v44 =	vmul.f32 v10, v46;
	v39 =	vadd.f32 $1.258291200e+07, v22;
	v15 =	vadd.s32 $0xB4C01C00, v15;
	[tilespmem:v20+s31+$0x0] =	vst.idx.add.f32.msk $0xffff, v1  }
0x610: {  	v13 =	vmul.f32 v10, v48;
	v41 =	vadd.f32 $1.258291200e+07, v23;
	v16 =	vadd.s32 $0xB4C02000, v16;
	[tilespmem:v21+s31+$0x0] =	vst.idx.add.f32.msk $0xffff, v1  }
0x611: {  	v48 =	vmul.f32 v10, v49;
	v11 =	vadd.f32 $1.258291200e+07, v11;
	v18 =	vadd.s32 $0xB4C02400, v39;
	[tilespmem:v12+s31+$0x0] =	vst.idx.add.f32.msk $0xffff, v1  }
0x612: {  	v49 =	vmul.f32 v10, v52;
	v42 =	vadd.f32 $1.258291200e+07, v40;
	v19 =	vadd.s32 $0xB4C02800, v41;
	[tilespmem:v17+s31+$0x0] =	vst.idx.add.f32.msk $0xffff, v1  }
0x613: {  	v51 =	vmul.f32 v10, v55;
	v46 =	vadd.f32 $1.258291200e+07, v43;
	v11 =	vadd.s32 $0xB4C02C00, v11;
	[tilespmem:v14+s31+$0x0] =	vst.idx.add.f32.msk $0xffff, v1  }
0x614: {  	v56 =	vmul.f32 v10, v58;
	v47 =	vadd.f32 $1.258291200e+07, v44;
	v45 =	vadd.s32 $0xB4C03000, v42;
	[tilespmem:v15+s31+$0x0] =	vst.idx.add.f32.msk $0xffff, v1  }
0x615: {  	v58 =	vmul.f32 v10, v36;
	v13 =	vadd.f32 $1.258291200e+07, v13;
	v50 =	vadd.s32 $0xB4C03400, v46;
	[tilespmem:v16+s31+$0x0] =	vst.idx.add.f32.msk $0xffff, v1  }
0x616: {  	v53 =	vadd.f32 $1.258291200e+07, v48;
	v54 =	vadd.f32 $1.258291200e+07, v49;
	v52 =	vadd.s32 $0xB4C03800, v47;
	[tilespmem:v18+s31+$0x0] =	vst.idx.add.f32.msk $0xffff, v1  }
0x617: {  	v55 =	vadd.f32 $1.258291200e+07, v51;
	v59 =	vadd.f32 $1.258291200e+07, v56;
	v13 =	vadd.s32 $0xB4C03C00, v13;
	[tilespmem:v19+s31+$0x0] =	vst.idx.add.f32.msk $0xffff, v1  }
0x618: {  	v20 =	vshll.u32 v60, $0x3;
	v17 =	vadd.s32 $0xB4C04000, v53;
	[tilespmem:v11+s31+$0x0] =	vst.idx.add.f32.msk $0xffff, v1;
	v11 =	vshll.u32 v38, $0xA  }
0x619: {  	v57 =	vadd.s32 $0xB4C04400, v54;
	v20 =	vand.u32 $0x1C00, v20;
	[tilespmem:v45+s31+$0x0] =	vst.idx.add.f32.msk $0xffff, v1;
	v61 =	vand.u32 $0xFFFFE000, v11  }
0x61a: {  	v21 =	vadd.f32 $1.258291200e+07, v58;
	v16 =	vadd.s32 $0xB4C04800, v55;
	[tilespmem:v50+s31+$0x0] =	vst.idx.add.f32.msk $0xffff, v1;
	v12 =	vor.u32 v20, v61  }
0x61b: {  	v25 =	vadd.s32 $0xB4C04C00, v59;
	v14 =	vand.u32 $0x7F, v63;
	[tilespmem:v52+s31+$0x0] =	vst.idx.add.f32.msk $0xffff, v1;
	v12 =	vor.u32 v24, v12  }
0x61c: {  	v26 =	vadd.s32 $0xB4C05000, v21;
	[tilespmem:v13+s31+$0x0] =	vst.idx.add.f32.msk $0xffff, v1;
	v12 =	vor.u32 v14, v12  }
0x61d: {  	[tilespmem:v17+s31+$0x0] =	vst.idx.add.f32.msk $0xffff, v1;
	v12 =	vadd.s32 $0x6000, v12  }
0x61e: {  	[tilespmem:v57+s31+$0x0] =	vst.idx.add.f32.msk $0xffff, v1  }
0x61f: {  	[tilespmem:v16+s31+$0x0] =	vst.idx.add.f32.msk $0xffff, v1  }
0x620: {  	s9 =	sadd.s32 $0xFFFFFC80, s15;
	s8 =	sadd.s32 $0xFFFFFF90, s16;
	[tilespmem:v25+s31+$0x0] =	vst.idx.add.f32.msk $0xffff, v1  }
0x621: {  	s11 =	sand.u32 $0x3C00, s9;
	s10 =	sand.u32 $0x40, s8;
	[tilespmem:v26+s31+$0x0] =	vst.idx.add.f32.msk $0xffff, v1  }
0x622: {  	s12 =	sor.u32 s10, s11;
	v12 =	vld.idx.msk [tilespmem:v12+s17+$0x0], $0xffff  }
0x623: {  	v27 =	vld [tilespmem:s12+$0x6000]  }
0x624: {  	v28 =	vld [tilespmem:s12+$0x6080]  }
0x625: {  	v29 =	vld [tilespmem:s12+$0x6100]  }
0x626: {  	v30 =	vld [tilespmem:s12+$0x6180]  }
0x627: {  	v31 =	vld [tilespmem:s12+$0x6200];
	v12 =	vmul.f32 $1.442695020e+00, v12  }
0x628: {  	v32 =	vld [tilespmem:s12+$0x6280];
	v13 =	vmul.f32 $1.442695020e+00, v27  }
0x629: {  	v33 =	vld [tilespmem:s12+$0x6300];
	v14 =	vmul.f32 $1.442695020e+00, v28;
	(erf) = vpow2.f32 v12  }
0x62a: {  	v34 =	vld [tilespmem:s12+$0x6380];
	v35 =	vmul.f32 $1.442695020e+00, v29;
	(erf) = vpow2.f32 v13  }
0x62b: {  	v37 =	vmul.f32 $1.442695020e+00, v30;
	v36 =	vld [tilespmem:s12+$0x8000];
	(erf) = vpow2.f32 v14  }
0x62c: {  	v39 =	vmul.f32 $1.442695020e+00, v31;
	v38 =	vld [tilespmem:s12+$0x8080];
	(erf) = vpow2.f32 v35  }
0x62d: {  	v40 =	vld [tilespmem:s12+$0x8100];
	v41 =	vmul.f32 $1.442695020e+00, v32;
	(erf) = vpow2.f32 v37  }
0x62e: {  	v42 =	vld [tilespmem:s12+$0x8180];
	v12 =	vmul.f32 $1.442695020e+00, v33;
	(erf) = vpow2.f32 v39  }
0x62f: {  	v43 =	vld [tilespmem:s12+$0x8200];
	v44 =	vmul.f32 $1.442695020e+00, v34;
	(erf) = vpow2.f32 v41  }
0x630: {  	v15 =	vmul.f32 $1.442695020e+00, v36;
	v45 =	vld [tilespmem:s12+$0x8280];
	(erf) = vpow2.f32 v12  }
0x631: {  	v46 =	vld [tilespmem:s12+$0x8300];
	v47 =	vmul.f32 $1.442695020e+00, v38;
	(erf) = vpow2.f32 v44  }
0x632: {  	v48 =	vld [tilespmem:s12+$0x8380];
	v49 =	vmul.f32 $1.442695020e+00, v40;
	v12 =	vpop (erf);
	(erf) = vpow2.f32 v15  }
0x633: {  	v51 =	vmul.f32 $1.442695020e+00, v42;
	v50 =	vld [tilespmem:s12+$0xA000];
	v21 =	vpop (erf);
	(erf) = vpow2.f32 v47  }
0x634: {  	v52 =	vld [tilespmem:s12+$0xA080];
	v13 =	vmul.f32 $1.442695020e+00, v43;
	v22 =	vpop (erf);
	(erf) = vpow2.f32 v49  }
0x635: {  	v53 =	vld [tilespmem:s12+$0xA100];
	v54 =	vmul.f32 $1.442695020e+00, v45;
	v23 =	vpop (erf);
	(erf) = vpow2.f32 v51  }
0x636: {  	v56 =	vmul.f32 $1.442695020e+00, v46;
	v55 =	vld [tilespmem:s12+$0xA180];
	v24 =	vpop (erf);
	(erf) = vpow2.f32 v13  }
0x637: {  	v57 =	vmul.f32 $1.442695020e+00, v48;
	v20 =	vpop (erf);
	(erf) = vpow2.f32 v54  }
0x638: {  	v58 =	vmul.f32 $1.442695020e+00, v50;
	v16 =	vpop (erf);
	(erf) = vpow2.f32 v56  }
0x639: {  	v59 =	vmul.f32 $1.442695020e+00, v52;
	v17 =	vpop (erf);
	(erf) = vpow2.f32 v57  }
0x63a: {  	v62 =	vld [tilespmem:s12+$0xA200];
	v60 =	vmul.f32 $1.442695020e+00, v53;
	v18 =	vpop (erf);
	(erf) = vpow2.f32 v58  }
0x63b: {  	v61 =	vmul.f32 $1.442695020e+00, v55;
	v15 =	vpop (erf);
	(erf) = vpow2.f32 v59  }
0x63c: {  	v63 =	vpop (erf);
	(erf) = vpow2.f32 v60  }
0x63d: {  	v26 =	vpop (erf);
	(erf) = vpow2.f32 v61  }
0x63e: {  	v14 =	vpop (erf)  }
0x63f: {  	v44 =	vmul.f32 $1.442695020e+00, v62;
	v27 =	vpop (erf)  }
0x640: {  	v28 =	vpop (erf)  }
0x641: {  	v46 =	vadd.f32 v22, v21;
	v47 =	vadd.f32 v24, v23;
	v29 =	vpop (erf);
	(erf) = vpow2.f32 v44  }
0x642: {  	v49 =	vadd.f32 v16, v20;
	v50 =	vadd.f32 v18, v17;
	v19 =	vpop (erf)  }
0x643: {  	v13 =	vadd.f32 v47, v46;
	v52 =	vadd.f32 v63, v15;
	v45 =	vpop (erf)  }
0x644: {  	v56 =	vadd.f32 v50, v49;
	v53 =	vadd.f32 v14, v26;
	v48 =	vpop (erf)  }
0x645: {  	v55 =	vadd.f32 v28, v27;
	v40 =	vadd.f32 v19, v29;
	v51 =	vpop (erf)  }
0x646: {  	v57 =	vadd.f32 v53, v52;
	v41 =	vadd.f32 v48, v45;
	v54 =	vpop (erf)  }
0x647: {  	v58 =	vadd.f32 v40, v55;
	v42 =	vadd.f32 v54, v51  }
0x648: {  	v13 =	vadd.f32 v56, v13  }
0x649: {  	v60 =	vadd.f32 v58, v57;
	v59 =	vadd.f32 v42, v41  }
0x64a: {  	v61 =	vpop (erf)  }
0x64b: {  	v13 =	vadd.f32 v60, v13;
	v62 =	vadd.f32 v59, v61;
	_ =	sdelay $0x1  }
0x64c: {  	v13 =	vadd.f32 v62, v13;
	_ =	sdelay $0x1  }
0x64d: {  	(erf) = vrcp.f32 v13;
	_ =	sdelay $0x8  }
0x64e: {  	v13 =	vpop (erf)  }
0x64f: {  	v13 =	vmul.f32 $1.024000000e+03, v13  }
0x650: {  	v57 =	vmov s8  }
0x651: {  	v58 =	vor.u32 s8, v2;
	v21 =	vmul.f32 v13, v21;
	v22 =	vmul.f32 v13, v22  }
0x652: {  	v59 =	vand.u32 $0x4F, v58;
	v23 =	vmul.f32 v13, v23;
	v24 =	vmul.f32 v13, v24  }
0x653: {  	v20 =	vmul.f32 v13, v20;
	v16 =	vmul.f32 v13, v16;
	v21 =	vadd.f32 $1.258291200e+07, v21  }
0x654: {  	v17 =	vmul.f32 v13, v17;
	v18 =	vmul.f32 v13, v18;
	v22 =	vadd.f32 $1.258291200e+07, v22  }
0x655: {  	v15 =	vmul.f32 v13, v15;
	v23 =	vadd.f32 $1.258291200e+07, v23;
	v21 =	vadd.s32 $0xB4C00000, v21  }
0x656: {  	v25 =	vmul.f32 v13, v63;
	v24 =	vadd.f32 $1.258291200e+07, v24;
	v22 =	vadd.s32 $0xB4C00400, v22  }
0x657: {  	s2 =	sshrl.u32 s11, $0x2;
	v26 =	vmul.f32 v13, v26;
	v20 =	vadd.f32 $1.258291200e+07, v20;
	v23 =	vadd.s32 $0xB4C00800, v23  }
0x658: {  	s1 =	sor.u32 s10, s2;
	v14 =	vmul.f32 v13, v14;
	v16 =	vadd.f32 $1.258291200e+07, v16;
	v24 =	vadd.s32 $0xB4C00C00, v24  }
0x659: {  	v63 =	vld [tilespmem:s1+$0xC080];
	v36 =	vmul.f32 v13, v27;
	v17 =	vadd.f32 $1.258291200e+07, v17;
	v20 =	vadd.s32 $0xB4C01000, v20  }
0x65a: {  	v40 =	vmul.f32 v13, v28;
	v18 =	vadd.f32 $1.258291200e+07, v18;
	v16 =	vadd.s32 $0xB4C01400, v16;
	[tilespmem:v21+s31+$0x0] =	vst.idx.add.f32.msk $0xffff, v1  }
0x65b: {  	v41 =	vmul.f32 v13, v29;
	v15 =	vadd.f32 $1.258291200e+07, v15;
	v17 =	vadd.s32 $0xB4C01800, v17;
	[tilespmem:v22+s31+$0x0] =	vst.idx.add.f32.msk $0xffff, v1  }
0x65c: {  	v19 =	vmul.f32 v13, v19;
	v34 =	vadd.f32 $1.258291200e+07, v25;
	v18 =	vadd.s32 $0xB4C01C00, v18;
	[tilespmem:v23+s31+$0x0] =	vst.idx.add.f32.msk $0xffff, v1  }
0x65d: {  	v45 =	vmul.f32 v13, v45;
	v37 =	vadd.f32 $1.258291200e+07, v26;
	v15 =	vadd.s32 $0xB4C02000, v15;
	[tilespmem:v24+s31+$0x0] =	vst.idx.add.f32.msk $0xffff, v1  }
0x65e: {  	v46 =	vmul.f32 v13, v48;
	v14 =	vadd.f32 $1.258291200e+07, v14;
	v21 =	vadd.s32 $0xB4C02400, v34;
	[tilespmem:v20+s31+$0x0] =	vst.idx.add.f32.msk $0xffff, v1  }
0x65f: {  	v48 =	vmul.f32 v13, v51;
	v39 =	vadd.f32 $1.258291200e+07, v36;
	v22 =	vadd.s32 $0xB4C02800, v37;
	[tilespmem:v16+s31+$0x0] =	vst.idx.add.f32.msk $0xffff, v1  }
0x660: {  	v53 =	vmul.f32 v13, v54;
	v43 =	vadd.f32 $1.258291200e+07, v40;
	v14 =	vadd.s32 $0xB4C02C00, v14;
	[tilespmem:v17+s31+$0x0] =	vst.idx.add.f32.msk $0xffff, v1  }
0x661: {  	v55 =	vmul.f32 v13, v61;
	v44 =	vadd.f32 $1.258291200e+07, v41;
	v42 =	vadd.s32 $0xB4C03000, v39;
	[tilespmem:v18+s31+$0x0] =	vst.idx.add.f32.msk $0xffff, v1  }
0x662: {  	v19 =	vadd.f32 $1.258291200e+07, v19;
	v50 =	vadd.f32 $1.258291200e+07, v46;
	v47 =	vadd.s32 $0xB4C03400, v43;
	[tilespmem:v15+s31+$0x0] =	vst.idx.add.f32.msk $0xffff, v1  }
0x663: {  	v49 =	vadd.f32 $1.258291200e+07, v45;
	v52 =	vadd.f32 $1.258291200e+07, v48;
	v16 =	vadd.s32 $0xB4C03800, v44;
	[tilespmem:v21+s31+$0x0] =	vst.idx.add.f32.msk $0xffff, v1  }
0x664: {  	v56 =	vadd.f32 $1.258291200e+07, v53;
	v51 =	vadd.s32 $0xB4C03C00, v19;
	v54 =	vadd.s32 $0xB4C04400, v50;
	[tilespmem:v22+s31+$0x0] =	vst.idx.add.f32.msk $0xffff, v1  }
0x665: {  	v19 =	vadd.s32 $0xB4C04800, v52;
	v23 =	vshll.u32 v57, $0x3;
	v18 =	vadd.s32 $0xB4C04000, v49;
	[tilespmem:v14+s31+$0x0] =	vst.idx.add.f32.msk $0xffff, v1  }
0x666: {  	v61 =	vshll.u32 v63, $0x7;
	v23 =	vand.u32 $0x3C00, v23;
	v14 =	vshll.u32 v63, $0xA;
	[tilespmem:v42+s31+$0x0] =	vst.idx.add.f32.msk $0xffff, v1  }
0x667: {  	v24 =	vadd.f32 $1.258291200e+07, v55;
	v20 =	vor.u32 v59, v23;
	v60 =	vand.u32 $0xFFFFE000, v14;
	[tilespmem:v47+s31+$0x0] =	vst.idx.add.f32.msk $0xffff, v1  }
0x668: {  	v62 =	vadd.s32 $0xB4C04C00, v56;
	v63 =	vand.u32 $0x380, v61;
	v17 =	vadd.s32 v60, v20;
	[tilespmem:v16+s31+$0x0] =	vst.idx.add.f32.msk $0xffff, v1  }
0x669: {  	v24 =	vadd.s32 $0xB4C05000, v24;
	v17 =	vor.u32 v63, v17;
	[tilespmem:v51+s31+$0x0] =	vst.idx.add.f32.msk $0xffff, v1  }
0x66a: {  	v17 =	vadd.s32 $0x6000, v17;
	[tilespmem:v18+s31+$0x0] =	vst.idx.add.f32.msk $0xffff, v1  }
0x66b: {  	[tilespmem:v54+s31+$0x0] =	vst.idx.add.f32.msk $0xffff, v1  }
0x66c: {  	[tilespmem:v19+s31+$0x0] =	vst.idx.add.f32.msk $0xffff, v1  }
0x66d: {  	s13 =	sadd.s32 $0xFFFFFFA0, s16;
	s19 =	sadd.s32 $0xFFFFFD00, s15;
	[tilespmem:v62+s31+$0x0] =	vst.idx.add.f32.msk $0xffff, v1  }
0x66e: {  	s20 =	sand.u32 $0x50, s13;
	s21 =	sand.u32 $0x3C00, s19;
	[tilespmem:v24+s31+$0x0] =	vst.idx.add.f32.msk $0xffff, v1  }
0x66f: {  	s22 =	sor.u32 s20, s21;
	v15 =	vld.idx.msk [tilespmem:v17+s17+$0x0], $0xffff  }
0x670: {  	v25 =	vld [tilespmem:s22+$0x6000]  }
0x671: {  	v26 =	vld [tilespmem:s22+$0x6080]  }
0x672: {  	v27 =	vld [tilespmem:s22+$0x6100]  }
0x673: {  	v28 =	vld [tilespmem:s22+$0x6180]  }
0x674: {  	v29 =	vld [tilespmem:s22+$0x6200];
	v15 =	vmul.f32 $1.442695020e+00, v15  }
0x675: {  	v30 =	vld [tilespmem:s22+$0x6280];
	v16 =	vmul.f32 $1.442695020e+00, v25  }
0x676: {  	v31 =	vld [tilespmem:s22+$0x6300];
	v17 =	vmul.f32 $1.442695020e+00, v26;
	(erf) = vpow2.f32 v15  }
0x677: {  	v32 =	vld [tilespmem:s22+$0x6380];
	v33 =	vmul.f32 $1.442695020e+00, v27;
	(erf) = vpow2.f32 v16  }
0x678: {  	v35 =	vmul.f32 $1.442695020e+00, v28;
	v34 =	vld [tilespmem:s22+$0x8000];
	(erf) = vpow2.f32 v17  }
0x679: {  	v36 =	vld [tilespmem:s22+$0x8080];
	v37 =	vmul.f32 $1.442695020e+00, v29;
	(erf) = vpow2.f32 v33  }
0x67a: {  	v38 =	vld [tilespmem:s22+$0x8100];
	v39 =	vmul.f32 $1.442695020e+00, v30;
	(erf) = vpow2.f32 v35  }
0x67b: {  	v40 =	vld [tilespmem:s22+$0x8180];
	v15 =	vmul.f32 $1.442695020e+00, v31;
	(erf) = vpow2.f32 v37  }
0x67c: {  	v41 =	vld [tilespmem:s22+$0x8200];
	v42 =	vmul.f32 $1.442695020e+00, v32;
	(erf) = vpow2.f32 v39  }
0x67d: {  	v43 =	vld [tilespmem:s22+$0x8280];
	v18 =	vmul.f32 $1.442695020e+00, v34;
	(erf) = vpow2.f32 v15  }
0x67e: {  	v45 =	vmul.f32 $1.442695020e+00, v36;
	v44 =	vld [tilespmem:s22+$0x8300];
	(erf) = vpow2.f32 v42  }
0x67f: {  	v46 =	vld [tilespmem:s22+$0x8380];
	v47 =	vmul.f32 $1.442695020e+00, v38;
	v15 =	vpop (erf);
	(erf) = vpow2.f32 v18  }
0x680: {  	v48 =	vld [tilespmem:s22+$0xA000];
	v49 =	vmul.f32 $1.442695020e+00, v40;
	v24 =	vpop (erf);
	(erf) = vpow2.f32 v45  }
0x681: {  	v16 =	vmul.f32 $1.442695020e+00, v41;
	v25 =	vpop (erf);
	(erf) = vpow2.f32 v47  }
0x682: {  	v52 =	vmul.f32 $1.442695020e+00, v43;
	v26 =	vpop (erf);
	(erf) = vpow2.f32 v49  }
0x683: {  	v50 =	vld [tilespmem:s22+$0xA080];
	v54 =	vmul.f32 $1.442695020e+00, v44;
	v27 =	vpop (erf);
	(erf) = vpow2.f32 v16  }
0x684: {  	v55 =	vmul.f32 $1.442695020e+00, v46;
	v51 =	vld [tilespmem:s22+$0xA100];
	v23 =	vpop (erf);
	(erf) = vpow2.f32 v52  }
0x685: {  	v53 =	vld [tilespmem:s22+$0xA180];
	v56 =	vmul.f32 $1.442695020e+00, v48;
	v19 =	vpop (erf);
	(erf) = vpow2.f32 v54  }
0x686: {  	v20 =	vpop (erf);
	(erf) = vpow2.f32 v55  }
0x687: {  	v21 =	vpop (erf);
	(erf) = vpow2.f32 v56  }
0x688: {  	v57 =	vmul.f32 $1.442695020e+00, v50;
	v18 =	vpop (erf)  }
0x689: {  	v60 =	vld [tilespmem:s22+$0xA200];
	v58 =	vmul.f32 $1.442695020e+00, v51;
	v28 =	vpop (erf)  }
0x68a: {  	v59 =	vmul.f32 $1.442695020e+00, v53;
	(erf) = vpow2.f32 v57;
	v29 =	vpop (erf)  }
0x68b: {  	(erf) = vpow2.f32 v58;
	v17 =	vpop (erf)  }
0x68c: {  	(erf) = vpow2.f32 v59;
	v30 =	vpop (erf)  }
0x68d: {  	v31 =	vpop (erf)  }
0x68e: {  	v61 =	vmul.f32 $1.442695020e+00, v60;
	v32 =	vpop (erf)  }
0x68f: {  	v22 =	vpop (erf)  }
0x690: {  	v62 =	vadd.f32 v25, v24;
	v63 =	vadd.f32 v27, v26;
	v33 =	vpop (erf);
	(erf) = vpow2.f32 v61  }
0x691: {  	v48 =	vadd.f32 v19, v23;
	v49 =	vadd.f32 v21, v20  }
0x692: {  	v16 =	vadd.f32 v63, v62;
	v51 =	vadd.f32 v28, v18  }
0x693: {  	v54 =	vadd.f32 v49, v48;
	v52 =	vadd.f32 v17, v29;
	v35 =	vpop (erf)  }
0x694: {  	v53 =	vadd.f32 v31, v30;
	v43 =	vadd.f32 v22, v32;
	v50 =	vpop (erf)  }
0x695: {  	v55 =	vadd.f32 v52, v51;
	v44 =	vadd.f32 v35, v33;
	v41 =	vpop (erf)  }
0x696: {  	v56 =	vadd.f32 v43, v53;
	v45 =	vadd.f32 v41, v50  }
0x697: {  	v16 =	vadd.f32 v54, v16  }
0x698: {  	v58 =	vadd.f32 v56, v55;
	v57 =	vadd.f32 v45, v44  }
0x699: {  	v59 =	vpop (erf)  }
0x69a: {  	v16 =	vadd.f32 v58, v16;
	v60 =	vadd.f32 v57, v59;
	_ =	sdelay $0x1  }
0x69b: {  	v16 =	vadd.f32 v60, v16;
	_ =	sdelay $0x1  }
0x69c: {  	(erf) = vrcp.f32 v16;
	_ =	sdelay $0x8  }
0x69d: {  	v16 =	vpop (erf)  }
0x69e: {  	v16 =	vmul.f32 $1.024000000e+03, v16  }
0x69f: {  	v7 =	vmul.f32 v7, v5  }
0x6a0: {  	v24 =	vmul.f32 v16, v24;
	v25 =	vmul.f32 v16, v25  }
0x6a1: {  	s24 =	sadd.s32 $0xFFFFFD80, s15;
	s23 =	sadd.s32 $0xFFFFFFB0, s16;
	v5 =	vmul.f32 v16, v26;
	v61 =	vmul.f32 v16, v27  }
0x6a2: {  	s28 =	sand.u32 $0x3C00, s24;
	s26 =	sand.u32 $0x60, s23;
	v23 =	vmul.f32 v16, v23;
	v19 =	vmul.f32 v16, v19  }
0x6a3: {  	s29 =	sor.u32 s26, s28;
	s2 =	sshrl.u32 s21, $0x2;
	v20 =	vmul.f32 v16, v20;
	v21 =	vmul.f32 v16, v21  }
0x6a4: {  	s1 =	sor.u32 s20, s2;
	v36 =	vld [tilespmem:s29+$0x6000];
	v18 =	vmul.f32 v16, v18;
	v37 =	vmul.f32 v16, v30  }
0x6a5: {  	v63 =	vld [tilespmem:s1+$0xC080];
	v42 =	vmul.f32 v16, v31;
	v43 =	vmul.f32 v16, v32;
	v24 =	vadd.f32 $1.258291200e+07, v24  }
0x6a6: {  	v47 =	vmul.f32 v16, v33;
	v55 =	vmul.f32 v16, v41;
	v41 =	vld [tilespmem:s29+$0x6200];
	v25 =	vadd.f32 $1.258291200e+07, v25  }
0x6a7: {  	v5 =	vadd.f32 $1.258291200e+07, v5;
	v40 =	vadd.f32 $1.258291200e+07, v37;
	v37 =	vld [tilespmem:s29+$0x6080];
	v24 =	vadd.s32 $0xB4C00000, v24  }
0x6a8: {  	v26 =	vadd.f32 $1.258291200e+07, v61;
	v46 =	vadd.f32 $1.258291200e+07, v43;
	v43 =	vld [tilespmem:s29+$0x6280];
	v25 =	vadd.s32 $0xB4C00400, v25  }
0x6a9: {  	v29 =	vmul.f32 v16, v29;
	v45 =	vadd.f32 $1.258291200e+07, v42;
	v51 =	vadd.f32 $1.258291200e+07, v47;
	v47 =	vld [tilespmem:s29+$0x8000]  }
0x6aa: {  	v23 =	vadd.f32 $1.258291200e+07, v23;
	v5 =	vadd.s32 $0xB4C00800, v5;
	v44 =	vadd.s32 $0xB4C03000, v40;
	v40 =	vld [tilespmem:s29+$0x6180]  }
0x6ab: {  	v19 =	vadd.f32 $1.258291200e+07, v19;
	v26 =	vadd.s32 $0xB4C00C00, v26;
	v49 =	vadd.s32 $0xB4C03400, v45;
	v45 =	vld [tilespmem:s29+$0x6380]  }
0x6ac: {  	v20 =	vadd.f32 $1.258291200e+07, v20;
	v39 =	vadd.f32 $1.258291200e+07, v29;
	v23 =	vadd.s32 $0xB4C01000, v23;
	[tilespmem:v24+s31+$0x0] =	vst.idx.add.f32.msk $0xffff, v1  }
0x6ad: {  	v62 =	vmul.f32 v16, v28;
	v21 =	vadd.f32 $1.258291200e+07, v21;
	v19 =	vadd.s32 $0xB4C01400, v19;
	[tilespmem:v25+s31+$0x0] =	vst.idx.add.f32.msk $0xffff, v1  }
0x6ae: {  	v18 =	vadd.f32 $1.258291200e+07, v18;
	v20 =	vadd.s32 $0xB4C01800, v20;
	v25 =	vadd.s32 $0xB4C02800, v39;
	v39 =	vld [tilespmem:s29+$0x6100]  }
0x6af: {  	v17 =	vmul.f32 v16, v17;
	v34 =	vadd.f32 $1.258291200e+07, v62;
	v21 =	vadd.s32 $0xB4C01C00, v21;
	[tilespmem:v5+s31+$0x0] =	vst.idx.add.f32.msk $0xffff, v1  }
0x6b0: {  	v18 =	vadd.s32 $0xB4C02000, v18;
	[tilespmem:v26+s31+$0x0] =	vst.idx.add.f32.msk $0xffff, v1  }
0x6b1: {  	v6 =	vmul.f32 v9, v6;
	v17 =	vadd.f32 $1.258291200e+07, v17;
	v5 =	vadd.s32 $0xB4C02400, v34;
	[tilespmem:v23+s31+$0x0] =	vst.idx.add.f32.msk $0xffff, v1  }
0x6b2: {  	v56 =	vmov s13;
	v22 =	vmul.f32 v16, v22;
	v48 =	vmul.f32 v16, v35;
	[tilespmem:v19+s31+$0x0] =	vst.idx.add.f32.msk $0xffff, v1  }
0x6b3: {  	v50 =	vmul.f32 v16, v50;
	v27 =	vsub.f32 $1.024000000e+03, v6;
	v17 =	vadd.s32 $0xB4C02C00, v17;
	[tilespmem:v20+s31+$0x0] =	vst.idx.add.f32.msk $0xffff, v1  }
0x6b4: {  	v60 =	vshll.u32 v63, $0x7;
	v6 =	vadd.f32 $1.258291200e+07, v6;
	v22 =	vadd.f32 $1.258291200e+07, v22;
	[tilespmem:v21+s31+$0x0] =	vst.idx.add.f32.msk $0xffff, v1  }
0x6b5: {  	v35 =	vmul.f32 v15, v13;
	v52 =	vadd.f32 $1.258291200e+07, v48;
	v54 =	vadd.f32 $1.258291200e+07, v50;
	[tilespmem:v18+s31+$0x0] =	vst.idx.add.f32.msk $0xffff, v1  }
0x6b6: {  	v53 =	vadd.s32 $0xB4C03C00, v22;
	v19 =	vadd.s32 $0xB4C03800, v46;
	[tilespmem:v5+s31+$0x0] =	vst.idx.add.f32.msk $0xffff, v1;
	v5 =	vmul.f32 v16, v59  }
0x6b7: {  	v24 =	vadd.f32 $1.258291200e+07, v55;
	v26 =	vadd.s32 $0xB4C04400, v52;
	v21 =	vadd.s32 $0xB4C04000, v51;
	[tilespmem:v25+s31+$0x0] =	vst.idx.add.f32.msk $0xffff, v1  }
0x6b8: {  	v25 =	vshll.u32 v56, $0x3;
	[tilespmem:v17+s31+$0x0] =	vst.idx.add.f32.msk $0xffff, v1;
	v57 =	vadd.f32 $1.258291200e+07, v5;
	v5 =	vor.u32 s13, v2  }
0x6b9: {  	v25 =	vand.u32 $0x3C00, v25;
	[tilespmem:v44+s31+$0x0] =	vst.idx.add.f32.msk $0xffff, v1;
	v58 =	vand.u32 $0x5F, v5;
	v5 =	vshll.u32 v63, $0xA  }
0x6ba: {  	v22 =	vadd.s32 $0xB4C04800, v54;
	[tilespmem:v49+s31+$0x0] =	vst.idx.add.f32.msk $0xffff, v1;
	v59 =	vand.u32 $0xFFFFE000, v5;
	v23 =	vor.u32 v58, v25  }
0x6bb: {  	v62 =	vand.u32 $0x380, v60;
	v61 =	vadd.s32 $0xB4C04C00, v24;
	[tilespmem:v19+s31+$0x0] =	vst.idx.add.f32.msk $0xffff, v1;
	v20 =	vadd.s32 v59, v23  }
0x6bc: {  	v10 =	vmul.f32 v12, v10;
	v17 =	vadd.s32 $0xB4C05000, v57;
	[tilespmem:v53+s31+$0x0] =	vst.idx.add.f32.msk $0xffff, v1;
	v24 =	vor.u32 v62, v20  }
0x6bd: {  	v6 =	vadd.s32 $0xB4C00000, v6;
	v13 =	vadd.f32 $1.258291200e+07, v35;
	[tilespmem:v21+s31+$0x0] =	vst.idx.add.f32.msk $0xffff, v1;
	v18 =	vadd.s32 $0x6000, v24  }
0x6be: {  	v30 =	vsub.f32 $1.024000000e+03, v10;
	vm8 =	vlt.s32 v6, $0x3FF;
	[tilespmem:v26+s31+$0x0] =	vst.idx.add.f32.msk $0xffff, v1  }
0x6bf: {  	v10 =	vadd.f32 $1.258291200e+07, v10;
	v6 =	vnsel vm8, $0x3FF, v6;
	v13 =	vadd.s32 $0xB4C00000, v13;
	[tilespmem:v22+s31+$0x0] =	vst.idx.add.f32.msk $0xffff, v1  }
0x6c0: {  	vm12 =	vlt.s32 v13, $0x3FF;
	v50 =	vmul.f32 $1.442695020e+00, v41;
	v63 =	vsub.f32 $1.024000000e+03, v7;
	[tilespmem:v61+s31+$0x0] =	vst.idx.add.f32.msk $0xffff, v1  }
0x6c1: {  	v13 =	vnsel vm12, $0x3FF, v13;
	v15 =	vmul.f32 $1.442695020e+00, v37;
	v7 =	vadd.f32 $1.258291200e+07, v7;
	[tilespmem:v17+s31+$0x0] =	vst.idx.add.f32.msk $0xffff, v1  }
0x6c2: {  	v13 =	vadd.s32 v14, v13;
	v60 =	vmul.f32 $1.442695020e+00, v47;
	v25 =	vadd.f32 $1.258291200e+07, v63;
	v18 =	vld.idx.msk [tilespmem:v18+s17+$0x0], $0xffff  }
0x6c3: {  	v48 =	vmul.f32 $1.442695020e+00, v40;
	v34 =	vadd.s32 $0xB4C00000, v10;
	v44 =	vld [tilespmem:s29+$0x6300];
	v7 =	vadd.s32 $0xB4C00000, v7  }
0x6c4: {  	v10 =	vmul.f32 $1.442695020e+00, v36;
	vm6 =	vlt.s32 v7, $0x3FF;
	v20 =	vadd.s32 $0xB4C00000, v25  }
0x6c5: {  	vm11 =	vlt.s32 v34, $0x3FF;
	v52 =	vld [tilespmem:s29+$0x8100];
	v7 =	vnsel vm6, $0x3FF, v7;
	vm7 =	vlt.s32 v20, $0x3FF  }
0x6c6: {  	v46 =	vmul.f32 $1.442695020e+00, v39;
	v49 =	vld [tilespmem:s29+$0x8080];
	v7 =	vadd.s32 v4, v7;
	v26 =	vnsel vm7, $0x3FF, v20  }
0x6c7: {  	v56 =	vld [tilespmem:s29+$0x8200];
	v57 =	vmul.f32 $1.442695020e+00, v45;
	v4 =	vadd.s32 v4, v26;
	v18 =	vmul.f32 $1.442695020e+00, v18  }
0x6c8: {  	v53 =	vmul.f32 $1.442695020e+00, v43;
	v55 =	vmul.f32 $1.442695020e+00, v44;
	v61 =	vld [tilespmem:s29+$0x8300];
	v17 =	vadd.f32 $1.258291200e+07, v27  }
0x6c9: {  	v59 =	vld [tilespmem:s29+$0x8280];
	v9 =	vand.u32 $0x7F, v26;
	v28 =	vand.u32 $0xFFFFFF80, v4;
	(erf) = vpow2.f32 v18  }
0x6ca: {  	v9 =	vor.u32 v9, v28;
	v28 =	vld [tilespmem:s29+$0x8380];
	v29 =	vadd.s32 $0xB4C00000, v17;
	v17 =	vadd.f32 $1.258291200e+07, v30  }
0x6cb: {  	v62 =	vmul.f32 $1.442695020e+00, v49;
	v9 =	vadd.s32 $0x5400, v9;
	[tilespmem:v7+s31+$0x0] =	vst.idx.add.f32.msk $0xffff, v3;
	vm9 =	vlt.s32 v29, $0x3FF  }
0x6cc: {  	v12 =	vnsel vm9, $0x3FF, v29;
	[tilespmem:v4+s31+$0x0] =	vst.idx.add.f32.msk $0xffff, v1;
	v4 =	vadd.s32 v8, v6;
	v33 =	vadd.s32 $0xB4C00000, v17  }
0x6cd: {  	v29 =	vmul.f32 $1.442695020e+00, v52;
	v36 =	vmul.f32 $1.442695020e+00, v61;
	v19 =	vadd.s32 v8, v12  }
0x6ce: {  	v12 =	vand.u32 $0x7F, v12;
	vm10 =	vlt.s32 v33, $0x3FF;
	v8 =	vnsel vm11, $0x3FF, v34  }
0x6cf: {  	v54 =	vld [tilespmem:s29+$0x8180];
	v34 =	vmul.f32 $1.442695020e+00, v59;
	v31 =	vand.u32 $0xFFFFFF80, v19;
	v7 =	vnsel vm10, $0x3FF, v33  }
0x6d0: {  	v8 =	vadd.s32 v11, v8;
	v33 =	vmul.f32 $1.442695020e+00, v56;
	(erf) = vpow2.f32 v10  }
0x6d1: {  	v37 =	vmul.f32 $1.442695020e+00, v28;
	[tilespmem:v9+s31+$0x0] =	vst.idx.add.f32.msk $0xffff, v1;
	v9 =	vsub.f32 $1.024000000e+03, v35;
	(erf) = vpow2.f32 v15  }
0x6d2: {  	v32 =	vor.u32 v12, v31;
	v12 =	vadd.s32 v11, v7;
	v42 =	vpop (erf);
	(erf) = vpow2.f32 v46  }
0x6d3: {  	v30 =	vld [tilespmem:s29+$0xA000];
	v7 =	vand.u32 $0x7F, v7;
	v9 =	vadd.f32 $1.258291200e+07, v9;
	(erf) = vpow2.f32 v48  }
0x6d4: {  	v31 =	vmul.f32 $1.442695020e+00, v54;
	v6 =	vadd.s32 $0x5400, v32;
	(erf) = vpow2.f32 v50  }
0x6d5: {  	v38 =	vand.u32 $0xFFFFFF80, v12;
	v9 =	vadd.s32 $0xB4C00000, v9;
	(erf) = vpow2.f32 v53  }
0x6d6: {  	v7 =	vor.u32 v7, v38;
	vm13 =	vlt.s32 v9, $0x3FF;
	(erf) = vpow2.f32 v55  }
0x6d7: {  	v32 =	vld [tilespmem:s29+$0xA080];
	v9 =	vnsel vm13, $0x3FF, v9;
	v16 =	vmul.f32 v42, v16;
	(erf) = vpow2.f32 v57  }
0x6d8: {  	v38 =	vmul.f32 $1.442695020e+00, v30;
	v14 =	vadd.s32 v14, v9;
	(erf) = vpow2.f32 v60  }
0x6d9: {  	v24 =	vpop (erf);
	v58 =	vadd.f32 $1.258291200e+07, v16;
	v16 =	vsub.f32 $1.024000000e+03, v16;
	(erf) = vpow2.f32 v62  }
0x6da: {  	v9 =	vand.u32 $0x7F, v9;
	v51 =	vand.u32 $0xFFFFFF80, v14;
	v25 =	vpop (erf);
	(erf) = vpow2.f32 v29  }
0x6db: {  	[tilespmem:v4+s31+$0x0] =	vst.idx.add.f32.msk $0xffff, v3;
	v9 =	vor.u32 v9, v51;
	v4 =	vadd.f32 $1.258291200e+07, v16;
	v11 =	vpop (erf);
	(erf) = vpow2.f32 v31  }
0x6dc: {  	[tilespmem:v19+s31+$0x0] =	vst.idx.add.f32.msk $0xffff, v1;
	v39 =	vmul.f32 $1.442695020e+00, v32;
	v9 =	vadd.s32 $0x5400, v9;
	v17 =	vpop (erf);
	(erf) = vpow2.f32 v33  }
0x6dd: {  	[tilespmem:v6+s31+$0x0] =	vst.idx.add.f32.msk $0xffff, v1;
	v63 =	vadd.s32 $0xB4C00000, v58;
	v4 =	vadd.s32 $0xB4C00000, v4;
	v6 =	vpop (erf);
	(erf) = vpow2.f32 v34  }
0x6de: {  	[tilespmem:v8+s31+$0x0] =	vst.idx.add.f32.msk $0xffff, v3;
	vm14 =	vlt.s32 v63, $0x3FF;
	vm15 =	vlt.s32 v4, $0x3FF;
	v8 =	vpop (erf);
	(erf) = vpow2.f32 v36  }
0x6df: {  	[tilespmem:v12+s31+$0x0] =	vst.idx.add.f32.msk $0xffff, v1;
	v35 =	vnsel vm14, $0x3FF, v63;
	v4 =	vnsel vm15, $0x3FF, v4;
	v12 =	vpop (erf);
	(erf) = vpow2.f32 v37  }
0x6e0: {  	v40 =	vadd.s32 v5, v35;
	v5 =	vadd.s32 v5, v4;
	v16 =	vpop (erf);
	(erf) = vpow2.f32 v38  }
0x6e1: {  	[tilespmem:v13+s31+$0x0] =	vst.idx.add.f32.msk $0xffff, v3;
	v4 =	vand.u32 $0x7F, v4;
	v41 =	vand.u32 $0xFFFFFF80, v5;
	v13 =	vpop (erf);
	(erf) = vpow2.f32 v39  }
0x6e2: {  	[tilespmem:v14+s31+$0x0] =	vst.idx.add.f32.msk $0xffff, v1;
	v4 =	vor.u32 v4, v41;
	v10 =	vpop (erf)  }
0x6e3: {  	[tilespmem:v9+s31+$0x0] =	vst.idx.add.f32.msk $0xffff, v1;
	v4 =	vadd.s32 $0x5400, v4;
	v9 =	vpop (erf)  }
0x6e4: {  	v42 =	vld [tilespmem:s29+$0xA100];
	v43 =	vpop (erf)  }
0x6e5: {  	v44 =	vld [tilespmem:s29+$0xA180];
	v7 =	vadd.s32 $0x5400, v7;
	v45 =	vpop (erf)  }
0x6e6: {  	[tilespmem:v40+s31+$0x0] =	vst.idx.add.f32.msk $0xffff, v3;
	v46 =	vpop (erf)  }
0x6e7: {  	[tilespmem:v5+s31+$0x0] =	vst.idx.add.f32.msk $0xffff, v1;
	v47 =	vpop (erf)  }
0x6e8: {  	[tilespmem:v4+s31+$0x0] =	vst.idx.add.f32.msk $0xffff, v1;
	v4 =	vpop (erf)  }
0x6e9: {  	s2 =	sshrl.u32 s28, $0x2;
	v49 =	vld [tilespmem:s29+$0xA200];
	v5 =	vmul.f32 $1.442695020e+00, v42;
	v48 =	vpop (erf)  }
0x6ea: {  	s1 =	sor.u32 s26, s2;
	v18 =	vmul.f32 $1.442695020e+00, v44;
	[tilespmem:v7+s31+$0x0] =	vst.idx.add.f32.msk $0xffff, v1;
	v50 =	vpop (erf)  }
0x6eb: {  	v21 =	vld [tilespmem:s1+$0xC080];
	(erf) = vpow2.f32 v5  }
0x6ec: {  	(erf) = vpow2.f32 v18;
	_ =	sdelay $0x1  }
0x6ed: {  	v5 =	vmul.f32 $1.442695020e+00, v49;
	_ =	sdelay $0x1  }
0x6ee: {  	v52 =	vadd.f32 v8, v6;
	v53 =	vadd.f32 v16, v12;
	(erf) = vpow2.f32 v5  }
0x6ef: {  	v51 =	vadd.f32 v17, v11;
	v55 =	vadd.f32 v10, v13  }
0x6f0: {  	v62 =	vadd.f32 v53, v52;
	v56 =	vadd.f32 v43, v9  }
0x6f1: {  	v58 =	vadd.f32 v46, v45;
	v59 =	vadd.f32 v4, v47  }
0x6f2: {  	v63 =	vadd.f32 v56, v55;
	v5 =	vadd.f32 v25, v24;
	v54 =	vpop (erf)  }
0x6f3: {  	v60 =	vadd.f32 v50, v48;
	v35 =	vadd.f32 v59, v58;
	v57 =	vpop (erf)  }
0x6f4: {  	v5 =	vadd.f32 v51, v5;
	v61 =	vadd.f32 v57, v54  }
0x6f5: {  	v37 =	vadd.f32 v35, v63  }
0x6f6: {  	v5 =	vadd.f32 v62, v5;
	v36 =	vadd.f32 v61, v60  }
0x6f7: {  	v38 =	vpop (erf)  }
0x6f8: {  	v5 =	vadd.f32 v37, v5;
	v39 =	vadd.f32 v36, v38;
	_ =	sdelay $0x1  }
0x6f9: {  	v5 =	vadd.f32 v39, v5;
	_ =	sdelay $0x1  }
0x6fa: {  	(erf) = vrcp.f32 v5;
	_ =	sdelay $0x8  }
0x6fb: {  	v5 =	vpop (erf)  }
0x6fc: {  	v5 =	vmul.f32 $1.024000000e+03, v5  }
0x6fd: {  	v58 =	vor.u32 s23, v2  }
0x6fe: {  	v63 =	vshll.u32 v21, $0x7;
	v40 =	vmul.f32 v5, v24;
	v41 =	vmul.f32 v5, v25  }
0x6ff: {  	v60 =	vand.u32 $0x6F, v58;
	v11 =	vmul.f32 v5, v11;
	v17 =	vmul.f32 v5, v17  }
0x700: {  	v6 =	vmul.f32 v5, v6;
	v8 =	vmul.f32 v5, v8;
	v14 =	vadd.f32 $1.258291200e+07, v40  }
0x701: {  	v12 =	vmul.f32 v5, v12;
	v16 =	vmul.f32 v5, v16;
	v24 =	vadd.f32 $1.258291200e+07, v41  }
0x702: {  	v13 =	vmul.f32 v5, v13;
	v11 =	vadd.f32 $1.258291200e+07, v11;
	v14 =	vadd.s32 $0xB4C00000, v14  }
0x703: {  	v10 =	vmul.f32 v5, v10;
	v17 =	vadd.f32 $1.258291200e+07, v17;
	v24 =	vadd.s32 $0xB4C00400, v24  }
0x704: {  	v9 =	vmul.f32 v5, v9;
	v6 =	vadd.f32 $1.258291200e+07, v6;
	v11 =	vadd.s32 $0xB4C00800, v11  }
0x705: {  	v15 =	vmul.f32 v5, v43;
	v8 =	vadd.f32 $1.258291200e+07, v8;
	v17 =	vadd.s32 $0xB4C00C00, v17  }
0x706: {  	v43 =	vmul.f32 v5, v45;
	v12 =	vadd.f32 $1.258291200e+07, v12;
	v6 =	vadd.s32 $0xB4C01000, v6  }
0x707: {  	v7 =	vmul.f32 v5, v46;
	v16 =	vadd.f32 $1.258291200e+07, v16;
	v8 =	vadd.s32 $0xB4C01400, v8;
	[tilespmem:v14+s31+$0x0] =	vst.idx.add.f32.msk $0xffff, v1  }
0x708: {  	v45 =	vmul.f32 v5, v47;
	v13 =	vadd.f32 $1.258291200e+07, v13;
	v12 =	vadd.s32 $0xB4C01800, v12;
	[tilespmem:v24+s31+$0x0] =	vst.idx.add.f32.msk $0xffff, v1  }
0x709: {  	v4 =	vmul.f32 v5, v4;
	v10 =	vadd.f32 $1.258291200e+07, v10;
	v42 =	vadd.s32 $0xB4C01C00, v16;
	[tilespmem:v11+s31+$0x0] =	vst.idx.add.f32.msk $0xffff, v1  }
0x70a: {  	v48 =	vmul.f32 v5, v48;
	v9 =	vadd.f32 $1.258291200e+07, v9;
	v13 =	vadd.s32 $0xB4C02000, v13;
	[tilespmem:v17+s31+$0x0] =	vst.idx.add.f32.msk $0xffff, v1  }
0x70b: {  	v49 =	vmul.f32 v5, v50;
	v15 =	vadd.f32 $1.258291200e+07, v15;
	v10 =	vadd.s32 $0xB4C02400, v10;
	[tilespmem:v6+s31+$0x0] =	vst.idx.add.f32.msk $0xffff, v1  }
0x70c: {  	v50 =	vmul.f32 v5, v54;
	v44 =	vadd.f32 $1.258291200e+07, v43;
	v9 =	vadd.s32 $0xB4C02800, v9;
	[tilespmem:v8+s31+$0x0] =	vst.idx.add.f32.msk $0xffff, v1  }
0x70d: {  	v7 =	vadd.f32 $1.258291200e+07, v7;
	v4 =	vadd.f32 $1.258291200e+07, v4;
	v15 =	vadd.s32 $0xB4C02C00, v15;
	[tilespmem:v12+s31+$0x0] =	vst.idx.add.f32.msk $0xffff, v1  }
0x70e: {  	v53 =	vmul.f32 v5, v57;
	v47 =	vadd.f32 $1.258291200e+07, v45;
	v46 =	vadd.s32 $0xB4C03000, v44;
	[tilespmem:v42+s31+$0x0] =	vst.idx.add.f32.msk $0xffff, v1  }
0x70f: {  	v7 =	vadd.s32 $0xB4C03400, v7;
	v52 =	vadd.s32 $0xB4C03C00, v4;
	v4 =	vadd.f32 $1.258291200e+07, v50;
	[tilespmem:v13+s31+$0x0] =	vst.idx.add.f32.msk $0xffff, v1  }
0x710: {  	v51 =	vadd.f32 $1.258291200e+07, v49;
	v11 =	vadd.f32 $1.258291200e+07, v48;
	v8 =	vadd.s32 $0xB4C03800, v47;
	[tilespmem:v10+s31+$0x0] =	vst.idx.add.f32.msk $0xffff, v1  }
0x711: {  	v56 =	vmul.f32 v5, v38;
	v57 =	vadd.s32 $0xB4C04800, v4;
	v4 =	vmov s23;
	[tilespmem:v9+s31+$0x0] =	vst.idx.add.f32.msk $0xffff, v1  }
0x712: {  	v55 =	vadd.s32 $0xB4C04400, v51;
	v59 =	vshll.u32 v4, $0x3;
	v54 =	vadd.s32 $0xB4C04000, v11;
	[tilespmem:v15+s31+$0x0] =	vst.idx.add.f32.msk $0xffff, v1  }
0x713: {  	v4 =	vshll.u32 v21, $0xA;
	v61 =	vand.u32 $0x3C00, v59;
	v12 =	vadd.f32 $1.258291200e+07, v53;
	[tilespmem:v46+s31+$0x0] =	vst.idx.add.f32.msk $0xffff, v1  }
0x714: {  	v62 =	vand.u32 $0xFFFFE000, v4;
	v14 =	vadd.f32 $1.258291200e+07, v56;
	v6 =	vor.u32 v60, v61;
	[tilespmem:v7+s31+$0x0] =	vst.idx.add.f32.msk $0xffff, v1  }
0x715: {  	v19 =	vand.u32 $0x380, v63;
	v6 =	vadd.s32 v62, v6;
	v18 =	vadd.s32 $0xB4C04C00, v12;
	[tilespmem:v8+s31+$0x0] =	vst.idx.add.f32.msk $0xffff, v1  }
0x716: {  	v20 =	vadd.s32 $0xB4C05000, v14;
	v6 =	vor.u32 v19, v6;
	[tilespmem:v52+s31+$0x0] =	vst.idx.add.f32.msk $0xffff, v1  }
0x717: {  	v6 =	vadd.s32 $0x6000, v6;
	[tilespmem:v54+s31+$0x0] =	vst.idx.add.f32.msk $0xffff, v1  }
0x718: {  	[tilespmem:v55+s31+$0x0] =	vst.idx.add.f32.msk $0xffff, v1  }
0x719: {  	[tilespmem:v57+s31+$0x0] =	vst.idx.add.f32.msk $0xffff, v1  }
0x71a: {  	s5 =	sadd.s32 $0xFFFFFE00, s15;
	s30 =	sadd.s32 $0xFFFFFFC0, s16;
	[tilespmem:v18+s31+$0x0] =	vst.idx.add.f32.msk $0xffff, v1  }
0x71b: {  	s6 =	sand.u32 $0x70, s30;
	s7 =	sand.u32 $0x3C00, s5;
	[tilespmem:v20+s31+$0x0] =	vst.idx.add.f32.msk $0xffff, v1  }
0x71c: {  	s8 =	sor.u32 s6, s7;
	v6 =	vld.idx.msk [tilespmem:v6+s17+$0x0], $0xffff  }
0x71d: {  	v21 =	vld [tilespmem:s8+$0x6000]  }
0x71e: {  	v22 =	vld [tilespmem:s8+$0x6080]  }
0x71f: {  	v23 =	vld [tilespmem:s8+$0x6100]  }
0x720: {  	v24 =	vld [tilespmem:s8+$0x6180]  }
0x721: {  	v25 =	vld [tilespmem:s8+$0x6200];
	v6 =	vmul.f32 $1.442695020e+00, v6  }
0x722: {  	v26 =	vld [tilespmem:s8+$0x6280];
	v7 =	vmul.f32 $1.442695020e+00, v21  }
0x723: {  	v27 =	vld [tilespmem:s8+$0x6300];
	v8 =	vmul.f32 $1.442695020e+00, v22;
	(erf) = vpow2.f32 v6  }
0x724: {  	v28 =	vld [tilespmem:s8+$0x6380];
	v29 =	vmul.f32 $1.442695020e+00, v23;
	(erf) = vpow2.f32 v7  }
0x725: {  	v30 =	vld [tilespmem:s8+$0x8000];
	v31 =	vmul.f32 $1.442695020e+00, v24;
	(erf) = vpow2.f32 v8  }
0x726: {  	v32 =	vld [tilespmem:s8+$0x8080];
	v33 =	vmul.f32 $1.442695020e+00, v25;
	(erf) = vpow2.f32 v29  }
0x727: {  	v34 =	vld [tilespmem:s8+$0x8100];
	v35 =	vmul.f32 $1.442695020e+00, v26;
	(erf) = vpow2.f32 v31  }
0x728: {  	v36 =	vld [tilespmem:s8+$0x8180];
	v6 =	vmul.f32 $1.442695020e+00, v27;
	(erf) = vpow2.f32 v33  }
0x729: {  	v37 =	vld [tilespmem:s8+$0x8200];
	v38 =	vmul.f32 $1.442695020e+00, v28;
	(erf) = vpow2.f32 v35  }
0x72a: {  	v39 =	vld [tilespmem:s8+$0x8280];
	v40 =	vmul.f32 $1.442695020e+00, v30;
	(erf) = vpow2.f32 v6  }
0x72b: {  	v41 =	vld [tilespmem:s8+$0x8300];
	v10 =	vmul.f32 $1.442695020e+00, v32;
	(erf) = vpow2.f32 v38  }
0x72c: {  	v43 =	vmul.f32 $1.442695020e+00, v34;
	v42 =	vld [tilespmem:s8+$0x8380];
	v7 =	vpop (erf);
	(erf) = vpow2.f32 v40  }
0x72d: {  	v45 =	vmul.f32 $1.442695020e+00, v36;
	v44 =	vld [tilespmem:s8+$0xA000];
	v15 =	vpop (erf);
	(erf) = vpow2.f32 v10  }
0x72e: {  	v47 =	vmul.f32 $1.442695020e+00, v37;
	v46 =	vld [tilespmem:s8+$0xA080];
	v16 =	vpop (erf);
	(erf) = vpow2.f32 v43  }
0x72f: {  	v48 =	vld [tilespmem:s8+$0xA100];
	v8 =	vmul.f32 $1.442695020e+00, v39;
	v17 =	vpop (erf);
	(erf) = vpow2.f32 v45  }
0x730: {  	v49 =	vld [tilespmem:s8+$0xA180];
	v50 =	vmul.f32 $1.442695020e+00, v41;
	v18 =	vpop (erf);
	(erf) = vpow2.f32 v47  }
0x731: {  	v51 =	vmul.f32 $1.442695020e+00, v42;
	v9 =	vpop (erf);
	(erf) = vpow2.f32 v8  }
0x732: {  	v52 =	vmul.f32 $1.442695020e+00, v44;
	v13 =	vpop (erf);
	(erf) = vpow2.f32 v50  }
0x733: {  	v53 =	vmul.f32 $1.442695020e+00, v46;
	v11 =	vpop (erf);
	(erf) = vpow2.f32 v51  }
0x734: {  	v56 =	vld [tilespmem:s8+$0xA200];
	v54 =	vmul.f32 $1.442695020e+00, v48;
	v12 =	vpop (erf);
	(erf) = vpow2.f32 v52  }
0x735: {  	v55 =	vmul.f32 $1.442695020e+00, v49;
	v14 =	vpop (erf);
	(erf) = vpow2.f32 v53  }
0x736: {  	v57 =	vpop (erf);
	(erf) = vpow2.f32 v54  }
0x737: {  	v58 =	vpop (erf);
	(erf) = vpow2.f32 v55  }
0x738: {  	v59 =	vpop (erf)  }
0x739: {  	v61 =	vmul.f32 $1.442695020e+00, v56;
	v60 =	vpop (erf)  }
0x73a: {  	v22 =	vpop (erf)  }
0x73b: {  	v62 =	vadd.f32 v16, v15;
	v63 =	vadd.f32 v18, v17;
	v23 =	vpop (erf);
	(erf) = vpow2.f32 v61  }
0x73c: {  	v40 =	vadd.f32 v13, v9;
	v41 =	vadd.f32 v12, v11;
	v10 =	vpop (erf)  }
0x73d: {  	v6 =	vadd.f32 v63, v62;
	v43 =	vadd.f32 v57, v14;
	v24 =	vpop (erf)  }
0x73e: {  	v50 =	vadd.f32 v41, v40;
	v44 =	vadd.f32 v59, v58;
	v26 =	vpop (erf)  }
0x73f: {  	v46 =	vadd.f32 v22, v60;
	v47 =	vadd.f32 v10, v23;
	v42 =	vpop (erf)  }
0x740: {  	v51 =	vadd.f32 v44, v43;
	v48 =	vadd.f32 v26, v24;
	v45 =	vpop (erf)  }
0x741: {  	v52 =	vadd.f32 v47, v46;
	v49 =	vadd.f32 v45, v42  }
0x742: {  	v6 =	vadd.f32 v50, v6  }
0x743: {  	v54 =	vadd.f32 v52, v51;
	v53 =	vadd.f32 v49, v48  }
0x744: {  	v55 =	vpop (erf)  }
0x745: {  	v6 =	vadd.f32 v54, v6;
	v56 =	vadd.f32 v53, v55;
	_ =	sdelay $0x1  }
0x746: {  	v6 =	vadd.f32 v56, v6;
	_ =	sdelay $0x1  }
0x747: {  	(erf) = vrcp.f32 v6;
	_ =	sdelay $0x8  }
0x748: {  	v6 =	vpop (erf)  }
0x749: {  	v6 =	vmul.f32 $1.024000000e+03, v6;
	_ =	sdelay $0x1  }
0x74a: {  	v15 =	vmul.f32 v6, v15  }
0x74b: {  	v43 =	vor.u32 s30, v2;
	v16 =	vmul.f32 v6, v16;
	v17 =	vmul.f32 v6, v17  }
0x74c: {  	v44 =	vand.u32 $0x7F, v43;
	v18 =	vmul.f32 v6, v18;
	v9 =	vmul.f32 v6, v9  }
0x74d: {  	v13 =	vmul.f32 v6, v13;
	v11 =	vmul.f32 v6, v11;
	v15 =	vadd.f32 $1.258291200e+07, v15  }
0x74e: {  	v12 =	vmul.f32 v6, v12;
	v14 =	vmul.f32 v6, v14;
	v16 =	vadd.f32 $1.258291200e+07, v16  }
0x74f: {  	v19 =	vmul.f32 v6, v57;
	v17 =	vadd.f32 $1.258291200e+07, v17;
	v15 =	vadd.s32 $0xB4C00000, v15  }
0x750: {  	v20 =	vmul.f32 v6, v58;
	v18 =	vadd.f32 $1.258291200e+07, v18;
	v16 =	vadd.s32 $0xB4C00400, v16  }
0x751: {  	s2 =	sshrl.u32 s7, $0x2;
	v8 =	vmul.f32 v6, v59;
	v9 =	vadd.f32 $1.258291200e+07, v9;
	v17 =	vadd.s32 $0xB4C00800, v17  }
0x752: {  	s1 =	sor.u32 s6, s2;
	v59 =	vmul.f32 v6, v60;
	v13 =	vadd.f32 $1.258291200e+07, v13;
	v18 =	vadd.s32 $0xB4C00C00, v18  }
0x753: {  	v57 =	vld [tilespmem:s1+$0xC080];
	v62 =	vmul.f32 v6, v22;
	v11 =	vadd.f32 $1.258291200e+07, v11;
	v9 =	vadd.s32 $0xB4C01000, v9  }
0x754: {  	v63 =	vmul.f32 v6, v23;
	v12 =	vadd.f32 $1.258291200e+07, v12;
	v13 =	vadd.s32 $0xB4C01400, v13;
	[tilespmem:v15+s31+$0x0] =	vst.idx.add.f32.msk $0xffff, v1  }
0x755: {  	v10 =	vmul.f32 v6, v10;
	v14 =	vadd.f32 $1.258291200e+07, v14;
	v11 =	vadd.s32 $0xB4C01800, v11;
	[tilespmem:v16+s31+$0x0] =	vst.idx.add.f32.msk $0xffff, v1  }
0x756: {  	v28 =	vmul.f32 v6, v24;
	v58 =	vadd.f32 $1.258291200e+07, v19;
	v12 =	vadd.s32 $0xB4C01C00, v12;
	[tilespmem:v17+s31+$0x0] =	vst.idx.add.f32.msk $0xffff, v1  }
0x757: {  	v30 =	vmul.f32 v6, v26;
	v60 =	vadd.f32 $1.258291200e+07, v20;
	v14 =	vadd.s32 $0xB4C02000, v14;
	[tilespmem:v18+s31+$0x0] =	vst.idx.add.f32.msk $0xffff, v1  }
0x758: {  	v33 =	vmul.f32 v6, v42;
	v8 =	vadd.f32 $1.258291200e+07, v8;
	v15 =	vadd.s32 $0xB4C02400, v58;
	[tilespmem:v9+s31+$0x0] =	vst.idx.add.f32.msk $0xffff, v1  }
0x759: {  	v38 =	vmul.f32 v6, v45;
	v61 =	vadd.f32 $1.258291200e+07, v59;
	v16 =	vadd.s32 $0xB4C02800, v60;
	[tilespmem:v13+s31+$0x0] =	vst.idx.add.f32.msk $0xffff, v1  }
0x75a: {  	v40 =	vmul.f32 v6, v55;
	v22 =	vadd.f32 $1.258291200e+07, v62;
	v8 =	vadd.s32 $0xB4C02C00, v8;
	[tilespmem:v11+s31+$0x0] =	vst.idx.add.f32.msk $0xffff, v1  }
0x75b: {  	v42 =	vmov s30;
	v23 =	vadd.f32 $1.258291200e+07, v63;
	v21 =	vadd.s32 $0xB4C03000, v61;
	[tilespmem:v12+s31+$0x0] =	vst.idx.add.f32.msk $0xffff, v1  }
0x75c: {  	v10 =	vadd.f32 $1.258291200e+07, v10;
	v36 =	vadd.f32 $1.258291200e+07, v30;
	v31 =	vadd.s32 $0xB4C03400, v22;
	[tilespmem:v14+s31+$0x0] =	vst.idx.add.f32.msk $0xffff, v1  }
0x75d: {  	v35 =	vadd.f32 $1.258291200e+07, v28;
	v37 =	vadd.f32 $1.258291200e+07, v33;
	v34 =	vadd.s32 $0xB4C03800, v23;
	[tilespmem:v15+s31+$0x0] =	vst.idx.add.f32.msk $0xffff, v1  }
0x75e: {  	v41 =	vadd.f32 $1.258291200e+07, v38;
	v10 =	vadd.s32 $0xB4C03C00, v10;
	v39 =	vadd.s32 $0xB4C04400, v36;
	[tilespmem:v16+s31+$0x0] =	vst.idx.add.f32.msk $0xffff, v1  }
0x75f: {  	v46 =	vshll.u32 v57, $0x7;
	v17 =	vshll.u32 v42, $0x3;
	v13 =	vadd.s32 $0xB4C04000, v35;
	[tilespmem:v8+s31+$0x0] =	vst.idx.add.f32.msk $0xffff, v1  }
0x760: {  	v18 =	vadd.f32 $1.258291200e+07, v40;
	v17 =	vand.u32 $0x3C00, v17;
	v8 =	vshll.u32 v57, $0xA;
	[tilespmem:v21+s31+$0x0] =	vst.idx.add.f32.msk $0xffff, v1  }
0x761: {  	v9 =	vor.u32 v44, v17;
	v14 =	vadd.s32 $0xB4C04800, v37;
	v45 =	vand.u32 $0xFFFFE000, v8;
	[tilespmem:v31+s31+$0x0] =	vst.idx.add.f32.msk $0xffff, v1  }
0x762: {  	v47 =	vadd.s32 $0xB4C04C00, v41;
	v48 =	vand.u32 $0x380, v46;
	v9 =	vadd.s32 v45, v9;
	[tilespmem:v34+s31+$0x0] =	vst.idx.add.f32.msk $0xffff, v1  }
0x763: {  	v49 =	vadd.s32 $0xB4C05000, v18;
	v9 =	vor.u32 v48, v9;
	[tilespmem:v10+s31+$0x0] =	vst.idx.add.f32.msk $0xffff, v1  }
0x764: {  	v9 =	vadd.s32 $0x6000, v9;
	[tilespmem:v13+s31+$0x0] =	vst.idx.add.f32.msk $0xffff, v1  }
0x765: {  	[tilespmem:v39+s31+$0x0] =	vst.idx.add.f32.msk $0xffff, v1  }
0x766: {  	[tilespmem:v14+s31+$0x0] =	vst.idx.add.f32.msk $0xffff, v1  }
0x767: {  	s9 =	sadd.s32 $0xFFFFFE80, s15;
	[tilespmem:v47+s31+$0x0] =	vst.idx.add.f32.msk $0xffff, v1  }
0x768: {  	s0 =	sand.u32 $0x3C00, s9;
	[tilespmem:v49+s31+$0x0] =	vst.idx.add.f32.msk $0xffff, v1  }
0x769: {  	s10 =	sor.u32 s18, s0;
	v9 =	vld.idx.msk [tilespmem:v9+s17+$0x0], $0xffff  }
0x76a: {  	v50 =	vld [tilespmem:s10+$0x6000]  }
0x76b: {  	v51 =	vld [tilespmem:s10+$0x6080]  }
0x76c: {  	v52 =	vld [tilespmem:s10+$0x6100]  }
0x76d: {  	v53 =	vld [tilespmem:s10+$0x6180]  }
0x76e: {  	v54 =	vld [tilespmem:s10+$0x6200];
	v9 =	vmul.f32 $1.442695020e+00, v9  }
0x76f: {  	v55 =	vld [tilespmem:s10+$0x6280];
	v10 =	vmul.f32 $1.442695020e+00, v50  }
0x770: {  	v56 =	vld [tilespmem:s10+$0x6300];
	v11 =	vmul.f32 $1.442695020e+00, v51;
	(erf) = vpow2.f32 v9  }
0x771: {  	v58 =	vmul.f32 $1.442695020e+00, v52;
	v57 =	vld [tilespmem:s10+$0x6380];
	(erf) = vpow2.f32 v10  }
0x772: {  	v59 =	vld [tilespmem:s10+$0x8000];
	v60 =	vmul.f32 $1.442695020e+00, v53;
	(erf) = vpow2.f32 v11  }
0x773: {  	v62 =	vmul.f32 $1.442695020e+00, v54;
	v61 =	vld [tilespmem:s10+$0x8080];
	(erf) = vpow2.f32 v58  }
0x774: {  	v63 =	vld [tilespmem:s10+$0x8100];
	v20 =	vmul.f32 $1.442695020e+00, v55;
	(erf) = vpow2.f32 v60  }
0x775: {  	v21 =	vld [tilespmem:s10+$0x8180];
	v9 =	vmul.f32 $1.442695020e+00, v56;
	(erf) = vpow2.f32 v62  }
0x776: {  	v22 =	vld [tilespmem:s10+$0x8200];
	v23 =	vmul.f32 $1.442695020e+00, v57;
	(erf) = vpow2.f32 v20  }
0x777: {  	v24 =	vld [tilespmem:s10+$0x8280];
	v12 =	vmul.f32 $1.442695020e+00, v59;
	(erf) = vpow2.f32 v9  }
0x778: {  	v25 =	vld [tilespmem:s10+$0x8300];
	v26 =	vmul.f32 $1.442695020e+00, v61;
	(erf) = vpow2.f32 v23  }
0x779: {  	v27 =	vld [tilespmem:s10+$0x8380];
	v28 =	vmul.f32 $1.442695020e+00, v63;
	v9 =	vpop (erf);
	(erf) = vpow2.f32 v12  }
0x77a: {  	v29 =	vld [tilespmem:s10+$0xA000];
	v30 =	vmul.f32 $1.442695020e+00, v21;
	v18 =	vpop (erf);
	(erf) = vpow2.f32 v26  }
0x77b: {  	v10 =	vmul.f32 $1.442695020e+00, v22;
	v19 =	vpop (erf);
	(erf) = vpow2.f32 v28  }
0x77c: {  	v33 =	vmul.f32 $1.442695020e+00, v24;
	v20 =	vpop (erf);
	(erf) = vpow2.f32 v30  }
0x77d: {  	v35 =	vmul.f32 $1.442695020e+00, v25;
	v31 =	vld [tilespmem:s10+$0xA080];
	v21 =	vpop (erf);
	(erf) = vpow2.f32 v10  }
0x77e: {  	v32 =	vld [tilespmem:s10+$0xA100];
	v36 =	vmul.f32 $1.442695020e+00, v27;
	v17 =	vpop (erf);
	(erf) = vpow2.f32 v33  }
0x77f: {  	v37 =	vmul.f32 $1.442695020e+00, v29;
	v34 =	vld [tilespmem:s10+$0xA180];
	v13 =	vpop (erf);
	(erf) = vpow2.f32 v35  }
0x780: {  	v14 =	vpop (erf);
	(erf) = vpow2.f32 v36  }
0x781: {  	v15 =	vpop (erf);
	(erf) = vpow2.f32 v37  }
0x782: {  	v38 =	vmul.f32 $1.442695020e+00, v31;
	v12 =	vpop (erf)  }
0x783: {  	v41 =	vld [tilespmem:s10+$0xA200];
	v39 =	vmul.f32 $1.442695020e+00, v32;
	v22 =	vpop (erf)  }
0x784: {  	v40 =	vmul.f32 $1.442695020e+00, v34;
	(erf) = vpow2.f32 v38;
	v23 =	vpop (erf)  }
0x785: {  	(erf) = vpow2.f32 v39;
	v11 =	vpop (erf)  }
0x786: {  	(erf) = vpow2.f32 v40;
	v24 =	vpop (erf)  }
0x787: {  	v25 =	vpop (erf)  }
0x788: {  	v43 =	vmul.f32 $1.442695020e+00, v41;
	v42 =	vpop (erf)  }
0x789: {  	v44 =	vpop (erf)  }
0x78a: {  	v45 =	vadd.f32 v19, v18;
	v46 =	vadd.f32 v21, v20;
	v27 =	vpop (erf);
	(erf) = vpow2.f32 v43  }
0x78b: {  	v48 =	vadd.f32 v13, v17;
	v49 =	vadd.f32 v15, v14  }
0x78c: {  	v10 =	vadd.f32 v46, v45;
	v51 =	vadd.f32 v22, v12  }
0x78d: {  	v58 =	vadd.f32 v49, v48;
	v52 =	vadd.f32 v11, v23;
	v47 =	vpop (erf)  }
0x78e: {  	v54 =	vadd.f32 v25, v24;
	v55 =	vadd.f32 v44, v42;
	v50 =	vpop (erf)  }
0x78f: {  	v59 =	vadd.f32 v52, v51;
	v56 =	vadd.f32 v47, v27;
	v53 =	vpop (erf)  }
0x790: {  	v60 =	vadd.f32 v55, v54;
	v57 =	vadd.f32 v53, v50  }
0x791: {  	v10 =	vadd.f32 v58, v10  }
0x792: {  	v62 =	vadd.f32 v60, v59;
	v61 =	vadd.f32 v57, v56  }
0x793: {  	v63 =	vpop (erf)  }
0x794: {  	v10 =	vadd.f32 v62, v10;
	v33 =	vadd.f32 v61, v63;
	_ =	sdelay $0x1  }
0x795: {  	v10 =	vadd.f32 v33, v10;
	_ =	sdelay $0x1  }
0x796: {  	(erf) = vrcp.f32 v10;
	_ =	sdelay $0x5  }
0x797: {  	s0 =	sshrl.u32 s0, $0x2  }
0x798: {  	s0 =	sor.u32 s18, s0  }
0x799: {  	v34 =	vld [tilespmem:s0+$0xC080]  }
0x79a: {  	v10 =	vpop (erf)  }
0x79b: {  	s11 =	sadd.s32 $0xFFFFFFD0, s16;
	v10 =	vmul.f32 $1.024000000e+03, v10  }
0x79c: {  	v58 =	vor.u32 s11, v2  }
0x79d: {  	v59 =	vand.u32 $0x4F, v58;
	v57 =	vmov s11;
	v18 =	vmul.f32 v10, v18  }
0x79e: {  	v61 =	vshll.u32 v34, $0x7;
	v19 =	vmul.f32 v10, v19;
	v20 =	vmul.f32 v10, v20  }
0x79f: {  	v21 =	vmul.f32 v10, v21;
	v17 =	vmul.f32 v10, v17;
	v18 =	vadd.f32 $1.258291200e+07, v18  }
0x7a0: {  	v13 =	vmul.f32 v10, v13;
	v14 =	vmul.f32 v10, v14;
	v19 =	vadd.f32 $1.258291200e+07, v19  }
0x7a1: {  	v15 =	vmul.f32 v10, v15;
	v20 =	vadd.f32 $1.258291200e+07, v20;
	v18 =	vadd.s32 $0xB4C00000, v18  }
0x7a2: {  	v12 =	vmul.f32 v10, v12;
	v21 =	vadd.f32 $1.258291200e+07, v21;
	v19 =	vadd.s32 $0xB4C00400, v19  }
0x7a3: {  	v22 =	vmul.f32 v10, v22;
	v17 =	vadd.f32 $1.258291200e+07, v17;
	v20 =	vadd.s32 $0xB4C00800, v20  }
0x7a4: {  	v23 =	vmul.f32 v10, v23;
	v13 =	vadd.f32 $1.258291200e+07, v13;
	v21 =	vadd.s32 $0xB4C00C00, v21  }
0x7a5: {  	v11 =	vmul.f32 v10, v11;
	v14 =	vadd.f32 $1.258291200e+07, v14;
	v17 =	vadd.s32 $0xB4C01000, v17  }
0x7a6: {  	v37 =	vmul.f32 v10, v24;
	v15 =	vadd.f32 $1.258291200e+07, v15;
	v13 =	vadd.s32 $0xB4C01400, v13;
	[tilespmem:v18+s31+$0x0] =	vst.idx.add.f32.msk $0xffff, v1  }
0x7a7: {  	v40 =	vmul.f32 v10, v25;
	v12 =	vadd.f32 $1.258291200e+07, v12;
	v14 =	vadd.s32 $0xB4C01800, v14;
	[tilespmem:v19+s31+$0x0] =	vst.idx.add.f32.msk $0xffff, v1  }
0x7a8: {  	v41 =	vmul.f32 v10, v42;
	v36 =	vadd.f32 $1.258291200e+07, v22;
	v15 =	vadd.s32 $0xB4C01C00, v15;
	[tilespmem:v20+s31+$0x0] =	vst.idx.add.f32.msk $0xffff, v1  }
0x7a9: {  	v16 =	vmul.f32 v10, v44;
	v38 =	vadd.f32 $1.258291200e+07, v23;
	v12 =	vadd.s32 $0xB4C02000, v12;
	[tilespmem:v21+s31+$0x0] =	vst.idx.add.f32.msk $0xffff, v1  }
0x7aa: {  	v45 =	vmul.f32 v10, v27;
	v11 =	vadd.f32 $1.258291200e+07, v11;
	v18 =	vadd.s32 $0xB4C02400, v36;
	[tilespmem:v17+s31+$0x0] =	vst.idx.add.f32.msk $0xffff, v1  }
0x7ab: {  	v46 =	vmul.f32 v10, v47;
	v39 =	vadd.f32 $1.258291200e+07, v37;
	v19 =	vadd.s32 $0xB4C02800, v38;
	[tilespmem:v13+s31+$0x0] =	vst.idx.add.f32.msk $0xffff, v1  }
0x7ac: {  	v48 =	vmul.f32 v10, v50;
	v43 =	vadd.f32 $1.258291200e+07, v40;
	v11 =	vadd.s32 $0xB4C02C00, v11;
	[tilespmem:v14+s31+$0x0] =	vst.idx.add.f32.msk $0xffff, v1  }
0x7ad: {  	v53 =	vmul.f32 v10, v53;
	v44 =	vadd.f32 $1.258291200e+07, v41;
	v42 =	vadd.s32 $0xB4C03000, v39;
	[tilespmem:v15+s31+$0x0] =	vst.idx.add.f32.msk $0xffff, v1  }
0x7ae: {  	v55 =	vmul.f32 v10, v63;
	v16 =	vadd.f32 $1.258291200e+07, v16;
	v47 =	vadd.s32 $0xB4C03400, v43;
	[tilespmem:v12+s31+$0x0] =	vst.idx.add.f32.msk $0xffff, v1  }
0x7af: {  	v49 =	vadd.f32 $1.258291200e+07, v45;
	v50 =	vadd.f32 $1.258291200e+07, v46;
	v13 =	vadd.s32 $0xB4C03800, v44;
	[tilespmem:v18+s31+$0x0] =	vst.idx.add.f32.msk $0xffff, v1  }
0x7b0: {  	v52 =	vadd.f32 $1.258291200e+07, v48;
	v56 =	vadd.f32 $1.258291200e+07, v53;
	v51 =	vadd.s32 $0xB4C03C00, v16;
	[tilespmem:v19+s31+$0x0] =	vst.idx.add.f32.msk $0xffff, v1  }
0x7b1: {  	v54 =	vadd.s32 $0xB4C04400, v50;
	v20 =	vshll.u32 v57, $0x3;
	v15 =	vadd.s32 $0xB4C04000, v49;
	[tilespmem:v11+s31+$0x0] =	vst.idx.add.f32.msk $0xffff, v1  }
0x7b2: {  	v16 =	vadd.s32 $0xB4C04800, v52;
	v20 =	vand.u32 $0x3C00, v20;
	v11 =	vshll.u32 v34, $0xA;
	[tilespmem:v42+s31+$0x0] =	vst.idx.add.f32.msk $0xffff, v1  }
0x7b3: {  	v21 =	vadd.f32 $1.258291200e+07, v55;
	v17 =	vor.u32 v59, v20;
	v60 =	vand.u32 $0xFFFFE000, v11;
	[tilespmem:v47+s31+$0x0] =	vst.idx.add.f32.msk $0xffff, v1  }
0x7b4: {  	v63 =	vand.u32 $0x380, v61;
	v62 =	vadd.s32 $0xB4C04C00, v56;
	v14 =	vadd.s32 v60, v17;
	[tilespmem:v13+s31+$0x0] =	vst.idx.add.f32.msk $0xffff, v1  }
0x7b5: {  	v22 =	vadd.s32 $0xB4C05000, v21;
	v14 =	vor.u32 v63, v14;
	[tilespmem:v51+s31+$0x0] =	vst.idx.add.f32.msk $0xffff, v1  }
0x7b6: {  	v14 =	vadd.s32 $0x6000, v14;
	[tilespmem:v15+s31+$0x0] =	vst.idx.add.f32.msk $0xffff, v1  }
0x7b7: {  	[tilespmem:v54+s31+$0x0] =	vst.idx.add.f32.msk $0xffff, v1  }
0x7b8: {  	[tilespmem:v16+s31+$0x0] =	vst.idx.add.f32.msk $0xffff, v1  }
0x7b9: {  	s12 =	sadd.s32 $0xFFFFFFE0, s16;
	s13 =	sadd.s32 $0xFFFFFF00, s15;
	[tilespmem:v62+s31+$0x0] =	vst.idx.add.f32.msk $0xffff, v1  }
0x7ba: {  	s18 =	sand.u32 $0x50, s12;
	s19 =	sand.u32 $0x3C00, s13;
	[tilespmem:v22+s31+$0x0] =	vst.idx.add.f32.msk $0xffff, v1  }
0x7bb: {  	s20 =	sor.u32 s18, s19;
	v12 =	vld.idx.msk [tilespmem:v14+s17+$0x0], $0xffff  }
0x7bc: {  	v23 =	vld [tilespmem:s20+$0x6000]  }
0x7bd: {  	v24 =	vld [tilespmem:s20+$0x6080]  }
0x7be: {  	v25 =	vld [tilespmem:s20+$0x6100]  }
0x7bf: {  	v26 =	vld [tilespmem:s20+$0x6180]  }
0x7c0: {  	v27 =	vld [tilespmem:s20+$0x6200];
	v12 =	vmul.f32 $1.442695020e+00, v12  }
0x7c1: {  	v28 =	vld [tilespmem:s20+$0x6280];
	v13 =	vmul.f32 $1.442695020e+00, v23  }
0x7c2: {  	v29 =	vld [tilespmem:s20+$0x6300];
	v14 =	vmul.f32 $1.442695020e+00, v24;
	(erf) = vpow2.f32 v12  }
0x7c3: {  	v30 =	vld [tilespmem:s20+$0x6380];
	v31 =	vmul.f32 $1.442695020e+00, v25;
	(erf) = vpow2.f32 v13  }
0x7c4: {  	v32 =	vld [tilespmem:s20+$0x8000];
	v33 =	vmul.f32 $1.442695020e+00, v26;
	(erf) = vpow2.f32 v14  }
0x7c5: {  	v35 =	vmul.f32 $1.442695020e+00, v27;
	v34 =	vld [tilespmem:s20+$0x8080];
	(erf) = vpow2.f32 v31  }
0x7c6: {  	v37 =	vmul.f32 $1.442695020e+00, v28;
	v36 =	vld [tilespmem:s20+$0x8100];
	(erf) = vpow2.f32 v33  }
0x7c7: {  	v38 =	vld [tilespmem:s20+$0x8180];
	v12 =	vmul.f32 $1.442695020e+00, v29;
	(erf) = vpow2.f32 v35  }
0x7c8: {  	v40 =	vmul.f32 $1.442695020e+00, v30;
	v39 =	vld [tilespmem:s20+$0x8200];
	(erf) = vpow2.f32 v37  }
0x7c9: {  	v41 =	vld [tilespmem:s20+$0x8280];
	v15 =	vmul.f32 $1.442695020e+00, v32;
	(erf) = vpow2.f32 v12  }
0x7ca: {  	v42 =	vld [tilespmem:s20+$0x8300];
	v43 =	vmul.f32 $1.442695020e+00, v34;
	(erf) = vpow2.f32 v40  }
0x7cb: {  	v44 =	vld [tilespmem:s20+$0x8380];
	v45 =	vmul.f32 $1.442695020e+00, v36;
	v12 =	vpop (erf);
	(erf) = vpow2.f32 v15  }
0x7cc: {  	v46 =	vld [tilespmem:s20+$0xA000];
	v47 =	vmul.f32 $1.442695020e+00, v38;
	v21 =	vpop (erf);
	(erf) = vpow2.f32 v43  }
0x7cd: {  	v48 =	vld [tilespmem:s20+$0xA080];
	v13 =	vmul.f32 $1.442695020e+00, v39;
	v22 =	vpop (erf);
	(erf) = vpow2.f32 v45  }
0x7ce: {  	v50 =	vmul.f32 $1.442695020e+00, v41;
	v49 =	vld [tilespmem:s20+$0xA100];
	v23 =	vpop (erf);
	(erf) = vpow2.f32 v47  }
0x7cf: {  	v51 =	vld [tilespmem:s20+$0xA180];
	v52 =	vmul.f32 $1.442695020e+00, v42;
	v24 =	vpop (erf);
	(erf) = vpow2.f32 v13  }
0x7d0: {  	v53 =	vmul.f32 $1.442695020e+00, v44;
	v20 =	vpop (erf);
	(erf) = vpow2.f32 v50  }
0x7d1: {  	v54 =	vmul.f32 $1.442695020e+00, v46;
	v16 =	vpop (erf);
	(erf) = vpow2.f32 v52  }
0x7d2: {  	v55 =	vmul.f32 $1.442695020e+00, v48;
	v17 =	vpop (erf);
	(erf) = vpow2.f32 v53  }
0x7d3: {  	v58 =	vld [tilespmem:s20+$0xA200];
	v56 =	vmul.f32 $1.442695020e+00, v49;
	v18 =	vpop (erf);
	(erf) = vpow2.f32 v54  }
0x7d4: {  	v57 =	vmul.f32 $1.442695020e+00, v51;
	v15 =	vpop (erf);
	(erf) = vpow2.f32 v55  }
0x7d5: {  	v25 =	vpop (erf);
	(erf) = vpow2.f32 v56  }
0x7d6: {  	v26 =	vpop (erf);
	(erf) = vpow2.f32 v57  }
0x7d7: {  	v14 =	vpop (erf)  }
0x7d8: {  	v59 =	vmul.f32 $1.442695020e+00, v58;
	v27 =	vpop (erf)  }
0x7d9: {  	v28 =	vpop (erf)  }
0x7da: {  	v60 =	vadd.f32 v22, v21;
	v61 =	vadd.f32 v24, v23;
	(erf) = vpow2.f32 v59;
	v29 =	vpop (erf)  }
0x7db: {  	v62 =	vadd.f32 v16, v20;
	v63 =	vadd.f32 v18, v17;
	v19 =	vpop (erf)  }
0x7dc: {  	v13 =	vadd.f32 v61, v60;
	v46 =	vadd.f32 v25, v15;
	v30 =	vpop (erf)  }
0x7dd: {  	v52 =	vadd.f32 v63, v62;
	v47 =	vadd.f32 v14, v26;
	v32 =	vpop (erf)  }
0x7de: {  	v48 =	vadd.f32 v28, v27;
	v49 =	vadd.f32 v19, v29;
	v45 =	vpop (erf)  }
0x7df: {  	v53 =	vadd.f32 v47, v46;
	v50 =	vadd.f32 v32, v30;
	v38 =	vpop (erf)  }
0x7e0: {  	v54 =	vadd.f32 v49, v48;
	v51 =	vadd.f32 v38, v45  }
0x7e1: {  	v13 =	vadd.f32 v52, v13  }
0x7e2: {  	v56 =	vadd.f32 v54, v53;
	v55 =	vadd.f32 v51, v50  }
0x7e3: {  	v57 =	vpop (erf)  }
0x7e4: {  	v13 =	vadd.f32 v56, v13;
	v58 =	vadd.f32 v55, v57;
	_ =	sdelay $0x1  }
0x7e5: {  	v13 =	vadd.f32 v58, v13;
	_ =	sdelay $0x1  }
0x7e6: {  	(erf) = vrcp.f32 v13;
	_ =	sdelay $0x5  }
0x7e7: {  	s2 =	sshrl.u32 s19, $0x2  }
0x7e8: {  	s1 =	sor.u32 s18, s2  }
0x7e9: {  	v59 =	vld [tilespmem:s1+$0xC080]  }
0x7ea: {  	v13 =	vpop (erf)  }
0x7eb: {  	v13 =	vmul.f32 $1.024000000e+03, v13  }
0x7ec: {  	v53 =	vor.u32 s12, v2  }
0x7ed: {  	v52 =	vmov s12;
	v54 =	vand.u32 $0x5F, v53;
	v21 =	vmul.f32 v13, v21  }
0x7ee: {  	v56 =	vshll.u32 v59, $0x7;
	v22 =	vmul.f32 v13, v22;
	v23 =	vmul.f32 v13, v23  }
0x7ef: {  	v24 =	vmul.f32 v13, v24;
	v20 =	vmul.f32 v13, v20;
	v21 =	vadd.f32 $1.258291200e+07, v21  }
0x7f0: {  	v16 =	vmul.f32 v13, v16;
	v17 =	vmul.f32 v13, v17;
	v22 =	vadd.f32 $1.258291200e+07, v22  }
0x7f1: {  	v18 =	vmul.f32 v13, v18;
	v23 =	vadd.f32 $1.258291200e+07, v23;
	v21 =	vadd.s32 $0xB4C00000, v21  }
0x7f2: {  	v15 =	vmul.f32 v13, v15;
	v24 =	vadd.f32 $1.258291200e+07, v24;
	v22 =	vadd.s32 $0xB4C00400, v22  }
0x7f3: {  	v25 =	vmul.f32 v13, v25;
	v20 =	vadd.f32 $1.258291200e+07, v20;
	v23 =	vadd.s32 $0xB4C00800, v23  }
0x7f4: {  	v26 =	vmul.f32 v13, v26;
	v16 =	vadd.f32 $1.258291200e+07, v16;
	v24 =	vadd.s32 $0xB4C00C00, v24  }
0x7f5: {  	v14 =	vmul.f32 v13, v14;
	v17 =	vadd.f32 $1.258291200e+07, v17;
	v20 =	vadd.s32 $0xB4C01000, v20  }
0x7f6: {  	v61 =	vmul.f32 v13, v27;
	v18 =	vadd.f32 $1.258291200e+07, v18;
	v16 =	vadd.s32 $0xB4C01400, v16;
	[tilespmem:v21+s31+$0x0] =	vst.idx.add.f32.msk $0xffff, v1  }
0x7f7: {  	v28 =	vmul.f32 v13, v28;
	v15 =	vadd.f32 $1.258291200e+07, v15;
	v17 =	vadd.s32 $0xB4C01800, v17;
	[tilespmem:v22+s31+$0x0] =	vst.idx.add.f32.msk $0xffff, v1  }
0x7f8: {  	v34 =	vmul.f32 v13, v29;
	v60 =	vadd.f32 $1.258291200e+07, v25;
	v18 =	vadd.s32 $0xB4C01C00, v18;
	[tilespmem:v23+s31+$0x0] =	vst.idx.add.f32.msk $0xffff, v1  }
0x7f9: {  	v19 =	vmul.f32 v13, v19;
	v62 =	vadd.f32 $1.258291200e+07, v26;
	v15 =	vadd.s32 $0xB4C02000, v15;
	[tilespmem:v24+s31+$0x0] =	vst.idx.add.f32.msk $0xffff, v1  }
0x7fa: {  	v40 =	vmul.f32 v13, v30;
	v14 =	vadd.f32 $1.258291200e+07, v14;
	v21 =	vadd.s32 $0xB4C02400, v60;
	[tilespmem:v20+s31+$0x0] =	vst.idx.add.f32.msk $0xffff, v1  }
0x7fb: {  	v41 =	vmul.f32 v13, v32;
	v63 =	vadd.f32 $1.258291200e+07, v61;
	v22 =	vadd.s32 $0xB4C02800, v62;
	[tilespmem:v16+s31+$0x0] =	vst.idx.add.f32.msk $0xffff, v1  }
0x7fc: {  	v43 =	vmul.f32 v13, v45;
	v37 =	vadd.f32 $1.258291200e+07, v28;
	v14 =	vadd.s32 $0xB4C02C00, v14;
	[tilespmem:v17+s31+$0x0] =	vst.idx.add.f32.msk $0xffff, v1  }
0x7fd: {  	v48 =	vmul.f32 v13, v38;
	v39 =	vadd.f32 $1.258291200e+07, v34;
	v36 =	vadd.s32 $0xB4C03000, v63;
	[tilespmem:v18+s31+$0x0] =	vst.idx.add.f32.msk $0xffff, v1  }
0x7fe: {  	v50 =	vmul.f32 v13, v57;
	v19 =	vadd.f32 $1.258291200e+07, v19;
	v42 =	vadd.s32 $0xB4C03400, v37;
	[tilespmem:v15+s31+$0x0] =	vst.idx.add.f32.msk $0xffff, v1  }
0x7ff: {  	v44 =	vadd.f32 $1.258291200e+07, v40;
	v45 =	vadd.f32 $1.258291200e+07, v41;
	v16 =	vadd.s32 $0xB4C03800, v39;
	[tilespmem:v21+s31+$0x0] =	vst.idx.add.f32.msk $0xffff, v1  }
0x800: {  	v47 =	vadd.f32 $1.258291200e+07, v43;
	v51 =	vadd.f32 $1.258291200e+07, v48;
	v46 =	vadd.s32 $0xB4C03C00, v19;
	[tilespmem:v22+s31+$0x0] =	vst.idx.add.f32.msk $0xffff, v1  }
0x801: {  	v49 =	vadd.s32 $0xB4C04400, v45;
	v23 =	vshll.u32 v52, $0x3;
	v18 =	vadd.s32 $0xB4C04000, v44;
	[tilespmem:v14+s31+$0x0] =	vst.idx.add.f32.msk $0xffff, v1  }
0x802: {  	v19 =	vadd.s32 $0xB4C04800, v47;
	v23 =	vand.u32 $0x3C00, v23;
	v14 =	vshll.u32 v59, $0xA;
	[tilespmem:v36+s31+$0x0] =	vst.idx.add.f32.msk $0xffff, v1  }
0x803: {  	v24 =	vadd.f32 $1.258291200e+07, v50;
	v20 =	vor.u32 v54, v23;
	v55 =	vand.u32 $0xFFFFE000, v14;
	[tilespmem:v42+s31+$0x0] =	vst.idx.add.f32.msk $0xffff, v1  }
0x804: {  	v58 =	vand.u32 $0x380, v56;
	v57 =	vadd.s32 $0xB4C04C00, v51;
	v17 =	vadd.s32 v55, v20;
	[tilespmem:v16+s31+$0x0] =	vst.idx.add.f32.msk $0xffff, v1  }
0x805: {  	v59 =	vadd.s32 $0xB4C05000, v24;
	v17 =	vor.u32 v58, v17;
	[tilespmem:v46+s31+$0x0] =	vst.idx.add.f32.msk $0xffff, v1  }
0x806: {  	v17 =	vadd.s32 $0x6000, v17;
	[tilespmem:v18+s31+$0x0] =	vst.idx.add.f32.msk $0xffff, v1  }
0x807: {  	[tilespmem:v49+s31+$0x0] =	vst.idx.add.f32.msk $0xffff, v1  }
0x808: {  	[tilespmem:v19+s31+$0x0] =	vst.idx.add.f32.msk $0xffff, v1  }
0x809: {  	s21 =	sadd.s32 $0xFFFFFFF0, s16;
	s22 =	sadd.s32 $0xFFFFFF80, s15;
	[tilespmem:v57+s31+$0x0] =	vst.idx.add.f32.msk $0xffff, v1  }
0x80a: {  	s24 =	sand.u32 $0x3C00, s22;
	s23 =	sand.u32 $0x60, s21;
	[tilespmem:v59+s31+$0x0] =	vst.idx.add.f32.msk $0xffff, v1  }
0x80b: {  	s26 =	sor.u32 s23, s24;
	v15 =	vld.idx.msk [tilespmem:v17+s17+$0x0], $0xffff  }
0x80c: {  	v60 =	vld [tilespmem:s26+$0x6000]  }
0x80d: {  	v61 =	vld [tilespmem:s26+$0x6080]  }
0x80e: {  	v62 =	vld [tilespmem:s26+$0x6100]  }
0x80f: {  	v63 =	vld [tilespmem:s26+$0x6180]  }
0x810: {  	v24 =	vld [tilespmem:s26+$0x6200];
	v15 =	vmul.f32 $1.442695020e+00, v15  }
0x811: {  	v25 =	vld [tilespmem:s26+$0x6280];
	v16 =	vmul.f32 $1.442695020e+00, v60  }
0x812: {  	v26 =	vld [tilespmem:s26+$0x6300];
	v17 =	vmul.f32 $1.442695020e+00, v61;
	(erf) = vpow2.f32 v15  }
0x813: {  	v27 =	vld [tilespmem:s26+$0x6380];
	v28 =	vmul.f32 $1.442695020e+00, v62;
	(erf) = vpow2.f32 v16  }
0x814: {  	v29 =	vld [tilespmem:s26+$0x8000];
	v30 =	vmul.f32 $1.442695020e+00, v63;
	(erf) = vpow2.f32 v17  }
0x815: {  	v31 =	vld [tilespmem:s26+$0x8080];
	v32 =	vmul.f32 $1.442695020e+00, v24;
	(erf) = vpow2.f32 v28  }
0x816: {  	v33 =	vld [tilespmem:s26+$0x8100];
	v34 =	vmul.f32 $1.442695020e+00, v25;
	(erf) = vpow2.f32 v30  }
0x817: {  	v35 =	vld [tilespmem:s26+$0x8180];
	v15 =	vmul.f32 $1.442695020e+00, v26;
	(erf) = vpow2.f32 v32  }
0x818: {  	v37 =	vmul.f32 $1.442695020e+00, v27;
	v36 =	vld [tilespmem:s26+$0x8200];
	(erf) = vpow2.f32 v34  }
0x819: {  	v38 =	vld [tilespmem:s26+$0x8280];
	v18 =	vmul.f32 $1.442695020e+00, v29;
	(erf) = vpow2.f32 v15  }
0x81a: {  	v40 =	vmul.f32 $1.442695020e+00, v31;
	v39 =	vld [tilespmem:s26+$0x8300];
	(erf) = vpow2.f32 v37  }
0x81b: {  	v41 =	vld [tilespmem:s26+$0x8380];
	v42 =	vmul.f32 $1.442695020e+00, v33;
	v15 =	vpop (erf);
	(erf) = vpow2.f32 v18  }
0x81c: {  	v44 =	vmul.f32 $1.442695020e+00, v35;
	v24 =	vpop (erf);
	(erf) = vpow2.f32 v40  }
0x81d: {  	v43 =	vld [tilespmem:s26+$0xA000];
	v16 =	vmul.f32 $1.442695020e+00, v36;
	v25 =	vpop (erf);
	(erf) = vpow2.f32 v42  }
0x81e: {  	v45 =	vld [tilespmem:s26+$0xA080];
	v47 =	vmul.f32 $1.442695020e+00, v38;
	v26 =	vpop (erf);
	(erf) = vpow2.f32 v44  }
0x81f: {  	v46 =	vld [tilespmem:s26+$0xA100];
	v49 =	vmul.f32 $1.442695020e+00, v39;
	v27 =	vpop (erf);
	(erf) = vpow2.f32 v16  }
0x820: {  	v48 =	vld [tilespmem:s26+$0xA180];
	v50 =	vmul.f32 $1.442695020e+00, v41;
	v23 =	vpop (erf);
	(erf) = vpow2.f32 v47  }
0x821: {  	v19 =	vpop (erf);
	(erf) = vpow2.f32 v49  }
0x822: {  	v51 =	vmul.f32 $1.442695020e+00, v43;
	v20 =	vpop (erf);
	(erf) = vpow2.f32 v50  }
0x823: {  	v52 =	vmul.f32 $1.442695020e+00, v45;
	v21 =	vpop (erf)  }
0x824: {  	v55 =	vld [tilespmem:s26+$0xA200];
	v53 =	vmul.f32 $1.442695020e+00, v46;
	(erf) = vpow2.f32 v51;
	v18 =	vpop (erf)  }
0x825: {  	v54 =	vmul.f32 $1.442695020e+00, v48;
	(erf) = vpow2.f32 v52;
	v28 =	vpop (erf)  }
0x826: {  	(erf) = vpow2.f32 v53;
	v29 =	vpop (erf)  }
0x827: {  	(erf) = vpow2.f32 v54;
	v17 =	vpop (erf)  }
0x828: {  	v30 =	vpop (erf)  }
0x829: {  	v56 =	vmul.f32 $1.442695020e+00, v55;
	v31 =	vpop (erf)  }
0x82a: {  	v32 =	vpop (erf)  }
0x82b: {  	v57 =	vadd.f32 v25, v24;
	v58 =	vadd.f32 v27, v26;
	v22 =	vpop (erf);
	(erf) = vpow2.f32 v56  }
0x82c: {  	v59 =	vadd.f32 v19, v23;
	v60 =	vadd.f32 v21, v20  }
0x82d: {  	v16 =	vadd.f32 v58, v57;
	v61 =	vadd.f32 v28, v18;
	v33 =	vpop (erf)  }
0x82e: {  	v51 =	vadd.f32 v60, v59;
	v62 =	vadd.f32 v17, v29;
	v35 =	vpop (erf)  }
0x82f: {  	v63 =	vadd.f32 v31, v30;
	v48 =	vadd.f32 v22, v32;
	v38 =	vpop (erf)  }
0x830: {  	v52 =	vadd.f32 v62, v61;
	v49 =	vadd.f32 v35, v33;
	v41 =	vpop (erf)  }
0x831: {  	v53 =	vadd.f32 v48, v63;
	v50 =	vadd.f32 v41, v38  }
0x832: {  	v16 =	vadd.f32 v51, v16  }
0x833: {  	v55 =	vadd.f32 v53, v52;
	v54 =	vadd.f32 v50, v49  }
0x834: {  	v56 =	vpop (erf)  }
0x835: {  	v16 =	vadd.f32 v55, v16;
	v57 =	vadd.f32 v54, v56;
	_ =	sdelay $0x1  }
0x836: {  	v16 =	vadd.f32 v57, v16;
	_ =	sdelay $0x1  }
0x837: {  	(erf) = vrcp.f32 v16;
	_ =	sdelay $0x8  }
0x838: {  	v16 =	vpop (erf)  }
0x839: {  	v16 =	vmul.f32 $1.024000000e+03, v16;
	_ =	sdelay $0x1  }
0x83a: {  	v24 =	vmul.f32 v16, v24  }
0x83b: {  	v55 =	vor.u32 s21, v2;
	v25 =	vmul.f32 v16, v25;
	v26 =	vmul.f32 v16, v26  }
0x83c: {  	v54 =	vmov s21;
	v27 =	vmul.f32 v16, v27;
	v23 =	vmul.f32 v16, v23  }
0x83d: {  	v19 =	vmul.f32 v16, v19;
	v20 =	vmul.f32 v16, v20;
	v24 =	vadd.f32 $1.258291200e+07, v24  }
0x83e: {  	v21 =	vmul.f32 v16, v21;
	v18 =	vmul.f32 v16, v18;
	v25 =	vadd.f32 $1.258291200e+07, v25  }
0x83f: {  	v28 =	vmul.f32 v16, v28;
	v26 =	vadd.f32 $1.258291200e+07, v26;
	v24 =	vadd.s32 $0xB4C00000, v24  }
0x840: {  	v29 =	vmul.f32 v16, v29;
	v27 =	vadd.f32 $1.258291200e+07, v27;
	v25 =	vadd.s32 $0xB4C00400, v25  }
0x841: {  	s2 =	sshrl.u32 s24, $0x2;
	v17 =	vmul.f32 v16, v17;
	v23 =	vadd.f32 $1.258291200e+07, v23;
	v26 =	vadd.s32 $0xB4C00800, v26  }
0x842: {  	s1 =	sor.u32 s23, s2;
	v60 =	vmul.f32 v16, v30;
	v19 =	vadd.f32 $1.258291200e+07, v19;
	v27 =	vadd.s32 $0xB4C00C00, v27  }
0x843: {  	v58 =	vld [tilespmem:s1+$0xC080];
	v63 =	vmul.f32 v16, v31;
	v20 =	vadd.f32 $1.258291200e+07, v20;
	v23 =	vadd.s32 $0xB4C01000, v23  }
0x844: {  	v32 =	vmul.f32 v16, v32;
	v21 =	vadd.f32 $1.258291200e+07, v21;
	v19 =	vadd.s32 $0xB4C01400, v19;
	[tilespmem:v24+s31+$0x0] =	vst.idx.add.f32.msk $0xffff, v1  }
0x845: {  	v22 =	vmul.f32 v16, v22;
	v18 =	vadd.f32 $1.258291200e+07, v18;
	v20 =	vadd.s32 $0xB4C01800, v20;
	[tilespmem:v25+s31+$0x0] =	vst.idx.add.f32.msk $0xffff, v1  }
0x846: {  	v42 =	vmul.f32 v16, v33;
	v59 =	vadd.f32 $1.258291200e+07, v28;
	v21 =	vadd.s32 $0xB4C01C00, v21;
	[tilespmem:v26+s31+$0x0] =	vst.idx.add.f32.msk $0xffff, v1  }
0x847: {  	v43 =	vmul.f32 v16, v35;
	v61 =	vadd.f32 $1.258291200e+07, v29;
	v18 =	vadd.s32 $0xB4C02000, v18;
	[tilespmem:v27+s31+$0x0] =	vst.idx.add.f32.msk $0xffff, v1  }
0x848: {  	v45 =	vmul.f32 v16, v38;
	v17 =	vadd.f32 $1.258291200e+07, v17;
	v24 =	vadd.s32 $0xB4C02400, v59;
	[tilespmem:v23+s31+$0x0] =	vst.idx.add.f32.msk $0xffff, v1  }
0x849: {  	v50 =	vmul.f32 v16, v41;
	v62 =	vadd.f32 $1.258291200e+07, v60;
	v25 =	vadd.s32 $0xB4C02800, v61;
	[tilespmem:v19+s31+$0x0] =	vst.idx.add.f32.msk $0xffff, v1  }
0x84a: {  	v52 =	vmul.f32 v16, v56;
	v39 =	vadd.f32 $1.258291200e+07, v63;
	v17 =	vadd.s32 $0xB4C02C00, v17;
	[tilespmem:v20+s31+$0x0] =	vst.idx.add.f32.msk $0xffff, v1  }
0x84b: {  	v56 =	vand.u32 $0x6F, v55;
	v40 =	vadd.f32 $1.258291200e+07, v32;
	v37 =	vadd.s32 $0xB4C03000, v62;
	[tilespmem:v21+s31+$0x0] =	vst.idx.add.f32.msk $0xffff, v1  }
0x84c: {  	v22 =	vadd.f32 $1.258291200e+07, v22;
	v47 =	vadd.f32 $1.258291200e+07, v43;
	v44 =	vadd.s32 $0xB4C03400, v39;
	[tilespmem:v18+s31+$0x0] =	vst.idx.add.f32.msk $0xffff, v1  }
0x84d: {  	v46 =	vadd.f32 $1.258291200e+07, v42;
	v49 =	vadd.f32 $1.258291200e+07, v45;
	v19 =	vadd.s32 $0xB4C03800, v40;
	[tilespmem:v24+s31+$0x0] =	vst.idx.add.f32.msk $0xffff, v1  }
0x84e: {  	v53 =	vadd.f32 $1.258291200e+07, v50;
	v48 =	vadd.s32 $0xB4C03C00, v22;
	v51 =	vadd.s32 $0xB4C04400, v47;
	[tilespmem:v25+s31+$0x0] =	vst.idx.add.f32.msk $0xffff, v1  }
0x84f: {  	v22 =	vadd.s32 $0xB4C04800, v49;
	v26 =	vshll.u32 v54, $0x3;
	v21 =	vadd.s32 $0xB4C04000, v46;
	[tilespmem:v17+s31+$0x0] =	vst.idx.add.f32.msk $0xffff, v1  }
0x850: {  	v27 =	vadd.f32 $1.258291200e+07, v52;
	v26 =	vand.u32 $0x3C00, v26;
	v17 =	vshll.u32 v58, $0xA;
	[tilespmem:v37+s31+$0x0] =	vst.idx.add.f32.msk $0xffff, v1  }
0x851: {  	v23 =	vor.u32 v56, v26;
	v58 =	vshll.u32 v58, $0x7;
	v57 =	vand.u32 $0xFFFFE000, v17;
	[tilespmem:v44+s31+$0x0] =	vst.idx.add.f32.msk $0xffff, v1  }
0x852: {  	v59 =	vadd.s32 $0xB4C04C00, v53;
	v60 =	vand.u32 $0x380, v58;
	v20 =	vadd.s32 v57, v23;
	[tilespmem:v19+s31+$0x0] =	vst.idx.add.f32.msk $0xffff, v1  }
0x853: {  	v61 =	vadd.s32 $0xB4C05000, v27;
	v20 =	vor.u32 v60, v20;
	[tilespmem:v48+s31+$0x0] =	vst.idx.add.f32.msk $0xffff, v1  }
0x854: {  	v20 =	vadd.s32 $0x6000, v20;
	[tilespmem:v21+s31+$0x0] =	vst.idx.add.f32.msk $0xffff, v1  }
0x855: {  	[tilespmem:v51+s31+$0x0] =	vst.idx.add.f32.msk $0xffff, v1  }
0x856: {  	[tilespmem:v22+s31+$0x0] =	vst.idx.add.f32.msk $0xffff, v1  }
0x857: {  	[tilespmem:v59+s31+$0x0] =	vst.idx.add.f32.msk $0xffff, v1  }
0x858: {  	s28 =	sand.u32 $0x70, s16;
	s29 =	sand.u32 $0x3C00, s15;
	[tilespmem:v61+s31+$0x0] =	vst.idx.add.f32.msk $0xffff, v1  }
0x859: {  	s30 =	sor.u32 s28, s29;
	v18 =	vld.idx.msk [tilespmem:v20+s17+$0x0], $0xffff  }
0x85a: {  	v62 =	vld [tilespmem:s30+$0x6000]  }
0x85b: {  	v63 =	vld [tilespmem:s30+$0x6080]  }
0x85c: {  	v28 =	vld [tilespmem:s30+$0x6100]  }
0x85d: {  	v29 =	vld [tilespmem:s30+$0x6180]  }
0x85e: {  	v30 =	vld [tilespmem:s30+$0x6200];
	v18 =	vmul.f32 $1.442695020e+00, v18  }
0x85f: {  	v31 =	vld [tilespmem:s30+$0x6280];
	v19 =	vmul.f32 $1.442695020e+00, v62  }
0x860: {  	v32 =	vld [tilespmem:s30+$0x6300];
	v20 =	vmul.f32 $1.442695020e+00, v63;
	(erf) = vpow2.f32 v18  }
0x861: {  	v33 =	vld [tilespmem:s30+$0x6380];
	v34 =	vmul.f32 $1.442695020e+00, v28;
	(erf) = vpow2.f32 v19  }
0x862: {  	v35 =	vld [tilespmem:s30+$0x8000];
	v36 =	vmul.f32 $1.442695020e+00, v29;
	(erf) = vpow2.f32 v20  }
0x863: {  	v38 =	vmul.f32 $1.442695020e+00, v30;
	v37 =	vld [tilespmem:s30+$0x8080];
	(erf) = vpow2.f32 v34  }
0x864: {  	v39 =	vld [tilespmem:s30+$0x8100];
	v40 =	vmul.f32 $1.442695020e+00, v31;
	(erf) = vpow2.f32 v36  }
0x865: {  	v41 =	vld [tilespmem:s30+$0x8180];
	v18 =	vmul.f32 $1.442695020e+00, v32;
	(erf) = vpow2.f32 v38  }
0x866: {  	v42 =	vld [tilespmem:s30+$0x8200];
	v43 =	vmul.f32 $1.442695020e+00, v33;
	(erf) = vpow2.f32 v40  }
0x867: {  	v44 =	vld [tilespmem:s30+$0x8280];
	v21 =	vmul.f32 $1.442695020e+00, v35;
	(erf) = vpow2.f32 v18  }
0x868: {  	v45 =	vld [tilespmem:s30+$0x8300];
	v46 =	vmul.f32 $1.442695020e+00, v37;
	(erf) = vpow2.f32 v43  }
0x869: {  	v47 =	vld [tilespmem:s30+$0x8380];
	v48 =	vmul.f32 $1.442695020e+00, v39;
	v18 =	vpop (erf);
	(erf) = vpow2.f32 v21  }
0x86a: {  	v49 =	vld [tilespmem:s30+$0xA000];
	v50 =	vmul.f32 $1.442695020e+00, v41;
	v27 =	vpop (erf);
	(erf) = vpow2.f32 v46  }
0x86b: {  	v51 =	vld [tilespmem:s30+$0xA080];
	v19 =	vmul.f32 $1.442695020e+00, v42;
	v28 =	vpop (erf);
	(erf) = vpow2.f32 v48  }
0x86c: {  	v52 =	vld [tilespmem:s30+$0xA100];
	v53 =	vmul.f32 $1.442695020e+00, v44;
	v29 =	vpop (erf);
	(erf) = vpow2.f32 v50  }
0x86d: {  	v55 =	vmul.f32 $1.442695020e+00, v45;
	v54 =	vld [tilespmem:s30+$0xA180];
	v30 =	vpop (erf);
	(erf) = vpow2.f32 v19  }
0x86e: {  	v56 =	vmul.f32 $1.442695020e+00, v47;
	v26 =	vpop (erf);
	(erf) = vpow2.f32 v53  }
0x86f: {  	v57 =	vmul.f32 $1.442695020e+00, v49;
	v22 =	vpop (erf);
	(erf) = vpow2.f32 v55  }
0x870: {  	v58 =	vmul.f32 $1.442695020e+00, v51;
	v23 =	vpop (erf);
	(erf) = vpow2.f32 v56  }
0x871: {  	v60 =	vld [tilespmem:s30+$0xA200];
	v59 =	vmul.f32 $1.442695020e+00, v52;
	v24 =	vpop (erf);
	(erf) = vpow2.f32 v57  }
0x872: {  	v61 =	vmul.f32 $1.442695020e+00, v54;
	v31 =	vpop (erf);
	(erf) = vpow2.f32 v58  }
0x873: {  	v25 =	vpop (erf);
	(erf) = vpow2.f32 v59  }
0x874: {  	v32 =	vpop (erf);
	(erf) = vpow2.f32 v61  }
0x875: {  	v20 =	vpop (erf)  }
0x876: {  	v62 =	vmul.f32 $1.442695020e+00, v60;
	v33 =	vpop (erf)  }
0x877: {  	v34 =	vpop (erf)  }
0x878: {  	v63 =	vadd.f32 v28, v27;
	v48 =	vadd.f32 v30, v29;
	(erf) = vpow2.f32 v62;
	v21 =	vpop (erf)  }
0x879: {  	v49 =	vadd.f32 v22, v26;
	v50 =	vadd.f32 v24, v23;
	v35 =	vpop (erf)  }
0x87a: {  	v19 =	vadd.f32 v48, v63;
	v52 =	vadd.f32 v25, v31;
	v37 =	vpop (erf)  }
0x87b: {  	v38 =	vadd.f32 v50, v49;
	v53 =	vadd.f32 v20, v32;
	v51 =	vpop (erf)  }
0x87c: {  	v54 =	vadd.f32 v34, v33;
	v55 =	vadd.f32 v35, v21;
	v43 =	vpop (erf)  }
0x87d: {  	v41 =	vadd.f32 v53, v52;
	v56 =	vadd.f32 v51, v37;
	v46 =	vpop (erf)  }
0x87e: {  	v58 =	vadd.f32 v55, v54;
	v57 =	vadd.f32 v46, v43  }
0x87f: {  	v19 =	vadd.f32 v38, v19  }
0x880: {  	v59 =	vadd.f32 v58, v41;
	v36 =	vadd.f32 v57, v56  }
0x881: {  	v60 =	vpop (erf)  }
0x882: {  	v19 =	vadd.f32 v59, v19;
	v36 =	vadd.f32 v36, v60;
	_ =	sdelay $0x1  }
0x883: {  	v19 =	vadd.f32 v36, v19;
	_ =	sdelay $0x1  }
0x884: {  	(erf) = vrcp.f32 v19;
	_ =	sdelay $0x8  }
0x885: {  	v19 =	vpop (erf)  }
0x886: {  	v19 =	vmul.f32 $1.024000000e+03, v19  }
0x887: {  	v5 =	vmul.f32 v7, v5  }
0x888: {  	v10 =	vmul.f32 v12, v10;
	v27 =	vmul.f32 v19, v27  }
0x889: {  	v62 =	vmul.f32 v19, v28;
	v29 =	vmul.f32 v19, v29  }
0x88a: {  	v30 =	vmul.f32 v19, v30;
	v26 =	vmul.f32 v19, v26  }
0x88b: {  	v22 =	vmul.f32 v19, v22;
	v23 =	vmul.f32 v19, v23  }
0x88c: {  	v24 =	vmul.f32 v19, v24;
	v31 =	vmul.f32 v19, v31;
	v61 =	vadd.f32 $1.258291200e+07, v27  }
0x88d: {  	v25 =	vmul.f32 v19, v25;
	v32 =	vmul.f32 v19, v32;
	v27 =	vadd.f32 $1.258291200e+07, v62  }
0x88e: {  	v20 =	vmul.f32 v19, v20;
	v29 =	vadd.f32 $1.258291200e+07, v29;
	v7 =	vadd.s32 $0xB4C00000, v61  }
0x88f: {  	v41 =	vmul.f32 v19, v33;
	v30 =	vadd.f32 $1.258291200e+07, v30;
	v27 =	vadd.s32 $0xB4C00400, v27  }
0x890: {  	s1 =	sshrl.u32 s29, $0x2;
	v45 =	vmul.f32 v19, v34;
	v26 =	vadd.f32 $1.258291200e+07, v26;
	v29 =	vadd.s32 $0xB4C00800, v29  }
0x891: {  	s0 =	sor.u32 s28, s1;
	v21 =	vmul.f32 v19, v21;
	v22 =	vadd.f32 $1.258291200e+07, v22;
	v30 =	vadd.s32 $0xB4C00C00, v30  }
0x892: {  	v36 =	vld [tilespmem:s0+$0xC080];
	v49 =	vmul.f32 v19, v35;
	v23 =	vadd.f32 $1.258291200e+07, v23;
	v26 =	vadd.s32 $0xB4C01000, v26  }
0x893: {  	v50 =	vmul.f32 v19, v37;
	v24 =	vadd.f32 $1.258291200e+07, v24;
	v22 =	vadd.s32 $0xB4C01400, v22;
	[tilespmem:v7+s31+$0x0] =	vst.idx.add.f32.msk $0xffff, v1  }
0x894: {  	v51 =	vmul.f32 v19, v51;
	v31 =	vadd.f32 $1.258291200e+07, v31;
	v23 =	vadd.s32 $0xB4C01800, v23;
	[tilespmem:v27+s31+$0x0] =	vst.idx.add.f32.msk $0xffff, v1  }
0x895: {  	v54 =	vmul.f32 v19, v43;
	v38 =	vadd.f32 $1.258291200e+07, v25;
	v63 =	vadd.s32 $0xB4C01C00, v24;
	[tilespmem:v29+s31+$0x0] =	vst.idx.add.f32.msk $0xffff, v1  }
0x896: {  	v59 =	vmul.f32 v19, v46;
	v44 =	vadd.f32 $1.258291200e+07, v32;
	v42 =	vadd.s32 $0xB4C02000, v31;
	[tilespmem:v30+s31+$0x0] =	vst.idx.add.f32.msk $0xffff, v1  }
0x897: {  	v60 =	vmul.f32 v19, v60;
	v20 =	vadd.f32 $1.258291200e+07, v20;
	v24 =	vadd.s32 $0xB4C02400, v38;
	[tilespmem:v26+s31+$0x0] =	vst.idx.add.f32.msk $0xffff, v1  }
0x898: {  	v33 =	vshll.u32 v36, $0xA;
	v25 =	vadd.f32 $1.258291200e+07, v41;
	v47 =	vadd.s32 $0xB4C02800, v44;
	[tilespmem:v22+s31+$0x0] =	vst.idx.add.f32.msk $0xffff, v1  }
0x899: {  	v35 =	vshll.u32 v36, $0x7;
	v48 =	vadd.f32 $1.258291200e+07, v45;
	v20 =	vadd.s32 $0xB4C02C00, v20;
	[tilespmem:v23+s31+$0x0] =	vst.idx.add.f32.msk $0xffff, v1  }
0x89a: {  	v34 =	vand.u32 $0xFFFFE000, v33;
	v21 =	vadd.f32 $1.258291200e+07, v21;
	v25 =	vadd.s32 $0xB4C03000, v25;
	[tilespmem:v63+s31+$0x0] =	vst.idx.add.f32.msk $0xffff, v1  }
0x89b: {  	v53 =	vadd.f32 $1.258291200e+07, v49;
	v56 =	vadd.f32 $1.258291200e+07, v50;
	v52 =	vadd.s32 $0xB4C03400, v48;
	[tilespmem:v42+s31+$0x0] =	vst.idx.add.f32.msk $0xffff, v1  }
0x89c: {  	v57 =	vadd.f32 $1.258291200e+07, v51;
	v58 =	vadd.f32 $1.258291200e+07, v54;
	v55 =	vadd.s32 $0xB4C03800, v21;
	[tilespmem:v24+s31+$0x0] =	vst.idx.add.f32.msk $0xffff, v1  }
0x89d: {  	v21 =	vadd.s32 $0xB4C04000, v56;
	v61 =	vmov s16;
	v26 =	vadd.s32 $0xB4C03C00, v53;
	[tilespmem:v47+s31+$0x0] =	vst.idx.add.f32.msk $0xffff, v1  }
0x89e: {  	v29 =	vadd.f32 $1.258291200e+07, v59;
	v30 =	vshll.u32 v61, $0x3;
	v63 =	vor.u32 s16, v2;
	[tilespmem:v20+s31+$0x0] =	vst.idx.add.f32.msk $0xffff, v1  }
0x89f: {  	v30 =	vand.u32 $0x3C00, v30;
	v22 =	vadd.s32 $0xB4C04400, v57;
	v24 =	vand.u32 $0x7F, v63;
	[tilespmem:v25+s31+$0x0] =	vst.idx.add.f32.msk $0xffff, v1  }
0x8a0: {  	v62 =	vadd.f32 $1.258291200e+07, v60;
	v27 =	vadd.s32 $0xB4C04800, v58;
	v24 =	vor.u32 v24, v30;
	[tilespmem:v52+s31+$0x0] =	vst.idx.add.f32.msk $0xffff, v1  }
0x8a1: {  	v37 =	vand.u32 $0x380, v35;
	v36 =	vadd.s32 $0xB4C04C00, v29;
	v23 =	vadd.s32 v34, v24;
	[tilespmem:v55+s31+$0x0] =	vst.idx.add.f32.msk $0xffff, v1  }
0x8a2: {  	v20 =	vadd.s32 $0xB4C05000, v62;
	v23 =	vor.u32 v37, v23;
	[tilespmem:v26+s31+$0x0] =	vst.idx.add.f32.msk $0xffff, v1  }
0x8a3: {  	v12 =	vsub.f32 $1.024000000e+03, v10;
	v10 =	vadd.f32 $1.258291200e+07, v10;
	v39 =	vadd.s32 $0x6000, v23;
	[tilespmem:v21+s31+$0x0] =	vst.idx.add.f32.msk $0xffff, v1  }
0x8a4: {  	[tilespmem:v22+s31+$0x0] =	vst.idx.add.f32.msk $0xffff, v1  }
0x8a5: {  	v10 =	vadd.s32 $0xB4C00000, v10;
	v28 =	vsub.f32 $1.024000000e+03, v5;
	v5 =	vadd.f32 $1.258291200e+07, v5;
	[tilespmem:v27+s31+$0x0] =	vst.idx.add.f32.msk $0xffff, v1  }
0x8a6: {  	v6 =	vmul.f32 v9, v6;
	vm9 =	vlt.s32 v10, $0x3FF;
	[tilespmem:v36+s31+$0x0] =	vst.idx.add.f32.msk $0xffff, v1  }
0x8a7: {  	v12 =	vadd.f32 $1.258291200e+07, v12;
	v10 =	vnsel vm9, $0x3FF, v10;
	v5 =	vadd.s32 $0xB4C00000, v5;
	[tilespmem:v20+s31+$0x0] =	vst.idx.add.f32.msk $0xffff, v1  }
0x8a8: {  	v41 =	vsub.f32 $1.024000000e+03, v6;
	v6 =	vadd.f32 $1.258291200e+07, v6;
	vm4 =	vlt.s32 v5, $0x3FF;
	v20 =	vld.idx.msk [tilespmem:v39+s17+$0x0], $0xffff  }
0x8a9: {  	v10 =	vadd.s32 v11, v10;
	v38 =	vadd.f32 $1.258291200e+07, v28;
	v5 =	vnsel vm4, $0x3FF, v5  }
0x8aa: {  	v43 =	vadd.f32 $1.258291200e+07, v41;
	v6 =	vadd.s32 $0xB4C00000, v6;
	v48 =	vmul.f32 v15, v13  }
0x8ab: {  	v16 =	vmul.f32 v18, v16;
	v5 =	vadd.s32 v4, v5;
	vm7 =	vlt.s32 v6, $0x3FF  }
0x8ac: {  	v40 =	vadd.s32 $0xB4C00000, v38;
	v9 =	vadd.s32 $0xB4C00000, v43;
	v13 =	vsub.f32 $1.024000000e+03, v48  }
0x8ad: {  	v6 =	vnsel vm7, $0x3FF, v6;
	vm6 =	vlt.s32 v9, $0x3FF;
	v20 =	vmul.f32 $1.442695020e+00, v20  }
0x8ae: {  	vm5 =	vlt.s32 v40, $0x3FF;
	v9 =	vnsel vm6, $0x3FF, v9;
	v13 =	vadd.f32 $1.258291200e+07, v13  }
0x8af: {  	v6 =	vadd.s32 v8, v6;
	v45 =	vadd.s32 v8, v9;
	(erf) = vpow2.f32 v20  }
0x8b0: {  	v9 =	vand.u32 $0x7F, v9;
	v46 =	vand.u32 $0xFFFFFF80, v45;
	v51 =	vadd.s32 $0xB4C00000, v13  }
0x8b1: {  	v8 =	vor.u32 v9, v46;
	vm11 =	vlt.s32 v51, $0x3FF;
	v42 =	vnsel vm5, $0x3FF, v40  }
0x8b2: {  	v4 =	vadd.s32 v4, v42;
	v7 =	vand.u32 $0x7F, v42;
	v47 =	vadd.s32 $0xB4C00000, v12  }
0x8b3: {  	v44 =	vand.u32 $0xFFFFFF80, v4;
	v12 =	vadd.f32 $1.258291200e+07, v48;
	vm8 =	vlt.s32 v47, $0x3FF  }
0x8b4: {  	v8 =	vadd.s32 $0x5400, v8;
	v7 =	vor.u32 v7, v44;
	v9 =	vnsel vm8, $0x3FF, v47  }
0x8b5: {  	v7 =	vadd.s32 $0x5400, v7;
	v12 =	vadd.s32 $0xB4C00000, v12;
	v49 =	vadd.s32 v11, v9  }
0x8b6: {  	v9 =	vand.u32 $0x7F, v9;
	vm10 =	vlt.s32 v12, $0x3FF;
	v52 =	vsub.f32 $1.024000000e+03, v16  }
0x8b7: {  	v11 =	vnsel vm11, $0x3FF, v51;
	v16 =	vadd.f32 $1.258291200e+07, v16;
	v50 =	vand.u32 $0xFFFFFF80, v49  }
0x8b8: {  	[tilespmem:v5+s31+$0x0] =	vst.idx.add.f32.msk $0xffff, v3;
	v12 =	vnsel vm10, $0x3FF, v12;
	v5 =	vadd.s32 v14, v11;
	v11 =	vand.u32 $0x7F, v11;
	v53 =	vpop (erf)  }
0x8b9: {  	v9 =	vor.u32 v9, v50;
	v12 =	vadd.s32 v14, v12;
	v54 =	vmul.f32 v53, v19  }
0x8ba: {  	[tilespmem:v4+s31+$0x0] =	vst.idx.add.f32.msk $0xffff, v1;
	v13 =	vadd.f32 $1.258291200e+07, v52;
	v4 =	vand.u32 $0xFFFFFF80, v5;
	v57 =	vadd.s32 $0xB4C00000, v16  }
0x8bb: {  	[tilespmem:v10+s31+$0x0] =	vst.idx.add.f32.msk $0xffff, v3;
	v9 =	vadd.s32 $0x5400, v9;
	v4 =	vor.u32 v11, v4;
	v56 =	vsub.f32 $1.024000000e+03, v54  }
0x8bc: {  	[tilespmem:v6+s31+$0x0] =	vst.idx.add.f32.msk $0xffff, v3;
	vm13 =	vlt.s32 v57, $0x3FF;
	v55 =	vadd.s32 $0xB4C00000, v13;
	v4 =	vadd.s32 $0x5400, v4  }
0x8bd: {  	[tilespmem:v45+s31+$0x0] =	vst.idx.add.f32.msk $0xffff, v1;
	v6 =	vnsel vm13, $0x3FF, v57;
	vm12 =	vlt.s32 v55, $0x3FF;
	v11 =	vadd.f32 $1.258291200e+07, v56  }
0x8be: {  	[tilespmem:v7+s31+$0x0] =	vst.idx.add.f32.msk $0xffff, v1;
	v6 =	vadd.s32 v17, v6;
	v7 =	vnsel vm12, $0x3FF, v55;
	v59 =	vadd.f32 $1.258291200e+07, v54  }
0x8bf: {  	[tilespmem:v8+s31+$0x0] =	vst.idx.add.f32.msk $0xffff, v1;
	v58 =	vadd.s32 v17, v7;
	v7 =	vand.u32 $0x7F, v7;
	v11 =	vadd.s32 $0xB4C00000, v11  }
0x8c0: {  	[tilespmem:v49+s31+$0x0] =	vst.idx.add.f32.msk $0xffff, v1;
	v60 =	vand.u32 $0xFFFFFF80, v58;
	v13 =	vadd.s32 $0xB4C00000, v59;
	vm14 =	vlt.s32 v11, $0x3FF  }
0x8c1: {  	[tilespmem:v12+s31+$0x0] =	vst.idx.add.f32.msk $0xffff, v3;
	v7 =	vor.u32 v7, v60;
	vm15 =	vlt.s32 v13, $0x3FF;
	v61 =	vnsel vm14, $0x3FF, v11  }
0x8c2: {  	[tilespmem:v9+s31+$0x0] =	vst.idx.add.f32.msk $0xffff, v1;
	v7 =	vadd.s32 $0x5400, v7;
	v62 =	vnsel vm15, $0x3FF, v13;
	v11 =	vadd.s32 v33, v61  }
0x8c3: {  	[tilespmem:v5+s31+$0x0] =	vst.idx.add.f32.msk $0xffff, v1;
	v5 =	vadd.s32 v33, v62;
	v9 =	vand.u32 $0x7F, v61;
	v63 =	vand.u32 $0xFFFFFF80, v11  }
0x8c4: {  	s14 =	sadd.s32 $0xC, s14;
	[tilespmem:v4+s31+$0x0] =	vst.idx.add.f32.msk $0xffff, v1;
	v4 =	vor.u32 v9, v63  }
0x8c5: {  	p0 =	slt.u32 s14, $0x30;
	[tilespmem:v6+s31+$0x0] =	vst.idx.add.f32.msk $0xffff, v3;
	v4 =	vadd.s32 $0x5400, v4  }
.Ltmp3:
0x8c6: {  	[tilespmem:v58+s31+$0x0] =	vst.idx.add.f32.msk $0xffff, v1;
	(pc) =	sbr.rel @p0 .LBB2_8-.Ltmp3, $4  }
0x8c7: {  	[tilespmem:v7+s31+$0x0] =	vst.idx.add.f32.msk $0xffff, v1  }
0x8c8: {  	[tilespmem:v5+s31+$0x0] =	vst.idx.add.f32.msk $0xffff, v3  }
0x8c9: {  	s25 =	simm.s32 $0x0;
	s15 =	sadd.s32 $0x600, s15;
	[tilespmem:v11+s31+$0x0] =	vst.idx.add.f32.msk $0xffff, v1  }
0x8ca: {  	s1 =	simm.s32 $0x3C0;
	s0 =	simm.s32 $0x1E00;
	s16 =	sadd.s32 $0xC0, s16;
	[tilespmem:v4+s31+$0x0] =	vst.idx.add.f32.msk $0xffff, v1  }
.LBB2_9:
0x8cb: {  	s2 =	sand.u32 $0x3FFFFC00, s0;
	s3 =	sshra.s32 s17, $0x2  }
0x8cc: {  	s4 =	sadd.s32 s3, s2  }
0x8cd: {  	v4 =	vld [tilespmem:s4+$0x6040]  }
0x8ce: {  	v5 =	vld [tilespmem:s4+$0x60C0]  }
0x8cf: {  	v6 =	vld [tilespmem:s4+$0x6140]  }
0x8d0: {  	v7 =	vld [tilespmem:s4+$0x61C0]  }
0x8d1: {  	v8 =	vld [tilespmem:s4+$0x6240]  }
0x8d2: {  	v9 =	vld [tilespmem:s4+$0x62C0];
	v4 =	vmul.f32 $1.442695020e+00, v4  }
0x8d3: {  	v10 =	vld [tilespmem:s4+$0x6340];
	v5 =	vmul.f32 $1.442695020e+00, v5  }
0x8d4: {  	v11 =	vld [tilespmem:s4+$0x63C0];
	(erf) = vpow2.f32 v4;
	v4 =	vmul.f32 $1.442695020e+00, v6  }
0x8d5: {  	v41 =	vld [tilespmem:s4+$0x8040];
	(erf) = vpow2.f32 v5;
	v5 =	vmul.f32 $1.442695020e+00, v7  }
0x8d6: {  	v42 =	vld [tilespmem:s4+$0x80C0];
	(erf) = vpow2.f32 v4;
	v4 =	vmul.f32 $1.442695020e+00, v8  }
0x8d7: {  	v43 =	vld [tilespmem:s4+$0x8140];
	(erf) = vpow2.f32 v5;
	v5 =	vmul.f32 $1.442695020e+00, v9  }
0x8d8: {  	v44 =	vld [tilespmem:s4+$0x81C0];
	(erf) = vpow2.f32 v4;
	v4 =	vmul.f32 $1.442695020e+00, v10  }
0x8d9: {  	v45 =	vld [tilespmem:s4+$0x8240];
	(erf) = vpow2.f32 v5;
	v5 =	vmul.f32 $1.442695020e+00, v11  }
0x8da: {  	v46 =	vld [tilespmem:s4+$0x82C0];
	(erf) = vpow2.f32 v4;
	v4 =	vmul.f32 $1.442695020e+00, v41  }
0x8db: {  	v47 =	vld [tilespmem:s4+$0x8340];
	(erf) = vpow2.f32 v5;
	v5 =	vmul.f32 $1.442695020e+00, v42  }
0x8dc: {  	v48 =	vld [tilespmem:s4+$0x83C0];
	(erf) = vpow2.f32 v4;
	v4 =	vmul.f32 $1.442695020e+00, v43  }
0x8dd: {  	v49 =	vld [tilespmem:s4+$0xA040];
	v12 =	vpop (erf);
	(erf) = vpow2.f32 v5;
	v5 =	vmul.f32 $1.442695020e+00, v44  }
0x8de: {  	v50 =	vld [tilespmem:s4+$0xA0C0];
	v13 =	vpop (erf);
	(erf) = vpow2.f32 v4;
	v4 =	vmul.f32 $1.442695020e+00, v45  }
0x8df: {  	v51 =	vld [tilespmem:s4+$0xA140];
	v14 =	vpop (erf);
	(erf) = vpow2.f32 v5;
	v5 =	vmul.f32 $1.442695020e+00, v46  }
0x8e0: {  	v52 =	vld [tilespmem:s4+$0xA1C0];
	v15 =	vpop (erf);
	(erf) = vpow2.f32 v4;
	v4 =	vmul.f32 $1.442695020e+00, v47  }
0x8e1: {  	v53 =	vpop (erf);
	(erf) = vpow2.f32 v5;
	v5 =	vmul.f32 $1.442695020e+00, v48  }
0x8e2: {  	v54 =	vpop (erf);
	(erf) = vpow2.f32 v4;
	v4 =	vmul.f32 $1.442695020e+00, v49  }
0x8e3: {  	v55 =	vpop (erf);
	(erf) = vpow2.f32 v5;
	v5 =	vmul.f32 $1.442695020e+00, v50  }
0x8e4: {  	v56 =	vpop (erf);
	(erf) = vpow2.f32 v4;
	v4 =	vmul.f32 $1.442695020e+00, v51  }
0x8e5: {  	v58 =	vld [tilespmem:s4+$0xA240];
	v57 =	vpop (erf);
	(erf) = vpow2.f32 v5;
	v5 =	vmul.f32 $1.442695020e+00, v52;
	_ =	sdelay $0x1  }
0x8e6: {  	v16 =	vpop (erf);
	(erf) = vpow2.f32 v4  }
0x8e7: {  	v4 =	vpop (erf);
	(erf) = vpow2.f32 v5  }
0x8e8: {  	v5 =	vpop (erf)  }
0x8e9: {  	v11 =	vmul.f32 $1.442695020e+00, v58;
	v17 =	vpop (erf)  }
0x8ea: {  	v18 =	vpop (erf)  }
0x8eb: {  	v24 =	vadd.f32 v54, v53;
	v25 =	vadd.f32 v56, v55;
	(erf) = vpow2.f32 v11;
	v19 =	vpop (erf)  }
0x8ec: {  	v59 =	vadd.f32 v13, v12;
	v22 =	vadd.f32 v15, v14;
	v20 =	vpop (erf)  }
0x8ed: {  	v27 =	vadd.f32 v16, v57;
	v60 =	vadd.f32 v25, v24;
	v21 =	vpop (erf)  }
0x8ee: {  	v11 =	vadd.f32 v22, v59;
	v28 =	vadd.f32 v5, v4;
	v23 =	vpop (erf)  }
0x8ef: {  	v30 =	vadd.f32 v18, v17;
	v31 =	vadd.f32 v20, v19;
	v26 =	vpop (erf)  }
0x8f0: {  	v61 =	vadd.f32 v28, v27;
	v32 =	vadd.f32 v23, v21;
	v29 =	vpop (erf)  }
0x8f1: {  	v62 =	vadd.f32 v31, v30;
	v33 =	vadd.f32 v29, v26  }
0x8f2: {  	v11 =	vadd.f32 v60, v11  }
0x8f3: {  	v28 =	vadd.f32 v62, v61;
	v63 =	vadd.f32 v33, v32  }
0x8f4: {  	v30 =	vpop (erf)  }
0x8f5: {  	v11 =	vadd.f32 v28, v11;
	v31 =	vadd.f32 v63, v30;
	_ =	sdelay $0x1  }
0x8f6: {  	v11 =	vadd.f32 v31, v11;
	_ =	sdelay $0x1  }
0x8f7: {  	(erf) = vrcp.f32 v11;
	_ =	sdelay $0x3  }
0x8f8: {  	s30 =	sshrl.u32 s0, $0x2  }
0x8f9: {  	s2 =	sand.u32 $0x3FFFFF00, s30  }
0x8fa: {  	s2 =	sadd.s32 s3, s2  }
0x8fb: {  	v32 =	vld [tilespmem:s2+$0xC0C0];
	_ =	sdelay $0x1  }
0x8fc: {  	v11 =	vpop (erf)  }
0x8fd: {  	v11 =	vmul.f32 $1.024000000e+03, v11  }
0x8fe: {  	v59 =	vor.u32 s1, v2  }
0x8ff: {  	v58 =	vshll.u32 v32, $0x7;
	v12 =	vmul.f32 v11, v12;
	v13 =	vmul.f32 v11, v13  }
0x900: {  	v60 =	vand.u32 $0x380, v58;
	v14 =	vmul.f32 v11, v14;
	v15 =	vmul.f32 v11, v15  }
0x901: {  	v6 =	vmul.f32 v11, v53;
	v7 =	vmul.f32 v11, v54;
	v12 =	vadd.f32 $1.258291200e+07, v12  }
0x902: {  	v8 =	vmul.f32 v11, v55;
	v9 =	vmul.f32 v11, v56;
	v13 =	vadd.f32 $1.258291200e+07, v13  }
0x903: {  	v10 =	vmul.f32 v11, v57;
	v14 =	vadd.f32 $1.258291200e+07, v14;
	v12 =	vadd.s32 $0xB4C00000, v12  }
0x904: {  	v16 =	vmul.f32 v11, v16;
	v15 =	vadd.f32 $1.258291200e+07, v15;
	v13 =	vadd.s32 $0xB4C00400, v13  }
0x905: {  	v4 =	vmul.f32 v11, v4;
	v6 =	vadd.f32 $1.258291200e+07, v6;
	v14 =	vadd.s32 $0xB4C00800, v14  }
0x906: {  	v5 =	vmul.f32 v11, v5;
	v7 =	vadd.f32 $1.258291200e+07, v7;
	v15 =	vadd.s32 $0xB4C00C00, v15  }
0x907: {  	v34 =	vmul.f32 v11, v17;
	v8 =	vadd.f32 $1.258291200e+07, v8;
	v6 =	vadd.s32 $0xB4C01000, v6  }
0x908: {  	v36 =	vmul.f32 v11, v18;
	v9 =	vadd.f32 $1.258291200e+07, v9;
	v7 =	vadd.s32 $0xB4C01400, v7;
	[tilespmem:v12+s31+$0x0] =	vst.idx.add.f32.msk $0xffff, v1  }
0x909: {  	v37 =	vmul.f32 v11, v19;
	v10 =	vadd.f32 $1.258291200e+07, v10;
	v8 =	vadd.s32 $0xB4C01800, v8;
	[tilespmem:v13+s31+$0x0] =	vst.idx.add.f32.msk $0xffff, v1  }
0x90a: {  	v40 =	vmul.f32 v11, v20;
	v33 =	vadd.f32 $1.258291200e+07, v16;
	v9 =	vadd.s32 $0xB4C01C00, v9;
	[tilespmem:v14+s31+$0x0] =	vst.idx.add.f32.msk $0xffff, v1  }
0x90b: {  	v42 =	vmul.f32 v11, v21;
	v4 =	vadd.f32 $1.258291200e+07, v4;
	v10 =	vadd.s32 $0xB4C02000, v10;
	[tilespmem:v15+s31+$0x0] =	vst.idx.add.f32.msk $0xffff, v1  }
0x90c: {  	v43 =	vmul.f32 v11, v23;
	v5 =	vadd.f32 $1.258291200e+07, v5;
	v12 =	vadd.s32 $0xB4C02400, v33;
	[tilespmem:v6+s31+$0x0] =	vst.idx.add.f32.msk $0xffff, v1  }
0x90d: {  	v46 =	vmul.f32 v11, v26;
	v35 =	vadd.f32 $1.258291200e+07, v34;
	v4 =	vadd.s32 $0xB4C02800, v4;
	[tilespmem:v7+s31+$0x0] =	vst.idx.add.f32.msk $0xffff, v1  }
0x90e: {  	v51 =	vmul.f32 v11, v29;
	v39 =	vadd.f32 $1.258291200e+07, v36;
	v5 =	vadd.s32 $0xB4C02C00, v5;
	[tilespmem:v8+s31+$0x0] =	vst.idx.add.f32.msk $0xffff, v1  }
0x90f: {  	v53 =	vmul.f32 v11, v30;
	v41 =	vadd.f32 $1.258291200e+07, v37;
	v38 =	vadd.s32 $0xB4C03000, v35;
	[tilespmem:v9+s31+$0x0] =	vst.idx.add.f32.msk $0xffff, v1  }
0x910: {  	v55 =	vmov s1;
	v45 =	vadd.f32 $1.258291200e+07, v40;
	v44 =	vadd.s32 $0xB4C03400, v39;
	[tilespmem:v10+s31+$0x0] =	vst.idx.add.f32.msk $0xffff, v1  }
0x911: {  	v56 =	vshll.u32 v32, $0xA;
	v47 =	vadd.f32 $1.258291200e+07, v42;
	v7 =	vadd.s32 $0xB4C03800, v41;
	[tilespmem:v12+s31+$0x0] =	vst.idx.add.f32.msk $0xffff, v1  }
0x912: {  	v57 =	vand.u32 $0xFFFFE000, v56;
	v48 =	vadd.f32 $1.258291200e+07, v43;
	v49 =	vadd.s32 $0xB4C03C00, v45;
	[tilespmem:v4+s31+$0x0] =	vst.idx.add.f32.msk $0xffff, v1  }
0x913: {  	v50 =	vadd.f32 $1.258291200e+07, v46;
	v14 =	vshll.u32 v55, $0x3;
	v9 =	vadd.s32 $0xB4C04000, v47;
	[tilespmem:v5+s31+$0x0] =	vst.idx.add.f32.msk $0xffff, v1  }
0x914: {  	v54 =	vadd.f32 $1.258291200e+07, v51;
	v52 =	vadd.s32 $0xB4C04400, v48;
	v14 =	vand.u32 $0x1C00, v14;
	[tilespmem:v38+s31+$0x0] =	vst.idx.add.f32.msk $0xffff, v1  }
0x915: {  	v6 =	vor.u32 v14, v57;
	v4 =	vadd.s32 $0xB4C04800, v50;
	v5 =	vadd.f32 $1.258291200e+07, v53;
	[tilespmem:v44+s31+$0x0] =	vst.idx.add.f32.msk $0xffff, v1  }
0x916: {  	v61 =	vadd.s32 $0xB4C04C00, v54;
	v6 =	vor.u32 v60, v6;
	v8 =	vand.u32 $0x7F, v59;
	[tilespmem:v7+s31+$0x0] =	vst.idx.add.f32.msk $0xffff, v1  }
0x917: {  	v6 =	vor.u32 v8, v6;
	v5 =	vadd.s32 $0xB4C05000, v5;
	[tilespmem:v49+s31+$0x0] =	vst.idx.add.f32.msk $0xffff, v1  }
0x918: {  	v6 =	vadd.s32 $0x6000, v6;
	[tilespmem:v9+s31+$0x0] =	vst.idx.add.f32.msk $0xffff, v1  }
0x919: {  	[tilespmem:v52+s31+$0x0] =	vst.idx.add.f32.msk $0xffff, v1  }
0x91a: {  	[tilespmem:v4+s31+$0x0] =	vst.idx.add.f32.msk $0xffff, v1  }
0x91b: {  	[tilespmem:v61+s31+$0x0] =	vst.idx.add.f32.msk $0xffff, v1  }
0x91c: {  	[tilespmem:v5+s31+$0x0] =	vst.idx.add.f32.msk $0xffff, v1  }
0x91d: {  	v4 =	vld.idx.msk [tilespmem:v6+s25+$0x0], $0xffff;
	_ =	sdelay $0x4  }
0x91e: {  	v4 =	vmul.f32 $1.442695020e+00, v4;
	_ =	sdelay $0x1  }
0x91f: {  	(erf) = vpow2.f32 v4;
	_ =	sdelay $0x8  }
0x920: {  	v4 =	vpop (erf)  }
0x921: {  	v4 =	vmul.f32 v4, v11;
	_ =	sdelay $0x1  }
0x922: {  	v5 =	vsub.f32 $1.024000000e+03, v4;
	_ =	sdelay $0x1  }
0x923: {  	v5 =	vadd.f32 $1.258291200e+07, v5  }
0x924: {  	v4 =	vadd.f32 $1.258291200e+07, v4  }
0x925: {  	v5 =	vadd.s32 $0xB4C00000, v5  }
0x926: {  	v4 =	vadd.s32 $0xB4C00000, v4;
	vm0 =	vlt.s32 v5, $0x3FF  }
0x927: {  	vm15 =	vlt.s32 v4, $0x3FF;
	v5 =	vnsel vm0, $0x3FF, v5  }
0x928: {  	v4 =	vnsel vm15, $0x3FF, v4;
	v62 =	vadd.s32 v56, v5  }
0x929: {  	v4 =	vadd.s32 v56, v4;
	v5 =	vand.u32 $0x7F, v5;
	v63 =	vand.u32 $0xFFFFFF80, v62  }
0x92a: {  	v5 =	vor.u32 v5, v63  }
0x92b: {  	p0 =	sne.s32 s17, $0xC0;
	v5 =	vadd.s32 $0x5400, v5  }
.Ltmp4:
0x92c: {  	_ = 	snop;
	(pc) =	sbr.rel @p0 .LBB2_9-.Ltmp4, $4  }
0x92d: {  	_ = 	snop  }
0x92e: {  	[tilespmem:v4+s31+$0x0] =	vst.idx.add.f32.msk $0xffff, v3  }
0x92f: {  	[tilespmem:v62+s31+$0x0] =	vst.idx.add.f32.msk $0xffff, v1  }
0x930: {  	s0 =	sadd.s32 $0x80, s0;
	s17 =	sadd.s32 $0x40, s17;
	s1 =	sadd.s32 $0x10, s1;
	[tilespmem:v5+s31+$0x0] =	vst.idx.add.f32.msk $0xffff, v1  }
0x931: {  	s30 =	rddreg [dreg:$0x14]  }
0x932: {  	s30 =	sadd.s32 $0x1, s30  }
0x933: {  	p0 =	sne.s32 s30, $0x20  }
.Ltmp5:
0x934: {  	_ = 	snop;
	(pc) =	sbr.rel @p0 .LBB2_4-.Ltmp5, $4  }
0x935: {  	s2 =	rddreg [dreg:$0x2]  }
0x936: {  	s26 =	rddreg [dreg:$0x3]  }
0x937: {  	s28 =	rddreg [dreg:$0x4]  }
0x938: {  	s29 =	rddreg [dreg:$0x5]  }
0x939: {  	s0 =	rddreg [dreg:$0x9]  }
0x93a: {  	s1 =	simm.s32 $0x80;
	s3 =	simm.s32 $0x400;
	s23 =	simm.s32 $0x3  }
0x93b: {  	[hbm4b:s0+s1] =	stream.strided.scatter [tilespmem:s31], [sflag:$0x3], $0xA800, s3, s1, $0x38;
	[tilespmem:$0x17000] =	vst v63  }
0x93c: {  	_ =	swait.ge [sflag:s23], $0xA800  }
0x93d: {  	s24 =	rddreg [dreg:$0x13]  }
0x93e: {  	s30 =	rddreg [dreg:$0xa];
	s3 =	sadd.s32 $0x1, s24  }
0x93f: {  	p0 =	sne.s32 s3, s30  }
.Ltmp6:
0x940: {  	_ = 	snop;
	(pc) =	sbr.rel @p0 .LBB2_1-.Ltmp6, $3  }
0x941: {  	_ =	sdelay $0x1  }
0x942: {  	[sflag:s23] =	ssyncset.done $0x0  }
0x943: {  	[sflag:s23] =	ssyncadd.s32 $0xFFFF5800  }
0x944: {  	_ =	sfence.sel $0x180000  }
0x945: {  	[bflag:$0x0] =	sbarrier.arrive $0xFFFF  }
0x946: {  	_ =	strace $0x90000047  }
0x947: {  	s0 =	stileid.u32;
	[bflag:$0x2] =	sbarrier.arrive $0xFFFF  }
0x948: {  	p0 =	sne.s32 s0, $0x0;
	s0 =	rddreg [dreg:$0x1]  }
0x949: {  	s0 =	sadd.s32 @!p0 $0x100000, s0  }
0x94a: {  	[sflag:s0] =	ssyncadd.tile.s32 @!p0 $0x1;
	_ =	shalt  }
.Lfunc_end2:
_tile_overlayer_lowered:
.L_overlay_start_2:
0x94b: {  	(tag) =	ssettag $0x2  }
0x94c: {  	s0 =	rddreg [dreg:$0x0];
	s2 =	stileid.u32  }
0x94d: {  	s1 =	rddreg [dreg:$0x1];
	p0 =	sne.s32 s2, $0x0  }
0x94e: {  	s3 =	rddreg [dreg:$0x2];
	[bflag:$0x3] =	sbarrier.arrive $0xFFFF;
	s2 =	simm.s32 @!p0 $0x1C03  }
0x94f: {  	[timem:s3], [sflag:s2] =	dma.local @!p0 [hbm:s0], s1  }
0x950: {  	s0 =	simm.s32 @!p0 $0x3  }
0x951: {  	_ =	swait.ge @!p0 [sflag:s0], s1  }
0x952: {  	s1 =	ssub.s32 @!p0 $0x0, s1;
	[sflag:s0] =	ssyncset.done @!p0 $0x0  }
0x953: {  	[sflag:s0] =	ssyncadd.s32 @!p0 s1  }
0x954: {  	[bflag:$0x3] =	sbarrier.arrive $0xFFFF  }
0x955: {  	_ =	shalt  }

</sc_bundles>
